<compile_context>
chip_gen: v7x
topology: tpu7x:2x2x1
jax: 0.10.2.dev20260603
libtpu: 0.0.44.dev20260713+nightly
codegen_flags: <defaults>
</compile_context>

<pallas_src>
import functools

import jax
import jax.numpy as jnp
from jax import lax
from jax.experimental import pallas as pl
from jax.experimental.pallas import tpu as pltpu
from jax.experimental.pallas import tpu_sc as plsc

N = 10000
E = 320000
D = 128
H = 128

NC = 2
NS = 16
EC = 64
CKT = -(-E // (NS * EC))
CK0 = 196
CK1 = CKT - CK0
NBUF = 5
NI = 8
LAI = 6
N_ACC = 10240
STRIPE = N_ACC // NS

_mesh = plsc.VectorSubcoreMesh(core_axis_name="c", subcore_axis_name="s")


@functools.partial(
    pl.kernel,
    out_type=jax.ShapeDtypeStruct((NC, N_ACC), jnp.float32),
    mesh=_mesh,
    compiler_params=pltpu.CompilerParams(needs_layout_passes=False),
    scratch_types=[
        pltpu.VMEM((N_ACC,), jnp.float32),
        pltpu.VMEM((CKT, EC), jnp.int32),
        pltpu.VMEM_SHARED((NS, N_ACC), jnp.float32),
        pltpu.VMEM((STRIPE,), jnp.float32),
        pltpu.VMEM((STRIPE,), jnp.float32),
    ],
)
def _deg_kernel(dst_hbm, out_hbm, hist, didx, shared, tmp, dacc):
    cid = lax.axis_index("c")
    sid = lax.axis_index("s")
    cbase = cid * CK0
    ckm = jnp.where(cid == 0, CK0, CK1)
    zeros16 = jnp.zeros((16,), jnp.float32)
    ones16 = jnp.ones((16,), jnp.float32)

    def _zero_hist(i, _):
        hist[pl.ds(i * 16, 16)] = zeros16
        return 0

    lax.fori_loop(0, N_ACC // 16, _zero_hist, 0)

    pltpu.sync_copy(dst_hbm.at[sid], didx)

    def _count(c, _):
        for j in range(EC // 16):
            idx = didx[cbase + c, pl.ds(j * 16, 16)]
            plsc.addupdate_scatter(hist, [idx], ones16)
        return 0

    lax.fori_loop(0, ckm, _count, 0)

    pltpu.sync_copy(hist, shared.at[sid])
    plsc.subcore_barrier()

    base = sid * STRIPE

    def _zero_acc(i, _):
        dacc[pl.ds(i * 16, 16)] = zeros16
        return 0

    lax.fori_loop(0, STRIPE // 16, _zero_acc, 0)

    for k in range(NS):
        pltpu.sync_copy(shared.at[k, pl.ds(base, STRIPE)], tmp)

        def _accum(i, _):
            s = pl.ds(i * 16, 16)
            dacc[s] = dacc[s] + tmp[s]
            return 0

        lax.fori_loop(0, STRIPE // 16, _accum, 0)

    pltpu.sync_copy(dacc, out_hbm.at[cid, pl.ds(base, STRIPE)])


@functools.partial(
    pl.kernel,
    out_type=jax.ShapeDtypeStruct((NC, N_ACC, H), jnp.float32),
    mesh=_mesh,
    compiler_params=pltpu.CompilerParams(needs_layout_passes=False),
    scratch_types=[
        pltpu.VMEM_SHARED((N_ACC, H), jnp.float32),
        pltpu.VMEM((NI, EC), jnp.int32),
        pltpu.VMEM((NI, EC), jnp.int32),
        pltpu.VMEM((NBUF, EC, H), jnp.float32),
        pltpu.SemaphoreType.DMA,
        pltpu.SemaphoreType.DMA,
        pltpu.SemaphoreType.DMA,
    ],
)
def _agg_kernel(hws_hbm, src_hbm, dst_hbm, zrows_hbm, out_hbm,
                acc, sidxr, didxr, rowsr, gsem, ssem, isem):
    cid = lax.axis_index("c")
    sid = lax.axis_index("s")
    cbase = cid * CK0
    ckm = jnp.where(cid == 0, CK0, CK1)
    row0 = sid * STRIPE

    pltpu.sync_copy(zrows_hbm, acc.at[pl.ds(row0, STRIPE)])
    for j in range(NBUF - 1):
        pltpu.sync_copy(src_hbm.at[sid, cbase + j], sidxr.at[j])
        pltpu.sync_copy(dst_hbm.at[sid, cbase + j], didxr.at[j])
    for j in range(NBUF - 1, LAI):
        pltpu.async_copy(src_hbm.at[sid, cbase + j], sidxr.at[j], isem)
        pltpu.async_copy(dst_hbm.at[sid, cbase + j], didxr.at[j], isem)
    plsc.subcore_barrier()

    for j in range(NBUF - 1):
        pltpu.async_copy(hws_hbm.at[sidxr.at[j]], rowsr.at[j], gsem)

    def _edges(c, _):
        b = c % NBUF
        s_c = c % NI
        pltpu.make_async_copy(
            hws_hbm.at[sidxr.at[s_c]], rowsr.at[b], gsem).wait()
        pltpu.async_copy(rowsr.at[b], acc.at[didxr.at[s_c]], ssem, add=True)

        @pl.when(c > 0)
        def _wait_prev_scatter():
            bp = (c + NBUF - 1) % NBUF
            sp = (c + NI - 1) % NI
            pltpu.make_async_copy(
                rowsr.at[bp], acc.at[didxr.at[sp]], ssem).wait()

        @pl.when(c + NBUF - 1 < ckm)
        def _start_next_gather():
            bn = (c + NBUF - 1) % NBUF
            sn = (c + NBUF - 1) % NI
            pltpu.make_async_copy(
                src_hbm.at[sid, cbase + c + NBUF - 1], sidxr.at[sn],
                isem).wait()
            pltpu.make_async_copy(
                dst_hbm.at[sid, cbase + c + NBUF - 1], didxr.at[sn],
                isem).wait()
            pltpu.async_copy(hws_hbm.at[sidxr.at[sn]], rowsr.at[bn], gsem)

        @pl.when(c + LAI < ckm)
        def _start_next_idx_load():
            si = (c + LAI) % NI
            pltpu.async_copy(
                src_hbm.at[sid, cbase + c + LAI], sidxr.at[si], isem)
            pltpu.async_copy(
                dst_hbm.at[sid, cbase + c + LAI], didxr.at[si], isem)

        return 0

    lax.fori_loop(0, ckm, _edges, 0)
    pltpu.make_async_copy(
        rowsr.at[(ckm - 1) % NBUF],
        acc.at[didxr.at[(ckm - 1) % NI]], ssem).wait()

    plsc.subcore_barrier()
    pltpu.sync_copy(acc.at[pl.ds(row0, STRIPE)],
                    out_hbm.at[cid, pl.ds(row0, STRIPE)])


def _mm_body(x_ref, w_ref, o_ref):
    o_ref[...] = jnp.dot(
        x_ref[...], w_ref[...], preferred_element_type=jnp.float32)


def _matmul(x, w):
    grid = 10
    rb = N // grid
    return pl.pallas_call(
        _mm_body,
        grid=(grid,),
        in_specs=[
            pl.BlockSpec((rb, D), lambda i: (i, 0)),
            pl.BlockSpec((D, H), lambda i: (0, 0)),
        ],
        out_specs=pl.BlockSpec((rb, H), lambda i: (i, 0)),
        out_shape=jax.ShapeDtypeStruct((N, H), jnp.float32),
    )(x, w)


def _bn_relu(t, g_ref, be_ref):
    mean = jnp.mean(t, axis=0, keepdims=True)
    var = jnp.mean((t - mean) ** 2, axis=0, keepdims=True)
    hn = (t - mean) * lax.rsqrt(var + 1e-5) * g_ref[...] + be_ref[...]
    return jnp.maximum(hn, 0.0)


def _post1_body(p_ref, hws_ref, u_ref, b_ref, g_ref, be_ref, w2_ref,
                h1_ref, hws2_ref):
    s = p_ref[0, :N, :] + p_ref[1, :N, :] + hws_ref[...]
    t = u_ref[...] * s + b_ref[...]
    h1 = _bn_relu(t, g_ref, be_ref)
    h1_ref[...] = h1
    hws2_ref[...] = u_ref[...] * jnp.dot(
        h1, w2_ref[...], preferred_element_type=jnp.float32)


def _post2_body(p_ref, hws_ref, u_ref, b_ref, g_ref, be_ref, h2_ref):
    s = p_ref[0, :N, :] + p_ref[1, :N, :] + hws_ref[...]
    t = u_ref[...] * s + b_ref[...]
    h2_ref[...] = _bn_relu(t, g_ref, be_ref)


def kernel(x, edge_index, W1, b1, gamma1, beta1, W2, b2, gamma2, beta2):
    pad = NS * CKT * EC - E
    src_p = jnp.concatenate([edge_index[0], jnp.zeros((pad,), jnp.int32)])
    dst_p = jnp.concatenate([edge_index[1], jnp.full((pad,), N, jnp.int32)])
    src3 = src_p.reshape(NS, CKT, EC)
    dst3 = dst_p.reshape(NS, CKT, EC)

    deg2 = _deg_kernel(dst3)
    deg = deg2[0, :N] + deg2[1, :N] + 1.0
    u_col = lax.rsqrt(deg)[:, None]

    zrows = jnp.zeros((STRIPE, H), jnp.float32)
    b1r, g1r, be1r = b1[None, :], gamma1[None, :], beta1[None, :]
    b2r, g2r, be2r = b2[None, :], gamma2[None, :], beta2[None, :]

    hws1 = u_col * _matmul(x, W1)
    p1 = _agg_kernel(hws1, src3, dst3, zrows)

    h1, hws2 = pl.pallas_call(
        _post1_body,
        out_shape=(jax.ShapeDtypeStruct((N, H), jnp.float32),
                   jax.ShapeDtypeStruct((N, H), jnp.float32)),
    )(p1, hws1, u_col, b1r, g1r, be1r, W2)

    p2 = _agg_kernel(hws2, src3, dst3, zrows)

    h2 = pl.pallas_call(
        _post2_body,
        out_shape=jax.ShapeDtypeStruct((N, H), jnp.float32),
    )(p2, hws2, u_col, b2r, g2r, be2r)

    return (h1, h2)

# --- scband reference (transcript-rebuilt; emitter-appended) ---
"""Pipeline reference for scband-gcn-53137335386623 (READ-ONLY COPY).

The authoritative reference and input builder live on the scoring server;
editing this copy changes nothing except your own understanding.
"""

import jax, jax.numpy as jnp
import numpy as np

N = 10000
E = 320000
D = 128
H = 128


def setup_inputs(seed: int = 0) -> dict:
    key = jax.random.key(seed)
    ks = jax.random.split(key, 12)
    x = jax.random.normal(ks[0], (N, D), dtype=jnp.float32)
    edge_index = jax.random.randint(ks[1], (2, E), 0, N, dtype=jnp.int32)
    W1 = jax.random.normal(ks[2], (D, H), dtype=jnp.float32) * (1.0 / np.sqrt(D))
    b1 = jnp.zeros((H,), dtype=jnp.float32)
    gamma1 = jnp.ones((H,), dtype=jnp.float32)
    beta1 = jnp.zeros((H,), dtype=jnp.float32)
    W2 = jax.random.normal(ks[3], (H, H), dtype=jnp.float32) * (1.0 / np.sqrt(H))
    b2 = jnp.zeros((H,), dtype=jnp.float32)
    gamma2 = jnp.ones((H,), dtype=jnp.float32)
    beta2 = jnp.zeros((H,), dtype=jnp.float32)
    return {"x": x, "edge_index": edge_index, "W1": W1, "b1": b1,
            "gamma1": gamma1, "beta1": beta1, "W2": W2, "b2": b2,
            "gamma2": gamma2, "beta2": beta2}


def _gcn_conv_layer(h, edge_index, W, b, gamma, beta):
    # GCNConv: add self-loops, symmetric normalization, linear then aggregate
    src = edge_index[0]
    dst = edge_index[1]
    loop = jnp.arange(N, dtype=src.dtype)
    src = jnp.concatenate([src, loop])
    dst = jnp.concatenate([dst, loop])
    deg = jnp.zeros((N,), dtype=jnp.float32).at[dst].add(1.0)
    deg_inv_sqrt = jnp.where(deg > 0, deg ** -0.5, 0.0)
    norm = deg_inv_sqrt[src] * deg_inv_sqrt[dst]
    hw = h @ W
    msg = hw[src] * norm[:, None]
    out = jnp.zeros((N, W.shape[1]), dtype=jnp.float32).at[dst].add(msg)
    out = out + b
    # BatchNorm1d (training-mode batch statistics, eps=1e-5)
    mean = jnp.mean(out, axis=0)
    var = jnp.var(out, axis=0)
    out = (out - mean) / jnp.sqrt(var + 1e-5) * gamma + beta
    # ReLU activation
    return jax.nn.relu(out)


def reference(x, edge_index, W1, b1, gamma1, beta1, W2, b2, gamma2, beta2):
    # GCN.forward: each layer consumes x.detach() and appends output
    h1 = _gcn_conv_layer(jax.lax.stop_gradient(x), edge_index, W1, b1, gamma1, beta1)
    h2 = _gcn_conv_layer(jax.lax.stop_gradient(h1), edge_index, W2, b2, gamma2, beta2)
    return (h1, h2)

if __name__ == "__main__":
    import jax
    _d = setup_inputs()
    print(jax.jit(kernel)(*tuple(_d.values())))

</pallas_src>

<mosaic_0001>
#map = affine_map<(d0, d1) -> (0, 0)>
#map1 = affine_map<(d0, d1) -> (0, 0, 0)>
module attributes {stable_mosaic.version = 14 : i64} {
  func.func @_agg_kernel(%arg0: i32, %arg1: i32, %arg2: memref<10000x128xf32, #tpu.memory_space<hbm>>, %arg3: memref<16x313x64xi32, #tpu.memory_space<hbm>>, %arg4: memref<16x313x64xi32, #tpu.memory_space<hbm>>, %arg5: memref<640x128xf32, #tpu.memory_space<hbm>>, %arg6: memref<2x10240x128xf32, #tpu.memory_space<hbm>>, %arg7: memref<10240x128xf32, #tpu.memory_space<vmem_shared>>, %arg8: memref<8x64xi32, #tpu.memory_space<vmem>>, %arg9: memref<8x64xi32, #tpu.memory_space<vmem>>, %arg10: memref<5x64x128xf32, #tpu.memory_space<vmem>>, %arg11: memref<!tpu.dma_semaphore, #tpu.memory_space<semaphore_mem>>, %arg12: memref<!tpu.dma_semaphore, #tpu.memory_space<semaphore_mem>>, %arg13: memref<!tpu.dma_semaphore, #tpu.memory_space<semaphore_mem>>) attributes {dimension_semantics = [#tpu.dimension_semantics<core_parallel>, #tpu.dimension_semantics<subcore_parallel>], iteration_bounds = array<i64: 2, 16>, scalar_prefetch = 0 : i64, scratch_operands = 7 : i64, tpu.core_type = #tpu.core_type<sc_vector_subcore>, window_params = [{transform_indices = #map}, {transform_indices = #map1}, {transform_indices = #map1}, {transform_indices = #map}, {transform_indices = #map1}]} {
    %mul3A = arith.constant 196 : i32
    %mul3A_0 = arith.muli %arg0, %mul3A : i32
    %eq3A = arith.constant 0 : i32
    %eq3A_1 = arith.cmpi eq, %arg0, %eq3A : i32
    %jit3A = arith.constant 196 : i32
    %jit3A_2 = arith.constant 117 : i32
    %select_n3A = arith.select %eq3A_1, %jit3A, %jit3A_2 : i32
    %mul3A_3 = arith.constant 640 : i32
    %mul3A_4 = arith.muli %arg1, %mul3A_3 : i32
    "tpu.region"() ({
      %run_scoped3A_186 = tpu.sem_alloc : memref<!tpu.dma_semaphore, #tpu.memory_space<semaphore_mem>>
      %dma_start3A_187 = arith.constant 0 : i32
      %dma_start3A_188 = tpu.memref_slice %arg7[%mul3A_4, %dma_start3A_187] : memref<10240x128xf32, #tpu.memory_space<vmem_shared>> -> memref<640x128xf32, #tpu.memory_space<vmem_shared>>
      tpu.enqueue_dma source(%arg5 : memref<640x128xf32, #tpu.memory_space<hbm>>) target(%dma_start3A_188 : memref<640x128xf32, #tpu.memory_space<vmem_shared>>) target_semaphore(%run_scoped3A_186 : memref<!tpu.dma_semaphore, #tpu.memory_space<semaphore_mem>>)
      %dma_wait3A_189 = arith.constant 0 : i32
      %dma_wait3A_190 = tpu.memref_slice %arg7[%mul3A_4, %dma_wait3A_189] : memref<10240x128xf32, #tpu.memory_space<vmem_shared>> -> memref<640x128xf32, #tpu.memory_space<vmem_shared>>
      tpu.wait_dma2 semaphore(%run_scoped3A_186 : memref<!tpu.dma_semaphore, #tpu.memory_space<semaphore_mem>>) src(%arg5 : memref<640x128xf32, #tpu.memory_space<hbm>>) dst(%dma_wait3A_190 : memref<640x128xf32, #tpu.memory_space<vmem_shared>>)
      tpu.yield
    }) : () -> ()
    %add3A = arith.constant 0 : i32
    %add3A_5 = arith.addi %mul3A_0, %add3A : i32
    %run_scoped3A = arith.constant 0 : i32
    "tpu.region"() ({
      %run_scoped3A_186 = tpu.sem_alloc : memref<!tpu.dma_semaphore, #tpu.memory_space<semaphore_mem>>
      %dma_start3A_187 = arith.constant 0 : i32
      %dma_start3A_188 = tpu.memref_slice %arg8[%run_scoped3A, %dma_start3A_187] : memref<8x64xi32, #tpu.memory_space<vmem>> -> memref<1x64xi32, #tpu.memory_space<vmem>>
      %dma_start3A_189 = tpu.memref_squeeze %dma_start3A_188 : memref<1x64xi32, #tpu.memory_space<vmem>> -> memref<64xi32, #tpu.memory_space<vmem>>
      %dma_start3A_190 = arith.constant 0 : i32
      %dma_start3A_191 = tpu.memref_slice %arg3[%arg1, %add3A_5, %dma_start3A_190] : memref<16x313x64xi32, #tpu.memory_space<hbm>> -> memref<1x1x64xi32, #tpu.memory_space<hbm>>
      %dma_start3A_192 = tpu.memref_squeeze %dma_start3A_191 : memref<1x1x64xi32, #tpu.memory_space<hbm>> -> memref<64xi32, #tpu.memory_space<hbm>>
      %dma_start3A_193 = arith.constant 0 : i32
      %dma_start3A_194 = tpu.memref_slice %arg8[%run_scoped3A, %dma_start3A_193] : memref<8x64xi32, #tpu.memory_space<vmem>> -> memref<1x64xi32, #tpu.memory_space<vmem>>
      %dma_start3A_195 = tpu.memref_squeeze %dma_start3A_194 : memref<1x64xi32, #tpu.memory_space<vmem>> -> memref<64xi32, #tpu.memory_space<vmem>>
      %dma_start3A_196 = arith.constant 0 : i32
      %dma_start3A_197 = tpu.memref_slice %arg3[%arg1, %add3A_5, %dma_start3A_196] : memref<16x313x64xi32, #tpu.memory_space<hbm>> -> memref<1x1x64xi32, #tpu.memory_space<hbm>>
      %dma_start3A_198 = tpu.memref_squeeze %dma_start3A_197 : memref<1x1x64xi32, #tpu.memory_space<hbm>> -> memref<64xi32, #tpu.memory_space<hbm>>
      tpu.enqueue_dma source(%dma_start3A_198 : memref<64xi32, #tpu.memory_space<hbm>>) target(%dma_start3A_195 : memref<64xi32, #tpu.memory_space<vmem>>) target_semaphore(%run_scoped3A_186 : memref<!tpu.dma_semaphore, #tpu.memory_space<semaphore_mem>>)
      %dma_wait3A_199 = arith.constant 0 : i32
      %dma_wait3A_200 = tpu.memref_slice %arg8[%run_scoped3A, %dma_wait3A_199] : memref<8x64xi32, #tpu.memory_space<vmem>> -> memref<1x64xi32, #tpu.memory_space<vmem>>
      %dma_wait3A_201 = tpu.memref_squeeze %dma_wait3A_200 : memref<1x64xi32, #tpu.memory_space<vmem>> -> memref<64xi32, #tpu.memory_space<vmem>>
      %dma_wait3A_202 = arith.constant 0 : i32
      %dma_wait3A_203 = tpu.memref_slice %arg3[%arg1, %add3A_5, %dma_wait3A_202] : memref<16x313x64xi32, #tpu.memory_space<hbm>> -> memref<1x1x64xi32, #tpu.memory_space<hbm>>
      %dma_wait3A_204 = tpu.memref_squeeze %dma_wait3A_203 : memref<1x1x64xi32, #tpu.memory_space<hbm>> -> memref<64xi32, #tpu.memory_space<hbm>>
      %dma_wait3A_205 = arith.constant 0 : i32
      %dma_wait3A_206 = tpu.memref_slice %arg8[%run_scoped3A, %dma_wait3A_205] : memref<8x64xi32, #tpu.memory_space<vmem>> -> memref<1x64xi32, #tpu.memory_space<vmem>>
      %dma_wait3A_207 = tpu.memref_squeeze %dma_wait3A_206 : memref<1x64xi32, #tpu.memory_space<vmem>> -> memref<64xi32, #tpu.memory_space<vmem>>
      %dma_wait3A_208 = arith.constant 0 : i32
      %dma_wait3A_209 = tpu.memref_slice %arg3[%arg1, %add3A_5, %dma_wait3A_208] : memref<16x313x64xi32, #tpu.memory_space<hbm>> -> memref<1x1x64xi32, #tpu.memory_space<hbm>>
      %dma_wait3A_210 = tpu.memref_squeeze %dma_wait3A_209 : memref<1x1x64xi32, #tpu.memory_space<hbm>> -> memref<64xi32, #tpu.memory_space<hbm>>
      tpu.wait_dma2 semaphore(%run_scoped3A_186 : memref<!tpu.dma_semaphore, #tpu.memory_space<semaphore_mem>>) src(%dma_wait3A_210 : memref<64xi32, #tpu.memory_space<hbm>>) dst(%dma_wait3A_207 : memref<64xi32, #tpu.memory_space<vmem>>)
      tpu.yield
    }) : () -> ()
    %add3A_6 = arith.constant 0 : i32
    %add3A_7 = arith.addi %mul3A_0, %add3A_6 : i32
    %run_scoped3A_8 = arith.constant 0 : i32
    "tpu.region"() ({
      %run_scoped3A_186 = tpu.sem_alloc : memref<!tpu.dma_semaphore, #tpu.memory_space<semaphore_mem>>
      %dma_start3A_187 = arith.constant 0 : i32
      %dma_start3A_188 = tpu.memref_slice %arg9[%run_scoped3A_8, %dma_start3A_187] : memref<8x64xi32, #tpu.memory_space<vmem>> -> memref<1x64xi32, #tpu.memory_space<vmem>>
      %dma_start3A_189 = tpu.memref_squeeze %dma_start3A_188 : memref<1x64xi32, #tpu.memory_space<vmem>> -> memref<64xi32, #tpu.memory_space<vmem>>
      %dma_start3A_190 = arith.constant 0 : i32
      %dma_start3A_191 = tpu.memref_slice %arg4[%arg1, %add3A_7, %dma_start3A_190] : memref<16x313x64xi32, #tpu.memory_space<hbm>> -> memref<1x1x64xi32, #tpu.memory_space<hbm>>
      %dma_start3A_192 = tpu.memref_squeeze %dma_start3A_191 : memref<1x1x64xi32, #tpu.memory_space<hbm>> -> memref<64xi32, #tpu.memory_space<hbm>>
      %dma_start3A_193 = arith.constant 0 : i32
      %dma_start3A_194 = tpu.memref_slice %arg9[%run_scoped3A_8, %dma_start3A_193] : memref<8x64xi32, #tpu.memory_space<vmem>> -> memref<1x64xi32, #tpu.memory_space<vmem>>
      %dma_start3A_195 = tpu.memref_squeeze %dma_start3A_194 : memref<1x64xi32, #tpu.memory_space<vmem>> -> memref<64xi32, #tpu.memory_space<vmem>>
      %dma_start3A_196 = arith.constant 0 : i32
      %dma_start3A_197 = tpu.memref_slice %arg4[%arg1, %add3A_7, %dma_start3A_196] : memref<16x313x64xi32, #tpu.memory_space<hbm>> -> memref<1x1x64xi32, #tpu.memory_space<hbm>>
      %dma_start3A_198 = tpu.memref_squeeze %dma_start3A_197 : memref<1x1x64xi32, #tpu.memory_space<hbm>> -> memref<64xi32, #tpu.memory_space<hbm>>
      tpu.enqueue_dma source(%dma_start3A_198 : memref<64xi32, #tpu.memory_space<hbm>>) target(%dma_start3A_195 : memref<64xi32, #tpu.memory_space<vmem>>) target_semaphore(%run_scoped3A_186 : memref<!tpu.dma_semaphore, #tpu.memory_space<semaphore_mem>>)
      %dma_wait3A_199 = arith.constant 0 : i32
      %dma_wait3A_200 = tpu.memref_slice %arg9[%run_scoped3A_8, %dma_wait3A_199] : memref<8x64xi32, #tpu.memory_space<vmem>> -> memref<1x64xi32, #tpu.memory_space<vmem>>
      %dma_wait3A_201 = tpu.memref_squeeze %dma_wait3A_200 : memref<1x64xi32, #tpu.memory_space<vmem>> -> memref<64xi32, #tpu.memory_space<vmem>>
      %dma_wait3A_202 = arith.constant 0 : i32
      %dma_wait3A_203 = tpu.memref_slice %arg4[%arg1, %add3A_7, %dma_wait3A_202] : memref<16x313x64xi32, #tpu.memory_space<hbm>> -> memref<1x1x64xi32, #tpu.memory_space<hbm>>
      %dma_wait3A_204 = tpu.memref_squeeze %dma_wait3A_203 : memref<1x1x64xi32, #tpu.memory_space<hbm>> -> memref<64xi32, #tpu.memory_space<hbm>>
      %dma_wait3A_205 = arith.constant 0 : i32
      %dma_wait3A_206 = tpu.memref_slice %arg9[%run_scoped3A_8, %dma_wait3A_205] : memref<8x64xi32, #tpu.memory_space<vmem>> -> memref<1x64xi32, #tpu.memory_space<vmem>>
      %dma_wait3A_207 = tpu.memref_squeeze %dma_wait3A_206 : memref<1x64xi32, #tpu.memory_space<vmem>> -> memref<64xi32, #tpu.memory_space<vmem>>
      %dma_wait3A_208 = arith.constant 0 : i32
      %dma_wait3A_209 = tpu.memref_slice %arg4[%arg1, %add3A_7, %dma_wait3A_208] : memref<16x313x64xi32, #tpu.memory_space<hbm>> -> memref<1x1x64xi32, #tpu.memory_space<hbm>>
      %dma_wait3A_210 = tpu.memref_squeeze %dma_wait3A_209 : memref<1x1x64xi32, #tpu.memory_space<hbm>> -> memref<64xi32, #tpu.memory_space<hbm>>
      tpu.wait_dma2 semaphore(%run_scoped3A_186 : memref<!tpu.dma_semaphore, #tpu.memory_space<semaphore_mem>>) src(%dma_wait3A_210 : memref<64xi32, #tpu.memory_space<hbm>>) dst(%dma_wait3A_207 : memref<64xi32, #tpu.memory_space<vmem>>)
      tpu.yield
    }) : () -> ()
    %add3A_9 = arith.constant 1 : i32
    %add3A_10 = arith.addi %mul3A_0, %add3A_9 : i32
    %run_scoped3A_11 = arith.constant 1 : i32
    "tpu.region"() ({
      %run_scoped3A_186 = tpu.sem_alloc : memref<!tpu.dma_semaphore, #tpu.memory_space<semaphore_mem>>
      %dma_start3A_187 = arith.constant 0 : i32
      %dma_start3A_188 = tpu.memref_slice %arg8[%run_scoped3A_11, %dma_start3A_187] : memref<8x64xi32, #tpu.memory_space<vmem>> -> memref<1x64xi32, #tpu.memory_space<vmem>>
      %dma_start3A_189 = tpu.memref_squeeze %dma_start3A_188 : memref<1x64xi32, #tpu.memory_space<vmem>> -> memref<64xi32, #tpu.memory_space<vmem>>
      %dma_start3A_190 = arith.constant 0 : i32
      %dma_start3A_191 = tpu.memref_slice %arg3[%arg1, %add3A_10, %dma_start3A_190] : memref<16x313x64xi32, #tpu.memory_space<hbm>> -> memref<1x1x64xi32, #tpu.memory_space<hbm>>
      %dma_start3A_192 = tpu.memref_squeeze %dma_start3A_191 : memref<1x1x64xi32, #tpu.memory_space<hbm>> -> memref<64xi32, #tpu.memory_space<hbm>>
      %dma_start3A_193 = arith.constant 0 : i32
      %dma_start3A_194 = tpu.memref_slice %arg8[%run_scoped3A_11, %dma_start3A_193] : memref<8x64xi32, #tpu.memory_space<vmem>> -> memref<1x64xi32, #tpu.memory_space<vmem>>
      %dma_start3A_195 = tpu.memref_squeeze %dma_start3A_194 : memref<1x64xi32, #tpu.memory_space<vmem>> -> memref<64xi32, #tpu.memory_space<vmem>>
      %dma_start3A_196 = arith.constant 0 : i32
      %dma_start3A_197 = tpu.memref_slice %arg3[%arg1, %add3A_10, %dma_start3A_196] : memref<16x313x64xi32, #tpu.memory_space<hbm>> -> memref<1x1x64xi32, #tpu.memory_space<hbm>>
      %dma_start3A_198 = tpu.memref_squeeze %dma_start3A_197 : memref<1x1x64xi32, #tpu.memory_space<hbm>> -> memref<64xi32, #tpu.memory_space<hbm>>
      tpu.enqueue_dma source(%dma_start3A_198 : memref<64xi32, #tpu.memory_space<hbm>>) target(%dma_start3A_195 : memref<64xi32, #tpu.memory_space<vmem>>) target_semaphore(%run_scoped3A_186 : memref<!tpu.dma_semaphore, #tpu.memory_space<semaphore_mem>>)
      %dma_wait3A_199 = arith.constant 0 : i32
      %dma_wait3A_200 = tpu.memref_slice %arg8[%run_scoped3A_11, %dma_wait3A_199] : memref<8x64xi32, #tpu.memory_space<vmem>> -> memref<1x64xi32, #tpu.memory_space<vmem>>
      %dma_wait3A_201 = tpu.memref_squeeze %dma_wait3A_200 : memref<1x64xi32, #tpu.memory_space<vmem>> -> memref<64xi32, #tpu.memory_space<vmem>>
      %dma_wait3A_202 = arith.constant 0 : i32
      %dma_wait3A_203 = tpu.memref_slice %arg3[%arg1, %add3A_10, %dma_wait3A_202] : memref<16x313x64xi32, #tpu.memory_space<hbm>> -> memref<1x1x64xi32, #tpu.memory_space<hbm>>
      %dma_wait3A_204 = tpu.memref_squeeze %dma_wait3A_203 : memref<1x1x64xi32, #tpu.memory_space<hbm>> -> memref<64xi32, #tpu.memory_space<hbm>>
      %dma_wait3A_205 = arith.constant 0 : i32
      %dma_wait3A_206 = tpu.memref_slice %arg8[%run_scoped3A_11, %dma_wait3A_205] : memref<8x64xi32, #tpu.memory_space<vmem>> -> memref<1x64xi32, #tpu.memory_space<vmem>>
      %dma_wait3A_207 = tpu.memref_squeeze %dma_wait3A_206 : memref<1x64xi32, #tpu.memory_space<vmem>> -> memref<64xi32, #tpu.memory_space<vmem>>
      %dma_wait3A_208 = arith.constant 0 : i32
      %dma_wait3A_209 = tpu.memref_slice %arg3[%arg1, %add3A_10, %dma_wait3A_208] : memref<16x313x64xi32, #tpu.memory_space<hbm>> -> memref<1x1x64xi32, #tpu.memory_space<hbm>>
      %dma_wait3A_210 = tpu.memref_squeeze %dma_wait3A_209 : memref<1x1x64xi32, #tpu.memory_space<hbm>> -> memref<64xi32, #tpu.memory_space<hbm>>
      tpu.wait_dma2 semaphore(%run_scoped3A_186 : memref<!tpu.dma_semaphore, #tpu.memory_space<semaphore_mem>>) src(%dma_wait3A_210 : memref<64xi32, #tpu.memory_space<hbm>>) dst(%dma_wait3A_207 : memref<64xi32, #tpu.memory_space<vmem>>)
      tpu.yield
    }) : () -> ()
    %add3A_12 = arith.constant 1 : i32
    %add3A_13 = arith.addi %mul3A_0, %add3A_12 : i32
    %run_scoped3A_14 = arith.constant 1 : i32
    "tpu.region"() ({
      %run_scoped3A_186 = tpu.sem_alloc : memref<!tpu.dma_semaphore, #tpu.memory_space<semaphore_mem>>
      %dma_start3A_187 = arith.constant 0 : i32
      %dma_start3A_188 = tpu.memref_slice %arg9[%run_scoped3A_14, %dma_start3A_187] : memref<8x64xi32, #tpu.memory_space<vmem>> -> memref<1x64xi32, #tpu.memory_space<vmem>>
      %dma_start3A_189 = tpu.memref_squeeze %dma_start3A_188 : memref<1x64xi32, #tpu.memory_space<vmem>> -> memref<64xi32, #tpu.memory_space<vmem>>
      %dma_start3A_190 = arith.constant 0 : i32
      %dma_start3A_191 = tpu.memref_slice %arg4[%arg1, %add3A_13, %dma_start3A_190] : memref<16x313x64xi32, #tpu.memory_space<hbm>> -> memref<1x1x64xi32, #tpu.memory_space<hbm>>
      %dma_start3A_192 = tpu.memref_squeeze %dma_start3A_191 : memref<1x1x64xi32, #tpu.memory_space<hbm>> -> memref<64xi32, #tpu.memory_space<hbm>>
      %dma_start3A_193 = arith.constant 0 : i32
      %dma_start3A_194 = tpu.memref_slice %arg9[%run_scoped3A_14, %dma_start3A_193] : memref<8x64xi32, #tpu.memory_space<vmem>> -> memref<1x64xi32, #tpu.memory_space<vmem>>
      %dma_start3A_195 = tpu.memref_squeeze %dma_start3A_194 : memref<1x64xi32, #tpu.memory_space<vmem>> -> memref<64xi32, #tpu.memory_space<vmem>>
      %dma_start3A_196 = arith.constant 0 : i32
      %dma_start3A_197 = tpu.memref_slice %arg4[%arg1, %add3A_13, %dma_start3A_196] : memref<16x313x64xi32, #tpu.memory_space<hbm>> -> memref<1x1x64xi32, #tpu.memory_space<hbm>>
      %dma_start3A_198 = tpu.memref_squeeze %dma_start3A_197 : memref<1x1x64xi32, #tpu.memory_space<hbm>> -> memref<64xi32, #tpu.memory_space<hbm>>
      tpu.enqueue_dma source(%dma_start3A_198 : memref<64xi32, #tpu.memory_space<hbm>>) target(%dma_start3A_195 : memref<64xi32, #tpu.memory_space<vmem>>) target_semaphore(%run_scoped3A_186 : memref<!tpu.dma_semaphore, #tpu.memory_space<semaphore_mem>>)
      %dma_wait3A_199 = arith.constant 0 : i32
      %dma_wait3A_200 = tpu.memref_slice %arg9[%run_scoped3A_14, %dma_wait3A_199] : memref<8x64xi32, #tpu.memory_space<vmem>> -> memref<1x64xi32, #tpu.memory_space<vmem>>
      %dma_wait3A_201 = tpu.memref_squeeze %dma_wait3A_200 : memref<1x64xi32, #tpu.memory_space<vmem>> -> memref<64xi32, #tpu.memory_space<vmem>>
      %dma_wait3A_202 = arith.constant 0 : i32
      %dma_wait3A_203 = tpu.memref_slice %arg4[%arg1, %add3A_13, %dma_wait3A_202] : memref<16x313x64xi32, #tpu.memory_space<hbm>> -> memref<1x1x64xi32, #tpu.memory_space<hbm>>
      %dma_wait3A_204 = tpu.memref_squeeze %dma_wait3A_203 : memref<1x1x64xi32, #tpu.memory_space<hbm>> -> memref<64xi32, #tpu.memory_space<hbm>>
      %dma_wait3A_205 = arith.constant 0 : i32
      %dma_wait3A_206 = tpu.memref_slice %arg9[%run_scoped3A_14, %dma_wait3A_205] : memref<8x64xi32, #tpu.memory_space<vmem>> -> memref<1x64xi32, #tpu.memory_space<vmem>>
      %dma_wait3A_207 = tpu.memref_squeeze %dma_wait3A_206 : memref<1x64xi32, #tpu.memory_space<vmem>> -> memref<64xi32, #tpu.memory_space<vmem>>
      %dma_wait3A_208 = arith.constant 0 : i32
      %dma_wait3A_209 = tpu.memref_slice %arg4[%arg1, %add3A_13, %dma_wait3A_208] : memref<16x313x64xi32, #tpu.memory_space<hbm>> -> memref<1x1x64xi32, #tpu.memory_space<hbm>>
      %dma_wait3A_210 = tpu.memref_squeeze %dma_wait3A_209 : memref<1x1x64xi32, #tpu.memory_space<hbm>> -> memref<64xi32, #tpu.memory_space<hbm>>
      tpu.wait_dma2 semaphore(%run_scoped3A_186 : memref<!tpu.dma_semaphore, #tpu.memory_space<semaphore_mem>>) src(%dma_wait3A_210 : memref<64xi32, #tpu.memory_space<hbm>>) dst(%dma_wait3A_207 : memref<64xi32, #tpu.memory_space<vmem>>)
      tpu.yield
    }) : () -> ()
    %add3A_15 = arith.constant 2 : i32
    %add3A_16 = arith.addi %mul3A_0, %add3A_15 : i32
    %run_scoped3A_17 = arith.constant 2 : i32
    "tpu.region"() ({
      %run_scoped3A_186 = tpu.sem_alloc : memref<!tpu.dma_semaphore, #tpu.memory_space<semaphore_mem>>
      %dma_start3A_187 = arith.constant 0 : i32
      %dma_start3A_188 = tpu.memref_slice %arg8[%run_scoped3A_17, %dma_start3A_187] : memref<8x64xi32, #tpu.memory_space<vmem>> -> memref<1x64xi32, #tpu.memory_space<vmem>>
      %dma_start3A_189 = tpu.memref_squeeze %dma_start3A_188 : memref<1x64xi32, #tpu.memory_space<vmem>> -> memref<64xi32, #tpu.memory_space<vmem>>
      %dma_start3A_190 = arith.constant 0 : i32
      %dma_start3A_191 = tpu.memref_slice %arg3[%arg1, %add3A_16, %dma_start3A_190] : memref<16x313x64xi32, #tpu.memory_space<hbm>> -> memref<1x1x64xi32, #tpu.memory_space<hbm>>
      %dma_start3A_192 = tpu.memref_squeeze %dma_start3A_191 : memref<1x1x64xi32, #tpu.memory_space<hbm>> -> memref<64xi32, #tpu.memory_space<hbm>>
      %dma_start3A_193 = arith.constant 0 : i32
      %dma_start3A_194 = tpu.memref_slice %arg8[%run_scoped3A_17, %dma_start3A_193] : memref<8x64xi32, #tpu.memory_space<vmem>> -> memref<1x64xi32, #tpu.memory_space<vmem>>
      %dma_start3A_195 = tpu.memref_squeeze %dma_start3A_194 : memref<1x64xi32, #tpu.memory_space<vmem>> -> memref<64xi32, #tpu.memory_space<vmem>>
      %dma_start3A_196 = arith.constant 0 : i32
      %dma_start3A_197 = tpu.memref_slice %arg3[%arg1, %add3A_16, %dma_start3A_196] : memref<16x313x64xi32, #tpu.memory_space<hbm>> -> memref<1x1x64xi32, #tpu.memory_space<hbm>>
      %dma_start3A_198 = tpu.memref_squeeze %dma_start3A_197 : memref<1x1x64xi32, #tpu.memory_space<hbm>> -> memref<64xi32, #tpu.memory_space<hbm>>
      tpu.enqueue_dma source(%dma_start3A_198 : memref<64xi32, #tpu.memory_space<hbm>>) target(%dma_start3A_195 : memref<64xi32, #tpu.memory_space<vmem>>) target_semaphore(%run_scoped3A_186 : memref<!tpu.dma_semaphore, #tpu.memory_space<semaphore_mem>>)
      %dma_wait3A_199 = arith.constant 0 : i32
      %dma_wait3A_200 = tpu.memref_slice %arg8[%run_scoped3A_17, %dma_wait3A_199] : memref<8x64xi32, #tpu.memory_space<vmem>> -> memref<1x64xi32, #tpu.memory_space<vmem>>
      %dma_wait3A_201 = tpu.memref_squeeze %dma_wait3A_200 : memref<1x64xi32, #tpu.memory_space<vmem>> -> memref<64xi32, #tpu.memory_space<vmem>>
      %dma_wait3A_202 = arith.constant 0 : i32
      %dma_wait3A_203 = tpu.memref_slice %arg3[%arg1, %add3A_16, %dma_wait3A_202] : memref<16x313x64xi32, #tpu.memory_space<hbm>> -> memref<1x1x64xi32, #tpu.memory_space<hbm>>
      %dma_wait3A_204 = tpu.memref_squeeze %dma_wait3A_203 : memref<1x1x64xi32, #tpu.memory_space<hbm>> -> memref<64xi32, #tpu.memory_space<hbm>>
      %dma_wait3A_205 = arith.constant 0 : i32
      %dma_wait3A_206 = tpu.memref_slice %arg8[%run_scoped3A_17, %dma_wait3A_205] : memref<8x64xi32, #tpu.memory_space<vmem>> -> memref<1x64xi32, #tpu.memory_space<vmem>>
      %dma_wait3A_207 = tpu.memref_squeeze %dma_wait3A_206 : memref<1x64xi32, #tpu.memory_space<vmem>> -> memref<64xi32, #tpu.memory_space<vmem>>
      %dma_wait3A_208 = arith.constant 0 : i32
      %dma_wait3A_209 = tpu.memref_slice %arg3[%arg1, %add3A_16, %dma_wait3A_208] : memref<16x313x64xi32, #tpu.memory_space<hbm>> -> memref<1x1x64xi32, #tpu.memory_space<hbm>>
      %dma_wait3A_210 = tpu.memref_squeeze %dma_wait3A_209 : memref<1x1x64xi32, #tpu.memory_space<hbm>> -> memref<64xi32, #tpu.memory_space<hbm>>
      tpu.wait_dma2 semaphore(%run_scoped3A_186 : memref<!tpu.dma_semaphore, #tpu.memory_space<semaphore_mem>>) src(%dma_wait3A_210 : memref<64xi32, #tpu.memory_space<hbm>>) dst(%dma_wait3A_207 : memref<64xi32, #tpu.memory_space<vmem>>)
      tpu.yield
    }) : () -> ()
    %add3A_18 = arith.constant 2 : i32
    %add3A_19 = arith.addi %mul3A_0, %add3A_18 : i32
    %run_scoped3A_20 = arith.constant 2 : i32
    "tpu.region"() ({
      %run_scoped3A_186 = tpu.sem_alloc : memref<!tpu.dma_semaphore, #tpu.memory_space<semaphore_mem>>
      %dma_start3A_187 = arith.constant 0 : i32
      %dma_start3A_188 = tpu.memref_slice %arg9[%run_scoped3A_20, %dma_start3A_187] : memref<8x64xi32, #tpu.memory_space<vmem>> -> memref<1x64xi32, #tpu.memory_space<vmem>>
      %dma_start3A_189 = tpu.memref_squeeze %dma_start3A_188 : memref<1x64xi32, #tpu.memory_space<vmem>> -> memref<64xi32, #tpu.memory_space<vmem>>
      %dma_start3A_190 = arith.constant 0 : i32
      %dma_start3A_191 = tpu.memref_slice %arg4[%arg1, %add3A_19, %dma_start3A_190] : memref<16x313x64xi32, #tpu.memory_space<hbm>> -> memref<1x1x64xi32, #tpu.memory_space<hbm>>
      %dma_start3A_192 = tpu.memref_squeeze %dma_start3A_191 : memref<1x1x64xi32, #tpu.memory_space<hbm>> -> memref<64xi32, #tpu.memory_space<hbm>>
      %dma_start3A_193 = arith.constant 0 : i32
      %dma_start3A_194 = tpu.memref_slice %arg9[%run_scoped3A_20, %dma_start3A_193] : memref<8x64xi32, #tpu.memory_space<vmem>> -> memref<1x64xi32, #tpu.memory_space<vmem>>
      %dma_start3A_195 = tpu.memref_squeeze %dma_start3A_194 : memref<1x64xi32, #tpu.memory_space<vmem>> -> memref<64xi32, #tpu.memory_space<vmem>>
      %dma_start3A_196 = arith.constant 0 : i32
      %dma_start3A_197 = tpu.memref_slice %arg4[%arg1, %add3A_19, %dma_start3A_196] : memref<16x313x64xi32, #tpu.memory_space<hbm>> -> memref<1x1x64xi32, #tpu.memory_space<hbm>>
      %dma_start3A_198 = tpu.memref_squeeze %dma_start3A_197 : memref<1x1x64xi32, #tpu.memory_space<hbm>> -> memref<64xi32, #tpu.memory_space<hbm>>
      tpu.enqueue_dma source(%dma_start3A_198 : memref<64xi32, #tpu.memory_space<hbm>>) target(%dma_start3A_195 : memref<64xi32, #tpu.memory_space<vmem>>) target_semaphore(%run_scoped3A_186 : memref<!tpu.dma_semaphore, #tpu.memory_space<semaphore_mem>>)
      %dma_wait3A_199 = arith.constant 0 : i32
      %dma_wait3A_200 = tpu.memref_slice %arg9[%run_scoped3A_20, %dma_wait3A_199] : memref<8x64xi32, #tpu.memory_space<vmem>> -> memref<1x64xi32, #tpu.memory_space<vmem>>
      %dma_wait3A_201 = tpu.memref_squeeze %dma_wait3A_200 : memref<1x64xi32, #tpu.memory_space<vmem>> -> memref<64xi32, #tpu.memory_space<vmem>>
      %dma_wait3A_202 = arith.constant 0 : i32
      %dma_wait3A_203 = tpu.memref_slice %arg4[%arg1, %add3A_19, %dma_wait3A_202] : memref<16x313x64xi32, #tpu.memory_space<hbm>> -> memref<1x1x64xi32, #tpu.memory_space<hbm>>
      %dma_wait3A_204 = tpu.memref_squeeze %dma_wait3A_203 : memref<1x1x64xi32, #tpu.memory_space<hbm>> -> memref<64xi32, #tpu.memory_space<hbm>>
      %dma_wait3A_205 = arith.constant 0 : i32
      %dma_wait3A_206 = tpu.memref_slice %arg9[%run_scoped3A_20, %dma_wait3A_205] : memref<8x64xi32, #tpu.memory_space<vmem>> -> memref<1x64xi32, #tpu.memory_space<vmem>>
      %dma_wait3A_207 = tpu.memref_squeeze %dma_wait3A_206 : memref<1x64xi32, #tpu.memory_space<vmem>> -> memref<64xi32, #tpu.memory_space<vmem>>
      %dma_wait3A_208 = arith.constant 0 : i32
      %dma_wait3A_209 = tpu.memref_slice %arg4[%arg1, %add3A_19, %dma_wait3A_208] : memref<16x313x64xi32, #tpu.memory_space<hbm>> -> memref<1x1x64xi32, #tpu.memory_space<hbm>>
      %dma_wait3A_210 = tpu.memref_squeeze %dma_wait3A_209 : memref<1x1x64xi32, #tpu.memory_space<hbm>> -> memref<64xi32, #tpu.memory_space<hbm>>
      tpu.wait_dma2 semaphore(%run_scoped3A_186 : memref<!tpu.dma_semaphore, #tpu.memory_space<semaphore_mem>>) src(%dma_wait3A_210 : memref<64xi32, #tpu.memory_space<hbm>>) dst(%dma_wait3A_207 : memref<64xi32, #tpu.memory_space<vmem>>)
      tpu.yield
    }) : () -> ()
    %add3A_21 = arith.constant 3 : i32
    %add3A_22 = arith.addi %mul3A_0, %add3A_21 : i32
    %run_scoped3A_23 = arith.constant 3 : i32
    "tpu.region"() ({
      %run_scoped3A_186 = tpu.sem_alloc : memref<!tpu.dma_semaphore, #tpu.memory_space<semaphore_mem>>
      %dma_start3A_187 = arith.constant 0 : i32
      %dma_start3A_188 = tpu.memref_slice %arg8[%run_scoped3A_23, %dma_start3A_187] : memref<8x64xi32, #tpu.memory_space<vmem>> -> memref<1x64xi32, #tpu.memory_space<vmem>>
      %dma_start3A_189 = tpu.memref_squeeze %dma_start3A_188 : memref<1x64xi32, #tpu.memory_space<vmem>> -> memref<64xi32, #tpu.memory_space<vmem>>
      %dma_start3A_190 = arith.constant 0 : i32
      %dma_start3A_191 = tpu.memref_slice %arg3[%arg1, %add3A_22, %dma_start3A_190] : memref<16x313x64xi32, #tpu.memory_space<hbm>> -> memref<1x1x64xi32, #tpu.memory_space<hbm>>
      %dma_start3A_192 = tpu.memref_squeeze %dma_start3A_191 : memref<1x1x64xi32, #tpu.memory_space<hbm>> -> memref<64xi32, #tpu.memory_space<hbm>>
      %dma_start3A_193 = arith.constant 0 : i32
      %dma_start3A_194 = tpu.memref_slice %arg8[%run_scoped3A_23, %dma_start3A_193] : memref<8x64xi32, #tpu.memory_space<vmem>> -> memref<1x64xi32, #tpu.memory_space<vmem>>
      %dma_start3A_195 = tpu.memref_squeeze %dma_start3A_194 : memref<1x64xi32, #tpu.memory_space<vmem>> -> memref<64xi32, #tpu.memory_space<vmem>>
      %dma_start3A_196 = arith.constant 0 : i32
      %dma_start3A_197 = tpu.memref_slice %arg3[%arg1, %add3A_22, %dma_start3A_196] : memref<16x313x64xi32, #tpu.memory_space<hbm>> -> memref<1x1x64xi32, #tpu.memory_space<hbm>>
      %dma_start3A_198 = tpu.memref_squeeze %dma_start3A_197 : memref<1x1x64xi32, #tpu.memory_space<hbm>> -> memref<64xi32, #tpu.memory_space<hbm>>
      tpu.enqueue_dma source(%dma_start3A_198 : memref<64xi32, #tpu.memory_space<hbm>>) target(%dma_start3A_195 : memref<64xi32, #tpu.memory_space<vmem>>) target_semaphore(%run_scoped3A_186 : memref<!tpu.dma_semaphore, #tpu.memory_space<semaphore_mem>>)
      %dma_wait3A_199 = arith.constant 0 : i32
      %dma_wait3A_200 = tpu.memref_slice %arg8[%run_scoped3A_23, %dma_wait3A_199] : memref<8x64xi32, #tpu.memory_space<vmem>> -> memref<1x64xi32, #tpu.memory_space<vmem>>
      %dma_wait3A_201 = tpu.memref_squeeze %dma_wait3A_200 : memref<1x64xi32, #tpu.memory_space<vmem>> -> memref<64xi32, #tpu.memory_space<vmem>>
      %dma_wait3A_202 = arith.constant 0 : i32
      %dma_wait3A_203 = tpu.memref_slice %arg3[%arg1, %add3A_22, %dma_wait3A_202] : memref<16x313x64xi32, #tpu.memory_space<hbm>> -> memref<1x1x64xi32, #tpu.memory_space<hbm>>
      %dma_wait3A_204 = tpu.memref_squeeze %dma_wait3A_203 : memref<1x1x64xi32, #tpu.memory_space<hbm>> -> memref<64xi32, #tpu.memory_space<hbm>>
      %dma_wait3A_205 = arith.constant 0 : i32
      %dma_wait3A_206 = tpu.memref_slice %arg8[%run_scoped3A_23, %dma_wait3A_205] : memref<8x64xi32, #tpu.memory_space<vmem>> -> memref<1x64xi32, #tpu.memory_space<vmem>>
      %dma_wait3A_207 = tpu.memref_squeeze %dma_wait3A_206 : memref<1x64xi32, #tpu.memory_space<vmem>> -> memref<64xi32, #tpu.memory_space<vmem>>
      %dma_wait3A_208 = arith.constant 0 : i32
      %dma_wait3A_209 = tpu.memref_slice %arg3[%arg1, %add3A_22, %dma_wait3A_208] : memref<16x313x64xi32, #tpu.memory_space<hbm>> -> memref<1x1x64xi32, #tpu.memory_space<hbm>>
      %dma_wait3A_210 = tpu.memref_squeeze %dma_wait3A_209 : memref<1x1x64xi32, #tpu.memory_space<hbm>> -> memref<64xi32, #tpu.memory_space<hbm>>
      tpu.wait_dma2 semaphore(%run_scoped3A_186 : memref<!tpu.dma_semaphore, #tpu.memory_space<semaphore_mem>>) src(%dma_wait3A_210 : memref<64xi32, #tpu.memory_space<hbm>>) dst(%dma_wait3A_207 : memref<64xi32, #tpu.memory_space<vmem>>)
      tpu.yield
    }) : () -> ()
    %add3A_24 = arith.constant 3 : i32
    %add3A_25 = arith.addi %mul3A_0, %add3A_24 : i32
    %run_scoped3A_26 = arith.constant 3 : i32
    "tpu.region"() ({
      %run_scoped3A_186 = tpu.sem_alloc : memref<!tpu.dma_semaphore, #tpu.memory_space<semaphore_mem>>
      %dma_start3A_187 = arith.constant 0 : i32
      %dma_start3A_188 = tpu.memref_slice %arg9[%run_scoped3A_26, %dma_start3A_187] : memref<8x64xi32, #tpu.memory_space<vmem>> -> memref<1x64xi32, #tpu.memory_space<vmem>>
      %dma_start3A_189 = tpu.memref_squeeze %dma_start3A_188 : memref<1x64xi32, #tpu.memory_space<vmem>> -> memref<64xi32, #tpu.memory_space<vmem>>
      %dma_start3A_190 = arith.constant 0 : i32
      %dma_start3A_191 = tpu.memref_slice %arg4[%arg1, %add3A_25, %dma_start3A_190] : memref<16x313x64xi32, #tpu.memory_space<hbm>> -> memref<1x1x64xi32, #tpu.memory_space<hbm>>
      %dma_start3A_192 = tpu.memref_squeeze %dma_start3A_191 : memref<1x1x64xi32, #tpu.memory_space<hbm>> -> memref<64xi32, #tpu.memory_space<hbm>>
      %dma_start3A_193 = arith.constant 0 : i32
      %dma_start3A_194 = tpu.memref_slice %arg9[%run_scoped3A_26, %dma_start3A_193] : memref<8x64xi32, #tpu.memory_space<vmem>> -> memref<1x64xi32, #tpu.memory_space<vmem>>
      %dma_start3A_195 = tpu.memref_squeeze %dma_start3A_194 : memref<1x64xi32, #tpu.memory_space<vmem>> -> memref<64xi32, #tpu.memory_space<vmem>>
      %dma_start3A_196 = arith.constant 0 : i32
      %dma_start3A_197 = tpu.memref_slice %arg4[%arg1, %add3A_25, %dma_start3A_196] : memref<16x313x64xi32, #tpu.memory_space<hbm>> -> memref<1x1x64xi32, #tpu.memory_space<hbm>>
      %dma_start3A_198 = tpu.memref_squeeze %dma_start3A_197 : memref<1x1x64xi32, #tpu.memory_space<hbm>> -> memref<64xi32, #tpu.memory_space<hbm>>
      tpu.enqueue_dma source(%dma_start3A_198 : memref<64xi32, #tpu.memory_space<hbm>>) target(%dma_start3A_195 : memref<64xi32, #tpu.memory_space<vmem>>) target_semaphore(%run_scoped3A_186 : memref<!tpu.dma_semaphore, #tpu.memory_space<semaphore_mem>>)
      %dma_wait3A_199 = arith.constant 0 : i32
      %dma_wait3A_200 = tpu.memref_slice %arg9[%run_scoped3A_26, %dma_wait3A_199] : memref<8x64xi32, #tpu.memory_space<vmem>> -> memref<1x64xi32, #tpu.memory_space<vmem>>
      %dma_wait3A_201 = tpu.memref_squeeze %dma_wait3A_200 : memref<1x64xi32, #tpu.memory_space<vmem>> -> memref<64xi32, #tpu.memory_space<vmem>>
      %dma_wait3A_202 = arith.constant 0 : i32
      %dma_wait3A_203 = tpu.memref_slice %arg4[%arg1, %add3A_25, %dma_wait3A_202] : memref<16x313x64xi32, #tpu.memory_space<hbm>> -> memref<1x1x64xi32, #tpu.memory_space<hbm>>
      %dma_wait3A_204 = tpu.memref_squeeze %dma_wait3A_203 : memref<1x1x64xi32, #tpu.memory_space<hbm>> -> memref<64xi32, #tpu.memory_space<hbm>>
      %dma_wait3A_205 = arith.constant 0 : i32
      %dma_wait3A_206 = tpu.memref_slice %arg9[%run_scoped3A_26, %dma_wait3A_205] : memref<8x64xi32, #tpu.memory_space<vmem>> -> memref<1x64xi32, #tpu.memory_space<vmem>>
      %dma_wait3A_207 = tpu.memref_squeeze %dma_wait3A_206 : memref<1x64xi32, #tpu.memory_space<vmem>> -> memref<64xi32, #tpu.memory_space<vmem>>
      %dma_wait3A_208 = arith.constant 0 : i32
      %dma_wait3A_209 = tpu.memref_slice %arg4[%arg1, %add3A_25, %dma_wait3A_208] : memref<16x313x64xi32, #tpu.memory_space<hbm>> -> memref<1x1x64xi32, #tpu.memory_space<hbm>>
      %dma_wait3A_210 = tpu.memref_squeeze %dma_wait3A_209 : memref<1x1x64xi32, #tpu.memory_space<hbm>> -> memref<64xi32, #tpu.memory_space<hbm>>
      tpu.wait_dma2 semaphore(%run_scoped3A_186 : memref<!tpu.dma_semaphore, #tpu.memory_space<semaphore_mem>>) src(%dma_wait3A_210 : memref<64xi32, #tpu.memory_space<hbm>>) dst(%dma_wait3A_207 : memref<64xi32, #tpu.memory_space<vmem>>)
      tpu.yield
    }) : () -> ()
    %add3A_27 = arith.constant 4 : i32
    %add3A_28 = arith.addi %mul3A_0, %add3A_27 : i32
    %dma_start3A = arith.constant 4 : i32
    %dma_start3A_29 = arith.constant 0 : i32
    %dma_start3A_30 = tpu.memref_slice %arg8[%dma_start3A, %dma_start3A_29] : memref<8x64xi32, #tpu.memory_space<vmem>> -> memref<1x64xi32, #tpu.memory_space<vmem>>
    %dma_start3A_31 = tpu.memref_squeeze %dma_start3A_30 : memref<1x64xi32, #tpu.memory_space<vmem>> -> memref<64xi32, #tpu.memory_space<vmem>>
    %dma_start3A_32 = arith.constant 0 : i32
    %dma_start3A_33 = tpu.memref_slice %arg3[%arg1, %add3A_28, %dma_start3A_32] : memref<16x313x64xi32, #tpu.memory_space<hbm>> -> memref<1x1x64xi32, #tpu.memory_space<hbm>>
    %dma_start3A_34 = tpu.memref_squeeze %dma_start3A_33 : memref<1x1x64xi32, #tpu.memory_space<hbm>> -> memref<64xi32, #tpu.memory_space<hbm>>
    %dma_start3A_35 = arith.constant 0 : i32
    %dma_start3A_36 = tpu.memref_slice %arg8[%dma_start3A, %dma_start3A_35] : memref<8x64xi32, #tpu.memory_space<vmem>> -> memref<1x64xi32, #tpu.memory_space<vmem>>
    %dma_start3A_37 = tpu.memref_squeeze %dma_start3A_36 : memref<1x64xi32, #tpu.memory_space<vmem>> -> memref<64xi32, #tpu.memory_space<vmem>>
    %dma_start3A_38 = arith.constant 0 : i32
    %dma_start3A_39 = tpu.memref_slice %arg3[%arg1, %add3A_28, %dma_start3A_38] : memref<16x313x64xi32, #tpu.memory_space<hbm>> -> memref<1x1x64xi32, #tpu.memory_space<hbm>>
    %dma_start3A_40 = tpu.memref_squeeze %dma_start3A_39 : memref<1x1x64xi32, #tpu.memory_space<hbm>> -> memref<64xi32, #tpu.memory_space<hbm>>
    tpu.enqueue_dma source(%dma_start3A_40 : memref<64xi32, #tpu.memory_space<hbm>>) target(%dma_start3A_37 : memref<64xi32, #tpu.memory_space<vmem>>) target_semaphore(%arg13 : memref<!tpu.dma_semaphore, #tpu.memory_space<semaphore_mem>>)
    %add3A_41 = arith.constant 4 : i32
    %add3A_42 = arith.addi %mul3A_0, %add3A_41 : i32
    %dma_start3A_43 = arith.constant 4 : i32
    %dma_start3A_44 = arith.constant 0 : i32
    %dma_start3A_45 = tpu.memref_slice %arg9[%dma_start3A_43, %dma_start3A_44] : memref<8x64xi32, #tpu.memory_space<vmem>> -> memref<1x64xi32, #tpu.memory_space<vmem>>
    %dma_start3A_46 = tpu.memref_squeeze %dma_start3A_45 : memref<1x64xi32, #tpu.memory_space<vmem>> -> memref<64xi32, #tpu.memory_space<vmem>>
    %dma_start3A_47 = arith.constant 0 : i32
    %dma_start3A_48 = tpu.memref_slice %arg4[%arg1, %add3A_42, %dma_start3A_47] : memref<16x313x64xi32, #tpu.memory_space<hbm>> -> memref<1x1x64xi32, #tpu.memory_space<hbm>>
    %dma_start3A_49 = tpu.memref_squeeze %dma_start3A_48 : memref<1x1x64xi32, #tpu.memory_space<hbm>> -> memref<64xi32, #tpu.memory_space<hbm>>
    %dma_start3A_50 = arith.constant 0 : i32
    %dma_start3A_51 = tpu.memref_slice %arg9[%dma_start3A_43, %dma_start3A_50] : memref<8x64xi32, #tpu.memory_space<vmem>> -> memref<1x64xi32, #tpu.memory_space<vmem>>
    %dma_start3A_52 = tpu.memref_squeeze %dma_start3A_51 : memref<1x64xi32, #tpu.memory_space<vmem>> -> memref<64xi32, #tpu.memory_space<vmem>>
    %dma_start3A_53 = arith.constant 0 : i32
    %dma_start3A_54 = tpu.memref_slice %arg4[%arg1, %add3A_42, %dma_start3A_53] : memref<16x313x64xi32, #tpu.memory_space<hbm>> -> memref<1x1x64xi32, #tpu.memory_space<hbm>>
    %dma_start3A_55 = tpu.memref_squeeze %dma_start3A_54 : memref<1x1x64xi32, #tpu.memory_space<hbm>> -> memref<64xi32, #tpu.memory_space<hbm>>
    tpu.enqueue_dma source(%dma_start3A_55 : memref<64xi32, #tpu.memory_space<hbm>>) target(%dma_start3A_52 : memref<64xi32, #tpu.memory_space<vmem>>) target_semaphore(%arg13 : memref<!tpu.dma_semaphore, #tpu.memory_space<semaphore_mem>>)
    %add3A_56 = arith.constant 5 : i32
    %add3A_57 = arith.addi %mul3A_0, %add3A_56 : i32
    %dma_start3A_58 = arith.constant 5 : i32
    %dma_start3A_59 = arith.constant 0 : i32
    %dma_start3A_60 = tpu.memref_slice %arg8[%dma_start3A_58, %dma_start3A_59] : memref<8x64xi32, #tpu.memory_space<vmem>> -> memref<1x64xi32, #tpu.memory_space<vmem>>
    %dma_start3A_61 = tpu.memref_squeeze %dma_start3A_60 : memref<1x64xi32, #tpu.memory_space<vmem>> -> memref<64xi32, #tpu.memory_space<vmem>>
    %dma_start3A_62 = arith.constant 0 : i32
    %dma_start3A_63 = tpu.memref_slice %arg3[%arg1, %add3A_57, %dma_start3A_62] : memref<16x313x64xi32, #tpu.memory_space<hbm>> -> memref<1x1x64xi32, #tpu.memory_space<hbm>>
    %dma_start3A_64 = tpu.memref_squeeze %dma_start3A_63 : memref<1x1x64xi32, #tpu.memory_space<hbm>> -> memref<64xi32, #tpu.memory_space<hbm>>
    %dma_start3A_65 = arith.constant 0 : i32
    %dma_start3A_66 = tpu.memref_slice %arg8[%dma_start3A_58, %dma_start3A_65] : memref<8x64xi32, #tpu.memory_space<vmem>> -> memref<1x64xi32, #tpu.memory_space<vmem>>
    %dma_start3A_67 = tpu.memref_squeeze %dma_start3A_66 : memref<1x64xi32, #tpu.memory_space<vmem>> -> memref<64xi32, #tpu.memory_space<vmem>>
    %dma_start3A_68 = arith.constant 0 : i32
    %dma_start3A_69 = tpu.memref_slice %arg3[%arg1, %add3A_57, %dma_start3A_68] : memref<16x313x64xi32, #tpu.memory_space<hbm>> -> memref<1x1x64xi32, #tpu.memory_space<hbm>>
    %dma_start3A_70 = tpu.memref_squeeze %dma_start3A_69 : memref<1x1x64xi32, #tpu.memory_space<hbm>> -> memref<64xi32, #tpu.memory_space<hbm>>
    tpu.enqueue_dma source(%dma_start3A_70 : memref<64xi32, #tpu.memory_space<hbm>>) target(%dma_start3A_67 : memref<64xi32, #tpu.memory_space<vmem>>) target_semaphore(%arg13 : memref<!tpu.dma_semaphore, #tpu.memory_space<semaphore_mem>>)
    %add3A_71 = arith.constant 5 : i32
    %add3A_72 = arith.addi %mul3A_0, %add3A_71 : i32
    %dma_start3A_73 = arith.constant 5 : i32
    %dma_start3A_74 = arith.constant 0 : i32
    %dma_start3A_75 = tpu.memref_slice %arg9[%dma_start3A_73, %dma_start3A_74] : memref<8x64xi32, #tpu.memory_space<vmem>> -> memref<1x64xi32, #tpu.memory_space<vmem>>
    %dma_start3A_76 = tpu.memref_squeeze %dma_start3A_75 : memref<1x64xi32, #tpu.memory_space<vmem>> -> memref<64xi32, #tpu.memory_space<vmem>>
    %dma_start3A_77 = arith.constant 0 : i32
    %dma_start3A_78 = tpu.memref_slice %arg4[%arg1, %add3A_72, %dma_start3A_77] : memref<16x313x64xi32, #tpu.memory_space<hbm>> -> memref<1x1x64xi32, #tpu.memory_space<hbm>>
    %dma_start3A_79 = tpu.memref_squeeze %dma_start3A_78 : memref<1x1x64xi32, #tpu.memory_space<hbm>> -> memref<64xi32, #tpu.memory_space<hbm>>
    %dma_start3A_80 = arith.constant 0 : i32
    %dma_start3A_81 = tpu.memref_slice %arg9[%dma_start3A_73, %dma_start3A_80] : memref<8x64xi32, #tpu.memory_space<vmem>> -> memref<1x64xi32, #tpu.memory_space<vmem>>
    %dma_start3A_82 = tpu.memref_squeeze %dma_start3A_81 : memref<1x64xi32, #tpu.memory_space<vmem>> -> memref<64xi32, #tpu.memory_space<vmem>>
    %dma_start3A_83 = arith.constant 0 : i32
    %dma_start3A_84 = tpu.memref_slice %arg4[%arg1, %add3A_72, %dma_start3A_83] : memref<16x313x64xi32, #tpu.memory_space<hbm>> -> memref<1x1x64xi32, #tpu.memory_space<hbm>>
    %dma_start3A_85 = tpu.memref_squeeze %dma_start3A_84 : memref<1x1x64xi32, #tpu.memory_space<hbm>> -> memref<64xi32, #tpu.memory_space<hbm>>
    tpu.enqueue_dma source(%dma_start3A_85 : memref<64xi32, #tpu.memory_space<hbm>>) target(%dma_start3A_82 : memref<64xi32, #tpu.memory_space<vmem>>) target_semaphore(%arg13 : memref<!tpu.dma_semaphore, #tpu.memory_space<semaphore_mem>>)
    %barrier3A = arith.constant 0 : index
    tpu.barrier barrier_id(%barrier3A)
    %dma_start3A_86 = arith.constant 0 : i32
    %dma_start3A_87 = arith.constant 0 : i32
    %dma_start3A_88 = arith.constant 0 : i32
    %dma_start3A_89 = arith.constant 0 : i32
    %dma_start3A_90 = tpu.memref_slice %arg10[%dma_start3A_87, %dma_start3A_88, %dma_start3A_89] : memref<5x64x128xf32, #tpu.memory_space<vmem>> -> memref<1x64x128xf32, #tpu.memory_space<vmem>>
    %dma_start3A_91 = tpu.memref_squeeze %dma_start3A_90 : memref<1x64x128xf32, #tpu.memory_space<vmem>> -> memref<64x128xf32, #tpu.memory_space<vmem>>
    %dma_start3A_92 = arith.constant 0 : i32
    %dma_start3A_93 = tpu.memref_slice %arg8[%dma_start3A_86, %dma_start3A_92] : memref<8x64xi32, #tpu.memory_space<vmem>> -> memref<1x64xi32, #tpu.memory_space<vmem>>
    %dma_start3A_94 = tpu.memref_squeeze %dma_start3A_93 : memref<1x64xi32, #tpu.memory_space<vmem>> -> memref<64xi32, #tpu.memory_space<vmem>>
    %dma_start3A_95 = arith.constant 0 : i32
    %dma_start3A_96 = arith.constant 0 : i32
    %dma_start3A_97 = tpu.memref_slice %arg2[%dma_start3A_95, %dma_start3A_96] : memref<10000x128xf32, #tpu.memory_space<hbm>> -> memref<10000x128xf32, #tpu.memory_space<hbm>>
    tpu.enqueue_indirect_dma source(%dma_start3A_97 : memref<10000x128xf32, #tpu.memory_space<hbm>>) target(%dma_start3A_91 : memref<64x128xf32, #tpu.memory_space<vmem>>) offsets(%dma_start3A_94 : memref<64xi32, #tpu.memory_space<vmem>>) semaphore(%arg11 : memref<!tpu.dma_semaphore, #tpu.memory_space<semaphore_mem>>)
    %dma_start3A_98 = arith.constant 1 : i32
    %dma_start3A_99 = arith.constant 1 : i32
    %dma_start3A_100 = arith.constant 0 : i32
    %dma_start3A_101 = arith.constant 0 : i32
    %dma_start3A_102 = tpu.memref_slice %arg10[%dma_start3A_99, %dma_start3A_100, %dma_start3A_101] : memref<5x64x128xf32, #tpu.memory_space<vmem>> -> memref<1x64x128xf32, #tpu.memory_space<vmem>>
    %dma_start3A_103 = tpu.memref_squeeze %dma_start3A_102 : memref<1x64x128xf32, #tpu.memory_space<vmem>> -> memref<64x128xf32, #tpu.memory_space<vmem>>
    %dma_start3A_104 = arith.constant 0 : i32
    %dma_start3A_105 = tpu.memref_slice %arg8[%dma_start3A_98, %dma_start3A_104] : memref<8x64xi32, #tpu.memory_space<vmem>> -> memref<1x64xi32, #tpu.memory_space<vmem>>
    %dma_start3A_106 = tpu.memref_squeeze %dma_start3A_105 : memref<1x64xi32, #tpu.memory_space<vmem>> -> memref<64xi32, #tpu.memory_space<vmem>>
    %dma_start3A_107 = arith.constant 0 : i32
    %dma_start3A_108 = arith.constant 0 : i32
    %dma_start3A_109 = tpu.memref_slice %arg2[%dma_start3A_107, %dma_start3A_108] : memref<10000x128xf32, #tpu.memory_space<hbm>> -> memref<10000x128xf32, #tpu.memory_space<hbm>>
    tpu.enqueue_indirect_dma source(%dma_start3A_109 : memref<10000x128xf32, #tpu.memory_space<hbm>>) target(%dma_start3A_103 : memref<64x128xf32, #tpu.memory_space<vmem>>) offsets(%dma_start3A_106 : memref<64xi32, #tpu.memory_space<vmem>>) semaphore(%arg11 : memref<!tpu.dma_semaphore, #tpu.memory_space<semaphore_mem>>)
    %dma_start3A_110 = arith.constant 2 : i32
    %dma_start3A_111 = arith.constant 2 : i32
    %dma_start3A_112 = arith.constant 0 : i32
    %dma_start3A_113 = arith.constant 0 : i32
    %dma_start3A_114 = tpu.memref_slice %arg10[%dma_start3A_111, %dma_start3A_112, %dma_start3A_113] : memref<5x64x128xf32, #tpu.memory_space<vmem>> -> memref<1x64x128xf32, #tpu.memory_space<vmem>>
    %dma_start3A_115 = tpu.memref_squeeze %dma_start3A_114 : memref<1x64x128xf32, #tpu.memory_space<vmem>> -> memref<64x128xf32, #tpu.memory_space<vmem>>
    %dma_start3A_116 = arith.constant 0 : i32
    %dma_start3A_117 = tpu.memref_slice %arg8[%dma_start3A_110, %dma_start3A_116] : memref<8x64xi32, #tpu.memory_space<vmem>> -> memref<1x64xi32, #tpu.memory_space<vmem>>
    %dma_start3A_118 = tpu.memref_squeeze %dma_start3A_117 : memref<1x64xi32, #tpu.memory_space<vmem>> -> memref<64xi32, #tpu.memory_space<vmem>>
    %dma_start3A_119 = arith.constant 0 : i32
    %dma_start3A_120 = arith.constant 0 : i32
    %dma_start3A_121 = tpu.memref_slice %arg2[%dma_start3A_119, %dma_start3A_120] : memref<10000x128xf32, #tpu.memory_space<hbm>> -> memref<10000x128xf32, #tpu.memory_space<hbm>>
    tpu.enqueue_indirect_dma source(%dma_start3A_121 : memref<10000x128xf32, #tpu.memory_space<hbm>>) target(%dma_start3A_115 : memref<64x128xf32, #tpu.memory_space<vmem>>) offsets(%dma_start3A_118 : memref<64xi32, #tpu.memory_space<vmem>>) semaphore(%arg11 : memref<!tpu.dma_semaphore, #tpu.memory_space<semaphore_mem>>)
    %dma_start3A_122 = arith.constant 3 : i32
    %dma_start3A_123 = arith.constant 3 : i32
    %dma_start3A_124 = arith.constant 0 : i32
    %dma_start3A_125 = arith.constant 0 : i32
    %dma_start3A_126 = tpu.memref_slice %arg10[%dma_start3A_123, %dma_start3A_124, %dma_start3A_125] : memref<5x64x128xf32, #tpu.memory_space<vmem>> -> memref<1x64x128xf32, #tpu.memory_space<vmem>>
    %dma_start3A_127 = tpu.memref_squeeze %dma_start3A_126 : memref<1x64x128xf32, #tpu.memory_space<vmem>> -> memref<64x128xf32, #tpu.memory_space<vmem>>
    %dma_start3A_128 = arith.constant 0 : i32
    %dma_start3A_129 = tpu.memref_slice %arg8[%dma_start3A_122, %dma_start3A_128] : memref<8x64xi32, #tpu.memory_space<vmem>> -> memref<1x64xi32, #tpu.memory_space<vmem>>
    %dma_start3A_130 = tpu.memref_squeeze %dma_start3A_129 : memref<1x64xi32, #tpu.memory_space<vmem>> -> memref<64xi32, #tpu.memory_space<vmem>>
    %dma_start3A_131 = arith.constant 0 : i32
    %dma_start3A_132 = arith.constant 0 : i32
    %dma_start3A_133 = tpu.memref_slice %arg2[%dma_start3A_131, %dma_start3A_132] : memref<10000x128xf32, #tpu.memory_space<hbm>> -> memref<10000x128xf32, #tpu.memory_space<hbm>>
    tpu.enqueue_indirect_dma source(%dma_start3A_133 : memref<10000x128xf32, #tpu.memory_space<hbm>>) target(%dma_start3A_127 : memref<64x128xf32, #tpu.memory_space<vmem>>) offsets(%dma_start3A_130 : memref<64xi32, #tpu.memory_space<vmem>>) semaphore(%arg11 : memref<!tpu.dma_semaphore, #tpu.memory_space<semaphore_mem>>)
    %while3A = arith.constant 0 : i32
    %while3A_134 = arith.constant 0 : i32
    %while3A_135 = arith.subi %select_n3A, %while3A : i32
    %while3A_136 = arith.addi %while3A, %while3A_135 : i32
    %while3A_137 = arith.constant 1 : i32
    %while3A_138 = arith.divsi %while3A_135, %while3A_137 : i32
    %while3A_139 = arith.muli %while3A_138, %while3A_137 : i32
    %while3A_140 = arith.addi %while3A, %while3A_139 : i32
    %while3A_141 = arith.constant 1 : i32
    %while3A_142 = scf.for %while3A_186 = %while3A to %while3A_140 step %while3A_141 iter_args(%while3A_187 = %while3A_134) -> (i32)  : i32 {
      %jit3A_188 = arith.constant 5 : i32
      %eq3A_189 = arith.constant 0 : i32
      %eq3A_190 = arith.cmpi eq, %jit3A_188, %eq3A_189 : i32
      %jit3A_191 = arith.constant 1 : i32
      %select_n3A_192 = arith.select %eq3A_190, %jit3A_191, %jit3A_188 : i32
      %rem3A_193 = arith.remsi %while3A_186, %select_n3A_192 : i32
      %ne3A_194 = arith.constant 0 : i32
      %ne3A_195 = arith.cmpi ne, %rem3A_193, %ne3A_194 : i32
      %lt3A_196 = arith.constant 0 : i32
      %lt3A_197 = arith.cmpi slt, %rem3A_193, %lt3A_196 : i32
      %lt3A_198 = arith.constant 0 : i32
      %lt3A_199 = arith.cmpi slt, %select_n3A_192, %lt3A_198 : i32
      %ne3A_200 = arith.xori %lt3A_197, %lt3A_199 : i1
      %and3A_201 = arith.andi %ne3A_200, %ne3A_195 : i1
      %add3A_202 = arith.addi %rem3A_193, %select_n3A_192 : i32
      %select_n3A_203 = arith.select %and3A_201, %add3A_202, %rem3A_193 : i32
      %jit3A_204 = arith.constant 8 : i32
      %eq3A_205 = arith.constant 0 : i32
      %eq3A_206 = arith.cmpi eq, %jit3A_204, %eq3A_205 : i32
      %jit3A_207 = arith.constant 1 : i32
      %select_n3A_208 = arith.select %eq3A_206, %jit3A_207, %jit3A_204 : i32
      %rem3A_209 = arith.remsi %while3A_186, %select_n3A_208 : i32
      %ne3A_210 = arith.constant 0 : i32
      %ne3A_211 = arith.cmpi ne, %rem3A_209, %ne3A_210 : i32
      %lt3A_212 = arith.constant 0 : i32
      %lt3A_213 = arith.cmpi slt, %rem3A_209, %lt3A_212 : i32
      %lt3A_214 = arith.constant 0 : i32
      %lt3A_215 = arith.cmpi slt, %select_n3A_208, %lt3A_214 : i32
      %ne3A_216 = arith.xori %lt3A_213, %lt3A_215 : i1
      %and3A_217 = arith.andi %ne3A_216, %ne3A_211 : i1
      %add3A_218 = arith.addi %rem3A_209, %select_n3A_208 : i32
      %select_n3A_219 = arith.select %and3A_217, %add3A_218, %rem3A_209 : i32
      %dma_wait3A_220 = arith.constant 0 : i32
      %dma_wait3A_221 = arith.constant 0 : i32
      %dma_wait3A_222 = tpu.memref_slice %arg10[%select_n3A_203, %dma_wait3A_220, %dma_wait3A_221] : memref<5x64x128xf32, #tpu.memory_space<vmem>> -> memref<1x64x128xf32, #tpu.memory_space<vmem>>
      %dma_wait3A_223 = tpu.memref_squeeze %dma_wait3A_222 : memref<1x64x128xf32, #tpu.memory_space<vmem>> -> memref<64x128xf32, #tpu.memory_space<vmem>>
      %dma_wait3A_224 = arith.constant 0 : i32
      %dma_wait3A_225 = tpu.memref_slice %arg8[%select_n3A_219, %dma_wait3A_224] : memref<8x64xi32, #tpu.memory_space<vmem>> -> memref<1x64xi32, #tpu.memory_space<vmem>>
      %dma_wait3A_226 = tpu.memref_squeeze %dma_wait3A_225 : memref<1x64xi32, #tpu.memory_space<vmem>> -> memref<64xi32, #tpu.memory_space<vmem>>
      %dma_wait3A_227 = arith.constant 0 : i32
      %dma_wait3A_228 = arith.constant 0 : i32
      %dma_wait3A_229 = tpu.memref_slice %arg2[%dma_wait3A_227, %dma_wait3A_228] : memref<10000x128xf32, #tpu.memory_space<hbm>> -> memref<10000x128xf32, #tpu.memory_space<hbm>>
      tpu.wait_indirect_dma semaphore(%arg11 : memref<!tpu.dma_semaphore, #tpu.memory_space<semaphore_mem>>) src(%dma_wait3A_229 : memref<10000x128xf32, #tpu.memory_space<hbm>>) dst(%dma_wait3A_223 : memref<64x128xf32, #tpu.memory_space<vmem>>)
      %dma_start3A_230 = arith.constant 0 : i32
      %dma_start3A_231 = arith.constant 0 : i32
      %dma_start3A_232 = tpu.memref_slice %arg10[%select_n3A_203, %dma_start3A_230, %dma_start3A_231] : memref<5x64x128xf32, #tpu.memory_space<vmem>> -> memref<1x64x128xf32, #tpu.memory_space<vmem>>
      %dma_start3A_233 = tpu.memref_squeeze %dma_start3A_232 : memref<1x64x128xf32, #tpu.memory_space<vmem>> -> memref<64x128xf32, #tpu.memory_space<vmem>>
      %dma_start3A_234 = arith.constant 0 : i32
      %dma_start3A_235 = tpu.memref_slice %arg9[%select_n3A_219, %dma_start3A_234] : memref<8x64xi32, #tpu.memory_space<vmem>> -> memref<1x64xi32, #tpu.memory_space<vmem>>
      %dma_start3A_236 = tpu.memref_squeeze %dma_start3A_235 : memref<1x64xi32, #tpu.memory_space<vmem>> -> memref<64xi32, #tpu.memory_space<vmem>>
      %dma_start3A_237 = arith.constant 0 : i32
      %dma_start3A_238 = arith.constant 0 : i32
      %dma_start3A_239 = tpu.memref_slice %arg7[%dma_start3A_237, %dma_start3A_238] : memref<10240x128xf32, #tpu.memory_space<vmem_shared>> -> memref<10240x128xf32, #tpu.memory_space<vmem_shared>>
      tpu.enqueue_indirect_dma source(%dma_start3A_233 : memref<64x128xf32, #tpu.memory_space<vmem>>) target(%dma_start3A_239 : memref<10240x128xf32, #tpu.memory_space<vmem_shared>>) offsets(%dma_start3A_236 : memref<64xi32, #tpu.memory_space<vmem>>) semaphore(%arg12 : memref<!tpu.dma_semaphore, #tpu.memory_space<semaphore_mem>>) {add = true}
      %gt3A = arith.constant 0 : i32
      %gt3A_240 = arith.cmpi sgt, %while3A_186, %gt3A : i32
      %convert_element_type3A = arith.extui %gt3A_240 : i1 to i32
      %cond3A = arith.constant 0 : i32
      %cond3A_241 = arith.cmpi ne, %convert_element_type3A, %cond3A : i32
      scf.if %cond3A_241 {
        %add3A_257 = arith.constant 5 : i32
        %add3A_258 = arith.addi %while3A_186, %add3A_257 : i32
        %sub3A_259 = arith.constant 1 : i32
        %sub3A_260 = arith.subi %add3A_258, %sub3A_259 : i32
        %jit3A_261 = arith.constant 5 : i32
        %eq3A_262 = arith.constant 0 : i32
        %eq3A_263 = arith.cmpi eq, %jit3A_261, %eq3A_262 : i32
        %jit3A_264 = arith.constant 1 : i32
        %select_n3A_265 = arith.select %eq3A_263, %jit3A_264, %jit3A_261 : i32
        %rem3A_266 = arith.remsi %sub3A_260, %select_n3A_265 : i32
        %ne3A_267 = arith.constant 0 : i32
        %ne3A_268 = arith.cmpi ne, %rem3A_266, %ne3A_267 : i32
        %lt3A_269 = arith.constant 0 : i32
        %lt3A_270 = arith.cmpi slt, %rem3A_266, %lt3A_269 : i32
        %lt3A_271 = arith.constant 0 : i32
        %lt3A_272 = arith.cmpi slt, %select_n3A_265, %lt3A_271 : i32
        %ne3A_273 = arith.xori %lt3A_270, %lt3A_272 : i1
        %and3A_274 = arith.andi %ne3A_273, %ne3A_268 : i1
        %add3A_275 = arith.addi %rem3A_266, %select_n3A_265 : i32
        %select_n3A_276 = arith.select %and3A_274, %add3A_275, %rem3A_266 : i32
        %add3A_277 = arith.constant 8 : i32
        %add3A_278 = arith.addi %while3A_186, %add3A_277 : i32
        %sub3A_279 = arith.constant 1 : i32
        %sub3A_280 = arith.subi %add3A_278, %sub3A_279 : i32
        %jit3A_281 = arith.constant 8 : i32
        %eq3A_282 = arith.constant 0 : i32
        %eq3A_283 = arith.cmpi eq, %jit3A_281, %eq3A_282 : i32
        %jit3A_284 = arith.constant 1 : i32
        %select_n3A_285 = arith.select %eq3A_283, %jit3A_284, %jit3A_281 : i32
        %rem3A_286 = arith.remsi %sub3A_280, %select_n3A_285 : i32
        %ne3A_287 = arith.constant 0 : i32
        %ne3A_288 = arith.cmpi ne, %rem3A_286, %ne3A_287 : i32
        %lt3A_289 = arith.constant 0 : i32
        %lt3A_290 = arith.cmpi slt, %rem3A_286, %lt3A_289 : i32
        %lt3A_291 = arith.constant 0 : i32
        %lt3A_292 = arith.cmpi slt, %select_n3A_285, %lt3A_291 : i32
        %ne3A_293 = arith.xori %lt3A_290, %lt3A_292 : i1
        %and3A_294 = arith.andi %ne3A_293, %ne3A_288 : i1
        %add3A_295 = arith.addi %rem3A_286, %select_n3A_285 : i32
        %select_n3A_296 = arith.select %and3A_294, %add3A_295, %rem3A_286 : i32
        %dma_wait3A_297 = arith.constant 0 : i32
        %dma_wait3A_298 = arith.constant 0 : i32
        %dma_wait3A_299 = tpu.memref_slice %arg10[%select_n3A_276, %dma_wait3A_297, %dma_wait3A_298] : memref<5x64x128xf32, #tpu.memory_space<vmem>> -> memref<1x64x128xf32, #tpu.memory_space<vmem>>
        %dma_wait3A_300 = tpu.memref_squeeze %dma_wait3A_299 : memref<1x64x128xf32, #tpu.memory_space<vmem>> -> memref<64x128xf32, #tpu.memory_space<vmem>>
        %dma_wait3A_301 = arith.constant 0 : i32
        %dma_wait3A_302 = tpu.memref_slice %arg9[%select_n3A_296, %dma_wait3A_301] : memref<8x64xi32, #tpu.memory_space<vmem>> -> memref<1x64xi32, #tpu.memory_space<vmem>>
        %dma_wait3A_303 = tpu.memref_squeeze %dma_wait3A_302 : memref<1x64xi32, #tpu.memory_space<vmem>> -> memref<64xi32, #tpu.memory_space<vmem>>
        %dma_wait3A_304 = arith.constant 0 : i32
        %dma_wait3A_305 = arith.constant 0 : i32
        %dma_wait3A_306 = tpu.memref_slice %arg7[%dma_wait3A_304, %dma_wait3A_305] : memref<10240x128xf32, #tpu.memory_space<vmem_shared>> -> memref<10240x128xf32, #tpu.memory_space<vmem_shared>>
        tpu.wait_indirect_dma semaphore(%arg12 : memref<!tpu.dma_semaphore, #tpu.memory_space<semaphore_mem>>) src(%dma_wait3A_300 : memref<64x128xf32, #tpu.memory_space<vmem>>) dst(%dma_wait3A_306 : memref<10240x128xf32, #tpu.memory_space<vmem_shared>>)
      } else {
      }
      %add3A_242 = arith.constant 5 : i32
      %add3A_243 = arith.addi %while3A_186, %add3A_242 : i32
      %sub3A_244 = arith.constant 1 : i32
      %sub3A_245 = arith.subi %add3A_243, %sub3A_244 : i32
      %lt3A_246 = arith.cmpi slt, %sub3A_245, %select_n3A : i32
      %convert_element_type3A_247 = arith.extui %lt3A_246 : i1 to i32
      %cond3A_248 = arith.constant 0 : i32
      %cond3A_249 = arith.cmpi ne, %convert_element_type3A_247, %cond3A_248 : i32
      scf.if %cond3A_249 {
        %add3A_257 = arith.constant 5 : i32
        %add3A_258 = arith.addi %while3A_186, %add3A_257 : i32
        %sub3A_259 = arith.constant 1 : i32
        %sub3A_260 = arith.subi %add3A_258, %sub3A_259 : i32
        %jit3A_261 = arith.constant 5 : i32
        %eq3A_262 = arith.constant 0 : i32
        %eq3A_263 = arith.cmpi eq, %jit3A_261, %eq3A_262 : i32
        %jit3A_264 = arith.constant 1 : i32
        %select_n3A_265 = arith.select %eq3A_263, %jit3A_264, %jit3A_261 : i32
        %rem3A_266 = arith.remsi %sub3A_260, %select_n3A_265 : i32
        %ne3A_267 = arith.constant 0 : i32
        %ne3A_268 = arith.cmpi ne, %rem3A_266, %ne3A_267 : i32
        %lt3A_269 = arith.constant 0 : i32
        %lt3A_270 = arith.cmpi slt, %rem3A_266, %lt3A_269 : i32
        %lt3A_271 = arith.constant 0 : i32
        %lt3A_272 = arith.cmpi slt, %select_n3A_265, %lt3A_271 : i32
        %ne3A_273 = arith.xori %lt3A_270, %lt3A_272 : i1
        %and3A_274 = arith.andi %ne3A_273, %ne3A_268 : i1
        %add3A_275 = arith.addi %rem3A_266, %select_n3A_265 : i32
        %select_n3A_276 = arith.select %and3A_274, %add3A_275, %rem3A_266 : i32
        %add3A_277 = arith.constant 5 : i32
        %add3A_278 = arith.addi %while3A_186, %add3A_277 : i32
        %sub3A_279 = arith.constant 1 : i32
        %sub3A_280 = arith.subi %add3A_278, %sub3A_279 : i32
        %jit3A_281 = arith.constant 8 : i32
        %eq3A_282 = arith.constant 0 : i32
        %eq3A_283 = arith.cmpi eq, %jit3A_281, %eq3A_282 : i32
        %jit3A_284 = arith.constant 1 : i32
        %select_n3A_285 = arith.select %eq3A_283, %jit3A_284, %jit3A_281 : i32
        %rem3A_286 = arith.remsi %sub3A_280, %select_n3A_285 : i32
        %ne3A_287 = arith.constant 0 : i32
        %ne3A_288 = arith.cmpi ne, %rem3A_286, %ne3A_287 : i32
        %lt3A_289 = arith.constant 0 : i32
        %lt3A_290 = arith.cmpi slt, %rem3A_286, %lt3A_289 : i32
        %lt3A_291 = arith.constant 0 : i32
        %lt3A_292 = arith.cmpi slt, %select_n3A_285, %lt3A_291 : i32
        %ne3A_293 = arith.xori %lt3A_290, %lt3A_292 : i1
        %and3A_294 = arith.andi %ne3A_293, %ne3A_288 : i1
        %add3A_295 = arith.addi %rem3A_286, %select_n3A_285 : i32
        %select_n3A_296 = arith.select %and3A_294, %add3A_295, %rem3A_286 : i32
        %add3A_297 = arith.addi %mul3A_0, %while3A_186 : i32
        %add3A_298 = arith.constant 5 : i32
        %add3A_299 = arith.addi %add3A_297, %add3A_298 : i32
        %sub3A_300 = arith.constant 1 : i32
        %sub3A_301 = arith.subi %add3A_299, %sub3A_300 : i32
        %dma_wait3A_302 = arith.constant 0 : i32
        %dma_wait3A_303 = tpu.memref_slice %arg8[%select_n3A_296, %dma_wait3A_302] : memref<8x64xi32, #tpu.memory_space<vmem>> -> memref<1x64xi32, #tpu.memory_space<vmem>>
        %dma_wait3A_304 = tpu.memref_squeeze %dma_wait3A_303 : memref<1x64xi32, #tpu.memory_space<vmem>> -> memref<64xi32, #tpu.memory_space<vmem>>
        %dma_wait3A_305 = arith.constant 0 : i32
        %dma_wait3A_306 = tpu.memref_slice %arg3[%arg1, %sub3A_301, %dma_wait3A_305] : memref<16x313x64xi32, #tpu.memory_space<hbm>> -> memref<1x1x64xi32, #tpu.memory_space<hbm>>
        %dma_wait3A_307 = tpu.memref_squeeze %dma_wait3A_306 : memref<1x1x64xi32, #tpu.memory_space<hbm>> -> memref<64xi32, #tpu.memory_space<hbm>>
        %dma_wait3A_308 = arith.constant 0 : i32
        %dma_wait3A_309 = tpu.memref_slice %arg8[%select_n3A_296, %dma_wait3A_308] : memref<8x64xi32, #tpu.memory_space<vmem>> -> memref<1x64xi32, #tpu.memory_space<vmem>>
        %dma_wait3A_310 = tpu.memref_squeeze %dma_wait3A_309 : memref<1x64xi32, #tpu.memory_space<vmem>> -> memref<64xi32, #tpu.memory_space<vmem>>
        %dma_wait3A_311 = arith.constant 0 : i32
        %dma_wait3A_312 = tpu.memref_slice %arg3[%arg1, %sub3A_301, %dma_wait3A_311] : memref<16x313x64xi32, #tpu.memory_space<hbm>> -> memref<1x1x64xi32, #tpu.memory_space<hbm>>
        %dma_wait3A_313 = tpu.memref_squeeze %dma_wait3A_312 : memref<1x1x64xi32, #tpu.memory_space<hbm>> -> memref<64xi32, #tpu.memory_space<hbm>>
        tpu.wait_dma2 semaphore(%arg13 : memref<!tpu.dma_semaphore, #tpu.memory_space<semaphore_mem>>) src(%dma_wait3A_313 : memref<64xi32, #tpu.memory_space<hbm>>) dst(%dma_wait3A_310 : memref<64xi32, #tpu.memory_space<vmem>>)
        %add3A_314 = arith.addi %mul3A_0, %while3A_186 : i32
        %add3A_315 = arith.constant 5 : i32
        %add3A_316 = arith.addi %add3A_314, %add3A_315 : i32
        %sub3A_317 = arith.constant 1 : i32
        %sub3A_318 = arith.subi %add3A_316, %sub3A_317 : i32
        %dma_wait3A_319 = arith.constant 0 : i32
        %dma_wait3A_320 = tpu.memref_slice %arg9[%select_n3A_296, %dma_wait3A_319] : memref<8x64xi32, #tpu.memory_space<vmem>> -> memref<1x64xi32, #tpu.memory_space<vmem>>
        %dma_wait3A_321 = tpu.memref_squeeze %dma_wait3A_320 : memref<1x64xi32, #tpu.memory_space<vmem>> -> memref<64xi32, #tpu.memory_space<vmem>>
        %dma_wait3A_322 = arith.constant 0 : i32
        %dma_wait3A_323 = tpu.memref_slice %arg4[%arg1, %sub3A_318, %dma_wait3A_322] : memref<16x313x64xi32, #tpu.memory_space<hbm>> -> memref<1x1x64xi32, #tpu.memory_space<hbm>>
        %dma_wait3A_324 = tpu.memref_squeeze %dma_wait3A_323 : memref<1x1x64xi32, #tpu.memory_space<hbm>> -> memref<64xi32, #tpu.memory_space<hbm>>
        %dma_wait3A_325 = arith.constant 0 : i32
        %dma_wait3A_326 = tpu.memref_slice %arg9[%select_n3A_296, %dma_wait3A_325] : memref<8x64xi32, #tpu.memory_space<vmem>> -> memref<1x64xi32, #tpu.memory_space<vmem>>
        %dma_wait3A_327 = tpu.memref_squeeze %dma_wait3A_326 : memref<1x64xi32, #tpu.memory_space<vmem>> -> memref<64xi32, #tpu.memory_space<vmem>>
        %dma_wait3A_328 = arith.constant 0 : i32
        %dma_wait3A_329 = tpu.memref_slice %arg4[%arg1, %sub3A_318, %dma_wait3A_328] : memref<16x313x64xi32, #tpu.memory_space<hbm>> -> memref<1x1x64xi32, #tpu.memory_space<hbm>>
        %dma_wait3A_330 = tpu.memref_squeeze %dma_wait3A_329 : memref<1x1x64xi32, #tpu.memory_space<hbm>> -> memref<64xi32, #tpu.memory_space<hbm>>
        tpu.wait_dma2 semaphore(%arg13 : memref<!tpu.dma_semaphore, #tpu.memory_space<semaphore_mem>>) src(%dma_wait3A_330 : memref<64xi32, #tpu.memory_space<hbm>>) dst(%dma_wait3A_327 : memref<64xi32, #tpu.memory_space<vmem>>)
        %dma_start3A_331 = arith.constant 0 : i32
        %dma_start3A_332 = arith.constant 0 : i32
        %dma_start3A_333 = tpu.memref_slice %arg10[%select_n3A_276, %dma_start3A_331, %dma_start3A_332] : memref<5x64x128xf32, #tpu.memory_space<vmem>> -> memref<1x64x128xf32, #tpu.memory_space<vmem>>
        %dma_start3A_334 = tpu.memref_squeeze %dma_start3A_333 : memref<1x64x128xf32, #tpu.memory_space<vmem>> -> memref<64x128xf32, #tpu.memory_space<vmem>>
        %dma_start3A_335 = arith.constant 0 : i32
        %dma_start3A_336 = tpu.memref_slice %arg8[%select_n3A_296, %dma_start3A_335] : memref<8x64xi32, #tpu.memory_space<vmem>> -> memref<1x64xi32, #tpu.memory_space<vmem>>
        %dma_start3A_337 = tpu.memref_squeeze %dma_start3A_336 : memref<1x64xi32, #tpu.memory_space<vmem>> -> memref<64xi32, #tpu.memory_space<vmem>>
        %dma_start3A_338 = arith.constant 0 : i32
        %dma_start3A_339 = arith.constant 0 : i32
        %dma_start3A_340 = tpu.memref_slice %arg2[%dma_start3A_338, %dma_start3A_339] : memref<10000x128xf32, #tpu.memory_space<hbm>> -> memref<10000x128xf32, #tpu.memory_space<hbm>>
        tpu.enqueue_indirect_dma source(%dma_start3A_340 : memref<10000x128xf32, #tpu.memory_space<hbm>>) target(%dma_start3A_334 : memref<64x128xf32, #tpu.memory_space<vmem>>) offsets(%dma_start3A_337 : memref<64xi32, #tpu.memory_space<vmem>>) semaphore(%arg11 : memref<!tpu.dma_semaphore, #tpu.memory_space<semaphore_mem>>)
      } else {
      }
      %add3A_250 = arith.constant 6 : i32
      %add3A_251 = arith.addi %while3A_186, %add3A_250 : i32
      %lt3A_252 = arith.cmpi slt, %add3A_251, %select_n3A : i32
      %convert_element_type3A_253 = arith.extui %lt3A_252 : i1 to i32
      %cond3A_254 = arith.constant 0 : i32
      %cond3A_255 = arith.cmpi ne, %convert_element_type3A_253, %cond3A_254 : i32
      scf.if %cond3A_255 {
        %add3A_257 = arith.constant 6 : i32
        %add3A_258 = arith.addi %while3A_186, %add3A_257 : i32
        %jit3A_259 = arith.constant 8 : i32
        %eq3A_260 = arith.constant 0 : i32
        %eq3A_261 = arith.cmpi eq, %jit3A_259, %eq3A_260 : i32
        %jit3A_262 = arith.constant 1 : i32
        %select_n3A_263 = arith.select %eq3A_261, %jit3A_262, %jit3A_259 : i32
        %rem3A_264 = arith.remsi %add3A_258, %select_n3A_263 : i32
        %ne3A_265 = arith.constant 0 : i32
        %ne3A_266 = arith.cmpi ne, %rem3A_264, %ne3A_265 : i32
        %lt3A_267 = arith.constant 0 : i32
        %lt3A_268 = arith.cmpi slt, %rem3A_264, %lt3A_267 : i32
        %lt3A_269 = arith.constant 0 : i32
        %lt3A_270 = arith.cmpi slt, %select_n3A_263, %lt3A_269 : i32
        %ne3A_271 = arith.xori %lt3A_268, %lt3A_270 : i1
        %and3A_272 = arith.andi %ne3A_271, %ne3A_266 : i1
        %add3A_273 = arith.addi %rem3A_264, %select_n3A_263 : i32
        %select_n3A_274 = arith.select %and3A_272, %add3A_273, %rem3A_264 : i32
        %add3A_275 = arith.addi %mul3A_0, %while3A_186 : i32
        %add3A_276 = arith.constant 6 : i32
        %add3A_277 = arith.addi %add3A_275, %add3A_276 : i32
        %dma_start3A_278 = arith.constant 0 : i32
        %dma_start3A_279 = tpu.memref_slice %arg8[%select_n3A_274, %dma_start3A_278] : memref<8x64xi32, #tpu.memory_space<vmem>> -> memref<1x64xi32, #tpu.memory_space<vmem>>
        %dma_start3A_280 = tpu.memref_squeeze %dma_start3A_279 : memref<1x64xi32, #tpu.memory_space<vmem>> -> memref<64xi32, #tpu.memory_space<vmem>>
        %dma_start3A_281 = arith.constant 0 : i32
        %dma_start3A_282 = tpu.memref_slice %arg3[%arg1, %add3A_277, %dma_start3A_281] : memref<16x313x64xi32, #tpu.memory_space<hbm>> -> memref<1x1x64xi32, #tpu.memory_space<hbm>>
        %dma_start3A_283 = tpu.memref_squeeze %dma_start3A_282 : memref<1x1x64xi32, #tpu.memory_space<hbm>> -> memref<64xi32, #tpu.memory_space<hbm>>
        %dma_start3A_284 = arith.constant 0 : i32
        %dma_start3A_285 = tpu.memref_slice %arg8[%select_n3A_274, %dma_start3A_284] : memref<8x64xi32, #tpu.memory_space<vmem>> -> memref<1x64xi32, #tpu.memory_space<vmem>>
        %dma_start3A_286 = tpu.memref_squeeze %dma_start3A_285 : memref<1x64xi32, #tpu.memory_space<vmem>> -> memref<64xi32, #tpu.memory_space<vmem>>
        %dma_start3A_287 = arith.constant 0 : i32
        %dma_start3A_288 = tpu.memref_slice %arg3[%arg1, %add3A_277, %dma_start3A_287] : memref<16x313x64xi32, #tpu.memory_space<hbm>> -> memref<1x1x64xi32, #tpu.memory_space<hbm>>
        %dma_start3A_289 = tpu.memref_squeeze %dma_start3A_288 : memref<1x1x64xi32, #tpu.memory_space<hbm>> -> memref<64xi32, #tpu.memory_space<hbm>>
        tpu.enqueue_dma source(%dma_start3A_289 : memref<64xi32, #tpu.memory_space<hbm>>) target(%dma_start3A_286 : memref<64xi32, #tpu.memory_space<vmem>>) target_semaphore(%arg13 : memref<!tpu.dma_semaphore, #tpu.memory_space<semaphore_mem>>)
        %add3A_290 = arith.addi %mul3A_0, %while3A_186 : i32
        %add3A_291 = arith.constant 6 : i32
        %add3A_292 = arith.addi %add3A_290, %add3A_291 : i32
        %dma_start3A_293 = arith.constant 0 : i32
        %dma_start3A_294 = tpu.memref_slice %arg9[%select_n3A_274, %dma_start3A_293] : memref<8x64xi32, #tpu.memory_space<vmem>> -> memref<1x64xi32, #tpu.memory_space<vmem>>
        %dma_start3A_295 = tpu.memref_squeeze %dma_start3A_294 : memref<1x64xi32, #tpu.memory_space<vmem>> -> memref<64xi32, #tpu.memory_space<vmem>>
        %dma_start3A_296 = arith.constant 0 : i32
        %dma_start3A_297 = tpu.memref_slice %arg4[%arg1, %add3A_292, %dma_start3A_296] : memref<16x313x64xi32, #tpu.memory_space<hbm>> -> memref<1x1x64xi32, #tpu.memory_space<hbm>>
        %dma_start3A_298 = tpu.memref_squeeze %dma_start3A_297 : memref<1x1x64xi32, #tpu.memory_space<hbm>> -> memref<64xi32, #tpu.memory_space<hbm>>
        %dma_start3A_299 = arith.constant 0 : i32
        %dma_start3A_300 = tpu.memref_slice %arg9[%select_n3A_274, %dma_start3A_299] : memref<8x64xi32, #tpu.memory_space<vmem>> -> memref<1x64xi32, #tpu.memory_space<vmem>>
        %dma_start3A_301 = tpu.memref_squeeze %dma_start3A_300 : memref<1x64xi32, #tpu.memory_space<vmem>> -> memref<64xi32, #tpu.memory_space<vmem>>
        %dma_start3A_302 = arith.constant 0 : i32
        %dma_start3A_303 = tpu.memref_slice %arg4[%arg1, %add3A_292, %dma_start3A_302] : memref<16x313x64xi32, #tpu.memory_space<hbm>> -> memref<1x1x64xi32, #tpu.memory_space<hbm>>
        %dma_start3A_304 = tpu.memref_squeeze %dma_start3A_303 : memref<1x1x64xi32, #tpu.memory_space<hbm>> -> memref<64xi32, #tpu.memory_space<hbm>>
        tpu.enqueue_dma source(%dma_start3A_304 : memref<64xi32, #tpu.memory_space<hbm>>) target(%dma_start3A_301 : memref<64xi32, #tpu.memory_space<vmem>>) target_semaphore(%arg13 : memref<!tpu.dma_semaphore, #tpu.memory_space<semaphore_mem>>)
      } else {
      }
      %while3A_256 = arith.constant 0 : i32
      scf.yield %while3A_256 : i32
    }
    %while3A_143 = arith.constant 1 : i32
    %while3A_144 = scf.for %while3A_186 = %while3A_140 to %while3A_136 step %while3A_143 iter_args(%while3A_187 = %while3A_142) -> (i32)  : i32 {
      %jit3A_188 = arith.constant 5 : i32
      %eq3A_189 = arith.constant 0 : i32
      %eq3A_190 = arith.cmpi eq, %jit3A_188, %eq3A_189 : i32
      %jit3A_191 = arith.constant 1 : i32
      %select_n3A_192 = arith.select %eq3A_190, %jit3A_191, %jit3A_188 : i32
      %rem3A_193 = arith.remsi %while3A_186, %select_n3A_192 : i32
      %ne3A_194 = arith.constant 0 : i32
      %ne3A_195 = arith.cmpi ne, %rem3A_193, %ne3A_194 : i32
      %lt3A_196 = arith.constant 0 : i32
      %lt3A_197 = arith.cmpi slt, %rem3A_193, %lt3A_196 : i32
      %lt3A_198 = arith.constant 0 : i32
      %lt3A_199 = arith.cmpi slt, %select_n3A_192, %lt3A_198 : i32
      %ne3A_200 = arith.xori %lt3A_197, %lt3A_199 : i1
      %and3A_201 = arith.andi %ne3A_200, %ne3A_195 : i1
      %add3A_202 = arith.addi %rem3A_193, %select_n3A_192 : i32
      %select_n3A_203 = arith.select %and3A_201, %add3A_202, %rem3A_193 : i32
      %jit3A_204 = arith.constant 8 : i32
      %eq3A_205 = arith.constant 0 : i32
      %eq3A_206 = arith.cmpi eq, %jit3A_204, %eq3A_205 : i32
      %jit3A_207 = arith.constant 1 : i32
      %select_n3A_208 = arith.select %eq3A_206, %jit3A_207, %jit3A_204 : i32
      %rem3A_209 = arith.remsi %while3A_186, %select_n3A_208 : i32
      %ne3A_210 = arith.constant 0 : i32
      %ne3A_211 = arith.cmpi ne, %rem3A_209, %ne3A_210 : i32
      %lt3A_212 = arith.constant 0 : i32
      %lt3A_213 = arith.cmpi slt, %rem3A_209, %lt3A_212 : i32
      %lt3A_214 = arith.constant 0 : i32
      %lt3A_215 = arith.cmpi slt, %select_n3A_208, %lt3A_214 : i32
      %ne3A_216 = arith.xori %lt3A_213, %lt3A_215 : i1
      %and3A_217 = arith.andi %ne3A_216, %ne3A_211 : i1
      %add3A_218 = arith.addi %rem3A_209, %select_n3A_208 : i32
      %select_n3A_219 = arith.select %and3A_217, %add3A_218, %rem3A_209 : i32
      %dma_wait3A_220 = arith.constant 0 : i32
      %dma_wait3A_221 = arith.constant 0 : i32
      %dma_wait3A_222 = tpu.memref_slice %arg10[%select_n3A_203, %dma_wait3A_220, %dma_wait3A_221] : memref<5x64x128xf32, #tpu.memory_space<vmem>> -> memref<1x64x128xf32, #tpu.memory_space<vmem>>
      %dma_wait3A_223 = tpu.memref_squeeze %dma_wait3A_222 : memref<1x64x128xf32, #tpu.memory_space<vmem>> -> memref<64x128xf32, #tpu.memory_space<vmem>>
      %dma_wait3A_224 = arith.constant 0 : i32
      %dma_wait3A_225 = tpu.memref_slice %arg8[%select_n3A_219, %dma_wait3A_224] : memref<8x64xi32, #tpu.memory_space<vmem>> -> memref<1x64xi32, #tpu.memory_space<vmem>>
      %dma_wait3A_226 = tpu.memref_squeeze %dma_wait3A_225 : memref<1x64xi32, #tpu.memory_space<vmem>> -> memref<64xi32, #tpu.memory_space<vmem>>
      %dma_wait3A_227 = arith.constant 0 : i32
      %dma_wait3A_228 = arith.constant 0 : i32
      %dma_wait3A_229 = tpu.memref_slice %arg2[%dma_wait3A_227, %dma_wait3A_228] : memref<10000x128xf32, #tpu.memory_space<hbm>> -> memref<10000x128xf32, #tpu.memory_space<hbm>>
      tpu.wait_indirect_dma semaphore(%arg11 : memref<!tpu.dma_semaphore, #tpu.memory_space<semaphore_mem>>) src(%dma_wait3A_229 : memref<10000x128xf32, #tpu.memory_space<hbm>>) dst(%dma_wait3A_223 : memref<64x128xf32, #tpu.memory_space<vmem>>)
      %dma_start3A_230 = arith.constant 0 : i32
      %dma_start3A_231 = arith.constant 0 : i32
      %dma_start3A_232 = tpu.memref_slice %arg10[%select_n3A_203, %dma_start3A_230, %dma_start3A_231] : memref<5x64x128xf32, #tpu.memory_space<vmem>> -> memref<1x64x128xf32, #tpu.memory_space<vmem>>
      %dma_start3A_233 = tpu.memref_squeeze %dma_start3A_232 : memref<1x64x128xf32, #tpu.memory_space<vmem>> -> memref<64x128xf32, #tpu.memory_space<vmem>>
      %dma_start3A_234 = arith.constant 0 : i32
      %dma_start3A_235 = tpu.memref_slice %arg9[%select_n3A_219, %dma_start3A_234] : memref<8x64xi32, #tpu.memory_space<vmem>> -> memref<1x64xi32, #tpu.memory_space<vmem>>
      %dma_start3A_236 = tpu.memref_squeeze %dma_start3A_235 : memref<1x64xi32, #tpu.memory_space<vmem>> -> memref<64xi32, #tpu.memory_space<vmem>>
      %dma_start3A_237 = arith.constant 0 : i32
      %dma_start3A_238 = arith.constant 0 : i32
      %dma_start3A_239 = tpu.memref_slice %arg7[%dma_start3A_237, %dma_start3A_238] : memref<10240x128xf32, #tpu.memory_space<vmem_shared>> -> memref<10240x128xf32, #tpu.memory_space<vmem_shared>>
      tpu.enqueue_indirect_dma source(%dma_start3A_233 : memref<64x128xf32, #tpu.memory_space<vmem>>) target(%dma_start3A_239 : memref<10240x128xf32, #tpu.memory_space<vmem_shared>>) offsets(%dma_start3A_236 : memref<64xi32, #tpu.memory_space<vmem>>) semaphore(%arg12 : memref<!tpu.dma_semaphore, #tpu.memory_space<semaphore_mem>>) {add = true}
      %gt3A = arith.constant 0 : i32
      %gt3A_240 = arith.cmpi sgt, %while3A_186, %gt3A : i32
      %convert_element_type3A = arith.extui %gt3A_240 : i1 to i32
      %cond3A = arith.constant 0 : i32
      %cond3A_241 = arith.cmpi ne, %convert_element_type3A, %cond3A : i32
      scf.if %cond3A_241 {
        %add3A_257 = arith.constant 5 : i32
        %add3A_258 = arith.addi %while3A_186, %add3A_257 : i32
        %sub3A_259 = arith.constant 1 : i32
        %sub3A_260 = arith.subi %add3A_258, %sub3A_259 : i32
        %jit3A_261 = arith.constant 5 : i32
        %eq3A_262 = arith.constant 0 : i32
        %eq3A_263 = arith.cmpi eq, %jit3A_261, %eq3A_262 : i32
        %jit3A_264 = arith.constant 1 : i32
        %select_n3A_265 = arith.select %eq3A_263, %jit3A_264, %jit3A_261 : i32
        %rem3A_266 = arith.remsi %sub3A_260, %select_n3A_265 : i32
        %ne3A_267 = arith.constant 0 : i32
        %ne3A_268 = arith.cmpi ne, %rem3A_266, %ne3A_267 : i32
        %lt3A_269 = arith.constant 0 : i32
        %lt3A_270 = arith.cmpi slt, %rem3A_266, %lt3A_269 : i32
        %lt3A_271 = arith.constant 0 : i32
        %lt3A_272 = arith.cmpi slt, %select_n3A_265, %lt3A_271 : i32
        %ne3A_273 = arith.xori %lt3A_270, %lt3A_272 : i1
        %and3A_274 = arith.andi %ne3A_273, %ne3A_268 : i1
        %add3A_275 = arith.addi %rem3A_266, %select_n3A_265 : i32
        %select_n3A_276 = arith.select %and3A_274, %add3A_275, %rem3A_266 : i32
        %add3A_277 = arith.constant 8 : i32
        %add3A_278 = arith.addi %while3A_186, %add3A_277 : i32
        %sub3A_279 = arith.constant 1 : i32
        %sub3A_280 = arith.subi %add3A_278, %sub3A_279 : i32
        %jit3A_281 = arith.constant 8 : i32
        %eq3A_282 = arith.constant 0 : i32
        %eq3A_283 = arith.cmpi eq, %jit3A_281, %eq3A_282 : i32
        %jit3A_284 = arith.constant 1 : i32
        %select_n3A_285 = arith.select %eq3A_283, %jit3A_284, %jit3A_281 : i32
        %rem3A_286 = arith.remsi %sub3A_280, %select_n3A_285 : i32
        %ne3A_287 = arith.constant 0 : i32
        %ne3A_288 = arith.cmpi ne, %rem3A_286, %ne3A_287 : i32
        %lt3A_289 = arith.constant 0 : i32
        %lt3A_290 = arith.cmpi slt, %rem3A_286, %lt3A_289 : i32
        %lt3A_291 = arith.constant 0 : i32
        %lt3A_292 = arith.cmpi slt, %select_n3A_285, %lt3A_291 : i32
        %ne3A_293 = arith.xori %lt3A_290, %lt3A_292 : i1
        %and3A_294 = arith.andi %ne3A_293, %ne3A_288 : i1
        %add3A_295 = arith.addi %rem3A_286, %select_n3A_285 : i32
        %select_n3A_296 = arith.select %and3A_294, %add3A_295, %rem3A_286 : i32
        %dma_wait3A_297 = arith.constant 0 : i32
        %dma_wait3A_298 = arith.constant 0 : i32
        %dma_wait3A_299 = tpu.memref_slice %arg10[%select_n3A_276, %dma_wait3A_297, %dma_wait3A_298] : memref<5x64x128xf32, #tpu.memory_space<vmem>> -> memref<1x64x128xf32, #tpu.memory_space<vmem>>
        %dma_wait3A_300 = tpu.memref_squeeze %dma_wait3A_299 : memref<1x64x128xf32, #tpu.memory_space<vmem>> -> memref<64x128xf32, #tpu.memory_space<vmem>>
        %dma_wait3A_301 = arith.constant 0 : i32
        %dma_wait3A_302 = tpu.memref_slice %arg9[%select_n3A_296, %dma_wait3A_301] : memref<8x64xi32, #tpu.memory_space<vmem>> -> memref<1x64xi32, #tpu.memory_space<vmem>>
        %dma_wait3A_303 = tpu.memref_squeeze %dma_wait3A_302 : memref<1x64xi32, #tpu.memory_space<vmem>> -> memref<64xi32, #tpu.memory_space<vmem>>
        %dma_wait3A_304 = arith.constant 0 : i32
        %dma_wait3A_305 = arith.constant 0 : i32
        %dma_wait3A_306 = tpu.memref_slice %arg7[%dma_wait3A_304, %dma_wait3A_305] : memref<10240x128xf32, #tpu.memory_space<vmem_shared>> -> memref<10240x128xf32, #tpu.memory_space<vmem_shared>>
        tpu.wait_indirect_dma semaphore(%arg12 : memref<!tpu.dma_semaphore, #tpu.memory_space<semaphore_mem>>) src(%dma_wait3A_300 : memref<64x128xf32, #tpu.memory_space<vmem>>) dst(%dma_wait3A_306 : memref<10240x128xf32, #tpu.memory_space<vmem_shared>>)
      } else {
      }
      %add3A_242 = arith.constant 5 : i32
      %add3A_243 = arith.addi %while3A_186, %add3A_242 : i32
      %sub3A_244 = arith.constant 1 : i32
      %sub3A_245 = arith.subi %add3A_243, %sub3A_244 : i32
      %lt3A_246 = arith.cmpi slt, %sub3A_245, %select_n3A : i32
      %convert_element_type3A_247 = arith.extui %lt3A_246 : i1 to i32
      %cond3A_248 = arith.constant 0 : i32
      %cond3A_249 = arith.cmpi ne, %convert_element_type3A_247, %cond3A_248 : i32
      scf.if %cond3A_249 {
        %add3A_257 = arith.constant 5 : i32
        %add3A_258 = arith.addi %while3A_186, %add3A_257 : i32
        %sub3A_259 = arith.constant 1 : i32
        %sub3A_260 = arith.subi %add3A_258, %sub3A_259 : i32
        %jit3A_261 = arith.constant 5 : i32
        %eq3A_262 = arith.constant 0 : i32
        %eq3A_263 = arith.cmpi eq, %jit3A_261, %eq3A_262 : i32
        %jit3A_264 = arith.constant 1 : i32
        %select_n3A_265 = arith.select %eq3A_263, %jit3A_264, %jit3A_261 : i32
        %rem3A_266 = arith.remsi %sub3A_260, %select_n3A_265 : i32
        %ne3A_267 = arith.constant 0 : i32
        %ne3A_268 = arith.cmpi ne, %rem3A_266, %ne3A_267 : i32
        %lt3A_269 = arith.constant 0 : i32
        %lt3A_270 = arith.cmpi slt, %rem3A_266, %lt3A_269 : i32
        %lt3A_271 = arith.constant 0 : i32
        %lt3A_272 = arith.cmpi slt, %select_n3A_265, %lt3A_271 : i32
        %ne3A_273 = arith.xori %lt3A_270, %lt3A_272 : i1
        %and3A_274 = arith.andi %ne3A_273, %ne3A_268 : i1
        %add3A_275 = arith.addi %rem3A_266, %select_n3A_265 : i32
        %select_n3A_276 = arith.select %and3A_274, %add3A_275, %rem3A_266 : i32
        %add3A_277 = arith.constant 5 : i32
        %add3A_278 = arith.addi %while3A_186, %add3A_277 : i32
        %sub3A_279 = arith.constant 1 : i32
        %sub3A_280 = arith.subi %add3A_278, %sub3A_279 : i32
        %jit3A_281 = arith.constant 8 : i32
        %eq3A_282 = arith.constant 0 : i32
        %eq3A_283 = arith.cmpi eq, %jit3A_281, %eq3A_282 : i32
        %jit3A_284 = arith.constant 1 : i32
        %select_n3A_285 = arith.select %eq3A_283, %jit3A_284, %jit3A_281 : i32
        %rem3A_286 = arith.remsi %sub3A_280, %select_n3A_285 : i32
        %ne3A_287 = arith.constant 0 : i32
        %ne3A_288 = arith.cmpi ne, %rem3A_286, %ne3A_287 : i32
        %lt3A_289 = arith.constant 0 : i32
        %lt3A_290 = arith.cmpi slt, %rem3A_286, %lt3A_289 : i32
        %lt3A_291 = arith.constant 0 : i32
        %lt3A_292 = arith.cmpi slt, %select_n3A_285, %lt3A_291 : i32
        %ne3A_293 = arith.xori %lt3A_290, %lt3A_292 : i1
        %and3A_294 = arith.andi %ne3A_293, %ne3A_288 : i1
        %add3A_295 = arith.addi %rem3A_286, %select_n3A_285 : i32
        %select_n3A_296 = arith.select %and3A_294, %add3A_295, %rem3A_286 : i32
        %add3A_297 = arith.addi %mul3A_0, %while3A_186 : i32
        %add3A_298 = arith.constant 5 : i32
        %add3A_299 = arith.addi %add3A_297, %add3A_298 : i32
        %sub3A_300 = arith.constant 1 : i32
        %sub3A_301 = arith.subi %add3A_299, %sub3A_300 : i32
        %dma_wait3A_302 = arith.constant 0 : i32
        %dma_wait3A_303 = tpu.memref_slice %arg8[%select_n3A_296, %dma_wait3A_302] : memref<8x64xi32, #tpu.memory_space<vmem>> -> memref<1x64xi32, #tpu.memory_space<vmem>>
        %dma_wait3A_304 = tpu.memref_squeeze %dma_wait3A_303 : memref<1x64xi32, #tpu.memory_space<vmem>> -> memref<64xi32, #tpu.memory_space<vmem>>
        %dma_wait3A_305 = arith.constant 0 : i32
        %dma_wait3A_306 = tpu.memref_slice %arg3[%arg1, %sub3A_301, %dma_wait3A_305] : memref<16x313x64xi32, #tpu.memory_space<hbm>> -> memref<1x1x64xi32, #tpu.memory_space<hbm>>
        %dma_wait3A_307 = tpu.memref_squeeze %dma_wait3A_306 : memref<1x1x64xi32, #tpu.memory_space<hbm>> -> memref<64xi32, #tpu.memory_space<hbm>>
        %dma_wait3A_308 = arith.constant 0 : i32
        %dma_wait3A_309 = tpu.memref_slice %arg8[%select_n3A_296, %dma_wait3A_308] : memref<8x64xi32, #tpu.memory_space<vmem>> -> memref<1x64xi32, #tpu.memory_space<vmem>>
        %dma_wait3A_310 = tpu.memref_squeeze %dma_wait3A_309 : memref<1x64xi32, #tpu.memory_space<vmem>> -> memref<64xi32, #tpu.memory_space<vmem>>
        %dma_wait3A_311 = arith.constant 0 : i32
        %dma_wait3A_312 = tpu.memref_slice %arg3[%arg1, %sub3A_301, %dma_wait3A_311] : memref<16x313x64xi32, #tpu.memory_space<hbm>> -> memref<1x1x64xi32, #tpu.memory_space<hbm>>
        %dma_wait3A_313 = tpu.memref_squeeze %dma_wait3A_312 : memref<1x1x64xi32, #tpu.memory_space<hbm>> -> memref<64xi32, #tpu.memory_space<hbm>>
        tpu.wait_dma2 semaphore(%arg13 : memref<!tpu.dma_semaphore, #tpu.memory_space<semaphore_mem>>) src(%dma_wait3A_313 : memref<64xi32, #tpu.memory_space<hbm>>) dst(%dma_wait3A_310 : memref<64xi32, #tpu.memory_space<vmem>>)
        %add3A_314 = arith.addi %mul3A_0, %while3A_186 : i32
        %add3A_315 = arith.constant 5 : i32
        %add3A_316 = arith.addi %add3A_314, %add3A_315 : i32
        %sub3A_317 = arith.constant 1 : i32
        %sub3A_318 = arith.subi %add3A_316, %sub3A_317 : i32
        %dma_wait3A_319 = arith.constant 0 : i32
        %dma_wait3A_320 = tpu.memref_slice %arg9[%select_n3A_296, %dma_wait3A_319] : memref<8x64xi32, #tpu.memory_space<vmem>> -> memref<1x64xi32, #tpu.memory_space<vmem>>
        %dma_wait3A_321 = tpu.memref_squeeze %dma_wait3A_320 : memref<1x64xi32, #tpu.memory_space<vmem>> -> memref<64xi32, #tpu.memory_space<vmem>>
        %dma_wait3A_322 = arith.constant 0 : i32
        %dma_wait3A_323 = tpu.memref_slice %arg4[%arg1, %sub3A_318, %dma_wait3A_322] : memref<16x313x64xi32, #tpu.memory_space<hbm>> -> memref<1x1x64xi32, #tpu.memory_space<hbm>>
        %dma_wait3A_324 = tpu.memref_squeeze %dma_wait3A_323 : memref<1x1x64xi32, #tpu.memory_space<hbm>> -> memref<64xi32, #tpu.memory_space<hbm>>
        %dma_wait3A_325 = arith.constant 0 : i32
        %dma_wait3A_326 = tpu.memref_slice %arg9[%select_n3A_296, %dma_wait3A_325] : memref<8x64xi32, #tpu.memory_space<vmem>> -> memref<1x64xi32, #tpu.memory_space<vmem>>
        %dma_wait3A_327 = tpu.memref_squeeze %dma_wait3A_326 : memref<1x64xi32, #tpu.memory_space<vmem>> -> memref<64xi32, #tpu.memory_space<vmem>>
        %dma_wait3A_328 = arith.constant 0 : i32
        %dma_wait3A_329 = tpu.memref_slice %arg4[%arg1, %sub3A_318, %dma_wait3A_328] : memref<16x313x64xi32, #tpu.memory_space<hbm>> -> memref<1x1x64xi32, #tpu.memory_space<hbm>>
        %dma_wait3A_330 = tpu.memref_squeeze %dma_wait3A_329 : memref<1x1x64xi32, #tpu.memory_space<hbm>> -> memref<64xi32, #tpu.memory_space<hbm>>
        tpu.wait_dma2 semaphore(%arg13 : memref<!tpu.dma_semaphore, #tpu.memory_space<semaphore_mem>>) src(%dma_wait3A_330 : memref<64xi32, #tpu.memory_space<hbm>>) dst(%dma_wait3A_327 : memref<64xi32, #tpu.memory_space<vmem>>)
        %dma_start3A_331 = arith.constant 0 : i32
        %dma_start3A_332 = arith.constant 0 : i32
        %dma_start3A_333 = tpu.memref_slice %arg10[%select_n3A_276, %dma_start3A_331, %dma_start3A_332] : memref<5x64x128xf32, #tpu.memory_space<vmem>> -> memref<1x64x128xf32, #tpu.memory_space<vmem>>
        %dma_start3A_334 = tpu.memref_squeeze %dma_start3A_333 : memref<1x64x128xf32, #tpu.memory_space<vmem>> -> memref<64x128xf32, #tpu.memory_space<vmem>>
        %dma_start3A_335 = arith.constant 0 : i32
        %dma_start3A_336 = tpu.memref_slice %arg8[%select_n3A_296, %dma_start3A_335] : memref<8x64xi32, #tpu.memory_space<vmem>> -> memref<1x64xi32, #tpu.memory_space<vmem>>
        %dma_start3A_337 = tpu.memref_squeeze %dma_start3A_336 : memref<1x64xi32, #tpu.memory_space<vmem>> -> memref<64xi32, #tpu.memory_space<vmem>>
        %dma_start3A_338 = arith.constant 0 : i32
        %dma_start3A_339 = arith.constant 0 : i32
        %dma_start3A_340 = tpu.memref_slice %arg2[%dma_start3A_338, %dma_start3A_339] : memref<10000x128xf32, #tpu.memory_space<hbm>> -> memref<10000x128xf32, #tpu.memory_space<hbm>>
        tpu.enqueue_indirect_dma source(%dma_start3A_340 : memref<10000x128xf32, #tpu.memory_space<hbm>>) target(%dma_start3A_334 : memref<64x128xf32, #tpu.memory_space<vmem>>) offsets(%dma_start3A_337 : memref<64xi32, #tpu.memory_space<vmem>>) semaphore(%arg11 : memref<!tpu.dma_semaphore, #tpu.memory_space<semaphore_mem>>)
      } else {
      }
      %add3A_250 = arith.constant 6 : i32
      %add3A_251 = arith.addi %while3A_186, %add3A_250 : i32
      %lt3A_252 = arith.cmpi slt, %add3A_251, %select_n3A : i32
      %convert_element_type3A_253 = arith.extui %lt3A_252 : i1 to i32
      %cond3A_254 = arith.constant 0 : i32
      %cond3A_255 = arith.cmpi ne, %convert_element_type3A_253, %cond3A_254 : i32
      scf.if %cond3A_255 {
        %add3A_257 = arith.constant 6 : i32
        %add3A_258 = arith.addi %while3A_186, %add3A_257 : i32
        %jit3A_259 = arith.constant 8 : i32
        %eq3A_260 = arith.constant 0 : i32
        %eq3A_261 = arith.cmpi eq, %jit3A_259, %eq3A_260 : i32
        %jit3A_262 = arith.constant 1 : i32
        %select_n3A_263 = arith.select %eq3A_261, %jit3A_262, %jit3A_259 : i32
        %rem3A_264 = arith.remsi %add3A_258, %select_n3A_263 : i32
        %ne3A_265 = arith.constant 0 : i32
        %ne3A_266 = arith.cmpi ne, %rem3A_264, %ne3A_265 : i32
        %lt3A_267 = arith.constant 0 : i32
        %lt3A_268 = arith.cmpi slt, %rem3A_264, %lt3A_267 : i32
        %lt3A_269 = arith.constant 0 : i32
        %lt3A_270 = arith.cmpi slt, %select_n3A_263, %lt3A_269 : i32
        %ne3A_271 = arith.xori %lt3A_268, %lt3A_270 : i1
        %and3A_272 = arith.andi %ne3A_271, %ne3A_266 : i1
        %add3A_273 = arith.addi %rem3A_264, %select_n3A_263 : i32
        %select_n3A_274 = arith.select %and3A_272, %add3A_273, %rem3A_264 : i32
        %add3A_275 = arith.addi %mul3A_0, %while3A_186 : i32
        %add3A_276 = arith.constant 6 : i32
        %add3A_277 = arith.addi %add3A_275, %add3A_276 : i32
        %dma_start3A_278 = arith.constant 0 : i32
        %dma_start3A_279 = tpu.memref_slice %arg8[%select_n3A_274, %dma_start3A_278] : memref<8x64xi32, #tpu.memory_space<vmem>> -> memref<1x64xi32, #tpu.memory_space<vmem>>
        %dma_start3A_280 = tpu.memref_squeeze %dma_start3A_279 : memref<1x64xi32, #tpu.memory_space<vmem>> -> memref<64xi32, #tpu.memory_space<vmem>>
        %dma_start3A_281 = arith.constant 0 : i32
        %dma_start3A_282 = tpu.memref_slice %arg3[%arg1, %add3A_277, %dma_start3A_281] : memref<16x313x64xi32, #tpu.memory_space<hbm>> -> memref<1x1x64xi32, #tpu.memory_space<hbm>>
        %dma_start3A_283 = tpu.memref_squeeze %dma_start3A_282 : memref<1x1x64xi32, #tpu.memory_space<hbm>> -> memref<64xi32, #tpu.memory_space<hbm>>
        %dma_start3A_284 = arith.constant 0 : i32
        %dma_start3A_285 = tpu.memref_slice %arg8[%select_n3A_274, %dma_start3A_284] : memref<8x64xi32, #tpu.memory_space<vmem>> -> memref<1x64xi32, #tpu.memory_space<vmem>>
        %dma_start3A_286 = tpu.memref_squeeze %dma_start3A_285 : memref<1x64xi32, #tpu.memory_space<vmem>> -> memref<64xi32, #tpu.memory_space<vmem>>
        %dma_start3A_287 = arith.constant 0 : i32
        %dma_start3A_288 = tpu.memref_slice %arg3[%arg1, %add3A_277, %dma_start3A_287] : memref<16x313x64xi32, #tpu.memory_space<hbm>> -> memref<1x1x64xi32, #tpu.memory_space<hbm>>
        %dma_start3A_289 = tpu.memref_squeeze %dma_start3A_288 : memref<1x1x64xi32, #tpu.memory_space<hbm>> -> memref<64xi32, #tpu.memory_space<hbm>>
        tpu.enqueue_dma source(%dma_start3A_289 : memref<64xi32, #tpu.memory_space<hbm>>) target(%dma_start3A_286 : memref<64xi32, #tpu.memory_space<vmem>>) target_semaphore(%arg13 : memref<!tpu.dma_semaphore, #tpu.memory_space<semaphore_mem>>)
        %add3A_290 = arith.addi %mul3A_0, %while3A_186 : i32
        %add3A_291 = arith.constant 6 : i32
        %add3A_292 = arith.addi %add3A_290, %add3A_291 : i32
        %dma_start3A_293 = arith.constant 0 : i32
        %dma_start3A_294 = tpu.memref_slice %arg9[%select_n3A_274, %dma_start3A_293] : memref<8x64xi32, #tpu.memory_space<vmem>> -> memref<1x64xi32, #tpu.memory_space<vmem>>
        %dma_start3A_295 = tpu.memref_squeeze %dma_start3A_294 : memref<1x64xi32, #tpu.memory_space<vmem>> -> memref<64xi32, #tpu.memory_space<vmem>>
        %dma_start3A_296 = arith.constant 0 : i32
        %dma_start3A_297 = tpu.memref_slice %arg4[%arg1, %add3A_292, %dma_start3A_296] : memref<16x313x64xi32, #tpu.memory_space<hbm>> -> memref<1x1x64xi32, #tpu.memory_space<hbm>>
        %dma_start3A_298 = tpu.memref_squeeze %dma_start3A_297 : memref<1x1x64xi32, #tpu.memory_space<hbm>> -> memref<64xi32, #tpu.memory_space<hbm>>
        %dma_start3A_299 = arith.constant 0 : i32
        %dma_start3A_300 = tpu.memref_slice %arg9[%select_n3A_274, %dma_start3A_299] : memref<8x64xi32, #tpu.memory_space<vmem>> -> memref<1x64xi32, #tpu.memory_space<vmem>>
        %dma_start3A_301 = tpu.memref_squeeze %dma_start3A_300 : memref<1x64xi32, #tpu.memory_space<vmem>> -> memref<64xi32, #tpu.memory_space<vmem>>
        %dma_start3A_302 = arith.constant 0 : i32
        %dma_start3A_303 = tpu.memref_slice %arg4[%arg1, %add3A_292, %dma_start3A_302] : memref<16x313x64xi32, #tpu.memory_space<hbm>> -> memref<1x1x64xi32, #tpu.memory_space<hbm>>
        %dma_start3A_304 = tpu.memref_squeeze %dma_start3A_303 : memref<1x1x64xi32, #tpu.memory_space<hbm>> -> memref<64xi32, #tpu.memory_space<hbm>>
        tpu.enqueue_dma source(%dma_start3A_304 : memref<64xi32, #tpu.memory_space<hbm>>) target(%dma_start3A_301 : memref<64xi32, #tpu.memory_space<vmem>>) target_semaphore(%arg13 : memref<!tpu.dma_semaphore, #tpu.memory_space<semaphore_mem>>)
      } else {
      }
      %while3A_256 = arith.constant 0 : i32
      scf.yield %while3A_256 : i32
    }
    %sub3A = arith.constant 1 : i32
    %sub3A_145 = arith.subi %select_n3A, %sub3A : i32
    %jit3A_146 = arith.constant 5 : i32
    %eq3A_147 = arith.constant 0 : i32
    %eq3A_148 = arith.cmpi eq, %jit3A_146, %eq3A_147 : i32
    %jit3A_149 = arith.constant 1 : i32
    %select_n3A_150 = arith.select %eq3A_148, %jit3A_149, %jit3A_146 : i32
    %rem3A = arith.remsi %sub3A_145, %select_n3A_150 : i32
    %ne3A = arith.constant 0 : i32
    %ne3A_151 = arith.cmpi ne, %rem3A, %ne3A : i32
    %lt3A = arith.constant 0 : i32
    %lt3A_152 = arith.cmpi slt, %rem3A, %lt3A : i32
    %lt3A_153 = arith.constant 0 : i32
    %lt3A_154 = arith.cmpi slt, %select_n3A_150, %lt3A_153 : i32
    %ne3A_155 = arith.xori %lt3A_152, %lt3A_154 : i1
    %and3A = arith.andi %ne3A_155, %ne3A_151 : i1
    %add3A_156 = arith.addi %rem3A, %select_n3A_150 : i32
    %select_n3A_157 = arith.select %and3A, %add3A_156, %rem3A : i32
    %sub3A_158 = arith.constant 1 : i32
    %sub3A_159 = arith.subi %select_n3A, %sub3A_158 : i32
    %jit3A_160 = arith.constant 8 : i32
    %eq3A_161 = arith.constant 0 : i32
    %eq3A_162 = arith.cmpi eq, %jit3A_160, %eq3A_161 : i32
    %jit3A_163 = arith.constant 1 : i32
    %select_n3A_164 = arith.select %eq3A_162, %jit3A_163, %jit3A_160 : i32
    %rem3A_165 = arith.remsi %sub3A_159, %select_n3A_164 : i32
    %ne3A_166 = arith.constant 0 : i32
    %ne3A_167 = arith.cmpi ne, %rem3A_165, %ne3A_166 : i32
    %lt3A_168 = arith.constant 0 : i32
    %lt3A_169 = arith.cmpi slt, %rem3A_165, %lt3A_168 : i32
    %lt3A_170 = arith.constant 0 : i32
    %lt3A_171 = arith.cmpi slt, %select_n3A_164, %lt3A_170 : i32
    %ne3A_172 = arith.xori %lt3A_169, %lt3A_171 : i1
    %and3A_173 = arith.andi %ne3A_172, %ne3A_167 : i1
    %add3A_174 = arith.addi %rem3A_165, %select_n3A_164 : i32
    %select_n3A_175 = arith.select %and3A_173, %add3A_174, %rem3A_165 : i32
    %dma_wait3A = arith.constant 0 : i32
    %dma_wait3A_176 = arith.constant 0 : i32
    %dma_wait3A_177 = tpu.memref_slice %arg10[%select_n3A_157, %dma_wait3A, %dma_wait3A_176] : memref<5x64x128xf32, #tpu.memory_space<vmem>> -> memref<1x64x128xf32, #tpu.memory_space<vmem>>
    %dma_wait3A_178 = tpu.memref_squeeze %dma_wait3A_177 : memref<1x64x128xf32, #tpu.memory_space<vmem>> -> memref<64x128xf32, #tpu.memory_space<vmem>>
    %dma_wait3A_179 = arith.constant 0 : i32
    %dma_wait3A_180 = tpu.memref_slice %arg9[%select_n3A_175, %dma_wait3A_179] : memref<8x64xi32, #tpu.memory_space<vmem>> -> memref<1x64xi32, #tpu.memory_space<vmem>>
    %dma_wait3A_181 = tpu.memref_squeeze %dma_wait3A_180 : memref<1x64xi32, #tpu.memory_space<vmem>> -> memref<64xi32, #tpu.memory_space<vmem>>
    %dma_wait3A_182 = arith.constant 0 : i32
    %dma_wait3A_183 = arith.constant 0 : i32
    %dma_wait3A_184 = tpu.memref_slice %arg7[%dma_wait3A_182, %dma_wait3A_183] : memref<10240x128xf32, #tpu.memory_space<vmem_shared>> -> memref<10240x128xf32, #tpu.memory_space<vmem_shared>>
    tpu.wait_indirect_dma semaphore(%arg12 : memref<!tpu.dma_semaphore, #tpu.memory_space<semaphore_mem>>) src(%dma_wait3A_178 : memref<64x128xf32, #tpu.memory_space<vmem>>) dst(%dma_wait3A_184 : memref<10240x128xf32, #tpu.memory_space<vmem_shared>>)
    %barrier3A_185 = arith.constant 0 : index
    tpu.barrier barrier_id(%barrier3A_185)
    "tpu.region"() ({
      %run_scoped3A_186 = tpu.sem_alloc : memref<!tpu.dma_semaphore, #tpu.memory_space<semaphore_mem>>
      %dma_start3A_187 = arith.constant 0 : i32
      %dma_start3A_188 = tpu.memref_slice %arg6[%arg0, %mul3A_4, %dma_start3A_187] : memref<2x10240x128xf32, #tpu.memory_space<hbm>> -> memref<1x640x128xf32, #tpu.memory_space<hbm>>
      %dma_start3A_189 = tpu.memref_squeeze %dma_start3A_188 : memref<1x640x128xf32, #tpu.memory_space<hbm>> -> memref<640x128xf32, #tpu.memory_space<hbm>>
      %dma_start3A_190 = arith.constant 0 : i32
      %dma_start3A_191 = tpu.memref_slice %arg7[%mul3A_4, %dma_start3A_190] : memref<10240x128xf32, #tpu.memory_space<vmem_shared>> -> memref<640x128xf32, #tpu.memory_space<vmem_shared>>
      tpu.enqueue_dma source(%dma_start3A_191 : memref<640x128xf32, #tpu.memory_space<vmem_shared>>) target(%dma_start3A_189 : memref<640x128xf32, #tpu.memory_space<hbm>>) target_semaphore(%run_scoped3A_186 : memref<!tpu.dma_semaphore, #tpu.memory_space<semaphore_mem>>)
      %dma_wait3A_192 = arith.constant 0 : i32
      %dma_wait3A_193 = tpu.memref_slice %arg6[%arg0, %mul3A_4, %dma_wait3A_192] : memref<2x10240x128xf32, #tpu.memory_space<hbm>> -> memref<1x640x128xf32, #tpu.memory_space<hbm>>
      %dma_wait3A_194 = tpu.memref_squeeze %dma_wait3A_193 : memref<1x640x128xf32, #tpu.memory_space<hbm>> -> memref<640x128xf32, #tpu.memory_space<hbm>>
      %dma_wait3A_195 = arith.constant 0 : i32
      %dma_wait3A_196 = tpu.memref_slice %arg7[%mul3A_4, %dma_wait3A_195] : memref<10240x128xf32, #tpu.memory_space<vmem_shared>> -> memref<640x128xf32, #tpu.memory_space<vmem_shared>>
      tpu.wait_dma2 semaphore(%run_scoped3A_186 : memref<!tpu.dma_semaphore, #tpu.memory_space<semaphore_mem>>) src(%dma_wait3A_196 : memref<640x128xf32, #tpu.memory_space<vmem_shared>>) dst(%dma_wait3A_194 : memref<640x128xf32, #tpu.memory_space<hbm>>)
      tpu.yield
    }) : () -> ()
    return
  }
}

#map = affine_map<(d0, d1) -> (0, 0, 0)>
#map1 = affine_map<(d0, d1) -> (0, 0)>
module attributes {stable_mosaic.version = 14 : i64} {
  func.func @_deg_kernel(%arg0: i32, %arg1: i32, %arg2: memref<16x313x64xi32, #tpu.memory_space<hbm>>, %arg3: memref<2x10240xf32, #tpu.memory_space<hbm>>, %arg4: memref<10240xf32, #tpu.memory_space<vmem>>, %arg5: memref<313x64xi32, #tpu.memory_space<vmem>>, %arg6: memref<16x10240xf32, #tpu.memory_space<vmem_shared>>, %arg7: memref<640xf32, #tpu.memory_space<vmem>>, %arg8: memref<640xf32, #tpu.memory_space<vmem>>) attributes {dimension_semantics = [#tpu.dimension_semantics<core_parallel>, #tpu.dimension_semantics<subcore_parallel>], iteration_bounds = array<i64: 2, 16>, scalar_prefetch = 0 : i64, scratch_operands = 5 : i64, tpu.core_type = #tpu.core_type<sc_vector_subcore>, window_params = [{transform_indices = #map}, {transform_indices = #map1}]} {
    %mul3A = arith.constant 196 : i32
    %mul3A_0 = arith.muli %arg0, %mul3A : i32
    %eq3A = arith.constant 0 : i32
    %eq3A_1 = arith.cmpi eq, %arg0, %eq3A : i32
    %jit3A = arith.constant 196 : i32
    %jit3A_2 = arith.constant 117 : i32
    %select_n3A = arith.select %eq3A_1, %jit3A, %jit3A_2 : i32
    %broadcast_in_dim3A = arith.constant 0.000000e+00 : f32
    %broadcast_in_dim3A_3 = vector.broadcast %broadcast_in_dim3A : f32 to vector<16xf32>
    %broadcast_in_dim3A_4 = arith.constant 1.000000e+00 : f32
    %broadcast_in_dim3A_5 = vector.broadcast %broadcast_in_dim3A_4 : f32 to vector<16xf32>
    %scan3A = arith.constant 0 : i32
    %scan3A_6 = arith.constant 0 : i32
    %scan3A_7 = arith.constant 640 : i32
    %scan3A_8 = arith.addi %scan3A_6, %scan3A_7 : i32
    %scan3A_9 = arith.constant 1 : i32
    %scan3A_10 = scf.for %scan3A_159 = %scan3A_6 to %scan3A_8 step %scan3A_9 iter_args(%scan3A_160 = %scan3A) -> (i32)  : i32 {
      %mul3A_161 = arith.constant 16 : i32
      %mul3A_162 = arith.muli %scan3A_159, %mul3A_161 : i32
      %swap3A = arith.index_cast %mul3A_162 : i32 to index
      %swap3A_163 = tpu.vector_load %arg4[%swap3A] {strides = array<i32>} : memref<10240xf32, #tpu.memory_space<vmem>>, vector<16xf32>,
      tpu.vector_store %arg4[%swap3A], %broadcast_in_dim3A_3 {strides = array<i32>} : memref<10240xf32, #tpu.memory_space<vmem>>, vector<16xf32>,
      %scan3A_164 = arith.constant 0 : i32
      scf.yield %scan3A_164 : i32
    }
    %scan3A_11 = arith.constant 640 : i32
    "tpu.region"() ({
      %run_scoped3A_159 = tpu.sem_alloc : memref<!tpu.dma_semaphore, #tpu.memory_space<semaphore_mem>>
      %dma_start3A = arith.constant 0 : i32
      %dma_start3A_160 = arith.constant 0 : i32
      %dma_start3A_161 = tpu.memref_slice %arg2[%arg1, %dma_start3A, %dma_start3A_160] : memref<16x313x64xi32, #tpu.memory_space<hbm>> -> memref<1x313x64xi32, #tpu.memory_space<hbm>>
      %dma_start3A_162 = tpu.memref_squeeze %dma_start3A_161 : memref<1x313x64xi32, #tpu.memory_space<hbm>> -> memref<313x64xi32, #tpu.memory_space<hbm>>
      %dma_start3A_163 = arith.constant 0 : i32
      %dma_start3A_164 = arith.constant 0 : i32
      %dma_start3A_165 = tpu.memref_slice %arg2[%arg1, %dma_start3A_163, %dma_start3A_164] : memref<16x313x64xi32, #tpu.memory_space<hbm>> -> memref<1x313x64xi32, #tpu.memory_space<hbm>>
      %dma_start3A_166 = tpu.memref_squeeze %dma_start3A_165 : memref<1x313x64xi32, #tpu.memory_space<hbm>> -> memref<313x64xi32, #tpu.memory_space<hbm>>
      tpu.enqueue_dma source(%dma_start3A_166 : memref<313x64xi32, #tpu.memory_space<hbm>>) target(%arg5 : memref<313x64xi32, #tpu.memory_space<vmem>>) target_semaphore(%run_scoped3A_159 : memref<!tpu.dma_semaphore, #tpu.memory_space<semaphore_mem>>)
      %dma_wait3A = arith.constant 0 : i32
      %dma_wait3A_167 = arith.constant 0 : i32
      %dma_wait3A_168 = tpu.memref_slice %arg2[%arg1, %dma_wait3A, %dma_wait3A_167] : memref<16x313x64xi32, #tpu.memory_space<hbm>> -> memref<1x313x64xi32, #tpu.memory_space<hbm>>
      %dma_wait3A_169 = tpu.memref_squeeze %dma_wait3A_168 : memref<1x313x64xi32, #tpu.memory_space<hbm>> -> memref<313x64xi32, #tpu.memory_space<hbm>>
      %dma_wait3A_170 = arith.constant 0 : i32
      %dma_wait3A_171 = arith.constant 0 : i32
      %dma_wait3A_172 = tpu.memref_slice %arg2[%arg1, %dma_wait3A_170, %dma_wait3A_171] : memref<16x313x64xi32, #tpu.memory_space<hbm>> -> memref<1x313x64xi32, #tpu.memory_space<hbm>>
      %dma_wait3A_173 = tpu.memref_squeeze %dma_wait3A_172 : memref<1x313x64xi32, #tpu.memory_space<hbm>> -> memref<313x64xi32, #tpu.memory_space<hbm>>
      tpu.wait_dma2 semaphore(%run_scoped3A_159 : memref<!tpu.dma_semaphore, #tpu.memory_space<semaphore_mem>>) src(%dma_wait3A_173 : memref<313x64xi32, #tpu.memory_space<hbm>>) dst(%arg5 : memref<313x64xi32, #tpu.memory_space<vmem>>)
      tpu.yield
    }) : () -> ()
    %while3A = arith.constant 0 : i32
    %while3A_12 = arith.constant 0 : i32
    %while3A_13 = arith.subi %select_n3A, %while3A : i32
    %while3A_14 = arith.addi %while3A, %while3A_13 : i32
    %while3A_15 = arith.constant 1 : i32
    %while3A_16 = arith.divsi %while3A_13, %while3A_15 : i32
    %while3A_17 = arith.muli %while3A_16, %while3A_15 : i32
    %while3A_18 = arith.addi %while3A, %while3A_17 : i32
    %while3A_19 = arith.constant 1 : i32
    %while3A_20 = scf.for %while3A_159 = %while3A to %while3A_18 step %while3A_19 iter_args(%while3A_160 = %while3A_12) -> (i32)  : i32 {
      %add3A = arith.addi %mul3A_0, %while3A_159 : i32
      %get3A = arith.index_cast %add3A : i32 to index
      %get3A_161 = arith.constant 0 : index
      %get3A_162 = tpu.vector_load %arg5[%get3A, %get3A_161] {strides = array<i32>} : memref<313x64xi32, #tpu.memory_space<vmem>>, vector<16xi32>,
      tpu.vector_store_idx %arg4[%get3A_162], %broadcast_in_dim3A_5 {add = true} : memref<10240xf32, #tpu.memory_space<vmem>>[vector<16xi32>], vector<16xf32>,
      %add3A_163 = arith.addi %mul3A_0, %while3A_159 : i32
      %get3A_164 = arith.index_cast %add3A_163 : i32 to index
      %get3A_165 = arith.constant 16 : index
      %get3A_166 = tpu.vector_load %arg5[%get3A_164, %get3A_165] {strides = array<i32>} : memref<313x64xi32, #tpu.memory_space<vmem>>, vector<16xi32>,
      tpu.vector_store_idx %arg4[%get3A_166], %broadcast_in_dim3A_5 {add = true} : memref<10240xf32, #tpu.memory_space<vmem>>[vector<16xi32>], vector<16xf32>,
      %add3A_167 = arith.addi %mul3A_0, %while3A_159 : i32
      %get3A_168 = arith.index_cast %add3A_167 : i32 to index
      %get3A_169 = arith.constant 32 : index
      %get3A_170 = tpu.vector_load %arg5[%get3A_168, %get3A_169] {strides = array<i32>} : memref<313x64xi32, #tpu.memory_space<vmem>>, vector<16xi32>,
      tpu.vector_store_idx %arg4[%get3A_170], %broadcast_in_dim3A_5 {add = true} : memref<10240xf32, #tpu.memory_space<vmem>>[vector<16xi32>], vector<16xf32>,
      %add3A_171 = arith.addi %mul3A_0, %while3A_159 : i32
      %get3A_172 = arith.index_cast %add3A_171 : i32 to index
      %get3A_173 = arith.constant 48 : index
      %get3A_174 = tpu.vector_load %arg5[%get3A_172, %get3A_173] {strides = array<i32>} : memref<313x64xi32, #tpu.memory_space<vmem>>, vector<16xi32>,
      tpu.vector_store_idx %arg4[%get3A_174], %broadcast_in_dim3A_5 {add = true} : memref<10240xf32, #tpu.memory_space<vmem>>[vector<16xi32>], vector<16xf32>,
      %while3A_175 = arith.constant 0 : i32
      scf.yield %while3A_175 : i32
    }
    %while3A_21 = arith.constant 1 : i32
    %while3A_22 = scf.for %while3A_159 = %while3A_18 to %while3A_14 step %while3A_21 iter_args(%while3A_160 = %while3A_20) -> (i32)  : i32 {
      %add3A = arith.addi %mul3A_0, %while3A_159 : i32
      %get3A = arith.index_cast %add3A : i32 to index
      %get3A_161 = arith.constant 0 : index
      %get3A_162 = tpu.vector_load %arg5[%get3A, %get3A_161] {strides = array<i32>} : memref<313x64xi32, #tpu.memory_space<vmem>>, vector<16xi32>,
      tpu.vector_store_idx %arg4[%get3A_162], %broadcast_in_dim3A_5 {add = true} : memref<10240xf32, #tpu.memory_space<vmem>>[vector<16xi32>], vector<16xf32>,
      %add3A_163 = arith.addi %mul3A_0, %while3A_159 : i32
      %get3A_164 = arith.index_cast %add3A_163 : i32 to index
      %get3A_165 = arith.constant 16 : index
      %get3A_166 = tpu.vector_load %arg5[%get3A_164, %get3A_165] {strides = array<i32>} : memref<313x64xi32, #tpu.memory_space<vmem>>, vector<16xi32>,
      tpu.vector_store_idx %arg4[%get3A_166], %broadcast_in_dim3A_5 {add = true} : memref<10240xf32, #tpu.memory_space<vmem>>[vector<16xi32>], vector<16xf32>,
      %add3A_167 = arith.addi %mul3A_0, %while3A_159 : i32
      %get3A_168 = arith.index_cast %add3A_167 : i32 to index
      %get3A_169 = arith.constant 32 : index
      %get3A_170 = tpu.vector_load %arg5[%get3A_168, %get3A_169] {strides = array<i32>} : memref<313x64xi32, #tpu.memory_space<vmem>>, vector<16xi32>,
      tpu.vector_store_idx %arg4[%get3A_170], %broadcast_in_dim3A_5 {add = true} : memref<10240xf32, #tpu.memory_space<vmem>>[vector<16xi32>], vector<16xf32>,
      %add3A_171 = arith.addi %mul3A_0, %while3A_159 : i32
      %get3A_172 = arith.index_cast %add3A_171 : i32 to index
      %get3A_173 = arith.constant 48 : index
      %get3A_174 = tpu.vector_load %arg5[%get3A_172, %get3A_173] {strides = array<i32>} : memref<313x64xi32, #tpu.memory_space<vmem>>, vector<16xi32>,
      tpu.vector_store_idx %arg4[%get3A_174], %broadcast_in_dim3A_5 {add = true} : memref<10240xf32, #tpu.memory_space<vmem>>[vector<16xi32>], vector<16xf32>,
      %while3A_175 = arith.constant 0 : i32
      scf.yield %while3A_175 : i32
    }
    "tpu.region"() ({
      %run_scoped3A_159 = tpu.sem_alloc : memref<!tpu.dma_semaphore, #tpu.memory_space<semaphore_mem>>
      %dma_start3A = arith.constant 0 : i32
      %dma_start3A_160 = tpu.memref_slice %arg6[%arg1, %dma_start3A] : memref<16x10240xf32, #tpu.memory_space<vmem_shared>> -> memref<1x10240xf32, #tpu.memory_space<vmem_shared>>
      %dma_start3A_161 = tpu.memref_squeeze %dma_start3A_160 : memref<1x10240xf32, #tpu.memory_space<vmem_shared>> -> memref<10240xf32, #tpu.memory_space<vmem_shared>>
      %dma_start3A_162 = arith.constant 0 : i32
      %dma_start3A_163 = tpu.memref_slice %arg6[%arg1, %dma_start3A_162] : memref<16x10240xf32, #tpu.memory_space<vmem_shared>> -> memref<1x10240xf32, #tpu.memory_space<vmem_shared>>
      %dma_start3A_164 = tpu.memref_squeeze %dma_start3A_163 : memref<1x10240xf32, #tpu.memory_space<vmem_shared>> -> memref<10240xf32, #tpu.memory_space<vmem_shared>>
      tpu.enqueue_dma source(%arg4 : memref<10240xf32, #tpu.memory_space<vmem>>) target(%dma_start3A_164 : memref<10240xf32, #tpu.memory_space<vmem_shared>>) target_semaphore(%run_scoped3A_159 : memref<!tpu.dma_semaphore, #tpu.memory_space<semaphore_mem>>)
      %dma_wait3A = arith.constant 0 : i32
      %dma_wait3A_165 = tpu.memref_slice %arg6[%arg1, %dma_wait3A] : memref<16x10240xf32, #tpu.memory_space<vmem_shared>> -> memref<1x10240xf32, #tpu.memory_space<vmem_shared>>
      %dma_wait3A_166 = tpu.memref_squeeze %dma_wait3A_165 : memref<1x10240xf32, #tpu.memory_space<vmem_shared>> -> memref<10240xf32, #tpu.memory_space<vmem_shared>>
      %dma_wait3A_167 = arith.constant 0 : i32
      %dma_wait3A_168 = tpu.memref_slice %arg6[%arg1, %dma_wait3A_167] : memref<16x10240xf32, #tpu.memory_space<vmem_shared>> -> memref<1x10240xf32, #tpu.memory_space<vmem_shared>>
      %dma_wait3A_169 = tpu.memref_squeeze %dma_wait3A_168 : memref<1x10240xf32, #tpu.memory_space<vmem_shared>> -> memref<10240xf32, #tpu.memory_space<vmem_shared>>
      tpu.wait_dma2 semaphore(%run_scoped3A_159 : memref<!tpu.dma_semaphore, #tpu.memory_space<semaphore_mem>>) src(%arg4 : memref<10240xf32, #tpu.memory_space<vmem>>) dst(%dma_wait3A_169 : memref<10240xf32, #tpu.memory_space<vmem_shared>>)
      tpu.yield
    }) : () -> ()
    %barrier3A = arith.constant 0 : index
    tpu.barrier barrier_id(%barrier3A)
    %mul3A_23 = arith.constant 640 : i32
    %mul3A_24 = arith.muli %arg1, %mul3A_23 : i32
    %scan3A_25 = arith.constant 0 : i32
    %scan3A_26 = arith.constant 0 : i32
    %scan3A_27 = arith.constant 40 : i32
    %scan3A_28 = arith.addi %scan3A_26, %scan3A_27 : i32
    %scan3A_29 = arith.constant 1 : i32
    %scan3A_30 = scf.for %scan3A_159 = %scan3A_26 to %scan3A_28 step %scan3A_29 iter_args(%scan3A_160 = %scan3A_25) -> (i32)  : i32 {
      %mul3A_161 = arith.constant 16 : i32
      %mul3A_162 = arith.muli %scan3A_159, %mul3A_161 : i32
      %swap3A = arith.index_cast %mul3A_162 : i32 to index
      %swap3A_163 = tpu.vector_load %arg8[%swap3A] {strides = array<i32>} : memref<640xf32, #tpu.memory_space<vmem>>, vector<16xf32>,
      tpu.vector_store %arg8[%swap3A], %broadcast_in_dim3A_3 {strides = array<i32>} : memref<640xf32, #tpu.memory_space<vmem>>, vector<16xf32>,
      %scan3A_164 = arith.constant 0 : i32
      scf.yield %scan3A_164 : i32
    }
    %scan3A_31 = arith.constant 40 : i32
    %run_scoped3A = arith.constant 0 : i32
    "tpu.region"() ({
      %run_scoped3A_159 = tpu.sem_alloc : memref<!tpu.dma_semaphore, #tpu.memory_space<semaphore_mem>>
      %dma_start3A = tpu.memref_slice %arg6[%run_scoped3A, %mul3A_24] : memref<16x10240xf32, #tpu.memory_space<vmem_shared>> -> memref<1x640xf32, #tpu.memory_space<vmem_shared>>
      %dma_start3A_160 = tpu.memref_squeeze %dma_start3A : memref<1x640xf32, #tpu.memory_space<vmem_shared>> -> memref<640xf32, #tpu.memory_space<vmem_shared>>
      %dma_start3A_161 = tpu.memref_slice %arg6[%run_scoped3A, %mul3A_24] : memref<16x10240xf32, #tpu.memory_space<vmem_shared>> -> memref<1x640xf32, #tpu.memory_space<vmem_shared>>
      %dma_start3A_162 = tpu.memref_squeeze %dma_start3A_161 : memref<1x640xf32, #tpu.memory_space<vmem_shared>> -> memref<640xf32, #tpu.memory_space<vmem_shared>>
      tpu.enqueue_dma source(%dma_start3A_162 : memref<640xf32, #tpu.memory_space<vmem_shared>>) target(%arg7 : memref<640xf32, #tpu.memory_space<vmem>>) target_semaphore(%run_scoped3A_159 : memref<!tpu.dma_semaphore, #tpu.memory_space<semaphore_mem>>)
      %dma_wait3A = tpu.memref_slice %arg6[%run_scoped3A, %mul3A_24] : memref<16x10240xf32, #tpu.memory_space<vmem_shared>> -> memref<1x640xf32, #tpu.memory_space<vmem_shared>>
      %dma_wait3A_163 = tpu.memref_squeeze %dma_wait3A : memref<1x640xf32, #tpu.memory_space<vmem_shared>> -> memref<640xf32, #tpu.memory_space<vmem_shared>>
      %dma_wait3A_164 = tpu.memref_slice %arg6[%run_scoped3A, %mul3A_24] : memref<16x10240xf32, #tpu.memory_space<vmem_shared>> -> memref<1x640xf32, #tpu.memory_space<vmem_shared>>
      %dma_wait3A_165 = tpu.memref_squeeze %dma_wait3A_164 : memref<1x640xf32, #tpu.memory_space<vmem_shared>> -> memref<640xf32, #tpu.memory_space<vmem_shared>>
      tpu.wait_dma2 semaphore(%run_scoped3A_159 : memref<!tpu.dma_semaphore, #tpu.memory_space<semaphore_mem>>) src(%dma_wait3A_165 : memref<640xf32, #tpu.memory_space<vmem_shared>>) dst(%arg7 : memref<640xf32, #tpu.memory_space<vmem>>)
      tpu.yield
    }) : () -> ()
    %scan3A_32 = arith.constant 0 : i32
    %scan3A_33 = arith.constant 0 : i32
    %scan3A_34 = arith.constant 40 : i32
    %scan3A_35 = arith.addi %scan3A_33, %scan3A_34 : i32
    %scan3A_36 = arith.constant 1 : i32
    %scan3A_37 = scf.for %scan3A_159 = %scan3A_33 to %scan3A_35 step %scan3A_36 iter_args(%scan3A_160 = %scan3A_32) -> (i32)  : i32 {
      %mul3A_161 = arith.constant 16 : i32
      %mul3A_162 = arith.muli %scan3A_159, %mul3A_161 : i32
      %get3A = arith.index_cast %mul3A_162 : i32 to index
      %get3A_163 = tpu.vector_load %arg8[%get3A] {strides = array<i32>} : memref<640xf32, #tpu.memory_space<vmem>>, vector<16xf32>,
      %get3A_164 = arith.index_cast %mul3A_162 : i32 to index
      %get3A_165 = tpu.vector_load %arg7[%get3A_164] {strides = array<i32>} : memref<640xf32, #tpu.memory_space<vmem>>, vector<16xf32>,
      %add3A = arith.addf %get3A_163, %get3A_165 : vector<16xf32>
      %swap3A = arith.index_cast %mul3A_162 : i32 to index
      %swap3A_166 = tpu.vector_load %arg8[%swap3A] {strides = array<i32>} : memref<640xf32, #tpu.memory_space<vmem>>, vector<16xf32>,
      tpu.vector_store %arg8[%swap3A], %add3A {strides = array<i32>} : memref<640xf32, #tpu.memory_space<vmem>>, vector<16xf32>,
      %scan3A_167 = arith.constant 0 : i32
      scf.yield %scan3A_167 : i32
    }
    %scan3A_38 = arith.constant 40 : i32
    %run_scoped3A_39 = arith.constant 1 : i32
    "tpu.region"() ({
      %run_scoped3A_159 = tpu.sem_alloc : memref<!tpu.dma_semaphore, #tpu.memory_space<semaphore_mem>>
      %dma_start3A = tpu.memref_slice %arg6[%run_scoped3A_39, %mul3A_24] : memref<16x10240xf32, #tpu.memory_space<vmem_shared>> -> memref<1x640xf32, #tpu.memory_space<vmem_shared>>
      %dma_start3A_160 = tpu.memref_squeeze %dma_start3A : memref<1x640xf32, #tpu.memory_space<vmem_shared>> -> memref<640xf32, #tpu.memory_space<vmem_shared>>
      %dma_start3A_161 = tpu.memref_slice %arg6[%run_scoped3A_39, %mul3A_24] : memref<16x10240xf32, #tpu.memory_space<vmem_shared>> -> memref<1x640xf32, #tpu.memory_space<vmem_shared>>
      %dma_start3A_162 = tpu.memref_squeeze %dma_start3A_161 : memref<1x640xf32, #tpu.memory_space<vmem_shared>> -> memref<640xf32, #tpu.memory_space<vmem_shared>>
      tpu.enqueue_dma source(%dma_start3A_162 : memref<640xf32, #tpu.memory_space<vmem_shared>>) target(%arg7 : memref<640xf32, #tpu.memory_space<vmem>>) target_semaphore(%run_scoped3A_159 : memref<!tpu.dma_semaphore, #tpu.memory_space<semaphore_mem>>)
      %dma_wait3A = tpu.memref_slice %arg6[%run_scoped3A_39, %mul3A_24] : memref<16x10240xf32, #tpu.memory_space<vmem_shared>> -> memref<1x640xf32, #tpu.memory_space<vmem_shared>>
      %dma_wait3A_163 = tpu.memref_squeeze %dma_wait3A : memref<1x640xf32, #tpu.memory_space<vmem_shared>> -> memref<640xf32, #tpu.memory_space<vmem_shared>>
      %dma_wait3A_164 = tpu.memref_slice %arg6[%run_scoped3A_39, %mul3A_24] : memref<16x10240xf32, #tpu.memory_space<vmem_shared>> -> memref<1x640xf32, #tpu.memory_space<vmem_shared>>
      %dma_wait3A_165 = tpu.memref_squeeze %dma_wait3A_164 : memref<1x640xf32, #tpu.memory_space<vmem_shared>> -> memref<640xf32, #tpu.memory_space<vmem_shared>>
      tpu.wait_dma2 semaphore(%run_scoped3A_159 : memref<!tpu.dma_semaphore, #tpu.memory_space<semaphore_mem>>) src(%dma_wait3A_165 : memref<640xf32, #tpu.memory_space<vmem_shared>>) dst(%arg7 : memref<640xf32, #tpu.memory_space<vmem>>)
      tpu.yield
    }) : () -> ()
    %scan3A_40 = arith.constant 0 : i32
    %scan3A_41 = arith.constant 0 : i32
    %scan3A_42 = arith.constant 40 : i32
    %scan3A_43 = arith.addi %scan3A_41, %scan3A_42 : i32
    %scan3A_44 = arith.constant 1 : i32
    %scan3A_45 = scf.for %scan3A_159 = %scan3A_41 to %scan3A_43 step %scan3A_44 iter_args(%scan3A_160 = %scan3A_40) -> (i32)  : i32 {
      %mul3A_161 = arith.constant 16 : i32
      %mul3A_162 = arith.muli %scan3A_159, %mul3A_161 : i32
      %get3A = arith.index_cast %mul3A_162 : i32 to index
      %get3A_163 = tpu.vector_load %arg8[%get3A] {strides = array<i32>} : memref<640xf32, #tpu.memory_space<vmem>>, vector<16xf32>,
      %get3A_164 = arith.index_cast %mul3A_162 : i32 to index
      %get3A_165 = tpu.vector_load %arg7[%get3A_164] {strides = array<i32>} : memref<640xf32, #tpu.memory_space<vmem>>, vector<16xf32>,
      %add3A = arith.addf %get3A_163, %get3A_165 : vector<16xf32>
      %swap3A = arith.index_cast %mul3A_162 : i32 to index
      %swap3A_166 = tpu.vector_load %arg8[%swap3A] {strides = array<i32>} : memref<640xf32, #tpu.memory_space<vmem>>, vector<16xf32>,
      tpu.vector_store %arg8[%swap3A], %add3A {strides = array<i32>} : memref<640xf32, #tpu.memory_space<vmem>>, vector<16xf32>,
      %scan3A_167 = arith.constant 0 : i32
      scf.yield %scan3A_167 : i32
    }
    %scan3A_46 = arith.constant 40 : i32
    %run_scoped3A_47 = arith.constant 2 : i32
    "tpu.region"() ({
      %run_scoped3A_159 = tpu.sem_alloc : memref<!tpu.dma_semaphore, #tpu.memory_space<semaphore_mem>>
      %dma_start3A = tpu.memref_slice %arg6[%run_scoped3A_47, %mul3A_24] : memref<16x10240xf32, #tpu.memory_space<vmem_shared>> -> memref<1x640xf32, #tpu.memory_space<vmem_shared>>
      %dma_start3A_160 = tpu.memref_squeeze %dma_start3A : memref<1x640xf32, #tpu.memory_space<vmem_shared>> -> memref<640xf32, #tpu.memory_space<vmem_shared>>
      %dma_start3A_161 = tpu.memref_slice %arg6[%run_scoped3A_47, %mul3A_24] : memref<16x10240xf32, #tpu.memory_space<vmem_shared>> -> memref<1x640xf32, #tpu.memory_space<vmem_shared>>
      %dma_start3A_162 = tpu.memref_squeeze %dma_start3A_161 : memref<1x640xf32, #tpu.memory_space<vmem_shared>> -> memref<640xf32, #tpu.memory_space<vmem_shared>>
      tpu.enqueue_dma source(%dma_start3A_162 : memref<640xf32, #tpu.memory_space<vmem_shared>>) target(%arg7 : memref<640xf32, #tpu.memory_space<vmem>>) target_semaphore(%run_scoped3A_159 : memref<!tpu.dma_semaphore, #tpu.memory_space<semaphore_mem>>)
      %dma_wait3A = tpu.memref_slice %arg6[%run_scoped3A_47, %mul3A_24] : memref<16x10240xf32, #tpu.memory_space<vmem_shared>> -> memref<1x640xf32, #tpu.memory_space<vmem_shared>>
      %dma_wait3A_163 = tpu.memref_squeeze %dma_wait3A : memref<1x640xf32, #tpu.memory_space<vmem_shared>> -> memref<640xf32, #tpu.memory_space<vmem_shared>>
      %dma_wait3A_164 = tpu.memref_slice %arg6[%run_scoped3A_47, %mul3A_24] : memref<16x10240xf32, #tpu.memory_space<vmem_shared>> -> memref<1x640xf32, #tpu.memory_space<vmem_shared>>
      %dma_wait3A_165 = tpu.memref_squeeze %dma_wait3A_164 : memref<1x640xf32, #tpu.memory_space<vmem_shared>> -> memref<640xf32, #tpu.memory_space<vmem_shared>>
      tpu.wait_dma2 semaphore(%run_scoped3A_159 : memref<!tpu.dma_semaphore, #tpu.memory_space<semaphore_mem>>) src(%dma_wait3A_165 : memref<640xf32, #tpu.memory_space<vmem_shared>>) dst(%arg7 : memref<640xf32, #tpu.memory_space<vmem>>)
      tpu.yield
    }) : () -> ()
    %scan3A_48 = arith.constant 0 : i32
    %scan3A_49 = arith.constant 0 : i32
    %scan3A_50 = arith.constant 40 : i32
    %scan3A_51 = arith.addi %scan3A_49, %scan3A_50 : i32
    %scan3A_52 = arith.constant 1 : i32
    %scan3A_53 = scf.for %scan3A_159 = %scan3A_49 to %scan3A_51 step %scan3A_52 iter_args(%scan3A_160 = %scan3A_48) -> (i32)  : i32 {
      %mul3A_161 = arith.constant 16 : i32
      %mul3A_162 = arith.muli %scan3A_159, %mul3A_161 : i32
      %get3A = arith.index_cast %mul3A_162 : i32 to index
      %get3A_163 = tpu.vector_load %arg8[%get3A] {strides = array<i32>} : memref<640xf32, #tpu.memory_space<vmem>>, vector<16xf32>,
      %get3A_164 = arith.index_cast %mul3A_162 : i32 to index
      %get3A_165 = tpu.vector_load %arg7[%get3A_164] {strides = array<i32>} : memref<640xf32, #tpu.memory_space<vmem>>, vector<16xf32>,
      %add3A = arith.addf %get3A_163, %get3A_165 : vector<16xf32>
      %swap3A = arith.index_cast %mul3A_162 : i32 to index
      %swap3A_166 = tpu.vector_load %arg8[%swap3A] {strides = array<i32>} : memref<640xf32, #tpu.memory_space<vmem>>, vector<16xf32>,
      tpu.vector_store %arg8[%swap3A], %add3A {strides = array<i32>} : memref<640xf32, #tpu.memory_space<vmem>>, vector<16xf32>,
      %scan3A_167 = arith.constant 0 : i32
      scf.yield %scan3A_167 : i32
    }
    %scan3A_54 = arith.constant 40 : i32
    %run_scoped3A_55 = arith.constant 3 : i32
    "tpu.region"() ({
      %run_scoped3A_159 = tpu.sem_alloc : memref<!tpu.dma_semaphore, #tpu.memory_space<semaphore_mem>>
      %dma_start3A = tpu.memref_slice %arg6[%run_scoped3A_55, %mul3A_24] : memref<16x10240xf32, #tpu.memory_space<vmem_shared>> -> memref<1x640xf32, #tpu.memory_space<vmem_shared>>
      %dma_start3A_160 = tpu.memref_squeeze %dma_start3A : memref<1x640xf32, #tpu.memory_space<vmem_shared>> -> memref<640xf32, #tpu.memory_space<vmem_shared>>
      %dma_start3A_161 = tpu.memref_slice %arg6[%run_scoped3A_55, %mul3A_24] : memref<16x10240xf32, #tpu.memory_space<vmem_shared>> -> memref<1x640xf32, #tpu.memory_space<vmem_shared>>
      %dma_start3A_162 = tpu.memref_squeeze %dma_start3A_161 : memref<1x640xf32, #tpu.memory_space<vmem_shared>> -> memref<640xf32, #tpu.memory_space<vmem_shared>>
      tpu.enqueue_dma source(%dma_start3A_162 : memref<640xf32, #tpu.memory_space<vmem_shared>>) target(%arg7 : memref<640xf32, #tpu.memory_space<vmem>>) target_semaphore(%run_scoped3A_159 : memref<!tpu.dma_semaphore, #tpu.memory_space<semaphore_mem>>)
      %dma_wait3A = tpu.memref_slice %arg6[%run_scoped3A_55, %mul3A_24] : memref<16x10240xf32, #tpu.memory_space<vmem_shared>> -> memref<1x640xf32, #tpu.memory_space<vmem_shared>>
      %dma_wait3A_163 = tpu.memref_squeeze %dma_wait3A : memref<1x640xf32, #tpu.memory_space<vmem_shared>> -> memref<640xf32, #tpu.memory_space<vmem_shared>>
      %dma_wait3A_164 = tpu.memref_slice %arg6[%run_scoped3A_55, %mul3A_24] : memref<16x10240xf32, #tpu.memory_space<vmem_shared>> -> memref<1x640xf32, #tpu.memory_space<vmem_shared>>
      %dma_wait3A_165 = tpu.memref_squeeze %dma_wait3A_164 : memref<1x640xf32, #tpu.memory_space<vmem_shared>> -> memref<640xf32, #tpu.memory_space<vmem_shared>>
      tpu.wait_dma2 semaphore(%run_scoped3A_159 : memref<!tpu.dma_semaphore, #tpu.memory_space<semaphore_mem>>) src(%dma_wait3A_165 : memref<640xf32, #tpu.memory_space<vmem_shared>>) dst(%arg7 : memref<640xf32, #tpu.memory_space<vmem>>)
      tpu.yield
    }) : () -> ()
    %scan3A_56 = arith.constant 0 : i32
    %scan3A_57 = arith.constant 0 : i32
    %scan3A_58 = arith.constant 40 : i32
    %scan3A_59 = arith.addi %scan3A_57, %scan3A_58 : i32
    %scan3A_60 = arith.constant 1 : i32
    %scan3A_61 = scf.for %scan3A_159 = %scan3A_57 to %scan3A_59 step %scan3A_60 iter_args(%scan3A_160 = %scan3A_56) -> (i32)  : i32 {
      %mul3A_161 = arith.constant 16 : i32
      %mul3A_162 = arith.muli %scan3A_159, %mul3A_161 : i32
      %get3A = arith.index_cast %mul3A_162 : i32 to index
      %get3A_163 = tpu.vector_load %arg8[%get3A] {strides = array<i32>} : memref<640xf32, #tpu.memory_space<vmem>>, vector<16xf32>,
      %get3A_164 = arith.index_cast %mul3A_162 : i32 to index
      %get3A_165 = tpu.vector_load %arg7[%get3A_164] {strides = array<i32>} : memref<640xf32, #tpu.memory_space<vmem>>, vector<16xf32>,
      %add3A = arith.addf %get3A_163, %get3A_165 : vector<16xf32>
      %swap3A = arith.index_cast %mul3A_162 : i32 to index
      %swap3A_166 = tpu.vector_load %arg8[%swap3A] {strides = array<i32>} : memref<640xf32, #tpu.memory_space<vmem>>, vector<16xf32>,
      tpu.vector_store %arg8[%swap3A], %add3A {strides = array<i32>} : memref<640xf32, #tpu.memory_space<vmem>>, vector<16xf32>,
      %scan3A_167 = arith.constant 0 : i32
      scf.yield %scan3A_167 : i32
    }
    %scan3A_62 = arith.constant 40 : i32
    %run_scoped3A_63 = arith.constant 4 : i32
    "tpu.region"() ({
      %run_scoped3A_159 = tpu.sem_alloc : memref<!tpu.dma_semaphore, #tpu.memory_space<semaphore_mem>>
      %dma_start3A = tpu.memref_slice %arg6[%run_scoped3A_63, %mul3A_24] : memref<16x10240xf32, #tpu.memory_space<vmem_shared>> -> memref<1x640xf32, #tpu.memory_space<vmem_shared>>
      %dma_start3A_160 = tpu.memref_squeeze %dma_start3A : memref<1x640xf32, #tpu.memory_space<vmem_shared>> -> memref<640xf32, #tpu.memory_space<vmem_shared>>
      %dma_start3A_161 = tpu.memref_slice %arg6[%run_scoped3A_63, %mul3A_24] : memref<16x10240xf32, #tpu.memory_space<vmem_shared>> -> memref<1x640xf32, #tpu.memory_space<vmem_shared>>
      %dma_start3A_162 = tpu.memref_squeeze %dma_start3A_161 : memref<1x640xf32, #tpu.memory_space<vmem_shared>> -> memref<640xf32, #tpu.memory_space<vmem_shared>>
      tpu.enqueue_dma source(%dma_start3A_162 : memref<640xf32, #tpu.memory_space<vmem_shared>>) target(%arg7 : memref<640xf32, #tpu.memory_space<vmem>>) target_semaphore(%run_scoped3A_159 : memref<!tpu.dma_semaphore, #tpu.memory_space<semaphore_mem>>)
      %dma_wait3A = tpu.memref_slice %arg6[%run_scoped3A_63, %mul3A_24] : memref<16x10240xf32, #tpu.memory_space<vmem_shared>> -> memref<1x640xf32, #tpu.memory_space<vmem_shared>>
      %dma_wait3A_163 = tpu.memref_squeeze %dma_wait3A : memref<1x640xf32, #tpu.memory_space<vmem_shared>> -> memref<640xf32, #tpu.memory_space<vmem_shared>>
      %dma_wait3A_164 = tpu.memref_slice %arg6[%run_scoped3A_63, %mul3A_24] : memref<16x10240xf32, #tpu.memory_space<vmem_shared>> -> memref<1x640xf32, #tpu.memory_space<vmem_shared>>
      %dma_wait3A_165 = tpu.memref_squeeze %dma_wait3A_164 : memref<1x640xf32, #tpu.memory_space<vmem_shared>> -> memref<640xf32, #tpu.memory_space<vmem_shared>>
      tpu.wait_dma2 semaphore(%run_scoped3A_159 : memref<!tpu.dma_semaphore, #tpu.memory_space<semaphore_mem>>) src(%dma_wait3A_165 : memref<640xf32, #tpu.memory_space<vmem_shared>>) dst(%arg7 : memref<640xf32, #tpu.memory_space<vmem>>)
      tpu.yield
    }) : () -> ()
    %scan3A_64 = arith.constant 0 : i32
    %scan3A_65 = arith.constant 0 : i32
    %scan3A_66 = arith.constant 40 : i32
    %scan3A_67 = arith.addi %scan3A_65, %scan3A_66 : i32
    %scan3A_68 = arith.constant 1 : i32
    %scan3A_69 = scf.for %scan3A_159 = %scan3A_65 to %scan3A_67 step %scan3A_68 iter_args(%scan3A_160 = %scan3A_64) -> (i32)  : i32 {
      %mul3A_161 = arith.constant 16 : i32
      %mul3A_162 = arith.muli %scan3A_159, %mul3A_161 : i32
      %get3A = arith.index_cast %mul3A_162 : i32 to index
      %get3A_163 = tpu.vector_load %arg8[%get3A] {strides = array<i32>} : memref<640xf32, #tpu.memory_space<vmem>>, vector<16xf32>,
      %get3A_164 = arith.index_cast %mul3A_162 : i32 to index
      %get3A_165 = tpu.vector_load %arg7[%get3A_164] {strides = array<i32>} : memref<640xf32, #tpu.memory_space<vmem>>, vector<16xf32>,
      %add3A = arith.addf %get3A_163, %get3A_165 : vector<16xf32>
      %swap3A = arith.index_cast %mul3A_162 : i32 to index
      %swap3A_166 = tpu.vector_load %arg8[%swap3A] {strides = array<i32>} : memref<640xf32, #tpu.memory_space<vmem>>, vector<16xf32>,
      tpu.vector_store %arg8[%swap3A], %add3A {strides = array<i32>} : memref<640xf32, #tpu.memory_space<vmem>>, vector<16xf32>,
      %scan3A_167 = arith.constant 0 : i32
      scf.yield %scan3A_167 : i32
    }
    %scan3A_70 = arith.constant 40 : i32
    %run_scoped3A_71 = arith.constant 5 : i32
    "tpu.region"() ({
      %run_scoped3A_159 = tpu.sem_alloc : memref<!tpu.dma_semaphore, #tpu.memory_space<semaphore_mem>>
      %dma_start3A = tpu.memref_slice %arg6[%run_scoped3A_71, %mul3A_24] : memref<16x10240xf32, #tpu.memory_space<vmem_shared>> -> memref<1x640xf32, #tpu.memory_space<vmem_shared>>
      %dma_start3A_160 = tpu.memref_squeeze %dma_start3A : memref<1x640xf32, #tpu.memory_space<vmem_shared>> -> memref<640xf32, #tpu.memory_space<vmem_shared>>
      %dma_start3A_161 = tpu.memref_slice %arg6[%run_scoped3A_71, %mul3A_24] : memref<16x10240xf32, #tpu.memory_space<vmem_shared>> -> memref<1x640xf32, #tpu.memory_space<vmem_shared>>
      %dma_start3A_162 = tpu.memref_squeeze %dma_start3A_161 : memref<1x640xf32, #tpu.memory_space<vmem_shared>> -> memref<640xf32, #tpu.memory_space<vmem_shared>>
      tpu.enqueue_dma source(%dma_start3A_162 : memref<640xf32, #tpu.memory_space<vmem_shared>>) target(%arg7 : memref<640xf32, #tpu.memory_space<vmem>>) target_semaphore(%run_scoped3A_159 : memref<!tpu.dma_semaphore, #tpu.memory_space<semaphore_mem>>)
      %dma_wait3A = tpu.memref_slice %arg6[%run_scoped3A_71, %mul3A_24] : memref<16x10240xf32, #tpu.memory_space<vmem_shared>> -> memref<1x640xf32, #tpu.memory_space<vmem_shared>>
      %dma_wait3A_163 = tpu.memref_squeeze %dma_wait3A : memref<1x640xf32, #tpu.memory_space<vmem_shared>> -> memref<640xf32, #tpu.memory_space<vmem_shared>>
      %dma_wait3A_164 = tpu.memref_slice %arg6[%run_scoped3A_71, %mul3A_24] : memref<16x10240xf32, #tpu.memory_space<vmem_shared>> -> memref<1x640xf32, #tpu.memory_space<vmem_shared>>
      %dma_wait3A_165 = tpu.memref_squeeze %dma_wait3A_164 : memref<1x640xf32, #tpu.memory_space<vmem_shared>> -> memref<640xf32, #tpu.memory_space<vmem_shared>>
      tpu.wait_dma2 semaphore(%run_scoped3A_159 : memref<!tpu.dma_semaphore, #tpu.memory_space<semaphore_mem>>) src(%dma_wait3A_165 : memref<640xf32, #tpu.memory_space<vmem_shared>>) dst(%arg7 : memref<640xf32, #tpu.memory_space<vmem>>)
      tpu.yield
    }) : () -> ()
    %scan3A_72 = arith.constant 0 : i32
    %scan3A_73 = arith.constant 0 : i32
    %scan3A_74 = arith.constant 40 : i32
    %scan3A_75 = arith.addi %scan3A_73, %scan3A_74 : i32
    %scan3A_76 = arith.constant 1 : i32
    %scan3A_77 = scf.for %scan3A_159 = %scan3A_73 to %scan3A_75 step %scan3A_76 iter_args(%scan3A_160 = %scan3A_72) -> (i32)  : i32 {
      %mul3A_161 = arith.constant 16 : i32
      %mul3A_162 = arith.muli %scan3A_159, %mul3A_161 : i32
      %get3A = arith.index_cast %mul3A_162 : i32 to index
      %get3A_163 = tpu.vector_load %arg8[%get3A] {strides = array<i32>} : memref<640xf32, #tpu.memory_space<vmem>>, vector<16xf32>,
      %get3A_164 = arith.index_cast %mul3A_162 : i32 to index
      %get3A_165 = tpu.vector_load %arg7[%get3A_164] {strides = array<i32>} : memref<640xf32, #tpu.memory_space<vmem>>, vector<16xf32>,
      %add3A = arith.addf %get3A_163, %get3A_165 : vector<16xf32>
      %swap3A = arith.index_cast %mul3A_162 : i32 to index
      %swap3A_166 = tpu.vector_load %arg8[%swap3A] {strides = array<i32>} : memref<640xf32, #tpu.memory_space<vmem>>, vector<16xf32>,
      tpu.vector_store %arg8[%swap3A], %add3A {strides = array<i32>} : memref<640xf32, #tpu.memory_space<vmem>>, vector<16xf32>,
      %scan3A_167 = arith.constant 0 : i32
      scf.yield %scan3A_167 : i32
    }
    %scan3A_78 = arith.constant 40 : i32
    %run_scoped3A_79 = arith.constant 6 : i32
    "tpu.region"() ({
      %run_scoped3A_159 = tpu.sem_alloc : memref<!tpu.dma_semaphore, #tpu.memory_space<semaphore_mem>>
      %dma_start3A = tpu.memref_slice %arg6[%run_scoped3A_79, %mul3A_24] : memref<16x10240xf32, #tpu.memory_space<vmem_shared>> -> memref<1x640xf32, #tpu.memory_space<vmem_shared>>
      %dma_start3A_160 = tpu.memref_squeeze %dma_start3A : memref<1x640xf32, #tpu.memory_space<vmem_shared>> -> memref<640xf32, #tpu.memory_space<vmem_shared>>
      %dma_start3A_161 = tpu.memref_slice %arg6[%run_scoped3A_79, %mul3A_24] : memref<16x10240xf32, #tpu.memory_space<vmem_shared>> -> memref<1x640xf32, #tpu.memory_space<vmem_shared>>
      %dma_start3A_162 = tpu.memref_squeeze %dma_start3A_161 : memref<1x640xf32, #tpu.memory_space<vmem_shared>> -> memref<640xf32, #tpu.memory_space<vmem_shared>>
      tpu.enqueue_dma source(%dma_start3A_162 : memref<640xf32, #tpu.memory_space<vmem_shared>>) target(%arg7 : memref<640xf32, #tpu.memory_space<vmem>>) target_semaphore(%run_scoped3A_159 : memref<!tpu.dma_semaphore, #tpu.memory_space<semaphore_mem>>)
      %dma_wait3A = tpu.memref_slice %arg6[%run_scoped3A_79, %mul3A_24] : memref<16x10240xf32, #tpu.memory_space<vmem_shared>> -> memref<1x640xf32, #tpu.memory_space<vmem_shared>>
      %dma_wait3A_163 = tpu.memref_squeeze %dma_wait3A : memref<1x640xf32, #tpu.memory_space<vmem_shared>> -> memref<640xf32, #tpu.memory_space<vmem_shared>>
      %dma_wait3A_164 = tpu.memref_slice %arg6[%run_scoped3A_79, %mul3A_24] : memref<16x10240xf32, #tpu.memory_space<vmem_shared>> -> memref<1x640xf32, #tpu.memory_space<vmem_shared>>
      %dma_wait3A_165 = tpu.memref_squeeze %dma_wait3A_164 : memref<1x640xf32, #tpu.memory_space<vmem_shared>> -> memref<640xf32, #tpu.memory_space<vmem_shared>>
      tpu.wait_dma2 semaphore(%run_scoped3A_159 : memref<!tpu.dma_semaphore, #tpu.memory_space<semaphore_mem>>) src(%dma_wait3A_165 : memref<640xf32, #tpu.memory_space<vmem_shared>>) dst(%arg7 : memref<640xf32, #tpu.memory_space<vmem>>)
      tpu.yield
    }) : () -> ()
    %scan3A_80 = arith.constant 0 : i32
    %scan3A_81 = arith.constant 0 : i32
    %scan3A_82 = arith.constant 40 : i32
    %scan3A_83 = arith.addi %scan3A_81, %scan3A_82 : i32
    %scan3A_84 = arith.constant 1 : i32
    %scan3A_85 = scf.for %scan3A_159 = %scan3A_81 to %scan3A_83 step %scan3A_84 iter_args(%scan3A_160 = %scan3A_80) -> (i32)  : i32 {
      %mul3A_161 = arith.constant 16 : i32
      %mul3A_162 = arith.muli %scan3A_159, %mul3A_161 : i32
      %get3A = arith.index_cast %mul3A_162 : i32 to index
      %get3A_163 = tpu.vector_load %arg8[%get3A] {strides = array<i32>} : memref<640xf32, #tpu.memory_space<vmem>>, vector<16xf32>,
      %get3A_164 = arith.index_cast %mul3A_162 : i32 to index
      %get3A_165 = tpu.vector_load %arg7[%get3A_164] {strides = array<i32>} : memref<640xf32, #tpu.memory_space<vmem>>, vector<16xf32>,
      %add3A = arith.addf %get3A_163, %get3A_165 : vector<16xf32>
      %swap3A = arith.index_cast %mul3A_162 : i32 to index
      %swap3A_166 = tpu.vector_load %arg8[%swap3A] {strides = array<i32>} : memref<640xf32, #tpu.memory_space<vmem>>, vector<16xf32>,
      tpu.vector_store %arg8[%swap3A], %add3A {strides = array<i32>} : memref<640xf32, #tpu.memory_space<vmem>>, vector<16xf32>,
      %scan3A_167 = arith.constant 0 : i32
      scf.yield %scan3A_167 : i32
    }
    %scan3A_86 = arith.constant 40 : i32
    %run_scoped3A_87 = arith.constant 7 : i32
    "tpu.region"() ({
      %run_scoped3A_159 = tpu.sem_alloc : memref<!tpu.dma_semaphore, #tpu.memory_space<semaphore_mem>>
      %dma_start3A = tpu.memref_slice %arg6[%run_scoped3A_87, %mul3A_24] : memref<16x10240xf32, #tpu.memory_space<vmem_shared>> -> memref<1x640xf32, #tpu.memory_space<vmem_shared>>
      %dma_start3A_160 = tpu.memref_squeeze %dma_start3A : memref<1x640xf32, #tpu.memory_space<vmem_shared>> -> memref<640xf32, #tpu.memory_space<vmem_shared>>
      %dma_start3A_161 = tpu.memref_slice %arg6[%run_scoped3A_87, %mul3A_24] : memref<16x10240xf32, #tpu.memory_space<vmem_shared>> -> memref<1x640xf32, #tpu.memory_space<vmem_shared>>
      %dma_start3A_162 = tpu.memref_squeeze %dma_start3A_161 : memref<1x640xf32, #tpu.memory_space<vmem_shared>> -> memref<640xf32, #tpu.memory_space<vmem_shared>>
      tpu.enqueue_dma source(%dma_start3A_162 : memref<640xf32, #tpu.memory_space<vmem_shared>>) target(%arg7 : memref<640xf32, #tpu.memory_space<vmem>>) target_semaphore(%run_scoped3A_159 : memref<!tpu.dma_semaphore, #tpu.memory_space<semaphore_mem>>)
      %dma_wait3A = tpu.memref_slice %arg6[%run_scoped3A_87, %mul3A_24] : memref<16x10240xf32, #tpu.memory_space<vmem_shared>> -> memref<1x640xf32, #tpu.memory_space<vmem_shared>>
      %dma_wait3A_163 = tpu.memref_squeeze %dma_wait3A : memref<1x640xf32, #tpu.memory_space<vmem_shared>> -> memref<640xf32, #tpu.memory_space<vmem_shared>>
      %dma_wait3A_164 = tpu.memref_slice %arg6[%run_scoped3A_87, %mul3A_24] : memref<16x10240xf32, #tpu.memory_space<vmem_shared>> -> memref<1x640xf32, #tpu.memory_space<vmem_shared>>
      %dma_wait3A_165 = tpu.memref_squeeze %dma_wait3A_164 : memref<1x640xf32, #tpu.memory_space<vmem_shared>> -> memref<640xf32, #tpu.memory_space<vmem_shared>>
      tpu.wait_dma2 semaphore(%run_scoped3A_159 : memref<!tpu.dma_semaphore, #tpu.memory_space<semaphore_mem>>) src(%dma_wait3A_165 : memref<640xf32, #tpu.memory_space<vmem_shared>>) dst(%arg7 : memref<640xf32, #tpu.memory_space<vmem>>)
      tpu.yield
    }) : () -> ()
    %scan3A_88 = arith.constant 0 : i32
    %scan3A_89 = arith.constant 0 : i32
    %scan3A_90 = arith.constant 40 : i32
    %scan3A_91 = arith.addi %scan3A_89, %scan3A_90 : i32
    %scan3A_92 = arith.constant 1 : i32
    %scan3A_93 = scf.for %scan3A_159 = %scan3A_89 to %scan3A_91 step %scan3A_92 iter_args(%scan3A_160 = %scan3A_88) -> (i32)  : i32 {
      %mul3A_161 = arith.constant 16 : i32
      %mul3A_162 = arith.muli %scan3A_159, %mul3A_161 : i32
      %get3A = arith.index_cast %mul3A_162 : i32 to index
      %get3A_163 = tpu.vector_load %arg8[%get3A] {strides = array<i32>} : memref<640xf32, #tpu.memory_space<vmem>>, vector<16xf32>,
      %get3A_164 = arith.index_cast %mul3A_162 : i32 to index
      %get3A_165 = tpu.vector_load %arg7[%get3A_164] {strides = array<i32>} : memref<640xf32, #tpu.memory_space<vmem>>, vector<16xf32>,
      %add3A = arith.addf %get3A_163, %get3A_165 : vector<16xf32>
      %swap3A = arith.index_cast %mul3A_162 : i32 to index
      %swap3A_166 = tpu.vector_load %arg8[%swap3A] {strides = array<i32>} : memref<640xf32, #tpu.memory_space<vmem>>, vector<16xf32>,
      tpu.vector_store %arg8[%swap3A], %add3A {strides = array<i32>} : memref<640xf32, #tpu.memory_space<vmem>>, vector<16xf32>,
      %scan3A_167 = arith.constant 0 : i32
      scf.yield %scan3A_167 : i32
    }
    %scan3A_94 = arith.constant 40 : i32
    %run_scoped3A_95 = arith.constant 8 : i32
    "tpu.region"() ({
      %run_scoped3A_159 = tpu.sem_alloc : memref<!tpu.dma_semaphore, #tpu.memory_space<semaphore_mem>>
      %dma_start3A = tpu.memref_slice %arg6[%run_scoped3A_95, %mul3A_24] : memref<16x10240xf32, #tpu.memory_space<vmem_shared>> -> memref<1x640xf32, #tpu.memory_space<vmem_shared>>
      %dma_start3A_160 = tpu.memref_squeeze %dma_start3A : memref<1x640xf32, #tpu.memory_space<vmem_shared>> -> memref<640xf32, #tpu.memory_space<vmem_shared>>
      %dma_start3A_161 = tpu.memref_slice %arg6[%run_scoped3A_95, %mul3A_24] : memref<16x10240xf32, #tpu.memory_space<vmem_shared>> -> memref<1x640xf32, #tpu.memory_space<vmem_shared>>
      %dma_start3A_162 = tpu.memref_squeeze %dma_start3A_161 : memref<1x640xf32, #tpu.memory_space<vmem_shared>> -> memref<640xf32, #tpu.memory_space<vmem_shared>>
      tpu.enqueue_dma source(%dma_start3A_162 : memref<640xf32, #tpu.memory_space<vmem_shared>>) target(%arg7 : memref<640xf32, #tpu.memory_space<vmem>>) target_semaphore(%run_scoped3A_159 : memref<!tpu.dma_semaphore, #tpu.memory_space<semaphore_mem>>)
      %dma_wait3A = tpu.memref_slice %arg6[%run_scoped3A_95, %mul3A_24] : memref<16x10240xf32, #tpu.memory_space<vmem_shared>> -> memref<1x640xf32, #tpu.memory_space<vmem_shared>>
      %dma_wait3A_163 = tpu.memref_squeeze %dma_wait3A : memref<1x640xf32, #tpu.memory_space<vmem_shared>> -> memref<640xf32, #tpu.memory_space<vmem_shared>>
      %dma_wait3A_164 = tpu.memref_slice %arg6[%run_scoped3A_95, %mul3A_24] : memref<16x10240xf32, #tpu.memory_space<vmem_shared>> -> memref<1x640xf32, #tpu.memory_space<vmem_shared>>
      %dma_wait3A_165 = tpu.memref_squeeze %dma_wait3A_164 : memref<1x640xf32, #tpu.memory_space<vmem_shared>> -> memref<640xf32, #tpu.memory_space<vmem_shared>>
      tpu.wait_dma2 semaphore(%run_scoped3A_159 : memref<!tpu.dma_semaphore, #tpu.memory_space<semaphore_mem>>) src(%dma_wait3A_165 : memref<640xf32, #tpu.memory_space<vmem_shared>>) dst(%arg7 : memref<640xf32, #tpu.memory_space<vmem>>)
      tpu.yield
    }) : () -> ()
    %scan3A_96 = arith.constant 0 : i32
    %scan3A_97 = arith.constant 0 : i32
    %scan3A_98 = arith.constant 40 : i32
    %scan3A_99 = arith.addi %scan3A_97, %scan3A_98 : i32
    %scan3A_100 = arith.constant 1 : i32
    %scan3A_101 = scf.for %scan3A_159 = %scan3A_97 to %scan3A_99 step %scan3A_100 iter_args(%scan3A_160 = %scan3A_96) -> (i32)  : i32 {
      %mul3A_161 = arith.constant 16 : i32
      %mul3A_162 = arith.muli %scan3A_159, %mul3A_161 : i32
      %get3A = arith.index_cast %mul3A_162 : i32 to index
      %get3A_163 = tpu.vector_load %arg8[%get3A] {strides = array<i32>} : memref<640xf32, #tpu.memory_space<vmem>>, vector<16xf32>,
      %get3A_164 = arith.index_cast %mul3A_162 : i32 to index
      %get3A_165 = tpu.vector_load %arg7[%get3A_164] {strides = array<i32>} : memref<640xf32, #tpu.memory_space<vmem>>, vector<16xf32>,
      %add3A = arith.addf %get3A_163, %get3A_165 : vector<16xf32>
      %swap3A = arith.index_cast %mul3A_162 : i32 to index
      %swap3A_166 = tpu.vector_load %arg8[%swap3A] {strides = array<i32>} : memref<640xf32, #tpu.memory_space<vmem>>, vector<16xf32>,
      tpu.vector_store %arg8[%swap3A], %add3A {strides = array<i32>} : memref<640xf32, #tpu.memory_space<vmem>>, vector<16xf32>,
      %scan3A_167 = arith.constant 0 : i32
      scf.yield %scan3A_167 : i32
    }
    %scan3A_102 = arith.constant 40 : i32
    %run_scoped3A_103 = arith.constant 9 : i32
    "tpu.region"() ({
      %run_scoped3A_159 = tpu.sem_alloc : memref<!tpu.dma_semaphore, #tpu.memory_space<semaphore_mem>>
      %dma_start3A = tpu.memref_slice %arg6[%run_scoped3A_103, %mul3A_24] : memref<16x10240xf32, #tpu.memory_space<vmem_shared>> -> memref<1x640xf32, #tpu.memory_space<vmem_shared>>
      %dma_start3A_160 = tpu.memref_squeeze %dma_start3A : memref<1x640xf32, #tpu.memory_space<vmem_shared>> -> memref<640xf32, #tpu.memory_space<vmem_shared>>
      %dma_start3A_161 = tpu.memref_slice %arg6[%run_scoped3A_103, %mul3A_24] : memref<16x10240xf32, #tpu.memory_space<vmem_shared>> -> memref<1x640xf32, #tpu.memory_space<vmem_shared>>
      %dma_start3A_162 = tpu.memref_squeeze %dma_start3A_161 : memref<1x640xf32, #tpu.memory_space<vmem_shared>> -> memref<640xf32, #tpu.memory_space<vmem_shared>>
      tpu.enqueue_dma source(%dma_start3A_162 : memref<640xf32, #tpu.memory_space<vmem_shared>>) target(%arg7 : memref<640xf32, #tpu.memory_space<vmem>>) target_semaphore(%run_scoped3A_159 : memref<!tpu.dma_semaphore, #tpu.memory_space<semaphore_mem>>)
      %dma_wait3A = tpu.memref_slice %arg6[%run_scoped3A_103, %mul3A_24] : memref<16x10240xf32, #tpu.memory_space<vmem_shared>> -> memref<1x640xf32, #tpu.memory_space<vmem_shared>>
      %dma_wait3A_163 = tpu.memref_squeeze %dma_wait3A : memref<1x640xf32, #tpu.memory_space<vmem_shared>> -> memref<640xf32, #tpu.memory_space<vmem_shared>>
      %dma_wait3A_164 = tpu.memref_slice %arg6[%run_scoped3A_103, %mul3A_24] : memref<16x10240xf32, #tpu.memory_space<vmem_shared>> -> memref<1x640xf32, #tpu.memory_space<vmem_shared>>
      %dma_wait3A_165 = tpu.memref_squeeze %dma_wait3A_164 : memref<1x640xf32, #tpu.memory_space<vmem_shared>> -> memref<640xf32, #tpu.memory_space<vmem_shared>>
      tpu.wait_dma2 semaphore(%run_scoped3A_159 : memref<!tpu.dma_semaphore, #tpu.memory_space<semaphore_mem>>) src(%dma_wait3A_165 : memref<640xf32, #tpu.memory_space<vmem_shared>>) dst(%arg7 : memref<640xf32, #tpu.memory_space<vmem>>)
      tpu.yield
    }) : () -> ()
    %scan3A_104 = arith.constant 0 : i32
    %scan3A_105 = arith.constant 0 : i32
    %scan3A_106 = arith.constant 40 : i32
    %scan3A_107 = arith.addi %scan3A_105, %scan3A_106 : i32
    %scan3A_108 = arith.constant 1 : i32
    %scan3A_109 = scf.for %scan3A_159 = %scan3A_105 to %scan3A_107 step %scan3A_108 iter_args(%scan3A_160 = %scan3A_104) -> (i32)  : i32 {
      %mul3A_161 = arith.constant 16 : i32
      %mul3A_162 = arith.muli %scan3A_159, %mul3A_161 : i32
      %get3A = arith.index_cast %mul3A_162 : i32 to index
      %get3A_163 = tpu.vector_load %arg8[%get3A] {strides = array<i32>} : memref<640xf32, #tpu.memory_space<vmem>>, vector<16xf32>,
      %get3A_164 = arith.index_cast %mul3A_162 : i32 to index
      %get3A_165 = tpu.vector_load %arg7[%get3A_164] {strides = array<i32>} : memref<640xf32, #tpu.memory_space<vmem>>, vector<16xf32>,
      %add3A = arith.addf %get3A_163, %get3A_165 : vector<16xf32>
      %swap3A = arith.index_cast %mul3A_162 : i32 to index
      %swap3A_166 = tpu.vector_load %arg8[%swap3A] {strides = array<i32>} : memref<640xf32, #tpu.memory_space<vmem>>, vector<16xf32>,
      tpu.vector_store %arg8[%swap3A], %add3A {strides = array<i32>} : memref<640xf32, #tpu.memory_space<vmem>>, vector<16xf32>,
      %scan3A_167 = arith.constant 0 : i32
      scf.yield %scan3A_167 : i32
    }
    %scan3A_110 = arith.constant 40 : i32
    %run_scoped3A_111 = arith.constant 10 : i32
    "tpu.region"() ({
      %run_scoped3A_159 = tpu.sem_alloc : memref<!tpu.dma_semaphore, #tpu.memory_space<semaphore_mem>>
      %dma_start3A = tpu.memref_slice %arg6[%run_scoped3A_111, %mul3A_24] : memref<16x10240xf32, #tpu.memory_space<vmem_shared>> -> memref<1x640xf32, #tpu.memory_space<vmem_shared>>
      %dma_start3A_160 = tpu.memref_squeeze %dma_start3A : memref<1x640xf32, #tpu.memory_space<vmem_shared>> -> memref<640xf32, #tpu.memory_space<vmem_shared>>
      %dma_start3A_161 = tpu.memref_slice %arg6[%run_scoped3A_111, %mul3A_24] : memref<16x10240xf32, #tpu.memory_space<vmem_shared>> -> memref<1x640xf32, #tpu.memory_space<vmem_shared>>
      %dma_start3A_162 = tpu.memref_squeeze %dma_start3A_161 : memref<1x640xf32, #tpu.memory_space<vmem_shared>> -> memref<640xf32, #tpu.memory_space<vmem_shared>>
      tpu.enqueue_dma source(%dma_start3A_162 : memref<640xf32, #tpu.memory_space<vmem_shared>>) target(%arg7 : memref<640xf32, #tpu.memory_space<vmem>>) target_semaphore(%run_scoped3A_159 : memref<!tpu.dma_semaphore, #tpu.memory_space<semaphore_mem>>)
      %dma_wait3A = tpu.memref_slice %arg6[%run_scoped3A_111, %mul3A_24] : memref<16x10240xf32, #tpu.memory_space<vmem_shared>> -> memref<1x640xf32, #tpu.memory_space<vmem_shared>>
      %dma_wait3A_163 = tpu.memref_squeeze %dma_wait3A : memref<1x640xf32, #tpu.memory_space<vmem_shared>> -> memref<640xf32, #tpu.memory_space<vmem_shared>>
      %dma_wait3A_164 = tpu.memref_slice %arg6[%run_scoped3A_111, %mul3A_24] : memref<16x10240xf32, #tpu.memory_space<vmem_shared>> -> memref<1x640xf32, #tpu.memory_space<vmem_shared>>
      %dma_wait3A_165 = tpu.memref_squeeze %dma_wait3A_164 : memref<1x640xf32, #tpu.memory_space<vmem_shared>> -> memref<640xf32, #tpu.memory_space<vmem_shared>>
      tpu.wait_dma2 semaphore(%run_scoped3A_159 : memref<!tpu.dma_semaphore, #tpu.memory_space<semaphore_mem>>) src(%dma_wait3A_165 : memref<640xf32, #tpu.memory_space<vmem_shared>>) dst(%arg7 : memref<640xf32, #tpu.memory_space<vmem>>)
      tpu.yield
    }) : () -> ()
    %scan3A_112 = arith.constant 0 : i32
    %scan3A_113 = arith.constant 0 : i32
    %scan3A_114 = arith.constant 40 : i32
    %scan3A_115 = arith.addi %scan3A_113, %scan3A_114 : i32
    %scan3A_116 = arith.constant 1 : i32
    %scan3A_117 = scf.for %scan3A_159 = %scan3A_113 to %scan3A_115 step %scan3A_116 iter_args(%scan3A_160 = %scan3A_112) -> (i32)  : i32 {
      %mul3A_161 = arith.constant 16 : i32
      %mul3A_162 = arith.muli %scan3A_159, %mul3A_161 : i32
      %get3A = arith.index_cast %mul3A_162 : i32 to index
      %get3A_163 = tpu.vector_load %arg8[%get3A] {strides = array<i32>} : memref<640xf32, #tpu.memory_space<vmem>>, vector<16xf32>,
      %get3A_164 = arith.index_cast %mul3A_162 : i32 to index
      %get3A_165 = tpu.vector_load %arg7[%get3A_164] {strides = array<i32>} : memref<640xf32, #tpu.memory_space<vmem>>, vector<16xf32>,
      %add3A = arith.addf %get3A_163, %get3A_165 : vector<16xf32>
      %swap3A = arith.index_cast %mul3A_162 : i32 to index
      %swap3A_166 = tpu.vector_load %arg8[%swap3A] {strides = array<i32>} : memref<640xf32, #tpu.memory_space<vmem>>, vector<16xf32>,
      tpu.vector_store %arg8[%swap3A], %add3A {strides = array<i32>} : memref<640xf32, #tpu.memory_space<vmem>>, vector<16xf32>,
      %scan3A_167 = arith.constant 0 : i32
      scf.yield %scan3A_167 : i32
    }
    %scan3A_118 = arith.constant 40 : i32
    %run_scoped3A_119 = arith.constant 11 : i32
    "tpu.region"() ({
      %run_scoped3A_159 = tpu.sem_alloc : memref<!tpu.dma_semaphore, #tpu.memory_space<semaphore_mem>>
      %dma_start3A = tpu.memref_slice %arg6[%run_scoped3A_119, %mul3A_24] : memref<16x10240xf32, #tpu.memory_space<vmem_shared>> -> memref<1x640xf32, #tpu.memory_space<vmem_shared>>
      %dma_start3A_160 = tpu.memref_squeeze %dma_start3A : memref<1x640xf32, #tpu.memory_space<vmem_shared>> -> memref<640xf32, #tpu.memory_space<vmem_shared>>
      %dma_start3A_161 = tpu.memref_slice %arg6[%run_scoped3A_119, %mul3A_24] : memref<16x10240xf32, #tpu.memory_space<vmem_shared>> -> memref<1x640xf32, #tpu.memory_space<vmem_shared>>
      %dma_start3A_162 = tpu.memref_squeeze %dma_start3A_161 : memref<1x640xf32, #tpu.memory_space<vmem_shared>> -> memref<640xf32, #tpu.memory_space<vmem_shared>>
      tpu.enqueue_dma source(%dma_start3A_162 : memref<640xf32, #tpu.memory_space<vmem_shared>>) target(%arg7 : memref<640xf32, #tpu.memory_space<vmem>>) target_semaphore(%run_scoped3A_159 : memref<!tpu.dma_semaphore, #tpu.memory_space<semaphore_mem>>)
      %dma_wait3A = tpu.memref_slice %arg6[%run_scoped3A_119, %mul3A_24] : memref<16x10240xf32, #tpu.memory_space<vmem_shared>> -> memref<1x640xf32, #tpu.memory_space<vmem_shared>>
      %dma_wait3A_163 = tpu.memref_squeeze %dma_wait3A : memref<1x640xf32, #tpu.memory_space<vmem_shared>> -> memref<640xf32, #tpu.memory_space<vmem_shared>>
      %dma_wait3A_164 = tpu.memref_slice %arg6[%run_scoped3A_119, %mul3A_24] : memref<16x10240xf32, #tpu.memory_space<vmem_shared>> -> memref<1x640xf32, #tpu.memory_space<vmem_shared>>
      %dma_wait3A_165 = tpu.memref_squeeze %dma_wait3A_164 : memref<1x640xf32, #tpu.memory_space<vmem_shared>> -> memref<640xf32, #tpu.memory_space<vmem_shared>>
      tpu.wait_dma2 semaphore(%run_scoped3A_159 : memref<!tpu.dma_semaphore, #tpu.memory_space<semaphore_mem>>) src(%dma_wait3A_165 : memref<640xf32, #tpu.memory_space<vmem_shared>>) dst(%arg7 : memref<640xf32, #tpu.memory_space<vmem>>)
      tpu.yield
    }) : () -> ()
    %scan3A_120 = arith.constant 0 : i32
    %scan3A_121 = arith.constant 0 : i32
    %scan3A_122 = arith.constant 40 : i32
    %scan3A_123 = arith.addi %scan3A_121, %scan3A_122 : i32
    %scan3A_124 = arith.constant 1 : i32
    %scan3A_125 = scf.for %scan3A_159 = %scan3A_121 to %scan3A_123 step %scan3A_124 iter_args(%scan3A_160 = %scan3A_120) -> (i32)  : i32 {
      %mul3A_161 = arith.constant 16 : i32
      %mul3A_162 = arith.muli %scan3A_159, %mul3A_161 : i32
      %get3A = arith.index_cast %mul3A_162 : i32 to index
      %get3A_163 = tpu.vector_load %arg8[%get3A] {strides = array<i32>} : memref<640xf32, #tpu.memory_space<vmem>>, vector<16xf32>,
      %get3A_164 = arith.index_cast %mul3A_162 : i32 to index
      %get3A_165 = tpu.vector_load %arg7[%get3A_164] {strides = array<i32>} : memref<640xf32, #tpu.memory_space<vmem>>, vector<16xf32>,
      %add3A = arith.addf %get3A_163, %get3A_165 : vector<16xf32>
      %swap3A = arith.index_cast %mul3A_162 : i32 to index
      %swap3A_166 = tpu.vector_load %arg8[%swap3A] {strides = array<i32>} : memref<640xf32, #tpu.memory_space<vmem>>, vector<16xf32>,
      tpu.vector_store %arg8[%swap3A], %add3A {strides = array<i32>} : memref<640xf32, #tpu.memory_space<vmem>>, vector<16xf32>,
      %scan3A_167 = arith.constant 0 : i32
      scf.yield %scan3A_167 : i32
    }
    %scan3A_126 = arith.constant 40 : i32
    %run_scoped3A_127 = arith.constant 12 : i32
    "tpu.region"() ({
      %run_scoped3A_159 = tpu.sem_alloc : memref<!tpu.dma_semaphore, #tpu.memory_space<semaphore_mem>>
      %dma_start3A = tpu.memref_slice %arg6[%run_scoped3A_127, %mul3A_24] : memref<16x10240xf32, #tpu.memory_space<vmem_shared>> -> memref<1x640xf32, #tpu.memory_space<vmem_shared>>
      %dma_start3A_160 = tpu.memref_squeeze %dma_start3A : memref<1x640xf32, #tpu.memory_space<vmem_shared>> -> memref<640xf32, #tpu.memory_space<vmem_shared>>
      %dma_start3A_161 = tpu.memref_slice %arg6[%run_scoped3A_127, %mul3A_24] : memref<16x10240xf32, #tpu.memory_space<vmem_shared>> -> memref<1x640xf32, #tpu.memory_space<vmem_shared>>
      %dma_start3A_162 = tpu.memref_squeeze %dma_start3A_161 : memref<1x640xf32, #tpu.memory_space<vmem_shared>> -> memref<640xf32, #tpu.memory_space<vmem_shared>>
      tpu.enqueue_dma source(%dma_start3A_162 : memref<640xf32, #tpu.memory_space<vmem_shared>>) target(%arg7 : memref<640xf32, #tpu.memory_space<vmem>>) target_semaphore(%run_scoped3A_159 : memref<!tpu.dma_semaphore, #tpu.memory_space<semaphore_mem>>)
      %dma_wait3A = tpu.memref_slice %arg6[%run_scoped3A_127, %mul3A_24] : memref<16x10240xf32, #tpu.memory_space<vmem_shared>> -> memref<1x640xf32, #tpu.memory_space<vmem_shared>>
      %dma_wait3A_163 = tpu.memref_squeeze %dma_wait3A : memref<1x640xf32, #tpu.memory_space<vmem_shared>> -> memref<640xf32, #tpu.memory_space<vmem_shared>>
      %dma_wait3A_164 = tpu.memref_slice %arg6[%run_scoped3A_127, %mul3A_24] : memref<16x10240xf32, #tpu.memory_space<vmem_shared>> -> memref<1x640xf32, #tpu.memory_space<vmem_shared>>
      %dma_wait3A_165 = tpu.memref_squeeze %dma_wait3A_164 : memref<1x640xf32, #tpu.memory_space<vmem_shared>> -> memref<640xf32, #tpu.memory_space<vmem_shared>>
      tpu.wait_dma2 semaphore(%run_scoped3A_159 : memref<!tpu.dma_semaphore, #tpu.memory_space<semaphore_mem>>) src(%dma_wait3A_165 : memref<640xf32, #tpu.memory_space<vmem_shared>>) dst(%arg7 : memref<640xf32, #tpu.memory_space<vmem>>)
      tpu.yield
    }) : () -> ()
    %scan3A_128 = arith.constant 0 : i32
    %scan3A_129 = arith.constant 0 : i32
    %scan3A_130 = arith.constant 40 : i32
    %scan3A_131 = arith.addi %scan3A_129, %scan3A_130 : i32
    %scan3A_132 = arith.constant 1 : i32
    %scan3A_133 = scf.for %scan3A_159 = %scan3A_129 to %scan3A_131 step %scan3A_132 iter_args(%scan3A_160 = %scan3A_128) -> (i32)  : i32 {
      %mul3A_161 = arith.constant 16 : i32
      %mul3A_162 = arith.muli %scan3A_159, %mul3A_161 : i32
      %get3A = arith.index_cast %mul3A_162 : i32 to index
      %get3A_163 = tpu.vector_load %arg8[%get3A] {strides = array<i32>} : memref<640xf32, #tpu.memory_space<vmem>>, vector<16xf32>,
      %get3A_164 = arith.index_cast %mul3A_162 : i32 to index
      %get3A_165 = tpu.vector_load %arg7[%get3A_164] {strides = array<i32>} : memref<640xf32, #tpu.memory_space<vmem>>, vector<16xf32>,
      %add3A = arith.addf %get3A_163, %get3A_165 : vector<16xf32>
      %swap3A = arith.index_cast %mul3A_162 : i32 to index
      %swap3A_166 = tpu.vector_load %arg8[%swap3A] {strides = array<i32>} : memref<640xf32, #tpu.memory_space<vmem>>, vector<16xf32>,
      tpu.vector_store %arg8[%swap3A], %add3A {strides = array<i32>} : memref<640xf32, #tpu.memory_space<vmem>>, vector<16xf32>,
      %scan3A_167 = arith.constant 0 : i32
      scf.yield %scan3A_167 : i32
    }
    %scan3A_134 = arith.constant 40 : i32
    %run_scoped3A_135 = arith.constant 13 : i32
    "tpu.region"() ({
      %run_scoped3A_159 = tpu.sem_alloc : memref<!tpu.dma_semaphore, #tpu.memory_space<semaphore_mem>>
      %dma_start3A = tpu.memref_slice %arg6[%run_scoped3A_135, %mul3A_24] : memref<16x10240xf32, #tpu.memory_space<vmem_shared>> -> memref<1x640xf32, #tpu.memory_space<vmem_shared>>
      %dma_start3A_160 = tpu.memref_squeeze %dma_start3A : memref<1x640xf32, #tpu.memory_space<vmem_shared>> -> memref<640xf32, #tpu.memory_space<vmem_shared>>
      %dma_start3A_161 = tpu.memref_slice %arg6[%run_scoped3A_135, %mul3A_24] : memref<16x10240xf32, #tpu.memory_space<vmem_shared>> -> memref<1x640xf32, #tpu.memory_space<vmem_shared>>
      %dma_start3A_162 = tpu.memref_squeeze %dma_start3A_161 : memref<1x640xf32, #tpu.memory_space<vmem_shared>> -> memref<640xf32, #tpu.memory_space<vmem_shared>>
      tpu.enqueue_dma source(%dma_start3A_162 : memref<640xf32, #tpu.memory_space<vmem_shared>>) target(%arg7 : memref<640xf32, #tpu.memory_space<vmem>>) target_semaphore(%run_scoped3A_159 : memref<!tpu.dma_semaphore, #tpu.memory_space<semaphore_mem>>)
      %dma_wait3A = tpu.memref_slice %arg6[%run_scoped3A_135, %mul3A_24] : memref<16x10240xf32, #tpu.memory_space<vmem_shared>> -> memref<1x640xf32, #tpu.memory_space<vmem_shared>>
      %dma_wait3A_163 = tpu.memref_squeeze %dma_wait3A : memref<1x640xf32, #tpu.memory_space<vmem_shared>> -> memref<640xf32, #tpu.memory_space<vmem_shared>>
      %dma_wait3A_164 = tpu.memref_slice %arg6[%run_scoped3A_135, %mul3A_24] : memref<16x10240xf32, #tpu.memory_space<vmem_shared>> -> memref<1x640xf32, #tpu.memory_space<vmem_shared>>
      %dma_wait3A_165 = tpu.memref_squeeze %dma_wait3A_164 : memref<1x640xf32, #tpu.memory_space<vmem_shared>> -> memref<640xf32, #tpu.memory_space<vmem_shared>>
      tpu.wait_dma2 semaphore(%run_scoped3A_159 : memref<!tpu.dma_semaphore, #tpu.memory_space<semaphore_mem>>) src(%dma_wait3A_165 : memref<640xf32, #tpu.memory_space<vmem_shared>>) dst(%arg7 : memref<640xf32, #tpu.memory_space<vmem>>)
      tpu.yield
    }) : () -> ()
    %scan3A_136 = arith.constant 0 : i32
    %scan3A_137 = arith.constant 0 : i32
    %scan3A_138 = arith.constant 40 : i32
    %scan3A_139 = arith.addi %scan3A_137, %scan3A_138 : i32
    %scan3A_140 = arith.constant 1 : i32
    %scan3A_141 = scf.for %scan3A_159 = %scan3A_137 to %scan3A_139 step %scan3A_140 iter_args(%scan3A_160 = %scan3A_136) -> (i32)  : i32 {
      %mul3A_161 = arith.constant 16 : i32
      %mul3A_162 = arith.muli %scan3A_159, %mul3A_161 : i32
      %get3A = arith.index_cast %mul3A_162 : i32 to index
      %get3A_163 = tpu.vector_load %arg8[%get3A] {strides = array<i32>} : memref<640xf32, #tpu.memory_space<vmem>>, vector<16xf32>,
      %get3A_164 = arith.index_cast %mul3A_162 : i32 to index
      %get3A_165 = tpu.vector_load %arg7[%get3A_164] {strides = array<i32>} : memref<640xf32, #tpu.memory_space<vmem>>, vector<16xf32>,
      %add3A = arith.addf %get3A_163, %get3A_165 : vector<16xf32>
      %swap3A = arith.index_cast %mul3A_162 : i32 to index
      %swap3A_166 = tpu.vector_load %arg8[%swap3A] {strides = array<i32>} : memref<640xf32, #tpu.memory_space<vmem>>, vector<16xf32>,
      tpu.vector_store %arg8[%swap3A], %add3A {strides = array<i32>} : memref<640xf32, #tpu.memory_space<vmem>>, vector<16xf32>,
      %scan3A_167 = arith.constant 0 : i32
      scf.yield %scan3A_167 : i32
    }
    %scan3A_142 = arith.constant 40 : i32
    %run_scoped3A_143 = arith.constant 14 : i32
    "tpu.region"() ({
      %run_scoped3A_159 = tpu.sem_alloc : memref<!tpu.dma_semaphore, #tpu.memory_space<semaphore_mem>>
      %dma_start3A = tpu.memref_slice %arg6[%run_scoped3A_143, %mul3A_24] : memref<16x10240xf32, #tpu.memory_space<vmem_shared>> -> memref<1x640xf32, #tpu.memory_space<vmem_shared>>
      %dma_start3A_160 = tpu.memref_squeeze %dma_start3A : memref<1x640xf32, #tpu.memory_space<vmem_shared>> -> memref<640xf32, #tpu.memory_space<vmem_shared>>
      %dma_start3A_161 = tpu.memref_slice %arg6[%run_scoped3A_143, %mul3A_24] : memref<16x10240xf32, #tpu.memory_space<vmem_shared>> -> memref<1x640xf32, #tpu.memory_space<vmem_shared>>
      %dma_start3A_162 = tpu.memref_squeeze %dma_start3A_161 : memref<1x640xf32, #tpu.memory_space<vmem_shared>> -> memref<640xf32, #tpu.memory_space<vmem_shared>>
      tpu.enqueue_dma source(%dma_start3A_162 : memref<640xf32, #tpu.memory_space<vmem_shared>>) target(%arg7 : memref<640xf32, #tpu.memory_space<vmem>>) target_semaphore(%run_scoped3A_159 : memref<!tpu.dma_semaphore, #tpu.memory_space<semaphore_mem>>)
      %dma_wait3A = tpu.memref_slice %arg6[%run_scoped3A_143, %mul3A_24] : memref<16x10240xf32, #tpu.memory_space<vmem_shared>> -> memref<1x640xf32, #tpu.memory_space<vmem_shared>>
      %dma_wait3A_163 = tpu.memref_squeeze %dma_wait3A : memref<1x640xf32, #tpu.memory_space<vmem_shared>> -> memref<640xf32, #tpu.memory_space<vmem_shared>>
      %dma_wait3A_164 = tpu.memref_slice %arg6[%run_scoped3A_143, %mul3A_24] : memref<16x10240xf32, #tpu.memory_space<vmem_shared>> -> memref<1x640xf32, #tpu.memory_space<vmem_shared>>
      %dma_wait3A_165 = tpu.memref_squeeze %dma_wait3A_164 : memref<1x640xf32, #tpu.memory_space<vmem_shared>> -> memref<640xf32, #tpu.memory_space<vmem_shared>>
      tpu.wait_dma2 semaphore(%run_scoped3A_159 : memref<!tpu.dma_semaphore, #tpu.memory_space<semaphore_mem>>) src(%dma_wait3A_165 : memref<640xf32, #tpu.memory_space<vmem_shared>>) dst(%arg7 : memref<640xf32, #tpu.memory_space<vmem>>)
      tpu.yield
    }) : () -> ()
    %scan3A_144 = arith.constant 0 : i32
    %scan3A_145 = arith.constant 0 : i32
    %scan3A_146 = arith.constant 40 : i32
    %scan3A_147 = arith.addi %scan3A_145, %scan3A_146 : i32
    %scan3A_148 = arith.constant 1 : i32
    %scan3A_149 = scf.for %scan3A_159 = %scan3A_145 to %scan3A_147 step %scan3A_148 iter_args(%scan3A_160 = %scan3A_144) -> (i32)  : i32 {
      %mul3A_161 = arith.constant 16 : i32
      %mul3A_162 = arith.muli %scan3A_159, %mul3A_161 : i32
      %get3A = arith.index_cast %mul3A_162 : i32 to index
      %get3A_163 = tpu.vector_load %arg8[%get3A] {strides = array<i32>} : memref<640xf32, #tpu.memory_space<vmem>>, vector<16xf32>,
      %get3A_164 = arith.index_cast %mul3A_162 : i32 to index
      %get3A_165 = tpu.vector_load %arg7[%get3A_164] {strides = array<i32>} : memref<640xf32, #tpu.memory_space<vmem>>, vector<16xf32>,
      %add3A = arith.addf %get3A_163, %get3A_165 : vector<16xf32>
      %swap3A = arith.index_cast %mul3A_162 : i32 to index
      %swap3A_166 = tpu.vector_load %arg8[%swap3A] {strides = array<i32>} : memref<640xf32, #tpu.memory_space<vmem>>, vector<16xf32>,
      tpu.vector_store %arg8[%swap3A], %add3A {strides = array<i32>} : memref<640xf32, #tpu.memory_space<vmem>>, vector<16xf32>,
      %scan3A_167 = arith.constant 0 : i32
      scf.yield %scan3A_167 : i32
    }
    %scan3A_150 = arith.constant 40 : i32
    %run_scoped3A_151 = arith.constant 15 : i32
    "tpu.region"() ({
      %run_scoped3A_159 = tpu.sem_alloc : memref<!tpu.dma_semaphore, #tpu.memory_space<semaphore_mem>>
      %dma_start3A = tpu.memref_slice %arg6[%run_scoped3A_151, %mul3A_24] : memref<16x10240xf32, #tpu.memory_space<vmem_shared>> -> memref<1x640xf32, #tpu.memory_space<vmem_shared>>
      %dma_start3A_160 = tpu.memref_squeeze %dma_start3A : memref<1x640xf32, #tpu.memory_space<vmem_shared>> -> memref<640xf32, #tpu.memory_space<vmem_shared>>
      %dma_start3A_161 = tpu.memref_slice %arg6[%run_scoped3A_151, %mul3A_24] : memref<16x10240xf32, #tpu.memory_space<vmem_shared>> -> memref<1x640xf32, #tpu.memory_space<vmem_shared>>
      %dma_start3A_162 = tpu.memref_squeeze %dma_start3A_161 : memref<1x640xf32, #tpu.memory_space<vmem_shared>> -> memref<640xf32, #tpu.memory_space<vmem_shared>>
      tpu.enqueue_dma source(%dma_start3A_162 : memref<640xf32, #tpu.memory_space<vmem_shared>>) target(%arg7 : memref<640xf32, #tpu.memory_space<vmem>>) target_semaphore(%run_scoped3A_159 : memref<!tpu.dma_semaphore, #tpu.memory_space<semaphore_mem>>)
      %dma_wait3A = tpu.memref_slice %arg6[%run_scoped3A_151, %mul3A_24] : memref<16x10240xf32, #tpu.memory_space<vmem_shared>> -> memref<1x640xf32, #tpu.memory_space<vmem_shared>>
      %dma_wait3A_163 = tpu.memref_squeeze %dma_wait3A : memref<1x640xf32, #tpu.memory_space<vmem_shared>> -> memref<640xf32, #tpu.memory_space<vmem_shared>>
      %dma_wait3A_164 = tpu.memref_slice %arg6[%run_scoped3A_151, %mul3A_24] : memref<16x10240xf32, #tpu.memory_space<vmem_shared>> -> memref<1x640xf32, #tpu.memory_space<vmem_shared>>
      %dma_wait3A_165 = tpu.memref_squeeze %dma_wait3A_164 : memref<1x640xf32, #tpu.memory_space<vmem_shared>> -> memref<640xf32, #tpu.memory_space<vmem_shared>>
      tpu.wait_dma2 semaphore(%run_scoped3A_159 : memref<!tpu.dma_semaphore, #tpu.memory_space<semaphore_mem>>) src(%dma_wait3A_165 : memref<640xf32, #tpu.memory_space<vmem_shared>>) dst(%arg7 : memref<640xf32, #tpu.memory_space<vmem>>)
      tpu.yield
    }) : () -> ()
    %scan3A_152 = arith.constant 0 : i32
    %scan3A_153 = arith.constant 0 : i32
    %scan3A_154 = arith.constant 40 : i32
    %scan3A_155 = arith.addi %scan3A_153, %scan3A_154 : i32
    %scan3A_156 = arith.constant 1 : i32
    %scan3A_157 = scf.for %scan3A_159 = %scan3A_153 to %scan3A_155 step %scan3A_156 iter_args(%scan3A_160 = %scan3A_152) -> (i32)  : i32 {
      %mul3A_161 = arith.constant 16 : i32
      %mul3A_162 = arith.muli %scan3A_159, %mul3A_161 : i32
      %get3A = arith.index_cast %mul3A_162 : i32 to index
      %get3A_163 = tpu.vector_load %arg8[%get3A] {strides = array<i32>} : memref<640xf32, #tpu.memory_space<vmem>>, vector<16xf32>,
      %get3A_164 = arith.index_cast %mul3A_162 : i32 to index
      %get3A_165 = tpu.vector_load %arg7[%get3A_164] {strides = array<i32>} : memref<640xf32, #tpu.memory_space<vmem>>, vector<16xf32>,
      %add3A = arith.addf %get3A_163, %get3A_165 : vector<16xf32>
      %swap3A = arith.index_cast %mul3A_162 : i32 to index
      %swap3A_166 = tpu.vector_load %arg8[%swap3A] {strides = array<i32>} : memref<640xf32, #tpu.memory_space<vmem>>, vector<16xf32>,
      tpu.vector_store %arg8[%swap3A], %add3A {strides = array<i32>} : memref<640xf32, #tpu.memory_space<vmem>>, vector<16xf32>,
      %scan3A_167 = arith.constant 0 : i32
      scf.yield %scan3A_167 : i32
    }
    %scan3A_158 = arith.constant 40 : i32
    "tpu.region"() ({
      %run_scoped3A_159 = tpu.sem_alloc : memref<!tpu.dma_semaphore, #tpu.memory_space<semaphore_mem>>
      %dma_start3A = tpu.memref_slice %arg3[%arg0, %mul3A_24] : memref<2x10240xf32, #tpu.memory_space<hbm>> -> memref<1x640xf32, #tpu.memory_space<hbm>>
      %dma_start3A_160 = tpu.memref_squeeze %dma_start3A : memref<1x640xf32, #tpu.memory_space<hbm>> -> memref<640xf32, #tpu.memory_space<hbm>>
      %dma_start3A_161 = tpu.memref_slice %arg3[%arg0, %mul3A_24] : memref<2x10240xf32, #tpu.memory_space<hbm>> -> memref<1x640xf32, #tpu.memory_space<hbm>>
      %dma_start3A_162 = tpu.memref_squeeze %dma_start3A_161 : memref<1x640xf32, #tpu.memory_space<hbm>> -> memref<640xf32, #tpu.memory_space<hbm>>
      tpu.enqueue_dma source(%arg8 : memref<640xf32, #tpu.memory_space<vmem>>) target(%dma_start3A_162 : memref<640xf32, #tpu.memory_space<hbm>>) target_semaphore(%run_scoped3A_159 : memref<!tpu.dma_semaphore, #tpu.memory_space<semaphore_mem>>)
      %dma_wait3A = tpu.memref_slice %arg3[%arg0, %mul3A_24] : memref<2x10240xf32, #tpu.memory_space<hbm>> -> memref<1x640xf32, #tpu.memory_space<hbm>>
      %dma_wait3A_163 = tpu.memref_squeeze %dma_wait3A : memref<1x640xf32, #tpu.memory_space<hbm>> -> memref<640xf32, #tpu.memory_space<hbm>>
      %dma_wait3A_164 = tpu.memref_slice %arg3[%arg0, %mul3A_24] : memref<2x10240xf32, #tpu.memory_space<hbm>> -> memref<1x640xf32, #tpu.memory_space<hbm>>
      %dma_wait3A_165 = tpu.memref_squeeze %dma_wait3A_164 : memref<1x640xf32, #tpu.memory_space<hbm>> -> memref<640xf32, #tpu.memory_space<hbm>>
      tpu.wait_dma2 semaphore(%run_scoped3A_159 : memref<!tpu.dma_semaphore, #tpu.memory_space<semaphore_mem>>) src(%arg8 : memref<640xf32, #tpu.memory_space<vmem>>) dst(%dma_wait3A_165 : memref<640xf32, #tpu.memory_space<hbm>>)
      tpu.yield
    }) : () -> ()
    return
  }
}

#map = affine_map<(d0, d1) -> (0, 0)>
#map1 = affine_map<(d0, d1) -> (0, 0, 0)>
module attributes {stable_mosaic.version = 14 : i64} {
  func.func @_agg_kernel(%arg0: i32, %arg1: i32, %arg2: memref<10000x128xf32, #tpu.memory_space<hbm>>, %arg3: memref<16x313x64xi32, #tpu.memory_space<hbm>>, %arg4: memref<16x313x64xi32, #tpu.memory_space<hbm>>, %arg5: memref<640x128xf32, #tpu.memory_space<hbm>>, %arg6: memref<2x10240x128xf32, #tpu.memory_space<hbm>>, %arg7: memref<10240x128xf32, #tpu.memory_space<vmem_shared>>, %arg8: memref<8x64xi32, #tpu.memory_space<vmem>>, %arg9: memref<8x64xi32, #tpu.memory_space<vmem>>, %arg10: memref<5x64x128xf32, #tpu.memory_space<vmem>>, %arg11: memref<!tpu.dma_semaphore, #tpu.memory_space<semaphore_mem>>, %arg12: memref<!tpu.dma_semaphore, #tpu.memory_space<semaphore_mem>>, %arg13: memref<!tpu.dma_semaphore, #tpu.memory_space<semaphore_mem>>) attributes {dimension_semantics = [#tpu.dimension_semantics<core_parallel>, #tpu.dimension_semantics<subcore_parallel>], iteration_bounds = array<i64: 2, 16>, scalar_prefetch = 0 : i64, scratch_operands = 7 : i64, tpu.core_type = #tpu.core_type<sc_vector_subcore>, window_params = [{transform_indices = #map}, {transform_indices = #map1}, {transform_indices = #map1}, {transform_indices = #map}, {transform_indices = #map1}]} {
    %mul3A = arith.constant 196 : i32
    %mul3A_0 = arith.muli %arg0, %mul3A : i32
    %eq3A = arith.constant 0 : i32
    %eq3A_1 = arith.cmpi eq, %arg0, %eq3A : i32
    %jit3A = arith.constant 196 : i32
    %jit3A_2 = arith.constant 117 : i32
    %select_n3A = arith.select %eq3A_1, %jit3A, %jit3A_2 : i32
    %mul3A_3 = arith.constant 640 : i32
    %mul3A_4 = arith.muli %arg1, %mul3A_3 : i32
    "tpu.region"() ({
      %run_scoped3A_186 = tpu.sem_alloc : memref<!tpu.dma_semaphore, #tpu.memory_space<semaphore_mem>>
      %dma_start3A_187 = arith.constant 0 : i32
      %dma_start3A_188 = tpu.memref_slice %arg7[%mul3A_4, %dma_start3A_187] : memref<10240x128xf32, #tpu.memory_space<vmem_shared>> -> memref<640x128xf32, #tpu.memory_space<vmem_shared>>
      tpu.enqueue_dma source(%arg5 : memref<640x128xf32, #tpu.memory_space<hbm>>) target(%dma_start3A_188 : memref<640x128xf32, #tpu.memory_space<vmem_shared>>) target_semaphore(%run_scoped3A_186 : memref<!tpu.dma_semaphore, #tpu.memory_space<semaphore_mem>>)
      %dma_wait3A_189 = arith.constant 0 : i32
      %dma_wait3A_190 = tpu.memref_slice %arg7[%mul3A_4, %dma_wait3A_189] : memref<10240x128xf32, #tpu.memory_space<vmem_shared>> -> memref<640x128xf32, #tpu.memory_space<vmem_shared>>
      tpu.wait_dma2 semaphore(%run_scoped3A_186 : memref<!tpu.dma_semaphore, #tpu.memory_space<semaphore_mem>>) src(%arg5 : memref<640x128xf32, #tpu.memory_space<hbm>>) dst(%dma_wait3A_190 : memref<640x128xf32, #tpu.memory_space<vmem_shared>>)
      tpu.yield
    }) : () -> ()
    %add3A = arith.constant 0 : i32
    %add3A_5 = arith.addi %mul3A_0, %add3A : i32
    %run_scoped3A = arith.constant 0 : i32
    "tpu.region"() ({
      %run_scoped3A_186 = tpu.sem_alloc : memref<!tpu.dma_semaphore, #tpu.memory_space<semaphore_mem>>
      %dma_start3A_187 = arith.constant 0 : i32
      %dma_start3A_188 = tpu.memref_slice %arg8[%run_scoped3A, %dma_start3A_187] : memref<8x64xi32, #tpu.memory_space<vmem>> -> memref<1x64xi32, #tpu.memory_space<vmem>>
      %dma_start3A_189 = tpu.memref_squeeze %dma_start3A_188 : memref<1x64xi32, #tpu.memory_space<vmem>> -> memref<64xi32, #tpu.memory_space<vmem>>
      %dma_start3A_190 = arith.constant 0 : i32
      %dma_start3A_191 = tpu.memref_slice %arg3[%arg1, %add3A_5, %dma_start3A_190] : memref<16x313x64xi32, #tpu.memory_space<hbm>> -> memref<1x1x64xi32, #tpu.memory_space<hbm>>
      %dma_start3A_192 = tpu.memref_squeeze %dma_start3A_191 : memref<1x1x64xi32, #tpu.memory_space<hbm>> -> memref<64xi32, #tpu.memory_space<hbm>>
      %dma_start3A_193 = arith.constant 0 : i32
      %dma_start3A_194 = tpu.memref_slice %arg8[%run_scoped3A, %dma_start3A_193] : memref<8x64xi32, #tpu.memory_space<vmem>> -> memref<1x64xi32, #tpu.memory_space<vmem>>
      %dma_start3A_195 = tpu.memref_squeeze %dma_start3A_194 : memref<1x64xi32, #tpu.memory_space<vmem>> -> memref<64xi32, #tpu.memory_space<vmem>>
      %dma_start3A_196 = arith.constant 0 : i32
      %dma_start3A_197 = tpu.memref_slice %arg3[%arg1, %add3A_5, %dma_start3A_196] : memref<16x313x64xi32, #tpu.memory_space<hbm>> -> memref<1x1x64xi32, #tpu.memory_space<hbm>>
      %dma_start3A_198 = tpu.memref_squeeze %dma_start3A_197 : memref<1x1x64xi32, #tpu.memory_space<hbm>> -> memref<64xi32, #tpu.memory_space<hbm>>
      tpu.enqueue_dma source(%dma_start3A_198 : memref<64xi32, #tpu.memory_space<hbm>>) target(%dma_start3A_195 : memref<64xi32, #tpu.memory_space<vmem>>) target_semaphore(%run_scoped3A_186 : memref<!tpu.dma_semaphore, #tpu.memory_space<semaphore_mem>>)
      %dma_wait3A_199 = arith.constant 0 : i32
      %dma_wait3A_200 = tpu.memref_slice %arg8[%run_scoped3A, %dma_wait3A_199] : memref<8x64xi32, #tpu.memory_space<vmem>> -> memref<1x64xi32, #tpu.memory_space<vmem>>
      %dma_wait3A_201 = tpu.memref_squeeze %dma_wait3A_200 : memref<1x64xi32, #tpu.memory_space<vmem>> -> memref<64xi32, #tpu.memory_space<vmem>>
      %dma_wait3A_202 = arith.constant 0 : i32
      %dma_wait3A_203 = tpu.memref_slice %arg3[%arg1, %add3A_5, %dma_wait3A_202] : memref<16x313x64xi32, #tpu.memory_space<hbm>> -> memref<1x1x64xi32, #tpu.memory_space<hbm>>
      %dma_wait3A_204 = tpu.memref_squeeze %dma_wait3A_203 : memref<1x1x64xi32, #tpu.memory_space<hbm>> -> memref<64xi32, #tpu.memory_space<hbm>>
      %dma_wait3A_205 = arith.constant 0 : i32
      %dma_wait3A_206 = tpu.memref_slice %arg8[%run_scoped3A, %dma_wait3A_205] : memref<8x64xi32, #tpu.memory_space<vmem>> -> memref<1x64xi32, #tpu.memory_space<vmem>>
      %dma_wait3A_207 = tpu.memref_squeeze %dma_wait3A_206 : memref<1x64xi32, #tpu.memory_space<vmem>> -> memref<64xi32, #tpu.memory_space<vmem>>
      %dma_wait3A_208 = arith.constant 0 : i32
      %dma_wait3A_209 = tpu.memref_slice %arg3[%arg1, %add3A_5, %dma_wait3A_208] : memref<16x313x64xi32, #tpu.memory_space<hbm>> -> memref<1x1x64xi32, #tpu.memory_space<hbm>>
      %dma_wait3A_210 = tpu.memref_squeeze %dma_wait3A_209 : memref<1x1x64xi32, #tpu.memory_space<hbm>> -> memref<64xi32, #tpu.memory_space<hbm>>
      tpu.wait_dma2 semaphore(%run_scoped3A_186 : memref<!tpu.dma_semaphore, #tpu.memory_space<semaphore_mem>>) src(%dma_wait3A_210 : memref<64xi32, #tpu.memory_space<hbm>>) dst(%dma_wait3A_207 : memref<64xi32, #tpu.memory_space<vmem>>)
      tpu.yield
    }) : () -> ()
    %add3A_6 = arith.constant 0 : i32
    %add3A_7 = arith.addi %mul3A_0, %add3A_6 : i32
    %run_scoped3A_8 = arith.constant 0 : i32
    "tpu.region"() ({
      %run_scoped3A_186 = tpu.sem_alloc : memref<!tpu.dma_semaphore, #tpu.memory_space<semaphore_mem>>
      %dma_start3A_187 = arith.constant 0 : i32
      %dma_start3A_188 = tpu.memref_slice %arg9[%run_scoped3A_8, %dma_start3A_187] : memref<8x64xi32, #tpu.memory_space<vmem>> -> memref<1x64xi32, #tpu.memory_space<vmem>>
      %dma_start3A_189 = tpu.memref_squeeze %dma_start3A_188 : memref<1x64xi32, #tpu.memory_space<vmem>> -> memref<64xi32, #tpu.memory_space<vmem>>
      %dma_start3A_190 = arith.constant 0 : i32
      %dma_start3A_191 = tpu.memref_slice %arg4[%arg1, %add3A_7, %dma_start3A_190] : memref<16x313x64xi32, #tpu.memory_space<hbm>> -> memref<1x1x64xi32, #tpu.memory_space<hbm>>
      %dma_start3A_192 = tpu.memref_squeeze %dma_start3A_191 : memref<1x1x64xi32, #tpu.memory_space<hbm>> -> memref<64xi32, #tpu.memory_space<hbm>>
      %dma_start3A_193 = arith.constant 0 : i32
      %dma_start3A_194 = tpu.memref_slice %arg9[%run_scoped3A_8, %dma_start3A_193] : memref<8x64xi32, #tpu.memory_space<vmem>> -> memref<1x64xi32, #tpu.memory_space<vmem>>
      %dma_start3A_195 = tpu.memref_squeeze %dma_start3A_194 : memref<1x64xi32, #tpu.memory_space<vmem>> -> memref<64xi32, #tpu.memory_space<vmem>>
      %dma_start3A_196 = arith.constant 0 : i32
      %dma_start3A_197 = tpu.memref_slice %arg4[%arg1, %add3A_7, %dma_start3A_196] : memref<16x313x64xi32, #tpu.memory_space<hbm>> -> memref<1x1x64xi32, #tpu.memory_space<hbm>>
      %dma_start3A_198 = tpu.memref_squeeze %dma_start3A_197 : memref<1x1x64xi32, #tpu.memory_space<hbm>> -> memref<64xi32, #tpu.memory_space<hbm>>
      tpu.enqueue_dma source(%dma_start3A_198 : memref<64xi32, #tpu.memory_space<hbm>>) target(%dma_start3A_195 : memref<64xi32, #tpu.memory_space<vmem>>) target_semaphore(%run_scoped3A_186 : memref<!tpu.dma_semaphore, #tpu.memory_space<semaphore_mem>>)
      %dma_wait3A_199 = arith.constant 0 : i32
      %dma_wait3A_200 = tpu.memref_slice %arg9[%run_scoped3A_8, %dma_wait3A_199] : memref<8x64xi32, #tpu.memory_space<vmem>> -> memref<1x64xi32, #tpu.memory_space<vmem>>
      %dma_wait3A_201 = tpu.memref_squeeze %dma_wait3A_200 : memref<1x64xi32, #tpu.memory_space<vmem>> -> memref<64xi32, #tpu.memory_space<vmem>>
      %dma_wait3A_202 = arith.constant 0 : i32
      %dma_wait3A_203 = tpu.memref_slice %arg4[%arg1, %add3A_7, %dma_wait3A_202] : memref<16x313x64xi32, #tpu.memory_space<hbm>> -> memref<1x1x64xi32, #tpu.memory_space<hbm>>
      %dma_wait3A_204 = tpu.memref_squeeze %dma_wait3A_203 : memref<1x1x64xi32, #tpu.memory_space<hbm>> -> memref<64xi32, #tpu.memory_space<hbm>>
      %dma_wait3A_205 = arith.constant 0 : i32
      %dma_wait3A_206 = tpu.memref_slice %arg9[%run_scoped3A_8, %dma_wait3A_205] : memref<8x64xi32, #tpu.memory_space<vmem>> -> memref<1x64xi32, #tpu.memory_space<vmem>>
      %dma_wait3A_207 = tpu.memref_squeeze %dma_wait3A_206 : memref<1x64xi32, #tpu.memory_space<vmem>> -> memref<64xi32, #tpu.memory_space<vmem>>
      %dma_wait3A_208 = arith.constant 0 : i32
      %dma_wait3A_209 = tpu.memref_slice %arg4[%arg1, %add3A_7, %dma_wait3A_208] : memref<16x313x64xi32, #tpu.memory_space<hbm>> -> memref<1x1x64xi32, #tpu.memory_space<hbm>>
      %dma_wait3A_210 = tpu.memref_squeeze %dma_wait3A_209 : memref<1x1x64xi32, #tpu.memory_space<hbm>> -> memref<64xi32, #tpu.memory_space<hbm>>
      tpu.wait_dma2 semaphore(%run_scoped3A_186 : memref<!tpu.dma_semaphore, #tpu.memory_space<semaphore_mem>>) src(%dma_wait3A_210 : memref<64xi32, #tpu.memory_space<hbm>>) dst(%dma_wait3A_207 : memref<64xi32, #tpu.memory_space<vmem>>)
      tpu.yield
    }) : () -> ()
    %add3A_9 = arith.constant 1 : i32
    %add3A_10 = arith.addi %mul3A_0, %add3A_9 : i32
    %run_scoped3A_11 = arith.constant 1 : i32
    "tpu.region"() ({
      %run_scoped3A_186 = tpu.sem_alloc : memref<!tpu.dma_semaphore, #tpu.memory_space<semaphore_mem>>
      %dma_start3A_187 = arith.constant 0 : i32
      %dma_start3A_188 = tpu.memref_slice %arg8[%run_scoped3A_11, %dma_start3A_187] : memref<8x64xi32, #tpu.memory_space<vmem>> -> memref<1x64xi32, #tpu.memory_space<vmem>>
      %dma_start3A_189 = tpu.memref_squeeze %dma_start3A_188 : memref<1x64xi32, #tpu.memory_space<vmem>> -> memref<64xi32, #tpu.memory_space<vmem>>
      %dma_start3A_190 = arith.constant 0 : i32
      %dma_start3A_191 = tpu.memref_slice %arg3[%arg1, %add3A_10, %dma_start3A_190] : memref<16x313x64xi32, #tpu.memory_space<hbm>> -> memref<1x1x64xi32, #tpu.memory_space<hbm>>
      %dma_start3A_192 = tpu.memref_squeeze %dma_start3A_191 : memref<1x1x64xi32, #tpu.memory_space<hbm>> -> memref<64xi32, #tpu.memory_space<hbm>>
      %dma_start3A_193 = arith.constant 0 : i32
      %dma_start3A_194 = tpu.memref_slice %arg8[%run_scoped3A_11, %dma_start3A_193] : memref<8x64xi32, #tpu.memory_space<vmem>> -> memref<1x64xi32, #tpu.memory_space<vmem>>
      %dma_start3A_195 = tpu.memref_squeeze %dma_start3A_194 : memref<1x64xi32, #tpu.memory_space<vmem>> -> memref<64xi32, #tpu.memory_space<vmem>>
      %dma_start3A_196 = arith.constant 0 : i32
      %dma_start3A_197 = tpu.memref_slice %arg3[%arg1, %add3A_10, %dma_start3A_196] : memref<16x313x64xi32, #tpu.memory_space<hbm>> -> memref<1x1x64xi32, #tpu.memory_space<hbm>>
      %dma_start3A_198 = tpu.memref_squeeze %dma_start3A_197 : memref<1x1x64xi32, #tpu.memory_space<hbm>> -> memref<64xi32, #tpu.memory_space<hbm>>
      tpu.enqueue_dma source(%dma_start3A_198 : memref<64xi32, #tpu.memory_space<hbm>>) target(%dma_start3A_195 : memref<64xi32, #tpu.memory_space<vmem>>) target_semaphore(%run_scoped3A_186 : memref<!tpu.dma_semaphore, #tpu.memory_space<semaphore_mem>>)
      %dma_wait3A_199 = arith.constant 0 : i32
      %dma_wait3A_200 = tpu.memref_slice %arg8[%run_scoped3A_11, %dma_wait3A_199] : memref<8x64xi32, #tpu.memory_space<vmem>> -> memref<1x64xi32, #tpu.memory_space<vmem>>
      %dma_wait3A_201 = tpu.memref_squeeze %dma_wait3A_200 : memref<1x64xi32, #tpu.memory_space<vmem>> -> memref<64xi32, #tpu.memory_space<vmem>>
      %dma_wait3A_202 = arith.constant 0 : i32
      %dma_wait3A_203 = tpu.memref_slice %arg3[%arg1, %add3A_10, %dma_wait3A_202] : memref<16x313x64xi32, #tpu.memory_space<hbm>> -> memref<1x1x64xi32, #tpu.memory_space<hbm>>
      %dma_wait3A_204 = tpu.memref_squeeze %dma_wait3A_203 : memref<1x1x64xi32, #tpu.memory_space<hbm>> -> memref<64xi32, #tpu.memory_space<hbm>>
      %dma_wait3A_205 = arith.constant 0 : i32
      %dma_wait3A_206 = tpu.memref_slice %arg8[%run_scoped3A_11, %dma_wait3A_205] : memref<8x64xi32, #tpu.memory_space<vmem>> -> memref<1x64xi32, #tpu.memory_space<vmem>>
      %dma_wait3A_207 = tpu.memref_squeeze %dma_wait3A_206 : memref<1x64xi32, #tpu.memory_space<vmem>> -> memref<64xi32, #tpu.memory_space<vmem>>
      %dma_wait3A_208 = arith.constant 0 : i32
      %dma_wait3A_209 = tpu.memref_slice %arg3[%arg1, %add3A_10, %dma_wait3A_208] : memref<16x313x64xi32, #tpu.memory_space<hbm>> -> memref<1x1x64xi32, #tpu.memory_space<hbm>>
      %dma_wait3A_210 = tpu.memref_squeeze %dma_wait3A_209 : memref<1x1x64xi32, #tpu.memory_space<hbm>> -> memref<64xi32, #tpu.memory_space<hbm>>
      tpu.wait_dma2 semaphore(%run_scoped3A_186 : memref<!tpu.dma_semaphore, #tpu.memory_space<semaphore_mem>>) src(%dma_wait3A_210 : memref<64xi32, #tpu.memory_space<hbm>>) dst(%dma_wait3A_207 : memref<64xi32, #tpu.memory_space<vmem>>)
      tpu.yield
    }) : () -> ()
    %add3A_12 = arith.constant 1 : i32
    %add3A_13 = arith.addi %mul3A_0, %add3A_12 : i32
    %run_scoped3A_14 = arith.constant 1 : i32
    "tpu.region"() ({
      %run_scoped3A_186 = tpu.sem_alloc : memref<!tpu.dma_semaphore, #tpu.memory_space<semaphore_mem>>
      %dma_start3A_187 = arith.constant 0 : i32
      %dma_start3A_188 = tpu.memref_slice %arg9[%run_scoped3A_14, %dma_start3A_187] : memref<8x64xi32, #tpu.memory_space<vmem>> -> memref<1x64xi32, #tpu.memory_space<vmem>>
      %dma_start3A_189 = tpu.memref_squeeze %dma_start3A_188 : memref<1x64xi32, #tpu.memory_space<vmem>> -> memref<64xi32, #tpu.memory_space<vmem>>
      %dma_start3A_190 = arith.constant 0 : i32
      %dma_start3A_191 = tpu.memref_slice %arg4[%arg1, %add3A_13, %dma_start3A_190] : memref<16x313x64xi32, #tpu.memory_space<hbm>> -> memref<1x1x64xi32, #tpu.memory_space<hbm>>
      %dma_start3A_192 = tpu.memref_squeeze %dma_start3A_191 : memref<1x1x64xi32, #tpu.memory_space<hbm>> -> memref<64xi32, #tpu.memory_space<hbm>>
      %dma_start3A_193 = arith.constant 0 : i32
      %dma_start3A_194 = tpu.memref_slice %arg9[%run_scoped3A_14, %dma_start3A_193] : memref<8x64xi32, #tpu.memory_space<vmem>> -> memref<1x64xi32, #tpu.memory_space<vmem>>
      %dma_start3A_195 = tpu.memref_squeeze %dma_start3A_194 : memref<1x64xi32, #tpu.memory_space<vmem>> -> memref<64xi32, #tpu.memory_space<vmem>>
      %dma_start3A_196 = arith.constant 0 : i32
      %dma_start3A_197 = tpu.memref_slice %arg4[%arg1, %add3A_13, %dma_start3A_196] : memref<16x313x64xi32, #tpu.memory_space<hbm>> -> memref<1x1x64xi32, #tpu.memory_space<hbm>>
      %dma_start3A_198 = tpu.memref_squeeze %dma_start3A_197 : memref<1x1x64xi32, #tpu.memory_space<hbm>> -> memref<64xi32, #tpu.memory_space<hbm>>
      tpu.enqueue_dma source(%dma_start3A_198 : memref<64xi32, #tpu.memory_space<hbm>>) target(%dma_start3A_195 : memref<64xi32, #tpu.memory_space<vmem>>) target_semaphore(%run_scoped3A_186 : memref<!tpu.dma_semaphore, #tpu.memory_space<semaphore_mem>>)
      %dma_wait3A_199 = arith.constant 0 : i32
      %dma_wait3A_200 = tpu.memref_slice %arg9[%run_scoped3A_14, %dma_wait3A_199] : memref<8x64xi32, #tpu.memory_space<vmem>> -> memref<1x64xi32, #tpu.memory_space<vmem>>
      %dma_wait3A_201 = tpu.memref_squeeze %dma_wait3A_200 : memref<1x64xi32, #tpu.memory_space<vmem>> -> memref<64xi32, #tpu.memory_space<vmem>>
      %dma_wait3A_202 = arith.constant 0 : i32
      %dma_wait3A_203 = tpu.memref_slice %arg4[%arg1, %add3A_13, %dma_wait3A_202] : memref<16x313x64xi32, #tpu.memory_space<hbm>> -> memref<1x1x64xi32, #tpu.memory_space<hbm>>
      %dma_wait3A_204 = tpu.memref_squeeze %dma_wait3A_203 : memref<1x1x64xi32, #tpu.memory_space<hbm>> -> memref<64xi32, #tpu.memory_space<hbm>>
      %dma_wait3A_205 = arith.constant 0 : i32
      %dma_wait3A_206 = tpu.memref_slice %arg9[%run_scoped3A_14, %dma_wait3A_205] : memref<8x64xi32, #tpu.memory_space<vmem>> -> memref<1x64xi32, #tpu.memory_space<vmem>>
      %dma_wait3A_207 = tpu.memref_squeeze %dma_wait3A_206 : memref<1x64xi32, #tpu.memory_space<vmem>> -> memref<64xi32, #tpu.memory_space<vmem>>
      %dma_wait3A_208 = arith.constant 0 : i32
      %dma_wait3A_209 = tpu.memref_slice %arg4[%arg1, %add3A_13, %dma_wait3A_208] : memref<16x313x64xi32, #tpu.memory_space<hbm>> -> memref<1x1x64xi32, #tpu.memory_space<hbm>>
      %dma_wait3A_210 = tpu.memref_squeeze %dma_wait3A_209 : memref<1x1x64xi32, #tpu.memory_space<hbm>> -> memref<64xi32, #tpu.memory_space<hbm>>
      tpu.wait_dma2 semaphore(%run_scoped3A_186 : memref<!tpu.dma_semaphore, #tpu.memory_space<semaphore_mem>>) src(%dma_wait3A_210 : memref<64xi32, #tpu.memory_space<hbm>>) dst(%dma_wait3A_207 : memref<64xi32, #tpu.memory_space<vmem>>)
      tpu.yield
    }) : () -> ()
    %add3A_15 = arith.constant 2 : i32
    %add3A_16 = arith.addi %mul3A_0, %add3A_15 : i32
    %run_scoped3A_17 = arith.constant 2 : i32
    "tpu.region"() ({
      %run_scoped3A_186 = tpu.sem_alloc : memref<!tpu.dma_semaphore, #tpu.memory_space<semaphore_mem>>
      %dma_start3A_187 = arith.constant 0 : i32
      %dma_start3A_188 = tpu.memref_slice %arg8[%run_scoped3A_17, %dma_start3A_187] : memref<8x64xi32, #tpu.memory_space<vmem>> -> memref<1x64xi32, #tpu.memory_space<vmem>>
      %dma_start3A_189 = tpu.memref_squeeze %dma_start3A_188 : memref<1x64xi32, #tpu.memory_space<vmem>> -> memref<64xi32, #tpu.memory_space<vmem>>
      %dma_start3A_190 = arith.constant 0 : i32
      %dma_start3A_191 = tpu.memref_slice %arg3[%arg1, %add3A_16, %dma_start3A_190] : memref<16x313x64xi32, #tpu.memory_space<hbm>> -> memref<1x1x64xi32, #tpu.memory_space<hbm>>
      %dma_start3A_192 = tpu.memref_squeeze %dma_start3A_191 : memref<1x1x64xi32, #tpu.memory_space<hbm>> -> memref<64xi32, #tpu.memory_space<hbm>>
      %dma_start3A_193 = arith.constant 0 : i32
      %dma_start3A_194 = tpu.memref_slice %arg8[%run_scoped3A_17, %dma_start3A_193] : memref<8x64xi32, #tpu.memory_space<vmem>> -> memref<1x64xi32, #tpu.memory_space<vmem>>
      %dma_start3A_195 = tpu.memref_squeeze %dma_start3A_194 : memref<1x64xi32, #tpu.memory_space<vmem>> -> memref<64xi32, #tpu.memory_space<vmem>>
      %dma_start3A_196 = arith.constant 0 : i32
      %dma_start3A_197 = tpu.memref_slice %arg3[%arg1, %add3A_16, %dma_start3A_196] : memref<16x313x64xi32, #tpu.memory_space<hbm>> -> memref<1x1x64xi32, #tpu.memory_space<hbm>>
      %dma_start3A_198 = tpu.memref_squeeze %dma_start3A_197 : memref<1x1x64xi32, #tpu.memory_space<hbm>> -> memref<64xi32, #tpu.memory_space<hbm>>
      tpu.enqueue_dma source(%dma_start3A_198 : memref<64xi32, #tpu.memory_space<hbm>>) target(%dma_start3A_195 : memref<64xi32, #tpu.memory_space<vmem>>) target_semaphore(%run_scoped3A_186 : memref<!tpu.dma_semaphore, #tpu.memory_space<semaphore_mem>>)
      %dma_wait3A_199 = arith.constant 0 : i32
      %dma_wait3A_200 = tpu.memref_slice %arg8[%run_scoped3A_17, %dma_wait3A_199] : memref<8x64xi32, #tpu.memory_space<vmem>> -> memref<1x64xi32, #tpu.memory_space<vmem>>
      %dma_wait3A_201 = tpu.memref_squeeze %dma_wait3A_200 : memref<1x64xi32, #tpu.memory_space<vmem>> -> memref<64xi32, #tpu.memory_space<vmem>>
      %dma_wait3A_202 = arith.constant 0 : i32
      %dma_wait3A_203 = tpu.memref_slice %arg3[%arg1, %add3A_16, %dma_wait3A_202] : memref<16x313x64xi32, #tpu.memory_space<hbm>> -> memref<1x1x64xi32, #tpu.memory_space<hbm>>
      %dma_wait3A_204 = tpu.memref_squeeze %dma_wait3A_203 : memref<1x1x64xi32, #tpu.memory_space<hbm>> -> memref<64xi32, #tpu.memory_space<hbm>>
      %dma_wait3A_205 = arith.constant 0 : i32
      %dma_wait3A_206 = tpu.memref_slice %arg8[%run_scoped3A_17, %dma_wait3A_205] : memref<8x64xi32, #tpu.memory_space<vmem>> -> memref<1x64xi32, #tpu.memory_space<vmem>>
      %dma_wait3A_207 = tpu.memref_squeeze %dma_wait3A_206 : memref<1x64xi32, #tpu.memory_space<vmem>> -> memref<64xi32, #tpu.memory_space<vmem>>
      %dma_wait3A_208 = arith.constant 0 : i32
      %dma_wait3A_209 = tpu.memref_slice %arg3[%arg1, %add3A_16, %dma_wait3A_208] : memref<16x313x64xi32, #tpu.memory_space<hbm>> -> memref<1x1x64xi32, #tpu.memory_space<hbm>>
      %dma_wait3A_210 = tpu.memref_squeeze %dma_wait3A_209 : memref<1x1x64xi32, #tpu.memory_space<hbm>> -> memref<64xi32, #tpu.memory_space<hbm>>
      tpu.wait_dma2 semaphore(%run_scoped3A_186 : memref<!tpu.dma_semaphore, #tpu.memory_space<semaphore_mem>>) src(%dma_wait3A_210 : memref<64xi32, #tpu.memory_space<hbm>>) dst(%dma_wait3A_207 : memref<64xi32, #tpu.memory_space<vmem>>)
      tpu.yield
    }) : () -> ()
    %add3A_18 = arith.constant 2 : i32
    %add3A_19 = arith.addi %mul3A_0, %add3A_18 : i32
    %run_scoped3A_20 = arith.constant 2 : i32
    "tpu.region"() ({
      %run_scoped3A_186 = tpu.sem_alloc : memref<!tpu.dma_semaphore, #tpu.memory_space<semaphore_mem>>
      %dma_start3A_187 = arith.constant 0 : i32
      %dma_start3A_188 = tpu.memref_slice %arg9[%run_scoped3A_20, %dma_start3A_187] : memref<8x64xi32, #tpu.memory_space<vmem>> -> memref<1x64xi32, #tpu.memory_space<vmem>>
      %dma_start3A_189 = tpu.memref_squeeze %dma_start3A_188 : memref<1x64xi32, #tpu.memory_space<vmem>> -> memref<64xi32, #tpu.memory_space<vmem>>
      %dma_start3A_190 = arith.constant 0 : i32
      %dma_start3A_191 = tpu.memref_slice %arg4[%arg1, %add3A_19, %dma_start3A_190] : memref<16x313x64xi32, #tpu.memory_space<hbm>> -> memref<1x1x64xi32, #tpu.memory_space<hbm>>
      %dma_start3A_192 = tpu.memref_squeeze %dma_start3A_191 : memref<1x1x64xi32, #tpu.memory_space<hbm>> -> memref<64xi32, #tpu.memory_space<hbm>>
      %dma_start3A_193 = arith.constant 0 : i32
      %dma_start3A_194 = tpu.memref_slice %arg9[%run_scoped3A_20, %dma_start3A_193] : memref<8x64xi32, #tpu.memory_space<vmem>> -> memref<1x64xi32, #tpu.memory_space<vmem>>
      %dma_start3A_195 = tpu.memref_squeeze %dma_start3A_194 : memref<1x64xi32, #tpu.memory_space<vmem>> -> memref<64xi32, #tpu.memory_space<vmem>>
      %dma_start3A_196 = arith.constant 0 : i32
      %dma_start3A_197 = tpu.memref_slice %arg4[%arg1, %add3A_19, %dma_start3A_196] : memref<16x313x64xi32, #tpu.memory_space<hbm>> -> memref<1x1x64xi32, #tpu.memory_space<hbm>>
      %dma_start3A_198 = tpu.memref_squeeze %dma_start3A_197 : memref<1x1x64xi32, #tpu.memory_space<hbm>> -> memref<64xi32, #tpu.memory_space<hbm>>
      tpu.enqueue_dma source(%dma_start3A_198 : memref<64xi32, #tpu.memory_space<hbm>>) target(%dma_start3A_195 : memref<64xi32, #tpu.memory_space<vmem>>) target_semaphore(%run_scoped3A_186 : memref<!tpu.dma_semaphore, #tpu.memory_space<semaphore_mem>>)
      %dma_wait3A_199 = arith.constant 0 : i32
      %dma_wait3A_200 = tpu.memref_slice %arg9[%run_scoped3A_20, %dma_wait3A_199] : memref<8x64xi32, #tpu.memory_space<vmem>> -> memref<1x64xi32, #tpu.memory_space<vmem>>
      %dma_wait3A_201 = tpu.memref_squeeze %dma_wait3A_200 : memref<1x64xi32, #tpu.memory_space<vmem>> -> memref<64xi32, #tpu.memory_space<vmem>>
      %dma_wait3A_202 = arith.constant 0 : i32
      %dma_wait3A_203 = tpu.memref_slice %arg4[%arg1, %add3A_19, %dma_wait3A_202] : memref<16x313x64xi32, #tpu.memory_space<hbm>> -> memref<1x1x64xi32, #tpu.memory_space<hbm>>
      %dma_wait3A_204 = tpu.memref_squeeze %dma_wait3A_203 : memref<1x1x64xi32, #tpu.memory_space<hbm>> -> memref<64xi32, #tpu.memory_space<hbm>>
      %dma_wait3A_205 = arith.constant 0 : i32
      %dma_wait3A_206 = tpu.memref_slice %arg9[%run_scoped3A_20, %dma_wait3A_205] : memref<8x64xi32, #tpu.memory_space<vmem>> -> memref<1x64xi32, #tpu.memory_space<vmem>>
      %dma_wait3A_207 = tpu.memref_squeeze %dma_wait3A_206 : memref<1x64xi32, #tpu.memory_space<vmem>> -> memref<64xi32, #tpu.memory_space<vmem>>
      %dma_wait3A_208 = arith.constant 0 : i32
      %dma_wait3A_209 = tpu.memref_slice %arg4[%arg1, %add3A_19, %dma_wait3A_208] : memref<16x313x64xi32, #tpu.memory_space<hbm>> -> memref<1x1x64xi32, #tpu.memory_space<hbm>>
      %dma_wait3A_210 = tpu.memref_squeeze %dma_wait3A_209 : memref<1x1x64xi32, #tpu.memory_space<hbm>> -> memref<64xi32, #tpu.memory_space<hbm>>
      tpu.wait_dma2 semaphore(%run_scoped3A_186 : memref<!tpu.dma_semaphore, #tpu.memory_space<semaphore_mem>>) src(%dma_wait3A_210 : memref<64xi32, #tpu.memory_space<hbm>>) dst(%dma_wait3A_207 : memref<64xi32, #tpu.memory_space<vmem>>)
      tpu.yield
    }) : () -> ()
    %add3A_21 = arith.constant 3 : i32
    %add3A_22 = arith.addi %mul3A_0, %add3A_21 : i32
    %run_scoped3A_23 = arith.constant 3 : i32
    "tpu.region"() ({
      %run_scoped3A_186 = tpu.sem_alloc : memref<!tpu.dma_semaphore, #tpu.memory_space<semaphore_mem>>
      %dma_start3A_187 = arith.constant 0 : i32
      %dma_start3A_188 = tpu.memref_slice %arg8[%run_scoped3A_23, %dma_start3A_187] : memref<8x64xi32, #tpu.memory_space<vmem>> -> memref<1x64xi32, #tpu.memory_space<vmem>>
      %dma_start3A_189 = tpu.memref_squeeze %dma_start3A_188 : memref<1x64xi32, #tpu.memory_space<vmem>> -> memref<64xi32, #tpu.memory_space<vmem>>
      %dma_start3A_190 = arith.constant 0 : i32
      %dma_start3A_191 = tpu.memref_slice %arg3[%arg1, %add3A_22, %dma_start3A_190] : memref<16x313x64xi32, #tpu.memory_space<hbm>> -> memref<1x1x64xi32, #tpu.memory_space<hbm>>
      %dma_start3A_192 = tpu.memref_squeeze %dma_start3A_191 : memref<1x1x64xi32, #tpu.memory_space<hbm>> -> memref<64xi32, #tpu.memory_space<hbm>>
      %dma_start3A_193 = arith.constant 0 : i32
      %dma_start3A_194 = tpu.memref_slice %arg8[%run_scoped3A_23, %dma_start3A_193] : memref<8x64xi32, #tpu.memory_space<vmem>> -> memref<1x64xi32, #tpu.memory_space<vmem>>
      %dma_start3A_195 = tpu.memref_squeeze %dma_start3A_194 : memref<1x64xi32, #tpu.memory_space<vmem>> -> memref<64xi32, #tpu.memory_space<vmem>>
      %dma_start3A_196 = arith.constant 0 : i32
      %dma_start3A_197 = tpu.memref_slice %arg3[%arg1, %add3A_22, %dma_start3A_196] : memref<16x313x64xi32, #tpu.memory_space<hbm>> -> memref<1x1x64xi32, #tpu.memory_space<hbm>>
      %dma_start3A_198 = tpu.memref_squeeze %dma_start3A_197 : memref<1x1x64xi32, #tpu.memory_space<hbm>> -> memref<64xi32, #tpu.memory_space<hbm>>
      tpu.enqueue_dma source(%dma_start3A_198 : memref<64xi32, #tpu.memory_space<hbm>>) target(%dma_start3A_195 : memref<64xi32, #tpu.memory_space<vmem>>) target_semaphore(%run_scoped3A_186 : memref<!tpu.dma_semaphore, #tpu.memory_space<semaphore_mem>>)
      %dma_wait3A_199 = arith.constant 0 : i32
      %dma_wait3A_200 = tpu.memref_slice %arg8[%run_scoped3A_23, %dma_wait3A_199] : memref<8x64xi32, #tpu.memory_space<vmem>> -> memref<1x64xi32, #tpu.memory_space<vmem>>
      %dma_wait3A_201 = tpu.memref_squeeze %dma_wait3A_200 : memref<1x64xi32, #tpu.memory_space<vmem>> -> memref<64xi32, #tpu.memory_space<vmem>>
      %dma_wait3A_202 = arith.constant 0 : i32
      %dma_wait3A_203 = tpu.memref_slice %arg3[%arg1, %add3A_22, %dma_wait3A_202] : memref<16x313x64xi32, #tpu.memory_space<hbm>> -> memref<1x1x64xi32, #tpu.memory_space<hbm>>
      %dma_wait3A_204 = tpu.memref_squeeze %dma_wait3A_203 : memref<1x1x64xi32, #tpu.memory_space<hbm>> -> memref<64xi32, #tpu.memory_space<hbm>>
      %dma_wait3A_205 = arith.constant 0 : i32
      %dma_wait3A_206 = tpu.memref_slice %arg8[%run_scoped3A_23, %dma_wait3A_205] : memref<8x64xi32, #tpu.memory_space<vmem>> -> memref<1x64xi32, #tpu.memory_space<vmem>>
      %dma_wait3A_207 = tpu.memref_squeeze %dma_wait3A_206 : memref<1x64xi32, #tpu.memory_space<vmem>> -> memref<64xi32, #tpu.memory_space<vmem>>
      %dma_wait3A_208 = arith.constant 0 : i32
      %dma_wait3A_209 = tpu.memref_slice %arg3[%arg1, %add3A_22, %dma_wait3A_208] : memref<16x313x64xi32, #tpu.memory_space<hbm>> -> memref<1x1x64xi32, #tpu.memory_space<hbm>>
      %dma_wait3A_210 = tpu.memref_squeeze %dma_wait3A_209 : memref<1x1x64xi32, #tpu.memory_space<hbm>> -> memref<64xi32, #tpu.memory_space<hbm>>
      tpu.wait_dma2 semaphore(%run_scoped3A_186 : memref<!tpu.dma_semaphore, #tpu.memory_space<semaphore_mem>>) src(%dma_wait3A_210 : memref<64xi32, #tpu.memory_space<hbm>>) dst(%dma_wait3A_207 : memref<64xi32, #tpu.memory_space<vmem>>)
      tpu.yield
    }) : () -> ()
    %add3A_24 = arith.constant 3 : i32
    %add3A_25 = arith.addi %mul3A_0, %add3A_24 : i32
    %run_scoped3A_26 = arith.constant 3 : i32
    "tpu.region"() ({
      %run_scoped3A_186 = tpu.sem_alloc : memref<!tpu.dma_semaphore, #tpu.memory_space<semaphore_mem>>
      %dma_start3A_187 = arith.constant 0 : i32
      %dma_start3A_188 = tpu.memref_slice %arg9[%run_scoped3A_26, %dma_start3A_187] : memref<8x64xi32, #tpu.memory_space<vmem>> -> memref<1x64xi32, #tpu.memory_space<vmem>>
      %dma_start3A_189 = tpu.memref_squeeze %dma_start3A_188 : memref<1x64xi32, #tpu.memory_space<vmem>> -> memref<64xi32, #tpu.memory_space<vmem>>
      %dma_start3A_190 = arith.constant 0 : i32
      %dma_start3A_191 = tpu.memref_slice %arg4[%arg1, %add3A_25, %dma_start3A_190] : memref<16x313x64xi32, #tpu.memory_space<hbm>> -> memref<1x1x64xi32, #tpu.memory_space<hbm>>
      %dma_start3A_192 = tpu.memref_squeeze %dma_start3A_191 : memref<1x1x64xi32, #tpu.memory_space<hbm>> -> memref<64xi32, #tpu.memory_space<hbm>>
      %dma_start3A_193 = arith.constant 0 : i32
      %dma_start3A_194 = tpu.memref_slice %arg9[%run_scoped3A_26, %dma_start3A_193] : memref<8x64xi32, #tpu.memory_space<vmem>> -> memref<1x64xi32, #tpu.memory_space<vmem>>
      %dma_start3A_195 = tpu.memref_squeeze %dma_start3A_194 : memref<1x64xi32, #tpu.memory_space<vmem>> -> memref<64xi32, #tpu.memory_space<vmem>>
      %dma_start3A_196 = arith.constant 0 : i32
      %dma_start3A_197 = tpu.memref_slice %arg4[%arg1, %add3A_25, %dma_start3A_196] : memref<16x313x64xi32, #tpu.memory_space<hbm>> -> memref<1x1x64xi32, #tpu.memory_space<hbm>>
      %dma_start3A_198 = tpu.memref_squeeze %dma_start3A_197 : memref<1x1x64xi32, #tpu.memory_space<hbm>> -> memref<64xi32, #tpu.memory_space<hbm>>
      tpu.enqueue_dma source(%dma_start3A_198 : memref<64xi32, #tpu.memory_space<hbm>>) target(%dma_start3A_195 : memref<64xi32, #tpu.memory_space<vmem>>) target_semaphore(%run_scoped3A_186 : memref<!tpu.dma_semaphore, #tpu.memory_space<semaphore_mem>>)
      %dma_wait3A_199 = arith.constant 0 : i32
      %dma_wait3A_200 = tpu.memref_slice %arg9[%run_scoped3A_26, %dma_wait3A_199] : memref<8x64xi32, #tpu.memory_space<vmem>> -> memref<1x64xi32, #tpu.memory_space<vmem>>
      %dma_wait3A_201 = tpu.memref_squeeze %dma_wait3A_200 : memref<1x64xi32, #tpu.memory_space<vmem>> -> memref<64xi32, #tpu.memory_space<vmem>>
      %dma_wait3A_202 = arith.constant 0 : i32
      %dma_wait3A_203 = tpu.memref_slice %arg4[%arg1, %add3A_25, %dma_wait3A_202] : memref<16x313x64xi32, #tpu.memory_space<hbm>> -> memref<1x1x64xi32, #tpu.memory_space<hbm>>
      %dma_wait3A_204 = tpu.memref_squeeze %dma_wait3A_203 : memref<1x1x64xi32, #tpu.memory_space<hbm>> -> memref<64xi32, #tpu.memory_space<hbm>>
      %dma_wait3A_205 = arith.constant 0 : i32
      %dma_wait3A_206 = tpu.memref_slice %arg9[%run_scoped3A_26, %dma_wait3A_205] : memref<8x64xi32, #tpu.memory_space<vmem>> -> memref<1x64xi32, #tpu.memory_space<vmem>>
      %dma_wait3A_207 = tpu.memref_squeeze %dma_wait3A_206 : memref<1x64xi32, #tpu.memory_space<vmem>> -> memref<64xi32, #tpu.memory_space<vmem>>
      %dma_wait3A_208 = arith.constant 0 : i32
      %dma_wait3A_209 = tpu.memref_slice %arg4[%arg1, %add3A_25, %dma_wait3A_208] : memref<16x313x64xi32, #tpu.memory_space<hbm>> -> memref<1x1x64xi32, #tpu.memory_space<hbm>>
      %dma_wait3A_210 = tpu.memref_squeeze %dma_wait3A_209 : memref<1x1x64xi32, #tpu.memory_space<hbm>> -> memref<64xi32, #tpu.memory_space<hbm>>
      tpu.wait_dma2 semaphore(%run_scoped3A_186 : memref<!tpu.dma_semaphore, #tpu.memory_space<semaphore_mem>>) src(%dma_wait3A_210 : memref<64xi32, #tpu.memory_space<hbm>>) dst(%dma_wait3A_207 : memref<64xi32, #tpu.memory_space<vmem>>)
      tpu.yield
    }) : () -> ()
    %add3A_27 = arith.constant 4 : i32
    %add3A_28 = arith.addi %mul3A_0, %add3A_27 : i32
    %dma_start3A = arith.constant 4 : i32
    %dma_start3A_29 = arith.constant 0 : i32
    %dma_start3A_30 = tpu.memref_slice %arg8[%dma_start3A, %dma_start3A_29] : memref<8x64xi32, #tpu.memory_space<vmem>> -> memref<1x64xi32, #tpu.memory_space<vmem>>
    %dma_start3A_31 = tpu.memref_squeeze %dma_start3A_30 : memref<1x64xi32, #tpu.memory_space<vmem>> -> memref<64xi32, #tpu.memory_space<vmem>>
    %dma_start3A_32 = arith.constant 0 : i32
    %dma_start3A_33 = tpu.memref_slice %arg3[%arg1, %add3A_28, %dma_start3A_32] : memref<16x313x64xi32, #tpu.memory_space<hbm>> -> memref<1x1x64xi32, #tpu.memory_space<hbm>>
    %dma_start3A_34 = tpu.memref_squeeze %dma_start3A_33 : memref<1x1x64xi32, #tpu.memory_space<hbm>> -> memref<64xi32, #tpu.memory_space<hbm>>
    %dma_start3A_35 = arith.constant 0 : i32
    %dma_start3A_36 = tpu.memref_slice %arg8[%dma_start3A, %dma_start3A_35] : memref<8x64xi32, #tpu.memory_space<vmem>> -> memref<1x64xi32, #tpu.memory_space<vmem>>
    %dma_start3A_37 = tpu.memref_squeeze %dma_start3A_36 : memref<1x64xi32, #tpu.memory_space<vmem>> -> memref<64xi32, #tpu.memory_space<vmem>>
    %dma_start3A_38 = arith.constant 0 : i32
    %dma_start3A_39 = tpu.memref_slice %arg3[%arg1, %add3A_28, %dma_start3A_38] : memref<16x313x64xi32, #tpu.memory_space<hbm>> -> memref<1x1x64xi32, #tpu.memory_space<hbm>>
    %dma_start3A_40 = tpu.memref_squeeze %dma_start3A_39 : memref<1x1x64xi32, #tpu.memory_space<hbm>> -> memref<64xi32, #tpu.memory_space<hbm>>
    tpu.enqueue_dma source(%dma_start3A_40 : memref<64xi32, #tpu.memory_space<hbm>>) target(%dma_start3A_37 : memref<64xi32, #tpu.memory_space<vmem>>) target_semaphore(%arg13 : memref<!tpu.dma_semaphore, #tpu.memory_space<semaphore_mem>>)
    %add3A_41 = arith.constant 4 : i32
    %add3A_42 = arith.addi %mul3A_0, %add3A_41 : i32
    %dma_start3A_43 = arith.constant 4 : i32
    %dma_start3A_44 = arith.constant 0 : i32
    %dma_start3A_45 = tpu.memref_slice %arg9[%dma_start3A_43, %dma_start3A_44] : memref<8x64xi32, #tpu.memory_space<vmem>> -> memref<1x64xi32, #tpu.memory_space<vmem>>
    %dma_start3A_46 = tpu.memref_squeeze %dma_start3A_45 : memref<1x64xi32, #tpu.memory_space<vmem>> -> memref<64xi32, #tpu.memory_space<vmem>>
    %dma_start3A_47 = arith.constant 0 : i32
    %dma_start3A_48 = tpu.memref_slice %arg4[%arg1, %add3A_42, %dma_start3A_47] : memref<16x313x64xi32, #tpu.memory_space<hbm>> -> memref<1x1x64xi32, #tpu.memory_space<hbm>>
    %dma_start3A_49 = tpu.memref_squeeze %dma_start3A_48 : memref<1x1x64xi32, #tpu.memory_space<hbm>> -> memref<64xi32, #tpu.memory_space<hbm>>
    %dma_start3A_50 = arith.constant 0 : i32
    %dma_start3A_51 = tpu.memref_slice %arg9[%dma_start3A_43, %dma_start3A_50] : memref<8x64xi32, #tpu.memory_space<vmem>> -> memref<1x64xi32, #tpu.memory_space<vmem>>
    %dma_start3A_52 = tpu.memref_squeeze %dma_start3A_51 : memref<1x64xi32, #tpu.memory_space<vmem>> -> memref<64xi32, #tpu.memory_space<vmem>>
    %dma_start3A_53 = arith.constant 0 : i32
    %dma_start3A_54 = tpu.memref_slice %arg4[%arg1, %add3A_42, %dma_start3A_53] : memref<16x313x64xi32, #tpu.memory_space<hbm>> -> memref<1x1x64xi32, #tpu.memory_space<hbm>>
    %dma_start3A_55 = tpu.memref_squeeze %dma_start3A_54 : memref<1x1x64xi32, #tpu.memory_space<hbm>> -> memref<64xi32, #tpu.memory_space<hbm>>
    tpu.enqueue_dma source(%dma_start3A_55 : memref<64xi32, #tpu.memory_space<hbm>>) target(%dma_start3A_52 : memref<64xi32, #tpu.memory_space<vmem>>) target_semaphore(%arg13 : memref<!tpu.dma_semaphore, #tpu.memory_space<semaphore_mem>>)
    %add3A_56 = arith.constant 5 : i32
    %add3A_57 = arith.addi %mul3A_0, %add3A_56 : i32
    %dma_start3A_58 = arith.constant 5 : i32
    %dma_start3A_59 = arith.constant 0 : i32
    %dma_start3A_60 = tpu.memref_slice %arg8[%dma_start3A_58, %dma_start3A_59] : memref<8x64xi32, #tpu.memory_space<vmem>> -> memref<1x64xi32, #tpu.memory_space<vmem>>
    %dma_start3A_61 = tpu.memref_squeeze %dma_start3A_60 : memref<1x64xi32, #tpu.memory_space<vmem>> -> memref<64xi32, #tpu.memory_space<vmem>>
    %dma_start3A_62 = arith.constant 0 : i32
    %dma_start3A_63 = tpu.memref_slice %arg3[%arg1, %add3A_57, %dma_start3A_62] : memref<16x313x64xi32, #tpu.memory_space<hbm>> -> memref<1x1x64xi32, #tpu.memory_space<hbm>>
    %dma_start3A_64 = tpu.memref_squeeze %dma_start3A_63 : memref<1x1x64xi32, #tpu.memory_space<hbm>> -> memref<64xi32, #tpu.memory_space<hbm>>
    %dma_start3A_65 = arith.constant 0 : i32
    %dma_start3A_66 = tpu.memref_slice %arg8[%dma_start3A_58, %dma_start3A_65] : memref<8x64xi32, #tpu.memory_space<vmem>> -> memref<1x64xi32, #tpu.memory_space<vmem>>
    %dma_start3A_67 = tpu.memref_squeeze %dma_start3A_66 : memref<1x64xi32, #tpu.memory_space<vmem>> -> memref<64xi32, #tpu.memory_space<vmem>>
    %dma_start3A_68 = arith.constant 0 : i32
    %dma_start3A_69 = tpu.memref_slice %arg3[%arg1, %add3A_57, %dma_start3A_68] : memref<16x313x64xi32, #tpu.memory_space<hbm>> -> memref<1x1x64xi32, #tpu.memory_space<hbm>>
    %dma_start3A_70 = tpu.memref_squeeze %dma_start3A_69 : memref<1x1x64xi32, #tpu.memory_space<hbm>> -> memref<64xi32, #tpu.memory_space<hbm>>
    tpu.enqueue_dma source(%dma_start3A_70 : memref<64xi32, #tpu.memory_space<hbm>>) target(%dma_start3A_67 : memref<64xi32, #tpu.memory_space<vmem>>) target_semaphore(%arg13 : memref<!tpu.dma_semaphore, #tpu.memory_space<semaphore_mem>>)
    %add3A_71 = arith.constant 5 : i32
    %add3A_72 = arith.addi %mul3A_0, %add3A_71 : i32
    %dma_start3A_73 = arith.constant 5 : i32
    %dma_start3A_74 = arith.constant 0 : i32
    %dma_start3A_75 = tpu.memref_slice %arg9[%dma_start3A_73, %dma_start3A_74] : memref<8x64xi32, #tpu.memory_space<vmem>> -> memref<1x64xi32, #tpu.memory_space<vmem>>
    %dma_start3A_76 = tpu.memref_squeeze %dma_start3A_75 : memref<1x64xi32, #tpu.memory_space<vmem>> -> memref<64xi32, #tpu.memory_space<vmem>>
    %dma_start3A_77 = arith.constant 0 : i32
    %dma_start3A_78 = tpu.memref_slice %arg4[%arg1, %add3A_72, %dma_start3A_77] : memref<16x313x64xi32, #tpu.memory_space<hbm>> -> memref<1x1x64xi32, #tpu.memory_space<hbm>>
    %dma_start3A_79 = tpu.memref_squeeze %dma_start3A_78 : memref<1x1x64xi32, #tpu.memory_space<hbm>> -> memref<64xi32, #tpu.memory_space<hbm>>
    %dma_start3A_80 = arith.constant 0 : i32
    %dma_start3A_81 = tpu.memref_slice %arg9[%dma_start3A_73, %dma_start3A_80] : memref<8x64xi32, #tpu.memory_space<vmem>> -> memref<1x64xi32, #tpu.memory_space<vmem>>
    %dma_start3A_82 = tpu.memref_squeeze %dma_start3A_81 : memref<1x64xi32, #tpu.memory_space<vmem>> -> memref<64xi32, #tpu.memory_space<vmem>>
    %dma_start3A_83 = arith.constant 0 : i32
    %dma_start3A_84 = tpu.memref_slice %arg4[%arg1, %add3A_72, %dma_start3A_83] : memref<16x313x64xi32, #tpu.memory_space<hbm>> -> memref<1x1x64xi32, #tpu.memory_space<hbm>>
    %dma_start3A_85 = tpu.memref_squeeze %dma_start3A_84 : memref<1x1x64xi32, #tpu.memory_space<hbm>> -> memref<64xi32, #tpu.memory_space<hbm>>
    tpu.enqueue_dma source(%dma_start3A_85 : memref<64xi32, #tpu.memory_space<hbm>>) target(%dma_start3A_82 : memref<64xi32, #tpu.memory_space<vmem>>) target_semaphore(%arg13 : memref<!tpu.dma_semaphore, #tpu.memory_space<semaphore_mem>>)
    %barrier3A = arith.constant 0 : index
    tpu.barrier barrier_id(%barrier3A)
    %dma_start3A_86 = arith.constant 0 : i32
    %dma_start3A_87 = arith.constant 0 : i32
    %dma_start3A_88 = arith.constant 0 : i32
    %dma_start3A_89 = arith.constant 0 : i32
    %dma_start3A_90 = tpu.memref_slice %arg10[%dma_start3A_87, %dma_start3A_88, %dma_start3A_89] : memref<5x64x128xf32, #tpu.memory_space<vmem>> -> memref<1x64x128xf32, #tpu.memory_space<vmem>>
    %dma_start3A_91 = tpu.memref_squeeze %dma_start3A_90 : memref<1x64x128xf32, #tpu.memory_space<vmem>> -> memref<64x128xf32, #tpu.memory_space<vmem>>
    %dma_start3A_92 = arith.constant 0 : i32
    %dma_start3A_93 = tpu.memref_slice %arg8[%dma_start3A_86, %dma_start3A_92] : memref<8x64xi32, #tpu.memory_space<vmem>> -> memref<1x64xi32, #tpu.memory_space<vmem>>
    %dma_start3A_94 = tpu.memref_squeeze %dma_start3A_93 : memref<1x64xi32, #tpu.memory_space<vmem>> -> memref<64xi32, #tpu.memory_space<vmem>>
    %dma_start3A_95 = arith.constant 0 : i32
    %dma_start3A_96 = arith.constant 0 : i32
    %dma_start3A_97 = tpu.memref_slice %arg2[%dma_start3A_95, %dma_start3A_96] : memref<10000x128xf32, #tpu.memory_space<hbm>> -> memref<10000x128xf32, #tpu.memory_space<hbm>>
    tpu.enqueue_indirect_dma source(%dma_start3A_97 : memref<10000x128xf32, #tpu.memory_space<hbm>>) target(%dma_start3A_91 : memref<64x128xf32, #tpu.memory_space<vmem>>) offsets(%dma_start3A_94 : memref<64xi32, #tpu.memory_space<vmem>>) semaphore(%arg11 : memref<!tpu.dma_semaphore, #tpu.memory_space<semaphore_mem>>)
    %dma_start3A_98 = arith.constant 1 : i32
    %dma_start3A_99 = arith.constant 1 : i32
    %dma_start3A_100 = arith.constant 0 : i32
    %dma_start3A_101 = arith.constant 0 : i32
    %dma_start3A_102 = tpu.memref_slice %arg10[%dma_start3A_99, %dma_start3A_100, %dma_start3A_101] : memref<5x64x128xf32, #tpu.memory_space<vmem>> -> memref<1x64x128xf32, #tpu.memory_space<vmem>>
    %dma_start3A_103 = tpu.memref_squeeze %dma_start3A_102 : memref<1x64x128xf32, #tpu.memory_space<vmem>> -> memref<64x128xf32, #tpu.memory_space<vmem>>
    %dma_start3A_104 = arith.constant 0 : i32
    %dma_start3A_105 = tpu.memref_slice %arg8[%dma_start3A_98, %dma_start3A_104] : memref<8x64xi32, #tpu.memory_space<vmem>> -> memref<1x64xi32, #tpu.memory_space<vmem>>
    %dma_start3A_106 = tpu.memref_squeeze %dma_start3A_105 : memref<1x64xi32, #tpu.memory_space<vmem>> -> memref<64xi32, #tpu.memory_space<vmem>>
    %dma_start3A_107 = arith.constant 0 : i32
    %dma_start3A_108 = arith.constant 0 : i32
    %dma_start3A_109 = tpu.memref_slice %arg2[%dma_start3A_107, %dma_start3A_108] : memref<10000x128xf32, #tpu.memory_space<hbm>> -> memref<10000x128xf32, #tpu.memory_space<hbm>>
    tpu.enqueue_indirect_dma source(%dma_start3A_109 : memref<10000x128xf32, #tpu.memory_space<hbm>>) target(%dma_start3A_103 : memref<64x128xf32, #tpu.memory_space<vmem>>) offsets(%dma_start3A_106 : memref<64xi32, #tpu.memory_space<vmem>>) semaphore(%arg11 : memref<!tpu.dma_semaphore, #tpu.memory_space<semaphore_mem>>)
    %dma_start3A_110 = arith.constant 2 : i32
    %dma_start3A_111 = arith.constant 2 : i32
    %dma_start3A_112 = arith.constant 0 : i32
    %dma_start3A_113 = arith.constant 0 : i32
    %dma_start3A_114 = tpu.memref_slice %arg10[%dma_start3A_111, %dma_start3A_112, %dma_start3A_113] : memref<5x64x128xf32, #tpu.memory_space<vmem>> -> memref<1x64x128xf32, #tpu.memory_space<vmem>>
    %dma_start3A_115 = tpu.memref_squeeze %dma_start3A_114 : memref<1x64x128xf32, #tpu.memory_space<vmem>> -> memref<64x128xf32, #tpu.memory_space<vmem>>
    %dma_start3A_116 = arith.constant 0 : i32
    %dma_start3A_117 = tpu.memref_slice %arg8[%dma_start3A_110, %dma_start3A_116] : memref<8x64xi32, #tpu.memory_space<vmem>> -> memref<1x64xi32, #tpu.memory_space<vmem>>
    %dma_start3A_118 = tpu.memref_squeeze %dma_start3A_117 : memref<1x64xi32, #tpu.memory_space<vmem>> -> memref<64xi32, #tpu.memory_space<vmem>>
    %dma_start3A_119 = arith.constant 0 : i32
    %dma_start3A_120 = arith.constant 0 : i32
    %dma_start3A_121 = tpu.memref_slice %arg2[%dma_start3A_119, %dma_start3A_120] : memref<10000x128xf32, #tpu.memory_space<hbm>> -> memref<10000x128xf32, #tpu.memory_space<hbm>>
    tpu.enqueue_indirect_dma source(%dma_start3A_121 : memref<10000x128xf32, #tpu.memory_space<hbm>>) target(%dma_start3A_115 : memref<64x128xf32, #tpu.memory_space<vmem>>) offsets(%dma_start3A_118 : memref<64xi32, #tpu.memory_space<vmem>>) semaphore(%arg11 : memref<!tpu.dma_semaphore, #tpu.memory_space<semaphore_mem>>)
    %dma_start3A_122 = arith.constant 3 : i32
    %dma_start3A_123 = arith.constant 3 : i32
    %dma_start3A_124 = arith.constant 0 : i32
    %dma_start3A_125 = arith.constant 0 : i32
    %dma_start3A_126 = tpu.memref_slice %arg10[%dma_start3A_123, %dma_start3A_124, %dma_start3A_125] : memref<5x64x128xf32, #tpu.memory_space<vmem>> -> memref<1x64x128xf32, #tpu.memory_space<vmem>>
    %dma_start3A_127 = tpu.memref_squeeze %dma_start3A_126 : memref<1x64x128xf32, #tpu.memory_space<vmem>> -> memref<64x128xf32, #tpu.memory_space<vmem>>
    %dma_start3A_128 = arith.constant 0 : i32
    %dma_start3A_129 = tpu.memref_slice %arg8[%dma_start3A_122, %dma_start3A_128] : memref<8x64xi32, #tpu.memory_space<vmem>> -> memref<1x64xi32, #tpu.memory_space<vmem>>
    %dma_start3A_130 = tpu.memref_squeeze %dma_start3A_129 : memref<1x64xi32, #tpu.memory_space<vmem>> -> memref<64xi32, #tpu.memory_space<vmem>>
    %dma_start3A_131 = arith.constant 0 : i32
    %dma_start3A_132 = arith.constant 0 : i32
    %dma_start3A_133 = tpu.memref_slice %arg2[%dma_start3A_131, %dma_start3A_132] : memref<10000x128xf32, #tpu.memory_space<hbm>> -> memref<10000x128xf32, #tpu.memory_space<hbm>>
    tpu.enqueue_indirect_dma source(%dma_start3A_133 : memref<10000x128xf32, #tpu.memory_space<hbm>>) target(%dma_start3A_127 : memref<64x128xf32, #tpu.memory_space<vmem>>) offsets(%dma_start3A_130 : memref<64xi32, #tpu.memory_space<vmem>>) semaphore(%arg11 : memref<!tpu.dma_semaphore, #tpu.memory_space<semaphore_mem>>)
    %while3A = arith.constant 0 : i32
    %while3A_134 = arith.constant 0 : i32
    %while3A_135 = arith.subi %select_n3A, %while3A : i32
    %while3A_136 = arith.addi %while3A, %while3A_135 : i32
    %while3A_137 = arith.constant 1 : i32
    %while3A_138 = arith.divsi %while3A_135, %while3A_137 : i32
    %while3A_139 = arith.muli %while3A_138, %while3A_137 : i32
    %while3A_140 = arith.addi %while3A, %while3A_139 : i32
    %while3A_141 = arith.constant 1 : i32
    %while3A_142 = scf.for %while3A_186 = %while3A to %while3A_140 step %while3A_141 iter_args(%while3A_187 = %while3A_134) -> (i32)  : i32 {
      %jit3A_188 = arith.constant 5 : i32
      %eq3A_189 = arith.constant 0 : i32
      %eq3A_190 = arith.cmpi eq, %jit3A_188, %eq3A_189 : i32
      %jit3A_191 = arith.constant 1 : i32
      %select_n3A_192 = arith.select %eq3A_190, %jit3A_191, %jit3A_188 : i32
      %rem3A_193 = arith.remsi %while3A_186, %select_n3A_192 : i32
      %ne3A_194 = arith.constant 0 : i32
      %ne3A_195 = arith.cmpi ne, %rem3A_193, %ne3A_194 : i32
      %lt3A_196 = arith.constant 0 : i32
      %lt3A_197 = arith.cmpi slt, %rem3A_193, %lt3A_196 : i32
      %lt3A_198 = arith.constant 0 : i32
      %lt3A_199 = arith.cmpi slt, %select_n3A_192, %lt3A_198 : i32
      %ne3A_200 = arith.xori %lt3A_197, %lt3A_199 : i1
      %and3A_201 = arith.andi %ne3A_200, %ne3A_195 : i1
      %add3A_202 = arith.addi %rem3A_193, %select_n3A_192 : i32
      %select_n3A_203 = arith.select %and3A_201, %add3A_202, %rem3A_193 : i32
      %jit3A_204 = arith.constant 8 : i32
      %eq3A_205 = arith.constant 0 : i32
      %eq3A_206 = arith.cmpi eq, %jit3A_204, %eq3A_205 : i32
      %jit3A_207 = arith.constant 1 : i32
      %select_n3A_208 = arith.select %eq3A_206, %jit3A_207, %jit3A_204 : i32
      %rem3A_209 = arith.remsi %while3A_186, %select_n3A_208 : i32
      %ne3A_210 = arith.constant 0 : i32
      %ne3A_211 = arith.cmpi ne, %rem3A_209, %ne3A_210 : i32
      %lt3A_212 = arith.constant 0 : i32
      %lt3A_213 = arith.cmpi slt, %rem3A_209, %lt3A_212 : i32
      %lt3A_214 = arith.constant 0 : i32
      %lt3A_215 = arith.cmpi slt, %select_n3A_208, %lt3A_214 : i32
      %ne3A_216 = arith.xori %lt3A_213, %lt3A_215 : i1
      %and3A_217 = arith.andi %ne3A_216, %ne3A_211 : i1
      %add3A_218 = arith.addi %rem3A_209, %select_n3A_208 : i32
      %select_n3A_219 = arith.select %and3A_217, %add3A_218, %rem3A_209 : i32
      %dma_wait3A_220 = arith.constant 0 : i32
      %dma_wait3A_221 = arith.constant 0 : i32
      %dma_wait3A_222 = tpu.memref_slice %arg10[%select_n3A_203, %dma_wait3A_220, %dma_wait3A_221] : memref<5x64x128xf32, #tpu.memory_space<vmem>> -> memref<1x64x128xf32, #tpu.memory_space<vmem>>
      %dma_wait3A_223 = tpu.memref_squeeze %dma_wait3A_222 : memref<1x64x128xf32, #tpu.memory_space<vmem>> -> memref<64x128xf32, #tpu.memory_space<vmem>>
      %dma_wait3A_224 = arith.constant 0 : i32
      %dma_wait3A_225 = tpu.memref_slice %arg8[%select_n3A_219, %dma_wait3A_224] : memref<8x64xi32, #tpu.memory_space<vmem>> -> memref<1x64xi32, #tpu.memory_space<vmem>>
      %dma_wait3A_226 = tpu.memref_squeeze %dma_wait3A_225 : memref<1x64xi32, #tpu.memory_space<vmem>> -> memref<64xi32, #tpu.memory_space<vmem>>
      %dma_wait3A_227 = arith.constant 0 : i32
      %dma_wait3A_228 = arith.constant 0 : i32
      %dma_wait3A_229 = tpu.memref_slice %arg2[%dma_wait3A_227, %dma_wait3A_228] : memref<10000x128xf32, #tpu.memory_space<hbm>> -> memref<10000x128xf32, #tpu.memory_space<hbm>>
      tpu.wait_indirect_dma semaphore(%arg11 : memref<!tpu.dma_semaphore, #tpu.memory_space<semaphore_mem>>) src(%dma_wait3A_229 : memref<10000x128xf32, #tpu.memory_space<hbm>>) dst(%dma_wait3A_223 : memref<64x128xf32, #tpu.memory_space<vmem>>)
      %dma_start3A_230 = arith.constant 0 : i32
      %dma_start3A_231 = arith.constant 0 : i32
      %dma_start3A_232 = tpu.memref_slice %arg10[%select_n3A_203, %dma_start3A_230, %dma_start3A_231] : memref<5x64x128xf32, #tpu.memory_space<vmem>> -> memref<1x64x128xf32, #tpu.memory_space<vmem>>
      %dma_start3A_233 = tpu.memref_squeeze %dma_start3A_232 : memref<1x64x128xf32, #tpu.memory_space<vmem>> -> memref<64x128xf32, #tpu.memory_space<vmem>>
      %dma_start3A_234 = arith.constant 0 : i32
      %dma_start3A_235 = tpu.memref_slice %arg9[%select_n3A_219, %dma_start3A_234] : memref<8x64xi32, #tpu.memory_space<vmem>> -> memref<1x64xi32, #tpu.memory_space<vmem>>
      %dma_start3A_236 = tpu.memref_squeeze %dma_start3A_235 : memref<1x64xi32, #tpu.memory_space<vmem>> -> memref<64xi32, #tpu.memory_space<vmem>>
      %dma_start3A_237 = arith.constant 0 : i32
      %dma_start3A_238 = arith.constant 0 : i32
      %dma_start3A_239 = tpu.memref_slice %arg7[%dma_start3A_237, %dma_start3A_238] : memref<10240x128xf32, #tpu.memory_space<vmem_shared>> -> memref<10240x128xf32, #tpu.memory_space<vmem_shared>>
      tpu.enqueue_indirect_dma source(%dma_start3A_233 : memref<64x128xf32, #tpu.memory_space<vmem>>) target(%dma_start3A_239 : memref<10240x128xf32, #tpu.memory_space<vmem_shared>>) offsets(%dma_start3A_236 : memref<64xi32, #tpu.memory_space<vmem>>) semaphore(%arg12 : memref<!tpu.dma_semaphore, #tpu.memory_space<semaphore_mem>>) {add = true}
      %gt3A = arith.constant 0 : i32
      %gt3A_240 = arith.cmpi sgt, %while3A_186, %gt3A : i32
      %convert_element_type3A = arith.extui %gt3A_240 : i1 to i32
      %cond3A = arith.constant 0 : i32
      %cond3A_241 = arith.cmpi ne, %convert_element_type3A, %cond3A : i32
      scf.if %cond3A_241 {
        %add3A_257 = arith.constant 5 : i32
        %add3A_258 = arith.addi %while3A_186, %add3A_257 : i32
        %sub3A_259 = arith.constant 1 : i32
        %sub3A_260 = arith.subi %add3A_258, %sub3A_259 : i32
        %jit3A_261 = arith.constant 5 : i32
        %eq3A_262 = arith.constant 0 : i32
        %eq3A_263 = arith.cmpi eq, %jit3A_261, %eq3A_262 : i32
        %jit3A_264 = arith.constant 1 : i32
        %select_n3A_265 = arith.select %eq3A_263, %jit3A_264, %jit3A_261 : i32
        %rem3A_266 = arith.remsi %sub3A_260, %select_n3A_265 : i32
        %ne3A_267 = arith.constant 0 : i32
        %ne3A_268 = arith.cmpi ne, %rem3A_266, %ne3A_267 : i32
        %lt3A_269 = arith.constant 0 : i32
        %lt3A_270 = arith.cmpi slt, %rem3A_266, %lt3A_269 : i32
        %lt3A_271 = arith.constant 0 : i32
        %lt3A_272 = arith.cmpi slt, %select_n3A_265, %lt3A_271 : i32
        %ne3A_273 = arith.xori %lt3A_270, %lt3A_272 : i1
        %and3A_274 = arith.andi %ne3A_273, %ne3A_268 : i1
        %add3A_275 = arith.addi %rem3A_266, %select_n3A_265 : i32
        %select_n3A_276 = arith.select %and3A_274, %add3A_275, %rem3A_266 : i32
        %add3A_277 = arith.constant 8 : i32
        %add3A_278 = arith.addi %while3A_186, %add3A_277 : i32
        %sub3A_279 = arith.constant 1 : i32
        %sub3A_280 = arith.subi %add3A_278, %sub3A_279 : i32
        %jit3A_281 = arith.constant 8 : i32
        %eq3A_282 = arith.constant 0 : i32
        %eq3A_283 = arith.cmpi eq, %jit3A_281, %eq3A_282 : i32
        %jit3A_284 = arith.constant 1 : i32
        %select_n3A_285 = arith.select %eq3A_283, %jit3A_284, %jit3A_281 : i32
        %rem3A_286 = arith.remsi %sub3A_280, %select_n3A_285 : i32
        %ne3A_287 = arith.constant 0 : i32
        %ne3A_288 = arith.cmpi ne, %rem3A_286, %ne3A_287 : i32
        %lt3A_289 = arith.constant 0 : i32
        %lt3A_290 = arith.cmpi slt, %rem3A_286, %lt3A_289 : i32
        %lt3A_291 = arith.constant 0 : i32
        %lt3A_292 = arith.cmpi slt, %select_n3A_285, %lt3A_291 : i32
        %ne3A_293 = arith.xori %lt3A_290, %lt3A_292 : i1
        %and3A_294 = arith.andi %ne3A_293, %ne3A_288 : i1
        %add3A_295 = arith.addi %rem3A_286, %select_n3A_285 : i32
        %select_n3A_296 = arith.select %and3A_294, %add3A_295, %rem3A_286 : i32
        %dma_wait3A_297 = arith.constant 0 : i32
        %dma_wait3A_298 = arith.constant 0 : i32
        %dma_wait3A_299 = tpu.memref_slice %arg10[%select_n3A_276, %dma_wait3A_297, %dma_wait3A_298] : memref<5x64x128xf32, #tpu.memory_space<vmem>> -> memref<1x64x128xf32, #tpu.memory_space<vmem>>
        %dma_wait3A_300 = tpu.memref_squeeze %dma_wait3A_299 : memref<1x64x128xf32, #tpu.memory_space<vmem>> -> memref<64x128xf32, #tpu.memory_space<vmem>>
        %dma_wait3A_301 = arith.constant 0 : i32
        %dma_wait3A_302 = tpu.memref_slice %arg9[%select_n3A_296, %dma_wait3A_301] : memref<8x64xi32, #tpu.memory_space<vmem>> -> memref<1x64xi32, #tpu.memory_space<vmem>>
        %dma_wait3A_303 = tpu.memref_squeeze %dma_wait3A_302 : memref<1x64xi32, #tpu.memory_space<vmem>> -> memref<64xi32, #tpu.memory_space<vmem>>
        %dma_wait3A_304 = arith.constant 0 : i32
        %dma_wait3A_305 = arith.constant 0 : i32
        %dma_wait3A_306 = tpu.memref_slice %arg7[%dma_wait3A_304, %dma_wait3A_305] : memref<10240x128xf32, #tpu.memory_space<vmem_shared>> -> memref<10240x128xf32, #tpu.memory_space<vmem_shared>>
        tpu.wait_indirect_dma semaphore(%arg12 : memref<!tpu.dma_semaphore, #tpu.memory_space<semaphore_mem>>) src(%dma_wait3A_300 : memref<64x128xf32, #tpu.memory_space<vmem>>) dst(%dma_wait3A_306 : memref<10240x128xf32, #tpu.memory_space<vmem_shared>>)
      } else {
      }
      %add3A_242 = arith.constant 5 : i32
      %add3A_243 = arith.addi %while3A_186, %add3A_242 : i32
      %sub3A_244 = arith.constant 1 : i32
      %sub3A_245 = arith.subi %add3A_243, %sub3A_244 : i32
      %lt3A_246 = arith.cmpi slt, %sub3A_245, %select_n3A : i32
      %convert_element_type3A_247 = arith.extui %lt3A_246 : i1 to i32
      %cond3A_248 = arith.constant 0 : i32
      %cond3A_249 = arith.cmpi ne, %convert_element_type3A_247, %cond3A_248 : i32
      scf.if %cond3A_249 {
        %add3A_257 = arith.constant 5 : i32
        %add3A_258 = arith.addi %while3A_186, %add3A_257 : i32
        %sub3A_259 = arith.constant 1 : i32
        %sub3A_260 = arith.subi %add3A_258, %sub3A_259 : i32
        %jit3A_261 = arith.constant 5 : i32
        %eq3A_262 = arith.constant 0 : i32
        %eq3A_263 = arith.cmpi eq, %jit3A_261, %eq3A_262 : i32
        %jit3A_264 = arith.constant 1 : i32
        %select_n3A_265 = arith.select %eq3A_263, %jit3A_264, %jit3A_261 : i32
        %rem3A_266 = arith.remsi %sub3A_260, %select_n3A_265 : i32
        %ne3A_267 = arith.constant 0 : i32
        %ne3A_268 = arith.cmpi ne, %rem3A_266, %ne3A_267 : i32
        %lt3A_269 = arith.constant 0 : i32
        %lt3A_270 = arith.cmpi slt, %rem3A_266, %lt3A_269 : i32
        %lt3A_271 = arith.constant 0 : i32
        %lt3A_272 = arith.cmpi slt, %select_n3A_265, %lt3A_271 : i32
        %ne3A_273 = arith.xori %lt3A_270, %lt3A_272 : i1
        %and3A_274 = arith.andi %ne3A_273, %ne3A_268 : i1
        %add3A_275 = arith.addi %rem3A_266, %select_n3A_265 : i32
        %select_n3A_276 = arith.select %and3A_274, %add3A_275, %rem3A_266 : i32
        %add3A_277 = arith.constant 5 : i32
        %add3A_278 = arith.addi %while3A_186, %add3A_277 : i32
        %sub3A_279 = arith.constant 1 : i32
        %sub3A_280 = arith.subi %add3A_278, %sub3A_279 : i32
        %jit3A_281 = arith.constant 8 : i32
        %eq3A_282 = arith.constant 0 : i32
        %eq3A_283 = arith.cmpi eq, %jit3A_281, %eq3A_282 : i32
        %jit3A_284 = arith.constant 1 : i32
        %select_n3A_285 = arith.select %eq3A_283, %jit3A_284, %jit3A_281 : i32
        %rem3A_286 = arith.remsi %sub3A_280, %select_n3A_285 : i32
        %ne3A_287 = arith.constant 0 : i32
        %ne3A_288 = arith.cmpi ne, %rem3A_286, %ne3A_287 : i32
        %lt3A_289 = arith.constant 0 : i32
        %lt3A_290 = arith.cmpi slt, %rem3A_286, %lt3A_289 : i32
        %lt3A_291 = arith.constant 0 : i32
        %lt3A_292 = arith.cmpi slt, %select_n3A_285, %lt3A_291 : i32
        %ne3A_293 = arith.xori %lt3A_290, %lt3A_292 : i1
        %and3A_294 = arith.andi %ne3A_293, %ne3A_288 : i1
        %add3A_295 = arith.addi %rem3A_286, %select_n3A_285 : i32
        %select_n3A_296 = arith.select %and3A_294, %add3A_295, %rem3A_286 : i32
        %add3A_297 = arith.addi %mul3A_0, %while3A_186 : i32
        %add3A_298 = arith.constant 5 : i32
        %add3A_299 = arith.addi %add3A_297, %add3A_298 : i32
        %sub3A_300 = arith.constant 1 : i32
        %sub3A_301 = arith.subi %add3A_299, %sub3A_300 : i32
        %dma_wait3A_302 = arith.constant 0 : i32
        %dma_wait3A_303 = tpu.memref_slice %arg8[%select_n3A_296, %dma_wait3A_302] : memref<8x64xi32, #tpu.memory_space<vmem>> -> memref<1x64xi32, #tpu.memory_space<vmem>>
        %dma_wait3A_304 = tpu.memref_squeeze %dma_wait3A_303 : memref<1x64xi32, #tpu.memory_space<vmem>> -> memref<64xi32, #tpu.memory_space<vmem>>
        %dma_wait3A_305 = arith.constant 0 : i32
        %dma_wait3A_306 = tpu.memref_slice %arg3[%arg1, %sub3A_301, %dma_wait3A_305] : memref<16x313x64xi32, #tpu.memory_space<hbm>> -> memref<1x1x64xi32, #tpu.memory_space<hbm>>
        %dma_wait3A_307 = tpu.memref_squeeze %dma_wait3A_306 : memref<1x1x64xi32, #tpu.memory_space<hbm>> -> memref<64xi32, #tpu.memory_space<hbm>>
        %dma_wait3A_308 = arith.constant 0 : i32
        %dma_wait3A_309 = tpu.memref_slice %arg8[%select_n3A_296, %dma_wait3A_308] : memref<8x64xi32, #tpu.memory_space<vmem>> -> memref<1x64xi32, #tpu.memory_space<vmem>>
        %dma_wait3A_310 = tpu.memref_squeeze %dma_wait3A_309 : memref<1x64xi32, #tpu.memory_space<vmem>> -> memref<64xi32, #tpu.memory_space<vmem>>
        %dma_wait3A_311 = arith.constant 0 : i32
        %dma_wait3A_312 = tpu.memref_slice %arg3[%arg1, %sub3A_301, %dma_wait3A_311] : memref<16x313x64xi32, #tpu.memory_space<hbm>> -> memref<1x1x64xi32, #tpu.memory_space<hbm>>
        %dma_wait3A_313 = tpu.memref_squeeze %dma_wait3A_312 : memref<1x1x64xi32, #tpu.memory_space<hbm>> -> memref<64xi32, #tpu.memory_space<hbm>>
        tpu.wait_dma2 semaphore(%arg13 : memref<!tpu.dma_semaphore, #tpu.memory_space<semaphore_mem>>) src(%dma_wait3A_313 : memref<64xi32, #tpu.memory_space<hbm>>) dst(%dma_wait3A_310 : memref<64xi32, #tpu.memory_space<vmem>>)
        %add3A_314 = arith.addi %mul3A_0, %while3A_186 : i32
        %add3A_315 = arith.constant 5 : i32
        %add3A_316 = arith.addi %add3A_314, %add3A_315 : i32
        %sub3A_317 = arith.constant 1 : i32
        %sub3A_318 = arith.subi %add3A_316, %sub3A_317 : i32
        %dma_wait3A_319 = arith.constant 0 : i32
        %dma_wait3A_320 = tpu.memref_slice %arg9[%select_n3A_296, %dma_wait3A_319] : memref<8x64xi32, #tpu.memory_space<vmem>> -> memref<1x64xi32, #tpu.memory_space<vmem>>
        %dma_wait3A_321 = tpu.memref_squeeze %dma_wait3A_320 : memref<1x64xi32, #tpu.memory_space<vmem>> -> memref<64xi32, #tpu.memory_space<vmem>>
        %dma_wait3A_322 = arith.constant 0 : i32
        %dma_wait3A_323 = tpu.memref_slice %arg4[%arg1, %sub3A_318, %dma_wait3A_322] : memref<16x313x64xi32, #tpu.memory_space<hbm>> -> memref<1x1x64xi32, #tpu.memory_space<hbm>>
        %dma_wait3A_324 = tpu.memref_squeeze %dma_wait3A_323 : memref<1x1x64xi32, #tpu.memory_space<hbm>> -> memref<64xi32, #tpu.memory_space<hbm>>
        %dma_wait3A_325 = arith.constant 0 : i32
        %dma_wait3A_326 = tpu.memref_slice %arg9[%select_n3A_296, %dma_wait3A_325] : memref<8x64xi32, #tpu.memory_space<vmem>> -> memref<1x64xi32, #tpu.memory_space<vmem>>
        %dma_wait3A_327 = tpu.memref_squeeze %dma_wait3A_326 : memref<1x64xi32, #tpu.memory_space<vmem>> -> memref<64xi32, #tpu.memory_space<vmem>>
        %dma_wait3A_328 = arith.constant 0 : i32
        %dma_wait3A_329 = tpu.memref_slice %arg4[%arg1, %sub3A_318, %dma_wait3A_328] : memref<16x313x64xi32, #tpu.memory_space<hbm>> -> memref<1x1x64xi32, #tpu.memory_space<hbm>>
        %dma_wait3A_330 = tpu.memref_squeeze %dma_wait3A_329 : memref<1x1x64xi32, #tpu.memory_space<hbm>> -> memref<64xi32, #tpu.memory_space<hbm>>
        tpu.wait_dma2 semaphore(%arg13 : memref<!tpu.dma_semaphore, #tpu.memory_space<semaphore_mem>>) src(%dma_wait3A_330 : memref<64xi32, #tpu.memory_space<hbm>>) dst(%dma_wait3A_327 : memref<64xi32, #tpu.memory_space<vmem>>)
        %dma_start3A_331 = arith.constant 0 : i32
        %dma_start3A_332 = arith.constant 0 : i32
        %dma_start3A_333 = tpu.memref_slice %arg10[%select_n3A_276, %dma_start3A_331, %dma_start3A_332] : memref<5x64x128xf32, #tpu.memory_space<vmem>> -> memref<1x64x128xf32, #tpu.memory_space<vmem>>
        %dma_start3A_334 = tpu.memref_squeeze %dma_start3A_333 : memref<1x64x128xf32, #tpu.memory_space<vmem>> -> memref<64x128xf32, #tpu.memory_space<vmem>>
        %dma_start3A_335 = arith.constant 0 : i32
        %dma_start3A_336 = tpu.memref_slice %arg8[%select_n3A_296, %dma_start3A_335] : memref<8x64xi32, #tpu.memory_space<vmem>> -> memref<1x64xi32, #tpu.memory_space<vmem>>
        %dma_start3A_337 = tpu.memref_squeeze %dma_start3A_336 : memref<1x64xi32, #tpu.memory_space<vmem>> -> memref<64xi32, #tpu.memory_space<vmem>>
        %dma_start3A_338 = arith.constant 0 : i32
        %dma_start3A_339 = arith.constant 0 : i32
        %dma_start3A_340 = tpu.memref_slice %arg2[%dma_start3A_338, %dma_start3A_339] : memref<10000x128xf32, #tpu.memory_space<hbm>> -> memref<10000x128xf32, #tpu.memory_space<hbm>>
        tpu.enqueue_indirect_dma source(%dma_start3A_340 : memref<10000x128xf32, #tpu.memory_space<hbm>>) target(%dma_start3A_334 : memref<64x128xf32, #tpu.memory_space<vmem>>) offsets(%dma_start3A_337 : memref<64xi32, #tpu.memory_space<vmem>>) semaphore(%arg11 : memref<!tpu.dma_semaphore, #tpu.memory_space<semaphore_mem>>)
      } else {
      }
      %add3A_250 = arith.constant 6 : i32
      %add3A_251 = arith.addi %while3A_186, %add3A_250 : i32
      %lt3A_252 = arith.cmpi slt, %add3A_251, %select_n3A : i32
      %convert_element_type3A_253 = arith.extui %lt3A_252 : i1 to i32
      %cond3A_254 = arith.constant 0 : i32
      %cond3A_255 = arith.cmpi ne, %convert_element_type3A_253, %cond3A_254 : i32
      scf.if %cond3A_255 {
        %add3A_257 = arith.constant 6 : i32
        %add3A_258 = arith.addi %while3A_186, %add3A_257 : i32
        %jit3A_259 = arith.constant 8 : i32
        %eq3A_260 = arith.constant 0 : i32
        %eq3A_261 = arith.cmpi eq, %jit3A_259, %eq3A_260 : i32
        %jit3A_262 = arith.constant 1 : i32
        %select_n3A_263 = arith.select %eq3A_261, %jit3A_262, %jit3A_259 : i32
        %rem3A_264 = arith.remsi %add3A_258, %select_n3A_263 : i32
        %ne3A_265 = arith.constant 0 : i32
        %ne3A_266 = arith.cmpi ne, %rem3A_264, %ne3A_265 : i32
        %lt3A_267 = arith.constant 0 : i32
        %lt3A_268 = arith.cmpi slt, %rem3A_264, %lt3A_267 : i32
        %lt3A_269 = arith.constant 0 : i32
        %lt3A_270 = arith.cmpi slt, %select_n3A_263, %lt3A_269 : i32
        %ne3A_271 = arith.xori %lt3A_268, %lt3A_270 : i1
        %and3A_272 = arith.andi %ne3A_271, %ne3A_266 : i1
        %add3A_273 = arith.addi %rem3A_264, %select_n3A_263 : i32
        %select_n3A_274 = arith.select %and3A_272, %add3A_273, %rem3A_264 : i32
        %add3A_275 = arith.addi %mul3A_0, %while3A_186 : i32
        %add3A_276 = arith.constant 6 : i32
        %add3A_277 = arith.addi %add3A_275, %add3A_276 : i32
        %dma_start3A_278 = arith.constant 0 : i32
        %dma_start3A_279 = tpu.memref_slice %arg8[%select_n3A_274, %dma_start3A_278] : memref<8x64xi32, #tpu.memory_space<vmem>> -> memref<1x64xi32, #tpu.memory_space<vmem>>
        %dma_start3A_280 = tpu.memref_squeeze %dma_start3A_279 : memref<1x64xi32, #tpu.memory_space<vmem>> -> memref<64xi32, #tpu.memory_space<vmem>>
        %dma_start3A_281 = arith.constant 0 : i32
        %dma_start3A_282 = tpu.memref_slice %arg3[%arg1, %add3A_277, %dma_start3A_281] : memref<16x313x64xi32, #tpu.memory_space<hbm>> -> memref<1x1x64xi32, #tpu.memory_space<hbm>>
        %dma_start3A_283 = tpu.memref_squeeze %dma_start3A_282 : memref<1x1x64xi32, #tpu.memory_space<hbm>> -> memref<64xi32, #tpu.memory_space<hbm>>
        %dma_start3A_284 = arith.constant 0 : i32
        %dma_start3A_285 = tpu.memref_slice %arg8[%select_n3A_274, %dma_start3A_284] : memref<8x64xi32, #tpu.memory_space<vmem>> -> memref<1x64xi32, #tpu.memory_space<vmem>>
        %dma_start3A_286 = tpu.memref_squeeze %dma_start3A_285 : memref<1x64xi32, #tpu.memory_space<vmem>> -> memref<64xi32, #tpu.memory_space<vmem>>
        %dma_start3A_287 = arith.constant 0 : i32
        %dma_start3A_288 = tpu.memref_slice %arg3[%arg1, %add3A_277, %dma_start3A_287] : memref<16x313x64xi32, #tpu.memory_space<hbm>> -> memref<1x1x64xi32, #tpu.memory_space<hbm>>
        %dma_start3A_289 = tpu.memref_squeeze %dma_start3A_288 : memref<1x1x64xi32, #tpu.memory_space<hbm>> -> memref<64xi32, #tpu.memory_space<hbm>>
        tpu.enqueue_dma source(%dma_start3A_289 : memref<64xi32, #tpu.memory_space<hbm>>) target(%dma_start3A_286 : memref<64xi32, #tpu.memory_space<vmem>>) target_semaphore(%arg13 : memref<!tpu.dma_semaphore, #tpu.memory_space<semaphore_mem>>)
        %add3A_290 = arith.addi %mul3A_0, %while3A_186 : i32
        %add3A_291 = arith.constant 6 : i32
        %add3A_292 = arith.addi %add3A_290, %add3A_291 : i32
        %dma_start3A_293 = arith.constant 0 : i32
        %dma_start3A_294 = tpu.memref_slice %arg9[%select_n3A_274, %dma_start3A_293] : memref<8x64xi32, #tpu.memory_space<vmem>> -> memref<1x64xi32, #tpu.memory_space<vmem>>
        %dma_start3A_295 = tpu.memref_squeeze %dma_start3A_294 : memref<1x64xi32, #tpu.memory_space<vmem>> -> memref<64xi32, #tpu.memory_space<vmem>>
        %dma_start3A_296 = arith.constant 0 : i32
        %dma_start3A_297 = tpu.memref_slice %arg4[%arg1, %add3A_292, %dma_start3A_296] : memref<16x313x64xi32, #tpu.memory_space<hbm>> -> memref<1x1x64xi32, #tpu.memory_space<hbm>>
        %dma_start3A_298 = tpu.memref_squeeze %dma_start3A_297 : memref<1x1x64xi32, #tpu.memory_space<hbm>> -> memref<64xi32, #tpu.memory_space<hbm>>
        %dma_start3A_299 = arith.constant 0 : i32
        %dma_start3A_300 = tpu.memref_slice %arg9[%select_n3A_274, %dma_start3A_299] : memref<8x64xi32, #tpu.memory_space<vmem>> -> memref<1x64xi32, #tpu.memory_space<vmem>>
        %dma_start3A_301 = tpu.memref_squeeze %dma_start3A_300 : memref<1x64xi32, #tpu.memory_space<vmem>> -> memref<64xi32, #tpu.memory_space<vmem>>
        %dma_start3A_302 = arith.constant 0 : i32
        %dma_start3A_303 = tpu.memref_slice %arg4[%arg1, %add3A_292, %dma_start3A_302] : memref<16x313x64xi32, #tpu.memory_space<hbm>> -> memref<1x1x64xi32, #tpu.memory_space<hbm>>
        %dma_start3A_304 = tpu.memref_squeeze %dma_start3A_303 : memref<1x1x64xi32, #tpu.memory_space<hbm>> -> memref<64xi32, #tpu.memory_space<hbm>>
        tpu.enqueue_dma source(%dma_start3A_304 : memref<64xi32, #tpu.memory_space<hbm>>) target(%dma_start3A_301 : memref<64xi32, #tpu.memory_space<vmem>>) target_semaphore(%arg13 : memref<!tpu.dma_semaphore, #tpu.memory_space<semaphore_mem>>)
      } else {
      }
      %while3A_256 = arith.constant 0 : i32
      scf.yield %while3A_256 : i32
    }
    %while3A_143 = arith.constant 1 : i32
    %while3A_144 = scf.for %while3A_186 = %while3A_140 to %while3A_136 step %while3A_143 iter_args(%while3A_187 = %while3A_142) -> (i32)  : i32 {
      %jit3A_188 = arith.constant 5 : i32
      %eq3A_189 = arith.constant 0 : i32
      %eq3A_190 = arith.cmpi eq, %jit3A_188, %eq3A_189 : i32
      %jit3A_191 = arith.constant 1 : i32
      %select_n3A_192 = arith.select %eq3A_190, %jit3A_191, %jit3A_188 : i32
      %rem3A_193 = arith.remsi %while3A_186, %select_n3A_192 : i32
      %ne3A_194 = arith.constant 0 : i32
      %ne3A_195 = arith.cmpi ne, %rem3A_193, %ne3A_194 : i32
      %lt3A_196 = arith.constant 0 : i32
      %lt3A_197 = arith.cmpi slt, %rem3A_193, %lt3A_196 : i32
      %lt3A_198 = arith.constant 0 : i32
      %lt3A_199 = arith.cmpi slt, %select_n3A_192, %lt3A_198 : i32
      %ne3A_200 = arith.xori %lt3A_197, %lt3A_199 : i1
      %and3A_201 = arith.andi %ne3A_200, %ne3A_195 : i1
      %add3A_202 = arith.addi %rem3A_193, %select_n3A_192 : i32
      %select_n3A_203 = arith.select %and3A_201, %add3A_202, %rem3A_193 : i32
      %jit3A_204 = arith.constant 8 : i32
      %eq3A_205 = arith.constant 0 : i32
      %eq3A_206 = arith.cmpi eq, %jit3A_204, %eq3A_205 : i32
      %jit3A_207 = arith.constant 1 : i32
      %select_n3A_208 = arith.select %eq3A_206, %jit3A_207, %jit3A_204 : i32
      %rem3A_209 = arith.remsi %while3A_186, %select_n3A_208 : i32
      %ne3A_210 = arith.constant 0 : i32
      %ne3A_211 = arith.cmpi ne, %rem3A_209, %ne3A_210 : i32
      %lt3A_212 = arith.constant 0 : i32
      %lt3A_213 = arith.cmpi slt, %rem3A_209, %lt3A_212 : i32
      %lt3A_214 = arith.constant 0 : i32
      %lt3A_215 = arith.cmpi slt, %select_n3A_208, %lt3A_214 : i32
      %ne3A_216 = arith.xori %lt3A_213, %lt3A_215 : i1
      %and3A_217 = arith.andi %ne3A_216, %ne3A_211 : i1
      %add3A_218 = arith.addi %rem3A_209, %select_n3A_208 : i32
      %select_n3A_219 = arith.select %and3A_217, %add3A_218, %rem3A_209 : i32
      %dma_wait3A_220 = arith.constant 0 : i32
      %dma_wait3A_221 = arith.constant 0 : i32
      %dma_wait3A_222 = tpu.memref_slice %arg10[%select_n3A_203, %dma_wait3A_220, %dma_wait3A_221] : memref<5x64x128xf32, #tpu.memory_space<vmem>> -> memref<1x64x128xf32, #tpu.memory_space<vmem>>
      %dma_wait3A_223 = tpu.memref_squeeze %dma_wait3A_222 : memref<1x64x128xf32, #tpu.memory_space<vmem>> -> memref<64x128xf32, #tpu.memory_space<vmem>>
      %dma_wait3A_224 = arith.constant 0 : i32
      %dma_wait3A_225 = tpu.memref_slice %arg8[%select_n3A_219, %dma_wait3A_224] : memref<8x64xi32, #tpu.memory_space<vmem>> -> memref<1x64xi32, #tpu.memory_space<vmem>>
      %dma_wait3A_226 = tpu.memref_squeeze %dma_wait3A_225 : memref<1x64xi32, #tpu.memory_space<vmem>> -> memref<64xi32, #tpu.memory_space<vmem>>
      %dma_wait3A_227 = arith.constant 0 : i32
      %dma_wait3A_228 = arith.constant 0 : i32
      %dma_wait3A_229 = tpu.memref_slice %arg2[%dma_wait3A_227, %dma_wait3A_228] : memref<10000x128xf32, #tpu.memory_space<hbm>> -> memref<10000x128xf32, #tpu.memory_space<hbm>>
      tpu.wait_indirect_dma semaphore(%arg11 : memref<!tpu.dma_semaphore, #tpu.memory_space<semaphore_mem>>) src(%dma_wait3A_229 : memref<10000x128xf32, #tpu.memory_space<hbm>>) dst(%dma_wait3A_223 : memref<64x128xf32, #tpu.memory_space<vmem>>)
      %dma_start3A_230 = arith.constant 0 : i32
      %dma_start3A_231 = arith.constant 0 : i32
      %dma_start3A_232 = tpu.memref_slice %arg10[%select_n3A_203, %dma_start3A_230, %dma_start3A_231] : memref<5x64x128xf32, #tpu.memory_space<vmem>> -> memref<1x64x128xf32, #tpu.memory_space<vmem>>
      %dma_start3A_233 = tpu.memref_squeeze %dma_start3A_232 : memref<1x64x128xf32, #tpu.memory_space<vmem>> -> memref<64x128xf32, #tpu.memory_space<vmem>>
      %dma_start3A_234 = arith.constant 0 : i32
      %dma_start3A_235 = tpu.memref_slice %arg9[%select_n3A_219, %dma_start3A_234] : memref<8x64xi32, #tpu.memory_space<vmem>> -> memref<1x64xi32, #tpu.memory_space<vmem>>
      %dma_start3A_236 = tpu.memref_squeeze %dma_start3A_235 : memref<1x64xi32, #tpu.memory_space<vmem>> -> memref<64xi32, #tpu.memory_space<vmem>>
      %dma_start3A_237 = arith.constant 0 : i32
      %dma_start3A_238 = arith.constant 0 : i32
      %dma_start3A_239 = tpu.memref_slice %arg7[%dma_start3A_237, %dma_start3A_238] : memref<10240x128xf32, #tpu.memory_space<vmem_shared>> -> memref<10240x128xf32, #tpu.memory_space<vmem_shared>>
      tpu.enqueue_indirect_dma source(%dma_start3A_233 : memref<64x128xf32, #tpu.memory_space<vmem>>) target(%dma_start3A_239 : memref<10240x128xf32, #tpu.memory_space<vmem_shared>>) offsets(%dma_start3A_236 : memref<64xi32, #tpu.memory_space<vmem>>) semaphore(%arg12 : memref<!tpu.dma_semaphore, #tpu.memory_space<semaphore_mem>>) {add = true}
      %gt3A = arith.constant 0 : i32
      %gt3A_240 = arith.cmpi sgt, %while3A_186, %gt3A : i32
      %convert_element_type3A = arith.extui %gt3A_240 : i1 to i32
      %cond3A = arith.constant 0 : i32
      %cond3A_241 = arith.cmpi ne, %convert_element_type3A, %cond3A : i32
      scf.if %cond3A_241 {
        %add3A_257 = arith.constant 5 : i32
        %add3A_258 = arith.addi %while3A_186, %add3A_257 : i32
        %sub3A_259 = arith.constant 1 : i32
        %sub3A_260 = arith.subi %add3A_258, %sub3A_259 : i32
        %jit3A_261 = arith.constant 5 : i32
        %eq3A_262 = arith.constant 0 : i32
        %eq3A_263 = arith.cmpi eq, %jit3A_261, %eq3A_262 : i32
        %jit3A_264 = arith.constant 1 : i32
        %select_n3A_265 = arith.select %eq3A_263, %jit3A_264, %jit3A_261 : i32
        %rem3A_266 = arith.remsi %sub3A_260, %select_n3A_265 : i32
        %ne3A_267 = arith.constant 0 : i32
        %ne3A_268 = arith.cmpi ne, %rem3A_266, %ne3A_267 : i32
        %lt3A_269 = arith.constant 0 : i32
        %lt3A_270 = arith.cmpi slt, %rem3A_266, %lt3A_269 : i32
        %lt3A_271 = arith.constant 0 : i32
        %lt3A_272 = arith.cmpi slt, %select_n3A_265, %lt3A_271 : i32
        %ne3A_273 = arith.xori %lt3A_270, %lt3A_272 : i1
        %and3A_274 = arith.andi %ne3A_273, %ne3A_268 : i1
        %add3A_275 = arith.addi %rem3A_266, %select_n3A_265 : i32
        %select_n3A_276 = arith.select %and3A_274, %add3A_275, %rem3A_266 : i32
        %add3A_277 = arith.constant 8 : i32
        %add3A_278 = arith.addi %while3A_186, %add3A_277 : i32
        %sub3A_279 = arith.constant 1 : i32
        %sub3A_280 = arith.subi %add3A_278, %sub3A_279 : i32
        %jit3A_281 = arith.constant 8 : i32
        %eq3A_282 = arith.constant 0 : i32
        %eq3A_283 = arith.cmpi eq, %jit3A_281, %eq3A_282 : i32
        %jit3A_284 = arith.constant 1 : i32
        %select_n3A_285 = arith.select %eq3A_283, %jit3A_284, %jit3A_281 : i32
        %rem3A_286 = arith.remsi %sub3A_280, %select_n3A_285 : i32
        %ne3A_287 = arith.constant 0 : i32
        %ne3A_288 = arith.cmpi ne, %rem3A_286, %ne3A_287 : i32
        %lt3A_289 = arith.constant 0 : i32
        %lt3A_290 = arith.cmpi slt, %rem3A_286, %lt3A_289 : i32
        %lt3A_291 = arith.constant 0 : i32
        %lt3A_292 = arith.cmpi slt, %select_n3A_285, %lt3A_291 : i32
        %ne3A_293 = arith.xori %lt3A_290, %lt3A_292 : i1
        %and3A_294 = arith.andi %ne3A_293, %ne3A_288 : i1
        %add3A_295 = arith.addi %rem3A_286, %select_n3A_285 : i32
        %select_n3A_296 = arith.select %and3A_294, %add3A_295, %rem3A_286 : i32
        %dma_wait3A_297 = arith.constant 0 : i32
        %dma_wait3A_298 = arith.constant 0 : i32
        %dma_wait3A_299 = tpu.memref_slice %arg10[%select_n3A_276, %dma_wait3A_297, %dma_wait3A_298] : memref<5x64x128xf32, #tpu.memory_space<vmem>> -> memref<1x64x128xf32, #tpu.memory_space<vmem>>
        %dma_wait3A_300 = tpu.memref_squeeze %dma_wait3A_299 : memref<1x64x128xf32, #tpu.memory_space<vmem>> -> memref<64x128xf32, #tpu.memory_space<vmem>>
        %dma_wait3A_301 = arith.constant 0 : i32
        %dma_wait3A_302 = tpu.memref_slice %arg9[%select_n3A_296, %dma_wait3A_301] : memref<8x64xi32, #tpu.memory_space<vmem>> -> memref<1x64xi32, #tpu.memory_space<vmem>>
        %dma_wait3A_303 = tpu.memref_squeeze %dma_wait3A_302 : memref<1x64xi32, #tpu.memory_space<vmem>> -> memref<64xi32, #tpu.memory_space<vmem>>
        %dma_wait3A_304 = arith.constant 0 : i32
        %dma_wait3A_305 = arith.constant 0 : i32
        %dma_wait3A_306 = tpu.memref_slice %arg7[%dma_wait3A_304, %dma_wait3A_305] : memref<10240x128xf32, #tpu.memory_space<vmem_shared>> -> memref<10240x128xf32, #tpu.memory_space<vmem_shared>>
        tpu.wait_indirect_dma semaphore(%arg12 : memref<!tpu.dma_semaphore, #tpu.memory_space<semaphore_mem>>) src(%dma_wait3A_300 : memref<64x128xf32, #tpu.memory_space<vmem>>) dst(%dma_wait3A_306 : memref<10240x128xf32, #tpu.memory_space<vmem_shared>>)
      } else {
      }
      %add3A_242 = arith.constant 5 : i32
      %add3A_243 = arith.addi %while3A_186, %add3A_242 : i32
      %sub3A_244 = arith.constant 1 : i32
      %sub3A_245 = arith.subi %add3A_243, %sub3A_244 : i32
      %lt3A_246 = arith.cmpi slt, %sub3A_245, %select_n3A : i32
      %convert_element_type3A_247 = arith.extui %lt3A_246 : i1 to i32
      %cond3A_248 = arith.constant 0 : i32
      %cond3A_249 = arith.cmpi ne, %convert_element_type3A_247, %cond3A_248 : i32
      scf.if %cond3A_249 {
        %add3A_257 = arith.constant 5 : i32
        %add3A_258 = arith.addi %while3A_186, %add3A_257 : i32
        %sub3A_259 = arith.constant 1 : i32
        %sub3A_260 = arith.subi %add3A_258, %sub3A_259 : i32
        %jit3A_261 = arith.constant 5 : i32
        %eq3A_262 = arith.constant 0 : i32
        %eq3A_263 = arith.cmpi eq, %jit3A_261, %eq3A_262 : i32
        %jit3A_264 = arith.constant 1 : i32
        %select_n3A_265 = arith.select %eq3A_263, %jit3A_264, %jit3A_261 : i32
        %rem3A_266 = arith.remsi %sub3A_260, %select_n3A_265 : i32
        %ne3A_267 = arith.constant 0 : i32
        %ne3A_268 = arith.cmpi ne, %rem3A_266, %ne3A_267 : i32
        %lt3A_269 = arith.constant 0 : i32
        %lt3A_270 = arith.cmpi slt, %rem3A_266, %lt3A_269 : i32
        %lt3A_271 = arith.constant 0 : i32
        %lt3A_272 = arith.cmpi slt, %select_n3A_265, %lt3A_271 : i32
        %ne3A_273 = arith.xori %lt3A_270, %lt3A_272 : i1
        %and3A_274 = arith.andi %ne3A_273, %ne3A_268 : i1
        %add3A_275 = arith.addi %rem3A_266, %select_n3A_265 : i32
        %select_n3A_276 = arith.select %and3A_274, %add3A_275, %rem3A_266 : i32
        %add3A_277 = arith.constant 5 : i32
        %add3A_278 = arith.addi %while3A_186, %add3A_277 : i32
        %sub3A_279 = arith.constant 1 : i32
        %sub3A_280 = arith.subi %add3A_278, %sub3A_279 : i32
        %jit3A_281 = arith.constant 8 : i32
        %eq3A_282 = arith.constant 0 : i32
        %eq3A_283 = arith.cmpi eq, %jit3A_281, %eq3A_282 : i32
        %jit3A_284 = arith.constant 1 : i32
        %select_n3A_285 = arith.select %eq3A_283, %jit3A_284, %jit3A_281 : i32
        %rem3A_286 = arith.remsi %sub3A_280, %select_n3A_285 : i32
        %ne3A_287 = arith.constant 0 : i32
        %ne3A_288 = arith.cmpi ne, %rem3A_286, %ne3A_287 : i32
        %lt3A_289 = arith.constant 0 : i32
        %lt3A_290 = arith.cmpi slt, %rem3A_286, %lt3A_289 : i32
        %lt3A_291 = arith.constant 0 : i32
        %lt3A_292 = arith.cmpi slt, %select_n3A_285, %lt3A_291 : i32
        %ne3A_293 = arith.xori %lt3A_290, %lt3A_292 : i1
        %and3A_294 = arith.andi %ne3A_293, %ne3A_288 : i1
        %add3A_295 = arith.addi %rem3A_286, %select_n3A_285 : i32
        %select_n3A_296 = arith.select %and3A_294, %add3A_295, %rem3A_286 : i32
        %add3A_297 = arith.addi %mul3A_0, %while3A_186 : i32
        %add3A_298 = arith.constant 5 : i32
        %add3A_299 = arith.addi %add3A_297, %add3A_298 : i32
        %sub3A_300 = arith.constant 1 : i32
        %sub3A_301 = arith.subi %add3A_299, %sub3A_300 : i32
        %dma_wait3A_302 = arith.constant 0 : i32
        %dma_wait3A_303 = tpu.memref_slice %arg8[%select_n3A_296, %dma_wait3A_302] : memref<8x64xi32, #tpu.memory_space<vmem>> -> memref<1x64xi32, #tpu.memory_space<vmem>>
        %dma_wait3A_304 = tpu.memref_squeeze %dma_wait3A_303 : memref<1x64xi32, #tpu.memory_space<vmem>> -> memref<64xi32, #tpu.memory_space<vmem>>
        %dma_wait3A_305 = arith.constant 0 : i32
        %dma_wait3A_306 = tpu.memref_slice %arg3[%arg1, %sub3A_301, %dma_wait3A_305] : memref<16x313x64xi32, #tpu.memory_space<hbm>> -> memref<1x1x64xi32, #tpu.memory_space<hbm>>
        %dma_wait3A_307 = tpu.memref_squeeze %dma_wait3A_306 : memref<1x1x64xi32, #tpu.memory_space<hbm>> -> memref<64xi32, #tpu.memory_space<hbm>>
        %dma_wait3A_308 = arith.constant 0 : i32
        %dma_wait3A_309 = tpu.memref_slice %arg8[%select_n3A_296, %dma_wait3A_308] : memref<8x64xi32, #tpu.memory_space<vmem>> -> memref<1x64xi32, #tpu.memory_space<vmem>>
        %dma_wait3A_310 = tpu.memref_squeeze %dma_wait3A_309 : memref<1x64xi32, #tpu.memory_space<vmem>> -> memref<64xi32, #tpu.memory_space<vmem>>
        %dma_wait3A_311 = arith.constant 0 : i32
        %dma_wait3A_312 = tpu.memref_slice %arg3[%arg1, %sub3A_301, %dma_wait3A_311] : memref<16x313x64xi32, #tpu.memory_space<hbm>> -> memref<1x1x64xi32, #tpu.memory_space<hbm>>
        %dma_wait3A_313 = tpu.memref_squeeze %dma_wait3A_312 : memref<1x1x64xi32, #tpu.memory_space<hbm>> -> memref<64xi32, #tpu.memory_space<hbm>>
        tpu.wait_dma2 semaphore(%arg13 : memref<!tpu.dma_semaphore, #tpu.memory_space<semaphore_mem>>) src(%dma_wait3A_313 : memref<64xi32, #tpu.memory_space<hbm>>) dst(%dma_wait3A_310 : memref<64xi32, #tpu.memory_space<vmem>>)
        %add3A_314 = arith.addi %mul3A_0, %while3A_186 : i32
        %add3A_315 = arith.constant 5 : i32
        %add3A_316 = arith.addi %add3A_314, %add3A_315 : i32
        %sub3A_317 = arith.constant 1 : i32
        %sub3A_318 = arith.subi %add3A_316, %sub3A_317 : i32
        %dma_wait3A_319 = arith.constant 0 : i32
        %dma_wait3A_320 = tpu.memref_slice %arg9[%select_n3A_296, %dma_wait3A_319] : memref<8x64xi32, #tpu.memory_space<vmem>> -> memref<1x64xi32, #tpu.memory_space<vmem>>
        %dma_wait3A_321 = tpu.memref_squeeze %dma_wait3A_320 : memref<1x64xi32, #tpu.memory_space<vmem>> -> memref<64xi32, #tpu.memory_space<vmem>>
        %dma_wait3A_322 = arith.constant 0 : i32
        %dma_wait3A_323 = tpu.memref_slice %arg4[%arg1, %sub3A_318, %dma_wait3A_322] : memref<16x313x64xi32, #tpu.memory_space<hbm>> -> memref<1x1x64xi32, #tpu.memory_space<hbm>>
        %dma_wait3A_324 = tpu.memref_squeeze %dma_wait3A_323 : memref<1x1x64xi32, #tpu.memory_space<hbm>> -> memref<64xi32, #tpu.memory_space<hbm>>
        %dma_wait3A_325 = arith.constant 0 : i32
        %dma_wait3A_326 = tpu.memref_slice %arg9[%select_n3A_296, %dma_wait3A_325] : memref<8x64xi32, #tpu.memory_space<vmem>> -> memref<1x64xi32, #tpu.memory_space<vmem>>
        %dma_wait3A_327 = tpu.memref_squeeze %dma_wait3A_326 : memref<1x64xi32, #tpu.memory_space<vmem>> -> memref<64xi32, #tpu.memory_space<vmem>>
        %dma_wait3A_328 = arith.constant 0 : i32
        %dma_wait3A_329 = tpu.memref_slice %arg4[%arg1, %sub3A_318, %dma_wait3A_328] : memref<16x313x64xi32, #tpu.memory_space<hbm>> -> memref<1x1x64xi32, #tpu.memory_space<hbm>>
        %dma_wait3A_330 = tpu.memref_squeeze %dma_wait3A_329 : memref<1x1x64xi32, #tpu.memory_space<hbm>> -> memref<64xi32, #tpu.memory_space<hbm>>
        tpu.wait_dma2 semaphore(%arg13 : memref<!tpu.dma_semaphore, #tpu.memory_space<semaphore_mem>>) src(%dma_wait3A_330 : memref<64xi32, #tpu.memory_space<hbm>>) dst(%dma_wait3A_327 : memref<64xi32, #tpu.memory_space<vmem>>)
        %dma_start3A_331 = arith.constant 0 : i32
        %dma_start3A_332 = arith.constant 0 : i32
        %dma_start3A_333 = tpu.memref_slice %arg10[%select_n3A_276, %dma_start3A_331, %dma_start3A_332] : memref<5x64x128xf32, #tpu.memory_space<vmem>> -> memref<1x64x128xf32, #tpu.memory_space<vmem>>
        %dma_start3A_334 = tpu.memref_squeeze %dma_start3A_333 : memref<1x64x128xf32, #tpu.memory_space<vmem>> -> memref<64x128xf32, #tpu.memory_space<vmem>>
        %dma_start3A_335 = arith.constant 0 : i32
        %dma_start3A_336 = tpu.memref_slice %arg8[%select_n3A_296, %dma_start3A_335] : memref<8x64xi32, #tpu.memory_space<vmem>> -> memref<1x64xi32, #tpu.memory_space<vmem>>
        %dma_start3A_337 = tpu.memref_squeeze %dma_start3A_336 : memref<1x64xi32, #tpu.memory_space<vmem>> -> memref<64xi32, #tpu.memory_space<vmem>>
        %dma_start3A_338 = arith.constant 0 : i32
        %dma_start3A_339 = arith.constant 0 : i32
        %dma_start3A_340 = tpu.memref_slice %arg2[%dma_start3A_338, %dma_start3A_339] : memref<10000x128xf32, #tpu.memory_space<hbm>> -> memref<10000x128xf32, #tpu.memory_space<hbm>>
        tpu.enqueue_indirect_dma source(%dma_start3A_340 : memref<10000x128xf32, #tpu.memory_space<hbm>>) target(%dma_start3A_334 : memref<64x128xf32, #tpu.memory_space<vmem>>) offsets(%dma_start3A_337 : memref<64xi32, #tpu.memory_space<vmem>>) semaphore(%arg11 : memref<!tpu.dma_semaphore, #tpu.memory_space<semaphore_mem>>)
      } else {
      }
      %add3A_250 = arith.constant 6 : i32
      %add3A_251 = arith.addi %while3A_186, %add3A_250 : i32
      %lt3A_252 = arith.cmpi slt, %add3A_251, %select_n3A : i32
      %convert_element_type3A_253 = arith.extui %lt3A_252 : i1 to i32
      %cond3A_254 = arith.constant 0 : i32
      %cond3A_255 = arith.cmpi ne, %convert_element_type3A_253, %cond3A_254 : i32
      scf.if %cond3A_255 {
        %add3A_257 = arith.constant 6 : i32
        %add3A_258 = arith.addi %while3A_186, %add3A_257 : i32
        %jit3A_259 = arith.constant 8 : i32
        %eq3A_260 = arith.constant 0 : i32
        %eq3A_261 = arith.cmpi eq, %jit3A_259, %eq3A_260 : i32
        %jit3A_262 = arith.constant 1 : i32
        %select_n3A_263 = arith.select %eq3A_261, %jit3A_262, %jit3A_259 : i32
        %rem3A_264 = arith.remsi %add3A_258, %select_n3A_263 : i32
        %ne3A_265 = arith.constant 0 : i32
        %ne3A_266 = arith.cmpi ne, %rem3A_264, %ne3A_265 : i32
        %lt3A_267 = arith.constant 0 : i32
        %lt3A_268 = arith.cmpi slt, %rem3A_264, %lt3A_267 : i32
        %lt3A_269 = arith.constant 0 : i32
        %lt3A_270 = arith.cmpi slt, %select_n3A_263, %lt3A_269 : i32
        %ne3A_271 = arith.xori %lt3A_268, %lt3A_270 : i1
        %and3A_272 = arith.andi %ne3A_271, %ne3A_266 : i1
        %add3A_273 = arith.addi %rem3A_264, %select_n3A_263 : i32
        %select_n3A_274 = arith.select %and3A_272, %add3A_273, %rem3A_264 : i32
        %add3A_275 = arith.addi %mul3A_0, %while3A_186 : i32
        %add3A_276 = arith.constant 6 : i32
        %add3A_277 = arith.addi %add3A_275, %add3A_276 : i32
        %dma_start3A_278 = arith.constant 0 : i32
        %dma_start3A_279 = tpu.memref_slice %arg8[%select_n3A_274, %dma_start3A_278] : memref<8x64xi32, #tpu.memory_space<vmem>> -> memref<1x64xi32, #tpu.memory_space<vmem>>
        %dma_start3A_280 = tpu.memref_squeeze %dma_start3A_279 : memref<1x64xi32, #tpu.memory_space<vmem>> -> memref<64xi32, #tpu.memory_space<vmem>>
        %dma_start3A_281 = arith.constant 0 : i32
        %dma_start3A_282 = tpu.memref_slice %arg3[%arg1, %add3A_277, %dma_start3A_281] : memref<16x313x64xi32, #tpu.memory_space<hbm>> -> memref<1x1x64xi32, #tpu.memory_space<hbm>>
        %dma_start3A_283 = tpu.memref_squeeze %dma_start3A_282 : memref<1x1x64xi32, #tpu.memory_space<hbm>> -> memref<64xi32, #tpu.memory_space<hbm>>
        %dma_start3A_284 = arith.constant 0 : i32
        %dma_start3A_285 = tpu.memref_slice %arg8[%select_n3A_274, %dma_start3A_284] : memref<8x64xi32, #tpu.memory_space<vmem>> -> memref<1x64xi32, #tpu.memory_space<vmem>>
        %dma_start3A_286 = tpu.memref_squeeze %dma_start3A_285 : memref<1x64xi32, #tpu.memory_space<vmem>> -> memref<64xi32, #tpu.memory_space<vmem>>
        %dma_start3A_287 = arith.constant 0 : i32
        %dma_start3A_288 = tpu.memref_slice %arg3[%arg1, %add3A_277, %dma_start3A_287] : memref<16x313x64xi32, #tpu.memory_space<hbm>> -> memref<1x1x64xi32, #tpu.memory_space<hbm>>
        %dma_start3A_289 = tpu.memref_squeeze %dma_start3A_288 : memref<1x1x64xi32, #tpu.memory_space<hbm>> -> memref<64xi32, #tpu.memory_space<hbm>>
        tpu.enqueue_dma source(%dma_start3A_289 : memref<64xi32, #tpu.memory_space<hbm>>) target(%dma_start3A_286 : memref<64xi32, #tpu.memory_space<vmem>>) target_semaphore(%arg13 : memref<!tpu.dma_semaphore, #tpu.memory_space<semaphore_mem>>)
        %add3A_290 = arith.addi %mul3A_0, %while3A_186 : i32
        %add3A_291 = arith.constant 6 : i32
        %add3A_292 = arith.addi %add3A_290, %add3A_291 : i32
        %dma_start3A_293 = arith.constant 0 : i32
        %dma_start3A_294 = tpu.memref_slice %arg9[%select_n3A_274, %dma_start3A_293] : memref<8x64xi32, #tpu.memory_space<vmem>> -> memref<1x64xi32, #tpu.memory_space<vmem>>
        %dma_start3A_295 = tpu.memref_squeeze %dma_start3A_294 : memref<1x64xi32, #tpu.memory_space<vmem>> -> memref<64xi32, #tpu.memory_space<vmem>>
        %dma_start3A_296 = arith.constant 0 : i32
        %dma_start3A_297 = tpu.memref_slice %arg4[%arg1, %add3A_292, %dma_start3A_296] : memref<16x313x64xi32, #tpu.memory_space<hbm>> -> memref<1x1x64xi32, #tpu.memory_space<hbm>>
        %dma_start3A_298 = tpu.memref_squeeze %dma_start3A_297 : memref<1x1x64xi32, #tpu.memory_space<hbm>> -> memref<64xi32, #tpu.memory_space<hbm>>
        %dma_start3A_299 = arith.constant 0 : i32
        %dma_start3A_300 = tpu.memref_slice %arg9[%select_n3A_274, %dma_start3A_299] : memref<8x64xi32, #tpu.memory_space<vmem>> -> memref<1x64xi32, #tpu.memory_space<vmem>>
        %dma_start3A_301 = tpu.memref_squeeze %dma_start3A_300 : memref<1x64xi32, #tpu.memory_space<vmem>> -> memref<64xi32, #tpu.memory_space<vmem>>
        %dma_start3A_302 = arith.constant 0 : i32
        %dma_start3A_303 = tpu.memref_slice %arg4[%arg1, %add3A_292, %dma_start3A_302] : memref<16x313x64xi32, #tpu.memory_space<hbm>> -> memref<1x1x64xi32, #tpu.memory_space<hbm>>
        %dma_start3A_304 = tpu.memref_squeeze %dma_start3A_303 : memref<1x1x64xi32, #tpu.memory_space<hbm>> -> memref<64xi32, #tpu.memory_space<hbm>>
        tpu.enqueue_dma source(%dma_start3A_304 : memref<64xi32, #tpu.memory_space<hbm>>) target(%dma_start3A_301 : memref<64xi32, #tpu.memory_space<vmem>>) target_semaphore(%arg13 : memref<!tpu.dma_semaphore, #tpu.memory_space<semaphore_mem>>)
      } else {
      }
      %while3A_256 = arith.constant 0 : i32
      scf.yield %while3A_256 : i32
    }
    %sub3A = arith.constant 1 : i32
    %sub3A_145 = arith.subi %select_n3A, %sub3A : i32
    %jit3A_146 = arith.constant 5 : i32
    %eq3A_147 = arith.constant 0 : i32
    %eq3A_148 = arith.cmpi eq, %jit3A_146, %eq3A_147 : i32
    %jit3A_149 = arith.constant 1 : i32
    %select_n3A_150 = arith.select %eq3A_148, %jit3A_149, %jit3A_146 : i32
    %rem3A = arith.remsi %sub3A_145, %select_n3A_150 : i32
    %ne3A = arith.constant 0 : i32
    %ne3A_151 = arith.cmpi ne, %rem3A, %ne3A : i32
    %lt3A = arith.constant 0 : i32
    %lt3A_152 = arith.cmpi slt, %rem3A, %lt3A : i32
    %lt3A_153 = arith.constant 0 : i32
    %lt3A_154 = arith.cmpi slt, %select_n3A_150, %lt3A_153 : i32
    %ne3A_155 = arith.xori %lt3A_152, %lt3A_154 : i1
    %and3A = arith.andi %ne3A_155, %ne3A_151 : i1
    %add3A_156 = arith.addi %rem3A, %select_n3A_150 : i32
    %select_n3A_157 = arith.select %and3A, %add3A_156, %rem3A : i32
    %sub3A_158 = arith.constant 1 : i32
    %sub3A_159 = arith.subi %select_n3A, %sub3A_158 : i32
    %jit3A_160 = arith.constant 8 : i32
    %eq3A_161 = arith.constant 0 : i32
    %eq3A_162 = arith.cmpi eq, %jit3A_160, %eq3A_161 : i32
    %jit3A_163 = arith.constant 1 : i32
    %select_n3A_164 = arith.select %eq3A_162, %jit3A_163, %jit3A_160 : i32
    %rem3A_165 = arith.remsi %sub3A_159, %select_n3A_164 : i32
    %ne3A_166 = arith.constant 0 : i32
    %ne3A_167 = arith.cmpi ne, %rem3A_165, %ne3A_166 : i32
    %lt3A_168 = arith.constant 0 : i32
    %lt3A_169 = arith.cmpi slt, %rem3A_165, %lt3A_168 : i32
    %lt3A_170 = arith.constant 0 : i32
    %lt3A_171 = arith.cmpi slt, %select_n3A_164, %lt3A_170 : i32
    %ne3A_172 = arith.xori %lt3A_169, %lt3A_171 : i1
    %and3A_173 = arith.andi %ne3A_172, %ne3A_167 : i1
    %add3A_174 = arith.addi %rem3A_165, %select_n3A_164 : i32
    %select_n3A_175 = arith.select %and3A_173, %add3A_174, %rem3A_165 : i32
    %dma_wait3A = arith.constant 0 : i32
    %dma_wait3A_176 = arith.constant 0 : i32
    %dma_wait3A_177 = tpu.memref_slice %arg10[%select_n3A_157, %dma_wait3A, %dma_wait3A_176] : memref<5x64x128xf32, #tpu.memory_space<vmem>> -> memref<1x64x128xf32, #tpu.memory_space<vmem>>
    %dma_wait3A_178 = tpu.memref_squeeze %dma_wait3A_177 : memref<1x64x128xf32, #tpu.memory_space<vmem>> -> memref<64x128xf32, #tpu.memory_space<vmem>>
    %dma_wait3A_179 = arith.constant 0 : i32
    %dma_wait3A_180 = tpu.memref_slice %arg9[%select_n3A_175, %dma_wait3A_179] : memref<8x64xi32, #tpu.memory_space<vmem>> -> memref<1x64xi32, #tpu.memory_space<vmem>>
    %dma_wait3A_181 = tpu.memref_squeeze %dma_wait3A_180 : memref<1x64xi32, #tpu.memory_space<vmem>> -> memref<64xi32, #tpu.memory_space<vmem>>
    %dma_wait3A_182 = arith.constant 0 : i32
    %dma_wait3A_183 = arith.constant 0 : i32
    %dma_wait3A_184 = tpu.memref_slice %arg7[%dma_wait3A_182, %dma_wait3A_183] : memref<10240x128xf32, #tpu.memory_space<vmem_shared>> -> memref<10240x128xf32, #tpu.memory_space<vmem_shared>>
    tpu.wait_indirect_dma semaphore(%arg12 : memref<!tpu.dma_semaphore, #tpu.memory_space<semaphore_mem>>) src(%dma_wait3A_178 : memref<64x128xf32, #tpu.memory_space<vmem>>) dst(%dma_wait3A_184 : memref<10240x128xf32, #tpu.memory_space<vmem_shared>>)
    %barrier3A_185 = arith.constant 0 : index
    tpu.barrier barrier_id(%barrier3A_185)
    "tpu.region"() ({
      %run_scoped3A_186 = tpu.sem_alloc : memref<!tpu.dma_semaphore, #tpu.memory_space<semaphore_mem>>
      %dma_start3A_187 = arith.constant 0 : i32
      %dma_start3A_188 = tpu.memref_slice %arg6[%arg0, %mul3A_4, %dma_start3A_187] : memref<2x10240x128xf32, #tpu.memory_space<hbm>> -> memref<1x640x128xf32, #tpu.memory_space<hbm>>
      %dma_start3A_189 = tpu.memref_squeeze %dma_start3A_188 : memref<1x640x128xf32, #tpu.memory_space<hbm>> -> memref<640x128xf32, #tpu.memory_space<hbm>>
      %dma_start3A_190 = arith.constant 0 : i32
      %dma_start3A_191 = tpu.memref_slice %arg7[%mul3A_4, %dma_start3A_190] : memref<10240x128xf32, #tpu.memory_space<vmem_shared>> -> memref<640x128xf32, #tpu.memory_space<vmem_shared>>
      tpu.enqueue_dma source(%dma_start3A_191 : memref<640x128xf32, #tpu.memory_space<vmem_shared>>) target(%dma_start3A_189 : memref<640x128xf32, #tpu.memory_space<hbm>>) target_semaphore(%run_scoped3A_186 : memref<!tpu.dma_semaphore, #tpu.memory_space<semaphore_mem>>)
      %dma_wait3A_192 = arith.constant 0 : i32
      %dma_wait3A_193 = tpu.memref_slice %arg6[%arg0, %mul3A_4, %dma_wait3A_192] : memref<2x10240x128xf32, #tpu.memory_space<hbm>> -> memref<1x640x128xf32, #tpu.memory_space<hbm>>
      %dma_wait3A_194 = tpu.memref_squeeze %dma_wait3A_193 : memref<1x640x128xf32, #tpu.memory_space<hbm>> -> memref<640x128xf32, #tpu.memory_space<hbm>>
      %dma_wait3A_195 = arith.constant 0 : i32
      %dma_wait3A_196 = tpu.memref_slice %arg7[%mul3A_4, %dma_wait3A_195] : memref<10240x128xf32, #tpu.memory_space<vmem_shared>> -> memref<640x128xf32, #tpu.memory_space<vmem_shared>>
      tpu.wait_dma2 semaphore(%run_scoped3A_186 : memref<!tpu.dma_semaphore, #tpu.memory_space<semaphore_mem>>) src(%dma_wait3A_196 : memref<640x128xf32, #tpu.memory_space<vmem_shared>>) dst(%dma_wait3A_194 : memref<640x128xf32, #tpu.memory_space<hbm>>)
      tpu.yield
    }) : () -> ()
    return
  }
}

module attributes {stable_mosaic.version = 14 : i64} {
  func.func @_mm_body(%arg0: i32, %arg1: memref<1000x128xf32, #tpu.memory_space<vmem>>, %arg2: memref<128x128xf32, #tpu.memory_space<vmem>>, %arg3: memref<1000x128xf32, #tpu.memory_space<vmem>>) attributes {dimension_semantics = [#tpu.dimension_semantics<arbitrary>], iteration_bounds = array<i64: 10>, scalar_prefetch = 0 : i64, scratch_operands = 0 : i64, tpu.core_type = #tpu.core_type<tc>, window_params = [{transform_indices = @transform_0, window_bounds = array<i64: 1000, 128>}, {pipeline_mode = #tpu.pipeline_mode<synchronous>, transform_indices = @transform_1, window_bounds = array<i64: 128, 128>}, {transform_indices = @transform_2, window_bounds = array<i64: 1000, 128>}]} {
    %get3A = arith.constant 0 : index
    %get3A_0 = arith.constant 0 : index
    %get3A_1 = vector.load %arg1[%get3A, %get3A_0] : memref<1000x128xf32, #tpu.memory_space<vmem>>, vector<1000x128xf32>
    %get3A_2 = arith.constant 0 : index
    %get3A_3 = arith.constant 0 : index
    %get3A_4 = vector.load %arg2[%get3A_2, %get3A_3] : memref<128x128xf32, #tpu.memory_space<vmem>>, vector<128x128xf32>
    %dot_general3A = arith.constant dense<0.000000e+00> : vector<1000x128xf32>
    %dot_general3A_5 = tpu.matmul %get3A_1, %get3A_4, %dot_general3A {dimension_numbers = #tpu.dot_dimension_numbers<[1], [0], [0], [1], [0, 0, 1, 1], [], []>, transpose_lhs_hint = false} : vector<1000x128xf32>, vector<128x128xf32>, vector<1000x128xf32> -> vector<1000x128xf32>
    %swap3A = arith.constant 0 : index
    %swap3A_6 = arith.constant 0 : index
    %swap3A_7 = vector.load %arg3[%swap3A, %swap3A_6] : memref<1000x128xf32, #tpu.memory_space<vmem>>, vector<1000x128xf32>
    tpu.vector_store %arg3[%swap3A, %swap3A_6], %dot_general3A_5 {strides = array<i32>} : memref<1000x128xf32, #tpu.memory_space<vmem>>, vector<1000x128xf32>,
    return
  }
  func.func @transform_0(%arg0: i32) -> (i32, i32) {
    %c0_i32 = arith.constant 0 : i32
    %c0_i32_0 = arith.constant 0 : i32
    return %arg0, %c0_i32 : i32, i32
  }
  func.func @transform_1(%arg0: i32) -> (i32, i32) {
    %c0_i32 = arith.constant 0 : i32
    %c0_i32_0 = arith.constant 0 : i32
    %c0_i32_1 = arith.constant 0 : i32
    return %c0_i32, %c0_i32_0 : i32, i32
  }
  func.func @transform_2(%arg0: i32) -> (i32, i32) {
    %c0_i32 = arith.constant 0 : i32
    %c0_i32_0 = arith.constant 0 : i32
    return %arg0, %c0_i32 : i32, i32
  }
}

module attributes {stable_mosaic.version = 14 : i64} {
  func.func @_post1_body(%arg0: memref<2x10240x128xf32, #tpu.memory_space<vmem>>, %arg1: memref<10000x128xf32, #tpu.memory_space<vmem>>, %arg2: memref<10000x1xf32, #tpu.memory_space<vmem>>, %arg3: memref<1x128xf32, #tpu.memory_space<vmem>>, %arg4: memref<1x128xf32, #tpu.memory_space<vmem>>, %arg5: memref<1x128xf32, #tpu.memory_space<vmem>>, %arg6: memref<128x128xf32, #tpu.memory_space<vmem>>, %arg7: memref<10000x128xf32, #tpu.memory_space<vmem>>, %arg8: memref<10000x128xf32, #tpu.memory_space<vmem>>) attributes {dimension_semantics = [], scalar_prefetch = 0 : i64, scratch_operands = 0 : i64, tpu.core_type = #tpu.core_type<tc>} {
    %get3A = arith.constant 0 : index
    %get3A_0 = arith.constant 0 : index
    %get3A_1 = arith.constant 0 : index
    %get3A_2 = vector.load %arg0[%get3A, %get3A_0, %get3A_1] : memref<2x10240x128xf32, #tpu.memory_space<vmem>>, vector<1x10000x128xf32>
    %get3A_3 = vector.shape_cast %get3A_2 : vector<1x10000x128xf32> to vector<10000x128xf32>
    %get3A_4 = arith.constant 1 : index
    %get3A_5 = arith.constant 0 : index
    %get3A_6 = arith.constant 0 : index
    %get3A_7 = vector.load %arg0[%get3A_4, %get3A_5, %get3A_6] : memref<2x10240x128xf32, #tpu.memory_space<vmem>>, vector<1x10000x128xf32>
    %get3A_8 = vector.shape_cast %get3A_7 : vector<1x10000x128xf32> to vector<10000x128xf32>
    %add3A = arith.addf %get3A_3, %get3A_8 : vector<10000x128xf32>
    %get3A_9 = arith.constant 0 : index
    %get3A_10 = arith.constant 0 : index
    %get3A_11 = vector.load %arg1[%get3A_9, %get3A_10] : memref<10000x128xf32, #tpu.memory_space<vmem>>, vector<10000x128xf32>
    %add3A_12 = arith.addf %add3A, %get3A_11 : vector<10000x128xf32>
    %get3A_13 = arith.constant 0 : index
    %get3A_14 = arith.constant 0 : index
    %get3A_15 = vector.load %arg2[%get3A_13, %get3A_14] : memref<10000x1xf32, #tpu.memory_space<vmem>>, vector<10000x1xf32>
    %mul3A = vector.broadcast %get3A_15 : vector<10000x1xf32> to vector<10000x128xf32>
    %mul3A_16 = arith.mulf %mul3A, %add3A_12 : vector<10000x128xf32>
    %get3A_17 = arith.constant 0 : index
    %get3A_18 = arith.constant 0 : index
    %get3A_19 = vector.load %arg3[%get3A_17, %get3A_18] : memref<1x128xf32, #tpu.memory_space<vmem>>, vector<1x128xf32>
    %add3A_20 = vector.broadcast %get3A_19 : vector<1x128xf32> to vector<10000x128xf32>
    %add3A_21 = arith.addf %mul3A_16, %add3A_20 : vector<10000x128xf32>
    %reduce_sum3A = arith.constant dense<0.000000e+00> : vector<128xf32>
    %reduce_sum3A_22 = vector.multi_reduction <add>, %add3A_21, %reduce_sum3A [0] : vector<10000x128xf32> to vector<128xf32>
    %broadcast_in_dim3A = vector.shape_cast %reduce_sum3A_22 : vector<128xf32> to vector<1x128xf32>
    %div3A = arith.constant 1.000000e+04 : f32
    %div3A_23 = vector.broadcast %div3A : f32 to vector<1x128xf32>
    %div3A_24 = arith.divf %broadcast_in_dim3A, %div3A_23 : vector<1x128xf32>
    %sub3A = vector.broadcast %div3A_24 : vector<1x128xf32> to vector<10000x128xf32>
    %sub3A_25 = arith.subf %add3A_21, %sub3A : vector<10000x128xf32>
    %integer_pow3A = arith.mulf %sub3A_25, %sub3A_25 : vector<10000x128xf32>
    %reduce_sum3A_26 = arith.constant dense<0.000000e+00> : vector<128xf32>
    %reduce_sum3A_27 = vector.multi_reduction <add>, %integer_pow3A, %reduce_sum3A_26 [0] : vector<10000x128xf32> to vector<128xf32>
    %broadcast_in_dim3A_28 = vector.shape_cast %reduce_sum3A_27 : vector<128xf32> to vector<1x128xf32>
    %div3A_29 = arith.constant 1.000000e+04 : f32
    %div3A_30 = vector.broadcast %div3A_29 : f32 to vector<1x128xf32>
    %div3A_31 = arith.divf %broadcast_in_dim3A_28, %div3A_30 : vector<1x128xf32>
    %sub3A_32 = vector.broadcast %div3A_24 : vector<1x128xf32> to vector<10000x128xf32>
    %sub3A_33 = arith.subf %add3A_21, %sub3A_32 : vector<10000x128xf32>
    %add3A_34 = arith.constant 9.99999974E-6 : f32
    %add3A_35 = vector.broadcast %add3A_34 : f32 to vector<1x128xf32>
    %add3A_36 = arith.addf %div3A_31, %add3A_35 : vector<1x128xf32>
    %rsqrt3A = math.rsqrt %add3A_36 : vector<1x128xf32>
    %mul3A_37 = vector.broadcast %rsqrt3A : vector<1x128xf32> to vector<10000x128xf32>
    %mul3A_38 = arith.mulf %sub3A_33, %mul3A_37 : vector<10000x128xf32>
    %get3A_39 = arith.constant 0 : index
    %get3A_40 = arith.constant 0 : index
    %get3A_41 = vector.load %arg4[%get3A_39, %get3A_40] : memref<1x128xf32, #tpu.memory_space<vmem>>, vector<1x128xf32>
    %mul3A_42 = vector.broadcast %get3A_41 : vector<1x128xf32> to vector<10000x128xf32>
    %mul3A_43 = arith.mulf %mul3A_38, %mul3A_42 : vector<10000x128xf32>
    %get3A_44 = arith.constant 0 : index
    %get3A_45 = arith.constant 0 : index
    %get3A_46 = vector.load %arg5[%get3A_44, %get3A_45] : memref<1x128xf32, #tpu.memory_space<vmem>>, vector<1x128xf32>
    %add3A_47 = vector.broadcast %get3A_46 : vector<1x128xf32> to vector<10000x128xf32>
    %add3A_48 = arith.addf %mul3A_43, %add3A_47 : vector<10000x128xf32>
    %max3A = arith.constant 0.000000e+00 : f32
    %max3A_49 = vector.broadcast %max3A : f32 to vector<10000x128xf32>
    %max3A_50 = arith.maximumf %add3A_48, %max3A_49 : vector<10000x128xf32>
    %swap3A = arith.constant 0 : index
    %swap3A_51 = arith.constant 0 : index
    %swap3A_52 = vector.load %arg7[%swap3A, %swap3A_51] : memref<10000x128xf32, #tpu.memory_space<vmem>>, vector<10000x128xf32>
    tpu.vector_store %arg7[%swap3A, %swap3A_51], %max3A_50 {strides = array<i32>} : memref<10000x128xf32, #tpu.memory_space<vmem>>, vector<10000x128xf32>,
    %get3A_53 = arith.constant 0 : index
    %get3A_54 = arith.constant 0 : index
    %get3A_55 = vector.load %arg2[%get3A_53, %get3A_54] : memref<10000x1xf32, #tpu.memory_space<vmem>>, vector<10000x1xf32>
    %get3A_56 = arith.constant 0 : index
    %get3A_57 = arith.constant 0 : index
    %get3A_58 = vector.load %arg6[%get3A_56, %get3A_57] : memref<128x128xf32, #tpu.memory_space<vmem>>, vector<128x128xf32>
    %dot_general3A = arith.constant dense<0.000000e+00> : vector<10000x128xf32>
    %dot_general3A_59 = tpu.matmul %max3A_50, %get3A_58, %dot_general3A {dimension_numbers = #tpu.dot_dimension_numbers<[1], [0], [0], [1], [0, 0, 1, 1], [], []>, transpose_lhs_hint = false} : vector<10000x128xf32>, vector<128x128xf32>, vector<10000x128xf32> -> vector<10000x128xf32>
    %mul3A_60 = vector.broadcast %get3A_55 : vector<10000x1xf32> to vector<10000x128xf32>
    %mul3A_61 = arith.mulf %mul3A_60, %dot_general3A_59 : vector<10000x128xf32>
    %swap3A_62 = arith.constant 0 : index
    %swap3A_63 = arith.constant 0 : index
    %swap3A_64 = vector.load %arg8[%swap3A_62, %swap3A_63] : memref<10000x128xf32, #tpu.memory_space<vmem>>, vector<10000x128xf32>
    tpu.vector_store %arg8[%swap3A_62, %swap3A_63], %mul3A_61 {strides = array<i32>} : memref<10000x128xf32, #tpu.memory_space<vmem>>, vector<10000x128xf32>,
    return
  }
}

module attributes {stable_mosaic.version = 14 : i64} {
  func.func @_post2_body(%arg0: memref<2x10240x128xf32, #tpu.memory_space<vmem>>, %arg1: memref<10000x128xf32, #tpu.memory_space<vmem>>, %arg2: memref<10000x1xf32, #tpu.memory_space<vmem>>, %arg3: memref<1x128xf32, #tpu.memory_space<vmem>>, %arg4: memref<1x128xf32, #tpu.memory_space<vmem>>, %arg5: memref<1x128xf32, #tpu.memory_space<vmem>>, %arg6: memref<10000x128xf32, #tpu.memory_space<vmem>>) attributes {dimension_semantics = [], scalar_prefetch = 0 : i64, scratch_operands = 0 : i64, tpu.core_type = #tpu.core_type<tc>} {
    %get3A = arith.constant 0 : index
    %get3A_0 = arith.constant 0 : index
    %get3A_1 = arith.constant 0 : index
    %get3A_2 = vector.load %arg0[%get3A, %get3A_0, %get3A_1] : memref<2x10240x128xf32, #tpu.memory_space<vmem>>, vector<1x10000x128xf32>
    %get3A_3 = vector.shape_cast %get3A_2 : vector<1x10000x128xf32> to vector<10000x128xf32>
    %get3A_4 = arith.constant 1 : index
    %get3A_5 = arith.constant 0 : index
    %get3A_6 = arith.constant 0 : index
    %get3A_7 = vector.load %arg0[%get3A_4, %get3A_5, %get3A_6] : memref<2x10240x128xf32, #tpu.memory_space<vmem>>, vector<1x10000x128xf32>
    %get3A_8 = vector.shape_cast %get3A_7 : vector<1x10000x128xf32> to vector<10000x128xf32>
    %add3A = arith.addf %get3A_3, %get3A_8 : vector<10000x128xf32>
    %get3A_9 = arith.constant 0 : index
    %get3A_10 = arith.constant 0 : index
    %get3A_11 = vector.load %arg1[%get3A_9, %get3A_10] : memref<10000x128xf32, #tpu.memory_space<vmem>>, vector<10000x128xf32>
    %add3A_12 = arith.addf %add3A, %get3A_11 : vector<10000x128xf32>
    %get3A_13 = arith.constant 0 : index
    %get3A_14 = arith.constant 0 : index
    %get3A_15 = vector.load %arg2[%get3A_13, %get3A_14] : memref<10000x1xf32, #tpu.memory_space<vmem>>, vector<10000x1xf32>
    %mul3A = vector.broadcast %get3A_15 : vector<10000x1xf32> to vector<10000x128xf32>
    %mul3A_16 = arith.mulf %mul3A, %add3A_12 : vector<10000x128xf32>
    %get3A_17 = arith.constant 0 : index
    %get3A_18 = arith.constant 0 : index
    %get3A_19 = vector.load %arg3[%get3A_17, %get3A_18] : memref<1x128xf32, #tpu.memory_space<vmem>>, vector<1x128xf32>
    %add3A_20 = vector.broadcast %get3A_19 : vector<1x128xf32> to vector<10000x128xf32>
    %add3A_21 = arith.addf %mul3A_16, %add3A_20 : vector<10000x128xf32>
    %reduce_sum3A = arith.constant dense<0.000000e+00> : vector<128xf32>
    %reduce_sum3A_22 = vector.multi_reduction <add>, %add3A_21, %reduce_sum3A [0] : vector<10000x128xf32> to vector<128xf32>
    %broadcast_in_dim3A = vector.shape_cast %reduce_sum3A_22 : vector<128xf32> to vector<1x128xf32>
    %div3A = arith.constant 1.000000e+04 : f32
    %div3A_23 = vector.broadcast %div3A : f32 to vector<1x128xf32>
    %div3A_24 = arith.divf %broadcast_in_dim3A, %div3A_23 : vector<1x128xf32>
    %sub3A = vector.broadcast %div3A_24 : vector<1x128xf32> to vector<10000x128xf32>
    %sub3A_25 = arith.subf %add3A_21, %sub3A : vector<10000x128xf32>
    %integer_pow3A = arith.mulf %sub3A_25, %sub3A_25 : vector<10000x128xf32>
    %reduce_sum3A_26 = arith.constant dense<0.000000e+00> : vector<128xf32>
    %reduce_sum3A_27 = vector.multi_reduction <add>, %integer_pow3A, %reduce_sum3A_26 [0] : vector<10000x128xf32> to vector<128xf32>
    %broadcast_in_dim3A_28 = vector.shape_cast %reduce_sum3A_27 : vector<128xf32> to vector<1x128xf32>
    %div3A_29 = arith.constant 1.000000e+04 : f32
    %div3A_30 = vector.broadcast %div3A_29 : f32 to vector<1x128xf32>
    %div3A_31 = arith.divf %broadcast_in_dim3A_28, %div3A_30 : vector<1x128xf32>
    %sub3A_32 = vector.broadcast %div3A_24 : vector<1x128xf32> to vector<10000x128xf32>
    %sub3A_33 = arith.subf %add3A_21, %sub3A_32 : vector<10000x128xf32>
    %add3A_34 = arith.constant 9.99999974E-6 : f32
    %add3A_35 = vector.broadcast %add3A_34 : f32 to vector<1x128xf32>
    %add3A_36 = arith.addf %div3A_31, %add3A_35 : vector<1x128xf32>
    %rsqrt3A = math.rsqrt %add3A_36 : vector<1x128xf32>
    %mul3A_37 = vector.broadcast %rsqrt3A : vector<1x128xf32> to vector<10000x128xf32>
    %mul3A_38 = arith.mulf %sub3A_33, %mul3A_37 : vector<10000x128xf32>
    %get3A_39 = arith.constant 0 : index
    %get3A_40 = arith.constant 0 : index
    %get3A_41 = vector.load %arg4[%get3A_39, %get3A_40] : memref<1x128xf32, #tpu.memory_space<vmem>>, vector<1x128xf32>
    %mul3A_42 = vector.broadcast %get3A_41 : vector<1x128xf32> to vector<10000x128xf32>
    %mul3A_43 = arith.mulf %mul3A_38, %mul3A_42 : vector<10000x128xf32>
    %get3A_44 = arith.constant 0 : index
    %get3A_45 = arith.constant 0 : index
    %get3A_46 = vector.load %arg5[%get3A_44, %get3A_45] : memref<1x128xf32, #tpu.memory_space<vmem>>, vector<1x128xf32>
    %add3A_47 = vector.broadcast %get3A_46 : vector<1x128xf32> to vector<10000x128xf32>
    %add3A_48 = arith.addf %mul3A_43, %add3A_47 : vector<10000x128xf32>
    %max3A = arith.constant 0.000000e+00 : f32
    %max3A_49 = vector.broadcast %max3A : f32 to vector<10000x128xf32>
    %max3A_50 = arith.maximumf %add3A_48, %max3A_49 : vector<10000x128xf32>
    %swap3A = arith.constant 0 : index
    %swap3A_51 = arith.constant 0 : index
    %swap3A_52 = vector.load %arg6[%swap3A, %swap3A_51] : memref<10000x128xf32, #tpu.memory_space<vmem>>, vector<10000x128xf32>
    tpu.vector_store %arg6[%swap3A, %swap3A_51], %max3A_50 {strides = array<i32>} : memref<10000x128xf32, #tpu.memory_space<vmem>>, vector<10000x128xf32>,
    return
  }
}

</mosaic_0001>

<sc_bundles>
// kernel: kernel.11.cloned.1.call-start
scs
__scs_entry_jumppad:
0x0: {  	(pc) =	sbr.rel $0x88, $3  }
0x1: {  	(tag) =	ssettag $0x0;
	lr =	simm.s32 $0x1  }
0x2: {  	[smem:$0x3F97] =	sst lr;
	_ =	strace $0xD0000000  }
0x3: {  	_ = 	snop  }
0x4: {  	_ = 	snop  }
0x5: {  	_ = 	snop  }
0x6: {  	_ = 	snop  }
0x7: {  	_ = 	snop  }
__scs_overlays_trampoline_lowered:
0x8: {  	[smem:$0x3FA6] =	sst s0  }
0x9: {  	[smem:$0x3FA7] =	sst s1  }
0xa: {  	[smem:$0x3FA8] =	sst s2  }
0xb: {  	[smem:$0x3FA9] =	sst s3  }
0xc: {  	[smem:$0x3FAA] =	sst s4  }
0xd: {  	[smem:$0x3FAB] =	sst s5  }
0xe: {  	[smem:$0x3FAC] =	sst s6  }
0xf: {  	[smem:$0x3FAD] =	sst s7  }
0x10: {  	[smem:$0x3FAE] =	sst s8  }
0x11: {  	[smem:$0x3FAF] =	sst s9;
	s0 =	simm.s32 @!p0 $0x0  }
0x12: {  	s1 =	sld [smem:$0x3F95];
	s0 =	simm.s32 @p0 $0x1  }
0x13: {  	[smem:$0x3FB0] =	sst s0;
	s0 =	simm.s32 @!p1 $0x0  }
0x14: {  	s2 =	sld [smem:$0x3F94];
	s0 =	simm.s32 @p1 $0x1  }
0x15: {  	[smem:$0x3FB1] =	sst s0;
	s0 =	simm.s32 @!p2 $0x0  }
0x16: {  	s3 =	sld [smem:$0x3FDB];
	s0 =	simm.s32 @p2 $0x1  }
0x17: {  	s4 =	simm.s32 $0x1BF5;
	[smem:$0x3FB3] =	sst s0  }
0x18: {  	s0 =	sld [smem:$0x3F96];
	_ =	swait.ge [sflag:s4], $0x0  }
0x19: {  	s7 =	sld [smem:$0x3F97]  }
0x1a: {  	s8 =	sadd.s32 $0xFFFFE003, lr  }
0x1b: {  	s9 =	sadd.s32 $0xFFFFFEF7, lr;
	s5 =	simm.s32 $0xFFFFFFFF;
	p2 =	slt.u32 s8, $0xFFFFF086  }
0x1c: {  	p1 =	slt.u32 s9, $0xF7A;
	s5 =	simm.s32 @!p2 $0x0  }
0x1d: {  	s5 =	simm.s32 @p1 $0x1;
	p0 =	seq.s32 s7, s2  }
0x1e: {  	s7 =	smul.u32 @!p0 $0xF7A, s2;
	p2 =	seq.s32 @!p0 s5, $0x0  }
0x1f: {  	s9 =	smul.u32 $0xF7A, s1;
	s8 =	simm.s32 @!p0 $0x1BF5;
	p2 =	por !p2, p0  }
0x20: {  	[sflag:s8] =	ssyncset.s32 @!p0 $0xFFFFF086;
	s6 =	sadd.s32 @!p0 s3, s7;
	s7 =	simm.s32 @!p0 $0x108  }
0x21: {  	s3 =	sadd.s32 s3, s9;
	s6 =	sadd.s32 @!p0 $0x88, s6;
	s7 =	simm.s32 @p2 $0x1082  }
0x22: {  	[simem:s7], [sflag:s8] =	dma.local @!p0 [hbm:s6], $0xF7A  }
0x23: {  	s9 =	sor.u32 $0xD0000000, s2;
	s6 =	simm.s32 $0x108;
	_ =	swait.ge @!p0 [sflag:s8], $0x0  }
0x24: {  	s3 =	sadd.s32 $0x88, s3;
	s6 =	simm.s32 @!p1 $0x1082;
	[sflag:s4] =	ssyncset.s32 $0xFFFFF086  }
0x25: {  	[simem:s6], [sflag:s4] =	dma.local [hbm:s3], $0xF7A  }
0x26: {  	[smem:$0x3F97] =	sst s1;
	(tag) =	ssettag s2;
	_ =	strace s9  }
0x27: {  	s1 =	sld [smem:$0x3FA7]  }
0x28: {  	s2 =	sld [smem:$0x3FA8]  }
0x29: {  	s4 =	sld [smem:$0x3FAA]  }
0x2a: {  	p0 =	seq.s32 s5, $0x0;
	s5 =	sld [smem:$0x3FAB]  }
0x2b: {  	s6 =	sld [smem:$0x3FAC]  }
0x2c: {  	s7 =	sld [smem:$0x3FAD]  }
0x2d: {  	s3 =	simm.s32 $0x108;
	s8 =	sld [smem:$0x3FAE]  }
0x2e: {  	s3 =	simm.s32 @!p0 $0x1082;
	s9 =	sld [smem:$0x3FAF]  }
0x2f: {  	lr =	sadd.s32 s0, s3;
	s0 =	sld [smem:$0x3FA6]  }
0x30: {  	s3 =	sld [smem:$0x3FA9]  }
0x31: {  	[smem:$0x3FB2] =	sst s10  }
0x32: {  	s10 =	sld [smem:$0x3FB0];
	_ =	sdelay $0x3  }
0x33: {  	p0 =	seq.s32 s10, $0x1;
	s10 =	sld [smem:$0x3FB2];
	_ =	sdelay $0x3  }
0x34: {  	[smem:$0x3FB2] =	sst s10  }
0x35: {  	s10 =	sld [smem:$0x3FB1];
	_ =	sdelay $0x3  }
0x36: {  	p1 =	seq.s32 s10, $0x1;
	s10 =	sld [smem:$0x3FB2];
	_ =	sdelay $0x3  }
0x37: {  	[smem:$0x3FB2] =	sst s10  }
0x38: {  	s10 =	sld [smem:$0x3FB3]  }
0x39: {  	_ = 	snop;
	(pc) =	sbr.ind lr, $3  }
0x3a: {  	_ = 	snop  }
0x3b: {  	_ = 	snop  }
0x3c: {  	p2 =	seq.s32 s10, $0x1;
	s10 =	sld [smem:$0x3FB2]  }
0x3d: {  	_ =	shalt  }
0x3e: {  	_ =	shalt  }
0x3f: {  	_ =	shalt  }
0x40: {  	_ =	shalt  }
0x41: {  	_ =	shalt  }
0x42: {  	_ =	shalt  }
0x43: {  	_ =	shalt  }
0x44: {  	_ =	shalt  }
0x45: {  	_ =	shalt  }
0x46: {  	_ =	shalt  }
0x47: {  	_ =	shalt  }
0x48: {  	_ =	shalt  }
0x49: {  	_ =	shalt  }
0x4a: {  	_ =	shalt  }
0x4b: {  	_ =	shalt  }
0x4c: {  	_ =	shalt  }
0x4d: {  	_ =	shalt  }
0x4e: {  	_ =	shalt  }
0x4f: {  	_ =	shalt  }
0x50: {  	_ =	shalt  }
0x51: {  	_ =	shalt  }
0x52: {  	_ =	shalt  }
0x53: {  	_ =	shalt  }
0x54: {  	_ =	shalt  }
0x55: {  	_ =	shalt  }
0x56: {  	_ =	shalt  }
0x57: {  	_ =	shalt  }
0x58: {  	_ =	shalt  }
0x59: {  	_ =	shalt  }
0x5a: {  	_ =	shalt  }
0x5b: {  	_ =	shalt  }
0x5c: {  	_ =	shalt  }
0x5d: {  	_ =	shalt  }
0x5e: {  	_ =	shalt  }
0x5f: {  	_ =	shalt  }
0x60: {  	_ =	shalt  }
0x61: {  	_ =	shalt  }
0x62: {  	_ =	shalt  }
0x63: {  	_ =	shalt  }
0x64: {  	_ =	shalt  }
0x65: {  	_ =	shalt  }
0x66: {  	_ =	shalt  }
0x67: {  	_ =	shalt  }
0x68: {  	_ =	shalt  }
0x69: {  	_ =	shalt  }
0x6a: {  	_ =	shalt  }
0x6b: {  	_ =	shalt  }
0x6c: {  	_ =	shalt  }
0x6d: {  	_ =	shalt  }
0x6e: {  	_ =	shalt  }
0x6f: {  	_ =	shalt  }
0x70: {  	_ =	shalt  }
0x71: {  	_ =	shalt  }
0x72: {  	_ =	shalt  }
0x73: {  	_ =	shalt  }
0x74: {  	_ =	shalt  }
0x75: {  	_ =	shalt  }
0x76: {  	_ =	shalt  }
0x77: {  	_ =	shalt  }
0x78: {  	_ =	shalt  }
0x79: {  	_ =	shalt  }
0x7a: {  	_ =	shalt  }
0x7b: {  	_ =	shalt  }
0x7c: {  	_ =	shalt  }
0x7d: {  	_ =	shalt  }
0x7e: {  	_ =	shalt  }
0x7f: {  	_ =	shalt  }
0x80: {  	_ =	shalt  }
0x81: {  	_ =	shalt  }
0x82: {  	_ =	shalt  }
0x83: {  	_ =	shalt  }
0x84: {  	_ =	shalt  }
0x85: {  	_ =	shalt  }
0x86: {  	_ =	shalt  }
0x87: {  	_ =	shalt  }
.Lfunc_end0:
.L_simem_size_0:
called_computation.1_lowered:
.L_overlay_start_0:
0x88: {  	s2 =	sld [smem:$0x3FD9]  }
0x89: {  	s3 =	sld [smem:$0x3FFE];
	_ =	sdelay $0x1  }
0x8a: {  	s1 =	srdreg.scid  }
0x8b: {  	s0 =	sand.u32 $0x1, s1  }
0x8c: {  	s14 =	sshll.u32 s0, $0xA;
	s2 =	sadd.s32 s3, s2  }
0x8d: {  	s2 =	sadd.s32 s2, s14  }
0x8e: {  	[smem:$0x3FBE] =	sst s2  }
0x8f: {  	_ = 	snop  }
0x90: {  	s2 =	sld [smem:$0x3FD0];
	_ =	sdelay $0x2  }
0x91: {  	s15 =	simm.s32 $0xA;
	s4 =	simm.s32 $0x10  }
0x92: {  	[smem:s4], [sflag:s15] =	dma.local [hbm:s2], $0x1  }
0x93: {  	_ =	swait.eq [sflag:s15], $0x1  }
0x94: {  	[sflag:s15] =	ssyncset.done $0x0  }
0x95: {  	[sflag:s15] =	ssyncadd.s32 $0xFFFFFFFF  }
0x96: {  	s16 =	sld [smem:$0x11];
	(tm) =	ssettm $0x1  }
0x97: {  	s17 =	sld [smem:$0x3FFB];
	_ =	sdelay $0x3  }
0x98: {  	_ =	strace s17  }
0x99: {  	s3 =	sld [smem:$0x3FFC];
	_ =	sdelay $0x3  }
0x9a: {  	_ =	strace s3  }
0x9b: {  	s3 =	sld [smem:$0x3FFD];
	_ =	sdelay $0x3  }
0x9c: {  	_ =	strace s3  }
0x9d: {  	_ =	strace $0x8FFFFFFF  }
0x9e: {  	s18 =	sld [smem:$0x3FDB];
	_ =	sdelay $0x1  }
0x9f: {  	s19 =	simm.s32 $_scs_section_size  }
0xa0: {  	s5 =	simm.s32 $_size__tile_overlayer_lowered;
	s6 =	simm.s32 $_tile_overlayer_lowered  }
0xa1: {  	s22 =	simm.s32 $0x1BFF;
	s21 =	sshll.u32 s6, $0x1;
	s3 =	sadd.s32 s19, s18  }
0xa2: {  	s7 =	simm.s32 $0x0;
	s20 =	sshll.u32 s5, $0x1;
	s5 =	sadd.s32 s21, s3  }
0xa3: {  	[timem:s7], [sflag:s22] =	dma.local [hbm:s5], s20  }
0xa4: {  	_ =	swait.ge [sflag:s22], s20  }
0xa5: {  	s4 =	ssub.s32 $0x0, s20;
	[sflag:s22] =	ssyncset.done $0x0  }
0xa6: {  	[sflag:s22] =	ssyncadd.s32 s4;
	_ =	sdelay $0x1  }
0xa7: {  	s23 =	simm.s32 $0x1B8B  }
0xa8: {  	_ =	swait.ge [sflag:s23], $0x1  }
0xa9: {  	[sflag:s23] =	ssyncset.done $0x0  }
0xaa: {  	s25 =	simm.s32 $0x1B8E;
	s24 =	sld [smem:$0x3FFE];
	[sflag:s23] =	ssyncadd.s32 $0xFFFFFFFF  }
0xab: {  	s26 =	simm.s32 $execute0_lowered;
	[smem:$0x3FD2] =	sst s25  }
0xac: {  	s5 =	sshll.u32 s26, $0x1;
	_ =	strace $0x80000049;
	[dreg:$0x1] =	wrdreg $0xFFFFFFFF  }
0xad: {  	s28 =	simm.s32 $_size_execute0_lowered;
	s3 =	sadd.s32 s3, s5;
	[dreg:$0x0] =	wrdreg $0x0  }
0xae: {  	s5 =	sshll.u32 s28, $0x1;
	[dreg:$0x2] =	wrdreg s3  }
0xaf: {  	[dreg:$0x3] =	wrdreg s5  }
0xb0: {  	[dreg:$0x4] =	wrdreg $0xC0  }
0xb1: {  	_ =	task [dreg:s7], $0x5FFFF  }
0xb2: {  	[dreg:$0x1] =	wrdreg $0xFFFFFFFF  }
0xb3: {  	[dreg:$0x0] =	wrdreg $0x60  }
0xb4: {  	[dreg:$0x2] =	wrdreg s16  }
0xb5: {  	[dreg:$0x3] =	wrdreg s24  }
0xb6: {  	[dreg:$0x4] =	wrdreg $0x0  }
0xb7: {  	[dreg:$0x5] =	wrdreg $0x9  }
0xb8: {  	_ =	task.clear_ibuf [dreg:s7], $0x6FFFF;
	_ =	strace $0x90000049  }
0xb9: {  	s29 =	simm.s32 $0x9;
	_ =	strace $0x8000004B  }
0xba: {  	_ =	swait.ge [sflag:s29], $0x1  }
0xbb: {  	[sflag:s29] =	ssyncadd.s32 $0xFFFFFFFF  }
0xbc: {  	_ =	strace $0x9000004B  }
0xbd: {  	_ =	sfence  }
0xbe: {  	s30 =	sld [smem:$0x0];
	_ =	sdelay $0x2  }
0xbf: {  	s31 =	sshll.u32 s1, $0xD;
	s1 =	sshrl.u32 s1, $0x2  }
0xc0: {  	s3 =	sand.u32 $0x4000, s31;
	s1 =	sadd.s32 s1, s30  }
0xc1: {  	s0 =	sor.u32 s3, s0;
	s1 =	sshll.u32 s1, $0x11  }
0xc2: {  	s0 =	sor.u32 s1, s0  }
0xc3: {  	s0 =	sadd.s32 $0x8F2B, s0  }
0xc4: {  	[sflag:s0] =	ssyncadd.remote.s32 $0x1  }
0xc5: {  	_ =	sfence.sel $0xFFFF  }
0xc6: {  	[dreg:$0x0] =	wrdreg $0xFFFFFFFF;
	(pc) =	sbr.abs _section_cstart, $3  }
0xc7: {  	[dreg:$0x1] =	wrdreg $0xFFFFFFFF  }
0xc8: {  	_ =	task.clear_ibuf [dreg:s7], $0x2FFFF;
	_ =	strace $0x9FFFFFFF  }
0xc9: {  	(tm) =	ssettm $0x7FFFFFFF  }
tec
execute0_lowered:
.L_overlay_start_1:
0x0: {  	(tag) =	ssettag $0x1  }
0x1: {  	s1 =	rddreg [dreg:$0x0]  }
0x2: {  	s0 =	rddreg [dreg:$0x1]  }
0x3: {  	s2 =	rddreg [dreg:$0x2];
	s3 =	srdreg.scid  }
0x4: {  	s4 =	simm.s32 $0x0;
	s13 =	stileid.u32;
	s9 =	simm.s32 $0xC4  }
0x5: {  	s29 =	simm.s32 $0x14080;
	s31 =	simm.s32 $0x14100;
	s30 =	simm.s32 $0x1  }
0x6: {  	s28 =	simm.s32 $0x2;
	s3 =	sand.u32 $0x1, s3;
	s8 =	smul.u32 $0x14000, s13  }
0x7: {  	[smem:$0x7FF] =	sst s4;
	s5 =	sadd.s32 $0x16800, s0;
	s11 =	smul.u32 $0x50000, s13  }
0x8: {  	s6 =	sadd.s32 $0x2800, s0;
	s23 =	sadd.s32 $0x2A800, s0;
	s7 =	smul.u32 $0x140000, s3  }
0x9: {  	_ =	strace $0x8000004A;
	[dreg:$0x5] =	wrdreg s23;
	s24 =	ssub.s32 $0x2, s3  }
0xa: {  	s10 =	smul.u32 $0x6200, s3;
	p0 =	seq.s32 s3, $0x0;
	s3 =	sshll.u32 s3, $0x9  }
0xb: {  	s25 =	sshrl.u32 s24, $0x1;
	s7 =	sadd.s32 s8, s7;
	s8 =	smul.u32 $0xA000, s13  }
0xc: {  	s9 =	simm.s32 @!p0 $0x75;
	s11 =	sshrl.u32 s11, $0x2;
	s12 =	sand.u32 $0x7C00, s10  }
0xd: {  	s13 =	sshll.u32 s13, $0x6;
	s11 =	sadd.s32 s11, s2;
	s12 =	sadd.s32 s8, s12  }
0xe: {  	s18 =	sadd.s32 $0x200, s10;
	s7 =	sshrl.u32 s7, $0x3;
	s3 =	sor.u32 s3, s12  }
0xf: {  	[dreg:$0x6] =	wrdreg s11;
	s11 =	sor.u32 $0x1C04, s13;
	s3 =	sshrl.u32 s3, $0x3  }
0x10: {  	s20 =	sand.u32 $0xFC00, s18;
	s0 =	sadd.s32 s7, s0;
	s26 =	sadd.s32 s5, s3  }
0x11: {  	s13 =	sadd.s32 s6, s3;
	s14 =	sor.u32 $0x10, s3;
	[dreg:$0x7] =	wrdreg s26  }
0x12: {  	s7 =	ssub.s32 s24, s25;
	[dreg:$0x8] =	wrdreg s13;
	s15 =	sadd.s32 s5, s14  }
0x13: {  	s16 =	sor.u32 $0x20, s3;
	s12 =	sadd.s32 s6, s14;
	[dreg:$0x9] =	wrdreg s15  }
0x14: {  	s3 =	sor.u32 $0x30, s3;
	s17 =	sadd.s32 s5, s16;
	[dreg:$0xa] =	wrdreg s12  }
0x15: {  	s19 =	sadd.s32 s5, s3;
	s13 =	sand.u32 $0x200, s18;
	[dreg:$0xb] =	wrdreg s17  }
0x16: {  	s14 =	sadd.s32 $0x280, s10;
	s12 =	sadd.s32 s6, s16;
	[dreg:$0xd] =	wrdreg s19  }
0x17: {  	s3 =	sadd.s32 s6, s3;
	[dreg:$0xc] =	wrdreg s12;
	s12 =	sadd.s32 s8, s20  }
0x18: {  	s10 =	sadd.s32 $0x300, s10;
	[dreg:$0xe] =	wrdreg s3;
	s21 =	sor.u32 s13, s12  }
0x19: {  	s22 =	sand.u32 $0xFC00, s14;
	s23 =	sand.u32 $0x280, s14;
	s3 =	sshrl.u32 s21, $0x3  }
0x1a: {  	[dreg:$0x4] =	wrdreg s10;
	s12 =	sadd.s32 s8, s22;
	s24 =	sadd.s32 s5, s3  }
0x1b: {  	s12 =	sor.u32 s23, s12;
	s3 =	sadd.s32 s6, s3;
	[dreg:$0xf] =	wrdreg s24  }
0x1c: {  	s10 =	simm.s32 $0x0;
	s25 =	sshrl.u32 s12, $0x3;
	[dreg:$0x10] =	wrdreg s3  }
0x1d: {  	s26 =	sadd.s32 s5, s25;
	s3 =	sadd.s32 s6, s25;
	s24 =	sadd.s32 $0x2D000, s0  }
0x1e: {  	s25 =	smax.u32 s7, $0x1;
	s0 =	simm.s32 $0x40;
	[dreg:$0x11] =	wrdreg s26  }
0x1f: {  	s7 =	simm.s32 $0x4;
	[dreg:$0x12] =	wrdreg s3;
	s3 =	simm.s32 $0x14180  }
.LBB2_1:
0x20: {  	s12 =	rddreg [dreg:$0x6]  }
0x21: {  	s13 =	rddreg [dreg:$0x5];
	s12 =	sshrl.u32 s12, $0x3  }
0x22: {  	[spmem:s12], [sflag:s11] =	dma.local [hbm:s13], $0x2800  }
0x23: {  	_ =	swait.ge [sflag:s7], $0x2800  }
0x24: {  	[sflag:s7] =	ssyncset.done $0x0  }
0x25: {  	s14 =	simm.s32 $0x14000;
	s22 =	rddreg [dreg:$0x7];
	[sflag:s7] =	ssyncadd.s32 $0xFFFFD800  }
0x26: {  	[tilespmem:s14], [sflag:$0x4] =	stream.linear.gather [hbm4b:s22+s4], $0x80, $0x38;
	[tilespmem:$0x1E800] =	vst v63  }
0x27: {  	_ =	swait.ge [sflag:s7], $0x80  }
0x28: {  	[sflag:s7] =	ssyncset.done $0x0  }
0x29: {  	s15 =	simm.s32 $0x14400;
	s23 =	rddreg [dreg:$0x8];
	[sflag:s7] =	ssyncadd.s32 $0xFFFFFF80  }
0x2a: {  	[tilespmem:s15], [sflag:$0x4] =	stream.linear.gather [hbm4b:s23+s4], $0x80, $0x38;
	[tilespmem:$0x1E800] =	vst v63  }
0x2b: {  	_ =	swait.ge [sflag:s7], $0x80  }
0x2c: {  	[sflag:s7] =	ssyncset.done $0x0  }
0x2d: {  	s26 =	rddreg [dreg:$0x9];
	[sflag:s7] =	ssyncadd.s32 $0xFFFFFF80  }
0x2e: {  	[tilespmem:s29], [sflag:$0x4] =	stream.linear.gather [hbm4b:s26+s4], $0x80, $0x38;
	[tilespmem:$0x1E800] =	vst v63  }
0x2f: {  	_ =	swait.ge [sflag:s7], $0x80  }
0x30: {  	[sflag:s7] =	ssyncset.done $0x0  }
0x31: {  	s16 =	simm.s32 $0x14480;
	s15 =	rddreg [dreg:$0xa];
	[sflag:s7] =	ssyncadd.s32 $0xFFFFFF80  }
0x32: {  	[tilespmem:s16], [sflag:$0x4] =	stream.linear.gather [hbm4b:s15+s4], $0x80, $0x38;
	[tilespmem:$0x1E800] =	vst v63  }
0x33: {  	_ =	swait.ge [sflag:s7], $0x80  }
0x34: {  	[sflag:s7] =	ssyncset.done $0x0  }
0x35: {  	s17 =	rddreg [dreg:$0xb];
	[sflag:s7] =	ssyncadd.s32 $0xFFFFFF80  }
0x36: {  	[tilespmem:s31], [sflag:$0x4] =	stream.linear.gather [hbm4b:s17+s4], $0x80, $0x38;
	[tilespmem:$0x1E800] =	vst v63  }
0x37: {  	_ =	swait.ge [sflag:s7], $0x80  }
0x38: {  	[sflag:s7] =	ssyncset.done $0x0  }
0x39: {  	s19 =	simm.s32 $0x14500;
	s18 =	rddreg [dreg:$0xc];
	[sflag:s7] =	ssyncadd.s32 $0xFFFFFF80  }
0x3a: {  	[tilespmem:s19], [sflag:$0x4] =	stream.linear.gather [hbm4b:s18+s4], $0x80, $0x38;
	[tilespmem:$0x1E800] =	vst v63  }
0x3b: {  	_ =	swait.ge [sflag:s7], $0x80  }
0x3c: {  	[sflag:s7] =	ssyncset.done $0x0  }
0x3d: {  	s20 =	rddreg [dreg:$0xd];
	[sflag:s7] =	ssyncadd.s32 $0xFFFFFF80  }
0x3e: {  	[tilespmem:s3], [sflag:$0x4] =	stream.linear.gather [hbm4b:s20+s4], $0x80, $0x38;
	[tilespmem:$0x1E800] =	vst v63  }
0x3f: {  	_ =	swait.ge [sflag:s7], $0x80  }
0x40: {  	[sflag:s7] =	ssyncset.done $0x0  }
0x41: {  	s22 =	simm.s32 $0x14580;
	s21 =	rddreg [dreg:$0xe];
	[sflag:s7] =	ssyncadd.s32 $0xFFFFFF80  }
0x42: {  	[tilespmem:s22], [sflag:$0x4] =	stream.linear.gather [hbm4b:s21+s4], $0x80, $0x38;
	[tilespmem:$0x1E800] =	vst v63  }
0x43: {  	_ =	swait.ge [sflag:s7], $0x80  }
0x44: {  	[sflag:s7] =	ssyncset.done $0x0  }
0x45: {  	s26 =	simm.s32 $0x14200;
	s23 =	rddreg [dreg:$0xf];
	[sflag:s7] =	ssyncadd.s32 $0xFFFFFF80  }
0x46: {  	[tilespmem:s26], [sflag:$0x3] =	stream.linear.gather [hbm4b:s23+s4], $0x80, $0x38;
	[tilespmem:$0x1E800] =	vst v63  }
0x47: {  	s17 =	simm.s32 $0x14600;
	s16 =	rddreg [dreg:$0x10]  }
0x48: {  	[tilespmem:s17], [sflag:$0x3] =	stream.linear.gather [hbm4b:s16+s4], $0x80, $0x38;
	[tilespmem:$0x1E800] =	vst v63  }
0x49: {  	s19 =	simm.s32 $0x14280;
	s18 =	rddreg [dreg:$0x11]  }
0x4a: {  	[tilespmem:s19], [sflag:$0x3] =	stream.linear.gather [hbm4b:s18+s4], $0x80, $0x38;
	[tilespmem:$0x1E800] =	vst v63  }
0x4b: {  	s21 =	simm.s32 $0x14680;
	s20 =	rddreg [dreg:$0x12]  }
0x4c: {  	[tilespmem:s21], [sflag:$0x3] =	stream.linear.gather [hbm4b:s20+s4], $0x80, $0x38;
	[tilespmem:$0x1E800] =	vst v63  }
0x4d: {  	s16 =	simm.s32 $0x14800;
	[bflag:$0x0] =	sbarrier.arrive $0xFFFF  }
0x4e: {  	[tilespmem:s16], [sflag:$0x1] =	stream.indirect.gather [hbm4b:s1+s0], $0x80, s14, s0, $0xb8;
	[tilespmem:$0x1E800] =	vst v63  }
0x4f: {  	p1 =	sne.s32 s9, $0x1;
	s22 =	simm.s32 $0x16800  }
0x50: {  	[tilespmem:s22], [sflag:$0x1] =	stream.indirect.gather [hbm4b:s1+s0], $0x80, s29, s0, $0xb8;
	[tilespmem:$0x1E800] =	vst v63  }
.Ltmp0:
0x51: {  	_ = 	snop;
	(pc) =	sbr.rel @!p1 .LBB2_2-.Ltmp0, $4  }
0x52: {  	p0 =	por $0x0, $0x0;
	s13 =	simm.s32 $0x1;
	s23 =	simm.s32 $0x18800  }
0x53: {  	[tilespmem:s23], [sflag:$0x1] =	stream.indirect.gather [hbm4b:s1+s0], $0x80, s31, s0, $0xb8;
	[tilespmem:$0x1E800] =	vst v63  }
0x54: {  	s26 =	simm.s32 $0x1A800;
	s20 =	smulhi.u32 $0xCCCCCCCD, s4;
	s14 =	simm.s32 $0x1C800  }
0x55: {  	[tilespmem:s26], [sflag:$0x1] =	stream.indirect.gather [hbm4b:s1+s0], $0x80, s3, s0, $0xb8;
	[tilespmem:$0x1E800] =	vst v63  }
0x56: {  	s14 =	sshrl.u32 s20, $0x2  }
0x57: {  	s14 =	smul.u32 $0xFFFD8000, s14  }
0x58: {  	_ =	swait.ge [sflag:s30], $0x2000;
	s15 =	sand.u32 $0x380, s4;
	p1 =	por $0x1, $0x1  }
0x59: {  	[sflag:s30] =	ssyncset.done $0x0;
	s16 =	simm.s32 @!p1 $0x2;
	s14 =	sshra.s32 s14, $0x2  }
0x5a: {  	s15 =	sor.u32 $0x14400, s15;
	[sflag:s30] =	ssyncadd.s32 $0xFFFFE000;
	s14 =	sadd.s32 $0x14800, s14  }
0x5b: {  	[spmem:s2] =	stream.indirect.scatter.add.f32 [tilespmem:s14], [sflag:$0x2], $0x80, s15, s0, $0xb8;
	[tilespmem:$0x1E800] =	vst v63  }
0x5c: {  	_ =	swait.ge @!p1 [sflag:s16], $0x2000  }
0x5d: {  	p0 =	sle.u32 s9, $0x4;
	s26 =	smulhi.u32 $0xCCCCCCCD, s7;
	[sflag:s16] =	ssyncset.done @!p1 $0x0  }
0x5e: {  	s15 =	simm.s32 @!p0 $0x3;
	[sflag:s16] =	ssyncadd.s32 @!p1 $0xFFFFE000  }
0x5f: {  	s14 =	sshrl.u32 s26, $0x2;
	_ =	swait.ge @!p0 [sflag:s15], $0x80  }
0x60: {  	p2 =	sle.u32 s9, $0x6;
	s14 =	smul.u32 $0xFFFD8000, s14;
	[sflag:s15] =	ssyncset.done @!p0 $0x0  }
0x61: {  	s20 =	smulhi.u32 $0xCCCCCCCD, s13;
	s17 =	simm.s32 @!p0 $0x40;
	[sflag:s15] =	ssyncadd.s32 @!p0 $0xFFFFFF80  }
0x62: {  	s16 =	simm.s32 @!p0 $0x200;
	s14 =	sshra.s32 s14, $0x2;
	_ =	swait.ge @!p0 [sflag:s15], $0x80  }
0x63: {  	s16 =	sand.u32 @!p0 $0x380, s16;
	s14 =	sadd.s32 $0x1C800, s14;
	[sflag:s15] =	ssyncset.done @!p0 $0x0  }
0x64: {  	s16 =	sor.u32 @!p0 $0x14000, s16;
	s18 =	rddreg [dreg:$0x4];
	[sflag:s15] =	ssyncadd.s32 @!p0 $0xFFFFFF80  }
0x65: {  	[tilespmem:s14], [sflag:$0x1] =	stream.indirect.gather @!p0 [hbm4b:s1+s17], $0x80, s16, s17, $0xb8;
	[tilespmem:$0x1E800] =	vst v63  }
0x66: {  	s21 =	simm.s32 @!p2 $0x0;
	p1 =	sne.s32 s9, $0x2;
	s14 =	sadd.s32 @!p2 $0x0, s18  }
0x67: {  	s18 =	simm.s32 $0x2;
	s16 =	simm.s32 @!p2 $0x300;
	s15 =	sand.u32 @!p2 $0xFFFFFC00, s14  }
0x68: {  	s17 =	simm.s32 $0x5;
	s14 =	sand.u32 @!p2 $0x380, s14;
	s15 =	sadd.s32 @!p2 s8, s15  }
.Ltmp1:
0x69: {  	s16 =	sand.u32 @!p2 $0x380, s16;
	s14 =	sor.u32 @!p2 s14, s15;
	(pc) =	sbr.rel @!p1 .LBB2_5-.Ltmp1, $4  }
0x6a: {  	p0 =	por $0x1, $0x1;
	s19 =	sor.u32 @!p2 $0x14400, s16;
	s26 =	sshrl.u32 @!p2 s14, $0x3  }
0x6b: {  	s15 =	sor.u32 @!p2 $0x14000, s16;
	s16 =	simm.s32 $0x16800;
	s14 =	sadd.s32 @!p2 s5, s26  }
0x6c: {  	[tilespmem:s15], [sflag:$0x3] =	stream.linear.gather @!p2 [hbm4b:s14+s21], $0x80, $0x38;
	[tilespmem:$0x1E800] =	vst v63  }
0x6d: {  	s26 =	sadd.s32 @!p2 s6, s26;
	s14 =	simm.s32 $0x1E800;
	s15 =	simm.s32 $0x80  }
.LBB2_4:
0x6e: {  	[tilespmem:s19], [sflag:$0x3] =	stream.linear.gather @!p2 [hbm4b:s26+s21], $0x80, $0x38;
	[tilespmem:$0x1E800] =	vst v63  }
0x6f: {  	s22 =	sshrl.u32 s20, $0x2  }
0x70: {  	s19 =	smul.u32 $0xFFFD8000, s22  }
0x71: {  	s23 =	sand.u32 $0x380, s15;
	p2 =	seq.s32 s15, $0x0;
	_ =	swait.ge [sflag:s30], $0x2000  }
0x72: {  	s26 =	simm.s32 @!p2 $0x2;
	[sflag:s30] =	ssyncset.done $0x0;
	s19 =	sshra.s32 s19, $0x2  }
0x73: {  	s21 =	sor.u32 $0x14400, s23;
	[sflag:s30] =	ssyncadd.s32 $0xFFFFE000;
	s19 =	sadd.s32 s19, s16  }
0x74: {  	[spmem:s2] =	stream.indirect.scatter.add.f32 [tilespmem:s19], [sflag:$0x2], $0x80, s21, s0, $0xb8;
	[tilespmem:$0x1E800] =	vst v63  }
0x75: {  	s22 =	sadd.s32 $0x4, s13;
	_ =	swait.ge @!p2 [sflag:s26], $0x2000  }
0x76: {  	s23 =	smulhi.u32 $0xCCCCCCCD, s17;
	p3 =	sge.u32 s22, s9;
	[sflag:s26] =	ssyncset.done @!p2 $0x0  }
0x77: {  	s20 =	smov.u32 s18;
	s21 =	simm.s32 @!p3 $0x3;
	[sflag:s26] =	ssyncadd.s32 @!p2 $0xFFFFE000  }
0x78: {  	s18 =	sadd.s32 $0x1, s18;
	s19 =	sshrl.u32 s23, $0x2;
	_ =	swait.ge @!p3 [sflag:s21], $0x80  }
0x79: {  	s13 =	sadd.s32 $0x6, s13;
	s19 =	smul.u32 $0xFFFD8000, s19;
	[sflag:s21] =	ssyncset.done @!p3 $0x0  }
0x7a: {  	s22 =	simm.s32 @!p3 $0x40;
	s26 =	sadd.s32 @!p3 $0x200, s15;
	[sflag:s21] =	ssyncadd.s32 @!p3 $0xFFFFFF80  }
0x7b: {  	s19 =	sshra.s32 s19, $0x2;
	p2 =	sge.u32 s13, s9;
	_ =	swait.ge @!p3 [sflag:s21], $0x80  }
0x7c: {  	s26 =	sand.u32 @!p3 $0x380, s26;
	s19 =	sadd.s32 s19, s14;
	[sflag:s21] =	ssyncset.done @!p3 $0x0  }
0x7d: {  	s26 =	sor.u32 @!p3 $0x14000, s26;
	s23 =	rddreg [dreg:$0x4];
	[sflag:s21] =	ssyncadd.s32 @!p3 $0xFFFFFF80  }
0x7e: {  	[tilespmem:s19], [sflag:$0x1] =	stream.indirect.gather @!p3 [hbm4b:s1+s22], $0x80, s26, s22, $0xb8;
	[tilespmem:$0x1E800] =	vst v63  }
0x7f: {  	s17 =	sadd.s32 $0x1, s17;
	p1 =	sne.s32 s18, s9;
	s19 =	sadd.s32 @!p2 s15, s23  }
0x80: {  	s16 =	sadd.s32 $0x2000, s16;
	s13 =	smov.u32 s20;
	s20 =	sand.u32 @!p2 $0xFFFFFC00, s19  }
0x81: {  	s14 =	sadd.s32 $0x2000, s14;
	s22 =	sand.u32 @!p2 $0x380, s19;
	s20 =	sadd.s32 @!p2 s8, s20  }
.Ltmp2:
0x82: {  	s21 =	sadd.s32 @!p2 $0x300, s15;
	s20 =	sor.u32 @!p2 s22, s20;
	(pc) =	sbr.rel @p1 .LBB2_4-.Ltmp2, $4  }
0x83: {  	s15 =	sadd.s32 $0x80, s15;
	s19 =	sand.u32 @!p2 $0x380, s21;
	s22 =	sshrl.u32 @!p2 s20, $0x3  }
0x84: {  	s21 =	simm.s32 @!p2 $0x0;
	s23 =	sor.u32 @!p2 $0x14000, s19;
	s20 =	sadd.s32 @!p2 s5, s22  }
0x85: {  	[tilespmem:s23], [sflag:$0x3] =	stream.linear.gather @!p2 [hbm4b:s20+s21], $0x80, $0x38;
	[tilespmem:$0x1E800] =	vst v63  }
0x86: {  	s19 =	sor.u32 @!p2 $0x14400, s19;
	s26 =	sadd.s32 @!p2 s6, s22;
	s20 =	smulhi.u32 $0xCCCCCCCD, s13  }
.LBB2_5:
0x87: {  	p0 =	por p2, !p0  }
0x88: {  	[tilespmem:s19], [sflag:$0x3] =	stream.linear.gather @!p0 [hbm4b:s26+s21], $0x80, $0x38;
	[tilespmem:$0x1E800] =	vst v63  }
0x89: {  	s18 =	sshrl.u32 s20, $0x2  }
0x8a: {  	s18 =	smul.u32 $0xFFFD8000, s18  }
0x8b: {  	p1 =	seq.s32 s15, $0x0;
	s26 =	sand.u32 $0x380, s15;
	_ =	swait.ge [sflag:s30], $0x2000  }
0x8c: {  	s20 =	simm.s32 @!p1 $0x2;
	[sflag:s30] =	ssyncset.done $0x0;
	s18 =	sshra.s32 s18, $0x2  }
0x8d: {  	s21 =	sor.u32 $0x14400, s26;
	[sflag:s30] =	ssyncadd.s32 $0xFFFFE000;
	s16 =	sadd.s32 s18, s16  }
0x8e: {  	[spmem:s2] =	stream.indirect.scatter.add.f32 [tilespmem:s16], [sflag:$0x2], $0x80, s21, s0, $0xb8;
	[tilespmem:$0x1E800] =	vst v63  }
0x8f: {  	s22 =	sadd.s32 $0x4, s13;
	_ =	swait.ge @!p1 [sflag:s20], $0x2000  }
0x90: {  	s23 =	smulhi.u32 $0xCCCCCCCD, s17;
	p0 =	sge.u32 s22, s9;
	[sflag:s20] =	ssyncset.done @!p1 $0x0  }
0x91: {  	s17 =	simm.s32 @!p0 $0x3;
	[sflag:s20] =	ssyncadd.s32 @!p1 $0xFFFFE000  }
0x92: {  	s19 =	simm.s32 @!p0 $0x40;
	s16 =	sshrl.u32 s23, $0x2;
	_ =	swait.ge @!p0 [sflag:s17], $0x80  }
0x93: {  	s18 =	sadd.s32 @!p0 $0x200, s15;
	s16 =	smul.u32 $0xFFFD8000, s16;
	[sflag:s17] =	ssyncset.done @!p0 $0x0  }
0x94: {  	s26 =	sadd.s32 $0x6, s13;
	s18 =	sand.u32 @!p0 $0x380, s18;
	[sflag:s17] =	ssyncadd.s32 @!p0 $0xFFFFFF80  }
0x95: {  	s18 =	sor.u32 @!p0 $0x14000, s18;
	s16 =	sshra.s32 s16, $0x2;
	_ =	swait.ge @!p0 [sflag:s17], $0x80  }
0x96: {  	p1 =	sge.u32 s26, s9;
	[sflag:s17] =	ssyncset.done @!p0 $0x0;
	s20 =	rddreg [dreg:$0x4]  }
0x97: {  	s14 =	sadd.s32 s16, s14;
	[sflag:s17] =	ssyncadd.s32 @!p0 $0xFFFFFF80;
	s13 =	sadd.s32 @!p1 s15, s20  }
0x98: {  	[tilespmem:s14], [sflag:$0x1] =	stream.indirect.gather @!p0 [hbm4b:s1+s19], $0x80, s18, s19, $0xb8;
	[tilespmem:$0x1E800] =	vst v63  }
0x99: {  	s14 =	sand.u32 @!p1 $0xFFFFFC00, s13  }
0x9a: {  	s13 =	sand.u32 @!p1 $0x380, s13;
	s14 =	sadd.s32 @!p1 s8, s14  }
0x9b: {  	s15 =	sadd.s32 @!p1 $0x300, s15;
	s13 =	sor.u32 @!p1 s13, s14  }
0x9c: {  	s14 =	sand.u32 @!p1 $0x380, s15;
	s13 =	sshrl.u32 @!p1 s13, $0x3  }
0x9d: {  	s17 =	simm.s32 @!p1 $0x0;
	s15 =	sor.u32 @!p1 $0x14000, s14;
	s16 =	sadd.s32 @!p1 s5, s13  }
0x9e: {  	[tilespmem:s15], [sflag:$0x3] =	stream.linear.gather @!p1 [hbm4b:s16+s17], $0x80, $0x38;
	[tilespmem:$0x1E800] =	vst v63  }
0x9f: {  	s14 =	sor.u32 @!p1 $0x14400, s14;
	s13 =	sadd.s32 @!p1 s6, s13  }
0xa0: {  	[tilespmem:s14], [sflag:$0x3] =	stream.linear.gather @!p1 [hbm4b:s13+s17], $0x80, $0x38;
	[tilespmem:$0x1E800] =	vst v63  }
0xa1: {  	_ =	swait.ge [sflag:s28], $0x2000  }
0xa2: {  	[sflag:s28] =	ssyncset.done $0x0  }
0xa3: {  	s10 =	sadd.s32 $0x1, s10;
	[sflag:s28] =	ssyncadd.s32 $0xFFFFE000  }
0xa4: {  	p0 =	sne.s32 s10, s25;
	[bflag:$0x0] =	sbarrier.arrive $0xFFFF  }
0xa5: {  	[hbm:s24], [sflag:s11] =	dma.local [spmem:s12], $0x2800  }
.Ltmp3:
0xa6: {  	_ = 	snop;
	(pc) =	sbr.rel @p0 .LBB2_1-.Ltmp3, $4  }
.Ltmp4:
0xa7: {  	_ = 	snop;
	(pc) =	sbr.rel @!p0 .LBB2_6-.Ltmp4, $4  }
0xa8: {  	_ =	swait.ge [sflag:s7], $0x2800  }
0xa9: {  	[sflag:s7] =	ssyncset.done $0x0  }
0xaa: {  	[sflag:s7] =	ssyncadd.s32 $0xFFFFD800  }
0xab: {  	_ = 	snop  }
.LBB2_2:
.Ltmp5:
0xac: {  	(pc) =	sbr.rel .LBB2_5-.Ltmp5, $2  }
0xad: {  	_ =	sdelay $0x2  }
0xae: {  	s15 =	simm.s32 $0x0;
	s13 =	simm.s32 $0x0;
	s17 =	simm.s32 $0x4  }
.LBB2_6:
0xaf: {  	_ =	sfence.sel $0x180000  }
0xb0: {  	[bflag:$0x0] =	sbarrier.arrive $0xFFFF  }
0xb1: {  	_ =	strace $0x9000004A  }
0xb2: {  	s0 =	stileid.u32;
	[bflag:$0x2] =	sbarrier.arrive $0xFFFF  }
0xb3: {  	p0 =	sne.s32 s0, $0x0;
	s0 =	rddreg [dreg:$0x3]  }
0xb4: {  	s0 =	sadd.s32 @!p0 $0x100000, s0  }
0xb5: {  	[sflag:s0] =	ssyncadd.tile.s32 @!p0 $0x1;
	_ =	shalt  }
.Lfunc_end2:
_tile_overlayer_lowered:
.L_overlay_start_2:
0xb6: {  	(tag) =	ssettag $0x2  }
0xb7: {  	s0 =	rddreg [dreg:$0x0];
	s2 =	stileid.u32  }
0xb8: {  	s1 =	rddreg [dreg:$0x1];
	p0 =	sne.s32 s2, $0x0  }
0xb9: {  	s3 =	rddreg [dreg:$0x2];
	[bflag:$0x3] =	sbarrier.arrive $0xFFFF;
	s2 =	simm.s32 @!p0 $0x1C04  }
0xba: {  	[timem:s3], [sflag:s2] =	dma.local @!p0 [hbm:s0], s1  }
0xbb: {  	s0 =	simm.s32 @!p0 $0x4  }
0xbc: {  	_ =	swait.ge @!p0 [sflag:s0], s1  }
0xbd: {  	s1 =	ssub.s32 @!p0 $0x0, s1;
	[sflag:s0] =	ssyncset.done @!p0 $0x0  }
0xbe: {  	[sflag:s0] =	ssyncadd.s32 @!p0 s1  }
0xbf: {  	[bflag:$0x3] =	sbarrier.arrive $0xFFFF  }
0xc0: {  	_ =	shalt  }

// kernel: kernel.14.cloned.1.call-start
scs
__scs_entry_jumppad:
0x0: {  	(pc) =	sbr.rel $0x88, $3  }
0x1: {  	(tag) =	ssettag $0x0;
	lr =	simm.s32 $0x1  }
0x2: {  	[smem:$0x3F97] =	sst lr;
	_ =	strace $0xD0000000  }
0x3: {  	_ = 	snop  }
0x4: {  	_ = 	snop  }
0x5: {  	_ = 	snop  }
0x6: {  	_ = 	snop  }
0x7: {  	_ = 	snop  }
__scs_overlays_trampoline_lowered:
0x8: {  	[smem:$0x3FA6] =	sst s0  }
0x9: {  	[smem:$0x3FA7] =	sst s1  }
0xa: {  	[smem:$0x3FA8] =	sst s2  }
0xb: {  	[smem:$0x3FA9] =	sst s3  }
0xc: {  	[smem:$0x3FAA] =	sst s4  }
0xd: {  	[smem:$0x3FAB] =	sst s5  }
0xe: {  	[smem:$0x3FAC] =	sst s6  }
0xf: {  	[smem:$0x3FAD] =	sst s7  }
0x10: {  	[smem:$0x3FAE] =	sst s8  }
0x11: {  	[smem:$0x3FAF] =	sst s9;
	s0 =	simm.s32 @!p0 $0x0  }
0x12: {  	s1 =	sld [smem:$0x3F95];
	s0 =	simm.s32 @p0 $0x1  }
0x13: {  	[smem:$0x3FB0] =	sst s0;
	s0 =	simm.s32 @!p1 $0x0  }
0x14: {  	s2 =	sld [smem:$0x3F94];
	s0 =	simm.s32 @p1 $0x1  }
0x15: {  	[smem:$0x3FB1] =	sst s0;
	s0 =	simm.s32 @!p2 $0x0  }
0x16: {  	s3 =	sld [smem:$0x3FDB];
	s0 =	simm.s32 @p2 $0x1  }
0x17: {  	s4 =	simm.s32 $0x1BF5;
	[smem:$0x3FB3] =	sst s0  }
0x18: {  	s0 =	sld [smem:$0x3F96];
	_ =	swait.ge [sflag:s4], $0x0  }
0x19: {  	s7 =	sld [smem:$0x3F97]  }
0x1a: {  	s8 =	sadd.s32 $0xFFFFE003, lr  }
0x1b: {  	s9 =	sadd.s32 $0xFFFFFEF7, lr;
	s5 =	simm.s32 $0xFFFFFFFF;
	p2 =	slt.u32 s8, $0xFFFFF086  }
0x1c: {  	p1 =	slt.u32 s9, $0xF7A;
	s5 =	simm.s32 @!p2 $0x0  }
0x1d: {  	s5 =	simm.s32 @p1 $0x1;
	p0 =	seq.s32 s7, s2  }
0x1e: {  	s7 =	smul.u32 @!p0 $0xF7A, s2;
	p2 =	seq.s32 @!p0 s5, $0x0  }
0x1f: {  	s9 =	smul.u32 $0xF7A, s1;
	s8 =	simm.s32 @!p0 $0x1BF5;
	p2 =	por !p2, p0  }
0x20: {  	[sflag:s8] =	ssyncset.s32 @!p0 $0xFFFFF086;
	s6 =	sadd.s32 @!p0 s3, s7;
	s7 =	simm.s32 @!p0 $0x108  }
0x21: {  	s3 =	sadd.s32 s3, s9;
	s6 =	sadd.s32 @!p0 $0x88, s6;
	s7 =	simm.s32 @p2 $0x1082  }
0x22: {  	[simem:s7], [sflag:s8] =	dma.local @!p0 [hbm:s6], $0xF7A  }
0x23: {  	s9 =	sor.u32 $0xD0000000, s2;
	s6 =	simm.s32 $0x108;
	_ =	swait.ge @!p0 [sflag:s8], $0x0  }
0x24: {  	s3 =	sadd.s32 $0x88, s3;
	s6 =	simm.s32 @!p1 $0x1082;
	[sflag:s4] =	ssyncset.s32 $0xFFFFF086  }
0x25: {  	[simem:s6], [sflag:s4] =	dma.local [hbm:s3], $0xF7A  }
0x26: {  	[smem:$0x3F97] =	sst s1;
	(tag) =	ssettag s2;
	_ =	strace s9  }
0x27: {  	s1 =	sld [smem:$0x3FA7]  }
0x28: {  	s2 =	sld [smem:$0x3FA8]  }
0x29: {  	s4 =	sld [smem:$0x3FAA]  }
0x2a: {  	p0 =	seq.s32 s5, $0x0;
	s5 =	sld [smem:$0x3FAB]  }
0x2b: {  	s6 =	sld [smem:$0x3FAC]  }
0x2c: {  	s7 =	sld [smem:$0x3FAD]  }
0x2d: {  	s3 =	simm.s32 $0x108;
	s8 =	sld [smem:$0x3FAE]  }
0x2e: {  	s3 =	simm.s32 @!p0 $0x1082;
	s9 =	sld [smem:$0x3FAF]  }
0x2f: {  	lr =	sadd.s32 s0, s3;
	s0 =	sld [smem:$0x3FA6]  }
0x30: {  	s3 =	sld [smem:$0x3FA9]  }
0x31: {  	[smem:$0x3FB2] =	sst s10  }
0x32: {  	s10 =	sld [smem:$0x3FB0];
	_ =	sdelay $0x3  }
0x33: {  	p0 =	seq.s32 s10, $0x1;
	s10 =	sld [smem:$0x3FB2];
	_ =	sdelay $0x3  }
0x34: {  	[smem:$0x3FB2] =	sst s10  }
0x35: {  	s10 =	sld [smem:$0x3FB1];
	_ =	sdelay $0x3  }
0x36: {  	p1 =	seq.s32 s10, $0x1;
	s10 =	sld [smem:$0x3FB2];
	_ =	sdelay $0x3  }
0x37: {  	[smem:$0x3FB2] =	sst s10  }
0x38: {  	s10 =	sld [smem:$0x3FB3]  }
0x39: {  	_ = 	snop;
	(pc) =	sbr.ind lr, $3  }
0x3a: {  	_ = 	snop  }
0x3b: {  	_ = 	snop  }
0x3c: {  	p2 =	seq.s32 s10, $0x1;
	s10 =	sld [smem:$0x3FB2]  }
0x3d: {  	_ =	shalt  }
0x3e: {  	_ =	shalt  }
0x3f: {  	_ =	shalt  }
0x40: {  	_ =	shalt  }
0x41: {  	_ =	shalt  }
0x42: {  	_ =	shalt  }
0x43: {  	_ =	shalt  }
0x44: {  	_ =	shalt  }
0x45: {  	_ =	shalt  }
0x46: {  	_ =	shalt  }
0x47: {  	_ =	shalt  }
0x48: {  	_ =	shalt  }
0x49: {  	_ =	shalt  }
0x4a: {  	_ =	shalt  }
0x4b: {  	_ =	shalt  }
0x4c: {  	_ =	shalt  }
0x4d: {  	_ =	shalt  }
0x4e: {  	_ =	shalt  }
0x4f: {  	_ =	shalt  }
0x50: {  	_ =	shalt  }
0x51: {  	_ =	shalt  }
0x52: {  	_ =	shalt  }
0x53: {  	_ =	shalt  }
0x54: {  	_ =	shalt  }
0x55: {  	_ =	shalt  }
0x56: {  	_ =	shalt  }
0x57: {  	_ =	shalt  }
0x58: {  	_ =	shalt  }
0x59: {  	_ =	shalt  }
0x5a: {  	_ =	shalt  }
0x5b: {  	_ =	shalt  }
0x5c: {  	_ =	shalt  }
0x5d: {  	_ =	shalt  }
0x5e: {  	_ =	shalt  }
0x5f: {  	_ =	shalt  }
0x60: {  	_ =	shalt  }
0x61: {  	_ =	shalt  }
0x62: {  	_ =	shalt  }
0x63: {  	_ =	shalt  }
0x64: {  	_ =	shalt  }
0x65: {  	_ =	shalt  }
0x66: {  	_ =	shalt  }
0x67: {  	_ =	shalt  }
0x68: {  	_ =	shalt  }
0x69: {  	_ =	shalt  }
0x6a: {  	_ =	shalt  }
0x6b: {  	_ =	shalt  }
0x6c: {  	_ =	shalt  }
0x6d: {  	_ =	shalt  }
0x6e: {  	_ =	shalt  }
0x6f: {  	_ =	shalt  }
0x70: {  	_ =	shalt  }
0x71: {  	_ =	shalt  }
0x72: {  	_ =	shalt  }
0x73: {  	_ =	shalt  }
0x74: {  	_ =	shalt  }
0x75: {  	_ =	shalt  }
0x76: {  	_ =	shalt  }
0x77: {  	_ =	shalt  }
0x78: {  	_ =	shalt  }
0x79: {  	_ =	shalt  }
0x7a: {  	_ =	shalt  }
0x7b: {  	_ =	shalt  }
0x7c: {  	_ =	shalt  }
0x7d: {  	_ =	shalt  }
0x7e: {  	_ =	shalt  }
0x7f: {  	_ =	shalt  }
0x80: {  	_ =	shalt  }
0x81: {  	_ =	shalt  }
0x82: {  	_ =	shalt  }
0x83: {  	_ =	shalt  }
0x84: {  	_ =	shalt  }
0x85: {  	_ =	shalt  }
0x86: {  	_ =	shalt  }
0x87: {  	_ =	shalt  }
.Lfunc_end0:
.L_simem_size_0:
called_computation.2_lowered:
.L_overlay_start_0:
0x88: {  	s2 =	sld [smem:$0x3FD9]  }
0x89: {  	s3 =	sld [smem:$0x3FFE];
	_ =	sdelay $0x1  }
0x8a: {  	s1 =	srdreg.scid  }
0x8b: {  	s0 =	sand.u32 $0x1, s1  }
0x8c: {  	s14 =	sshll.u32 s0, $0xA;
	s2 =	sadd.s32 s3, s2  }
0x8d: {  	s2 =	sadd.s32 s2, s14  }
0x8e: {  	[smem:$0x3FBE] =	sst s2  }
0x8f: {  	_ = 	snop  }
0x90: {  	s2 =	sld [smem:$0x3FD0];
	_ =	sdelay $0x2  }
0x91: {  	s15 =	simm.s32 $0xA;
	s4 =	simm.s32 $0x10  }
0x92: {  	[smem:s4], [sflag:s15] =	dma.local [hbm:s2], $0x1  }
0x93: {  	_ =	swait.eq [sflag:s15], $0x1  }
0x94: {  	[sflag:s15] =	ssyncset.done $0x0  }
0x95: {  	[sflag:s15] =	ssyncadd.s32 $0xFFFFFFFF  }
0x96: {  	s16 =	sld [smem:$0x11];
	(tm) =	ssettm $0x1  }
0x97: {  	s17 =	sld [smem:$0x3FFB];
	_ =	sdelay $0x3  }
0x98: {  	_ =	strace s17  }
0x99: {  	s3 =	sld [smem:$0x3FFC];
	_ =	sdelay $0x3  }
0x9a: {  	_ =	strace s3  }
0x9b: {  	s3 =	sld [smem:$0x3FFD];
	_ =	sdelay $0x3  }
0x9c: {  	_ =	strace s3  }
0x9d: {  	_ =	strace $0x8FFFFFFF  }
0x9e: {  	s18 =	sld [smem:$0x3FDB];
	_ =	sdelay $0x1  }
0x9f: {  	s19 =	simm.s32 $_scs_section_size  }
0xa0: {  	s5 =	simm.s32 $_size__tile_overlayer_lowered;
	s6 =	simm.s32 $_tile_overlayer_lowered  }
0xa1: {  	s22 =	simm.s32 $0x1BFF;
	s21 =	sshll.u32 s6, $0x1;
	s3 =	sadd.s32 s19, s18  }
0xa2: {  	s7 =	simm.s32 $0x0;
	s20 =	sshll.u32 s5, $0x1;
	s5 =	sadd.s32 s21, s3  }
0xa3: {  	[timem:s7], [sflag:s22] =	dma.local [hbm:s5], s20  }
0xa4: {  	_ =	swait.ge [sflag:s22], s20  }
0xa5: {  	s4 =	ssub.s32 $0x0, s20;
	[sflag:s22] =	ssyncset.done $0x0  }
0xa6: {  	[sflag:s22] =	ssyncadd.s32 s4;
	_ =	sdelay $0x1  }
0xa7: {  	s23 =	simm.s32 $0x1B8B  }
0xa8: {  	_ =	swait.ge [sflag:s23], $0x1  }
0xa9: {  	[sflag:s23] =	ssyncset.done $0x0  }
0xaa: {  	s25 =	simm.s32 $0x1B8E;
	s24 =	sld [smem:$0x3FFE];
	[sflag:s23] =	ssyncadd.s32 $0xFFFFFFFF  }
0xab: {  	s26 =	simm.s32 $execute0_lowered;
	[smem:$0x3FD2] =	sst s25  }
0xac: {  	s5 =	sshll.u32 s26, $0x1;
	_ =	strace $0x8000004C;
	[dreg:$0x1] =	wrdreg $0xFFFFFFFF  }
0xad: {  	s28 =	simm.s32 $_size_execute0_lowered;
	s3 =	sadd.s32 s3, s5;
	[dreg:$0x0] =	wrdreg $0x0  }
0xae: {  	s5 =	sshll.u32 s28, $0x1;
	[dreg:$0x2] =	wrdreg s3  }
0xaf: {  	[dreg:$0x3] =	wrdreg s5  }
0xb0: {  	[dreg:$0x4] =	wrdreg $0xC0  }
0xb1: {  	_ =	task [dreg:s7], $0x5FFFF  }
0xb2: {  	[dreg:$0x1] =	wrdreg $0xFFFFFFFF  }
0xb3: {  	[dreg:$0x0] =	wrdreg $0x60  }
0xb4: {  	[dreg:$0x2] =	wrdreg s16  }
0xb5: {  	[dreg:$0x3] =	wrdreg s24  }
0xb6: {  	[dreg:$0x4] =	wrdreg $0x0  }
0xb7: {  	[dreg:$0x5] =	wrdreg $0x9  }
0xb8: {  	_ =	task.clear_ibuf [dreg:s7], $0x6FFFF;
	_ =	strace $0x9000004C  }
0xb9: {  	s29 =	simm.s32 $0x9;
	_ =	strace $0x8000004E  }
0xba: {  	_ =	swait.ge [sflag:s29], $0x1  }
0xbb: {  	[sflag:s29] =	ssyncadd.s32 $0xFFFFFFFF  }
0xbc: {  	_ =	strace $0x9000004E  }
0xbd: {  	_ =	sfence  }
0xbe: {  	s30 =	sld [smem:$0x0];
	_ =	sdelay $0x2  }
0xbf: {  	s31 =	sshll.u32 s1, $0xD;
	s1 =	sshrl.u32 s1, $0x2  }
0xc0: {  	s3 =	sand.u32 $0x4000, s31;
	s1 =	sadd.s32 s1, s30  }
0xc1: {  	s0 =	sor.u32 s3, s0;
	s1 =	sshll.u32 s1, $0x11  }
0xc2: {  	s0 =	sor.u32 s1, s0  }
0xc3: {  	s0 =	sadd.s32 $0x8F2B, s0  }
0xc4: {  	[sflag:s0] =	ssyncadd.remote.s32 $0x1  }
0xc5: {  	_ =	sfence.sel $0xFFFF  }
0xc6: {  	[dreg:$0x0] =	wrdreg $0xFFFFFFFF;
	(pc) =	sbr.abs _section_cstart, $3  }
0xc7: {  	[dreg:$0x1] =	wrdreg $0xFFFFFFFF  }
0xc8: {  	_ =	task.clear_ibuf [dreg:s7], $0x2FFFF;
	_ =	strace $0x9FFFFFFF  }
0xc9: {  	(tm) =	ssettm $0x7FFFFFFF  }
tec
execute0_lowered:
.L_overlay_start_1:
0x0: {  	(tag) =	ssettag $0x1  }
0x1: {  	s1 =	rddreg [dreg:$0x0]  }
0x2: {  	s0 =	rddreg [dreg:$0x1]  }
0x3: {  	s2 =	rddreg [dreg:$0x2];
	s3 =	srdreg.scid  }
0x4: {  	s4 =	simm.s32 $0x0;
	s13 =	stileid.u32;
	s9 =	simm.s32 $0xC4  }
0x5: {  	s29 =	simm.s32 $0x14080;
	s31 =	simm.s32 $0x14100;
	s30 =	simm.s32 $0x1  }
0x6: {  	s28 =	simm.s32 $0x2;
	s3 =	sand.u32 $0x1, s3;
	s8 =	smul.u32 $0x14000, s13  }
0x7: {  	[smem:$0x7FF] =	sst s4;
	s5 =	sadd.s32 $0x16800, s0;
	s11 =	smul.u32 $0x50000, s13  }
0x8: {  	s6 =	sadd.s32 $0x2800, s0;
	s23 =	sadd.s32 $0x2A800, s0;
	s7 =	smul.u32 $0x140000, s3  }
0x9: {  	_ =	strace $0x8000004D;
	[dreg:$0x5] =	wrdreg s23;
	s24 =	ssub.s32 $0x2, s3  }
0xa: {  	s10 =	smul.u32 $0x6200, s3;
	p0 =	seq.s32 s3, $0x0;
	s3 =	sshll.u32 s3, $0x9  }
0xb: {  	s25 =	sshrl.u32 s24, $0x1;
	s7 =	sadd.s32 s8, s7;
	s8 =	smul.u32 $0xA000, s13  }
0xc: {  	s9 =	simm.s32 @!p0 $0x75;
	s11 =	sshrl.u32 s11, $0x2;
	s12 =	sand.u32 $0x7C00, s10  }
0xd: {  	s13 =	sshll.u32 s13, $0x6;
	s11 =	sadd.s32 s11, s2;
	s12 =	sadd.s32 s8, s12  }
0xe: {  	s18 =	sadd.s32 $0x200, s10;
	s7 =	sshrl.u32 s7, $0x3;
	s3 =	sor.u32 s3, s12  }
0xf: {  	[dreg:$0x6] =	wrdreg s11;
	s11 =	sor.u32 $0x1C04, s13;
	s3 =	sshrl.u32 s3, $0x3  }
0x10: {  	s20 =	sand.u32 $0xFC00, s18;
	s0 =	sadd.s32 s7, s0;
	s26 =	sadd.s32 s5, s3  }
0x11: {  	s13 =	sadd.s32 s6, s3;
	s14 =	sor.u32 $0x10, s3;
	[dreg:$0x7] =	wrdreg s26  }
0x12: {  	s7 =	ssub.s32 s24, s25;
	[dreg:$0x8] =	wrdreg s13;
	s15 =	sadd.s32 s5, s14  }
0x13: {  	s16 =	sor.u32 $0x20, s3;
	s12 =	sadd.s32 s6, s14;
	[dreg:$0x9] =	wrdreg s15  }
0x14: {  	s3 =	sor.u32 $0x30, s3;
	s17 =	sadd.s32 s5, s16;
	[dreg:$0xa] =	wrdreg s12  }
0x15: {  	s19 =	sadd.s32 s5, s3;
	s13 =	sand.u32 $0x200, s18;
	[dreg:$0xb] =	wrdreg s17  }
0x16: {  	s14 =	sadd.s32 $0x280, s10;
	s12 =	sadd.s32 s6, s16;
	[dreg:$0xd] =	wrdreg s19  }
0x17: {  	s3 =	sadd.s32 s6, s3;
	[dreg:$0xc] =	wrdreg s12;
	s12 =	sadd.s32 s8, s20  }
0x18: {  	s10 =	sadd.s32 $0x300, s10;
	[dreg:$0xe] =	wrdreg s3;
	s21 =	sor.u32 s13, s12  }
0x19: {  	s22 =	sand.u32 $0xFC00, s14;
	s23 =	sand.u32 $0x280, s14;
	s3 =	sshrl.u32 s21, $0x3  }
0x1a: {  	[dreg:$0x4] =	wrdreg s10;
	s12 =	sadd.s32 s8, s22;
	s24 =	sadd.s32 s5, s3  }
0x1b: {  	s12 =	sor.u32 s23, s12;
	s3 =	sadd.s32 s6, s3;
	[dreg:$0xf] =	wrdreg s24  }
0x1c: {  	s10 =	simm.s32 $0x0;
	s25 =	sshrl.u32 s12, $0x3;
	[dreg:$0x10] =	wrdreg s3  }
0x1d: {  	s26 =	sadd.s32 s5, s25;
	s3 =	sadd.s32 s6, s25;
	s24 =	sadd.s32 $0x2D000, s0  }
0x1e: {  	s25 =	smax.u32 s7, $0x1;
	s0 =	simm.s32 $0x40;
	[dreg:$0x11] =	wrdreg s26  }
0x1f: {  	s7 =	simm.s32 $0x4;
	[dreg:$0x12] =	wrdreg s3;
	s3 =	simm.s32 $0x14180  }
.LBB2_1:
0x20: {  	s12 =	rddreg [dreg:$0x6]  }
0x21: {  	s13 =	rddreg [dreg:$0x5];
	s12 =	sshrl.u32 s12, $0x3  }
0x22: {  	[spmem:s12], [sflag:s11] =	dma.local [hbm:s13], $0x2800  }
0x23: {  	_ =	swait.ge [sflag:s7], $0x2800  }
0x24: {  	[sflag:s7] =	ssyncset.done $0x0  }
0x25: {  	s14 =	simm.s32 $0x14000;
	s22 =	rddreg [dreg:$0x7];
	[sflag:s7] =	ssyncadd.s32 $0xFFFFD800  }
0x26: {  	[tilespmem:s14], [sflag:$0x4] =	stream.linear.gather [hbm4b:s22+s4], $0x80, $0x38;
	[tilespmem:$0x1E800] =	vst v63  }
0x27: {  	_ =	swait.ge [sflag:s7], $0x80  }
0x28: {  	[sflag:s7] =	ssyncset.done $0x0  }
0x29: {  	s15 =	simm.s32 $0x14400;
	s23 =	rddreg [dreg:$0x8];
	[sflag:s7] =	ssyncadd.s32 $0xFFFFFF80  }
0x2a: {  	[tilespmem:s15], [sflag:$0x4] =	stream.linear.gather [hbm4b:s23+s4], $0x80, $0x38;
	[tilespmem:$0x1E800] =	vst v63  }
0x2b: {  	_ =	swait.ge [sflag:s7], $0x80  }
0x2c: {  	[sflag:s7] =	ssyncset.done $0x0  }
0x2d: {  	s26 =	rddreg [dreg:$0x9];
	[sflag:s7] =	ssyncadd.s32 $0xFFFFFF80  }
0x2e: {  	[tilespmem:s29], [sflag:$0x4] =	stream.linear.gather [hbm4b:s26+s4], $0x80, $0x38;
	[tilespmem:$0x1E800] =	vst v63  }
0x2f: {  	_ =	swait.ge [sflag:s7], $0x80  }
0x30: {  	[sflag:s7] =	ssyncset.done $0x0  }
0x31: {  	s16 =	simm.s32 $0x14480;
	s15 =	rddreg [dreg:$0xa];
	[sflag:s7] =	ssyncadd.s32 $0xFFFFFF80  }
0x32: {  	[tilespmem:s16], [sflag:$0x4] =	stream.linear.gather [hbm4b:s15+s4], $0x80, $0x38;
	[tilespmem:$0x1E800] =	vst v63  }
0x33: {  	_ =	swait.ge [sflag:s7], $0x80  }
0x34: {  	[sflag:s7] =	ssyncset.done $0x0  }
0x35: {  	s17 =	rddreg [dreg:$0xb];
	[sflag:s7] =	ssyncadd.s32 $0xFFFFFF80  }
0x36: {  	[tilespmem:s31], [sflag:$0x4] =	stream.linear.gather [hbm4b:s17+s4], $0x80, $0x38;
	[tilespmem:$0x1E800] =	vst v63  }
0x37: {  	_ =	swait.ge [sflag:s7], $0x80  }
0x38: {  	[sflag:s7] =	ssyncset.done $0x0  }
0x39: {  	s19 =	simm.s32 $0x14500;
	s18 =	rddreg [dreg:$0xc];
	[sflag:s7] =	ssyncadd.s32 $0xFFFFFF80  }
0x3a: {  	[tilespmem:s19], [sflag:$0x4] =	stream.linear.gather [hbm4b:s18+s4], $0x80, $0x38;
	[tilespmem:$0x1E800] =	vst v63  }
0x3b: {  	_ =	swait.ge [sflag:s7], $0x80  }
0x3c: {  	[sflag:s7] =	ssyncset.done $0x0  }
0x3d: {  	s20 =	rddreg [dreg:$0xd];
	[sflag:s7] =	ssyncadd.s32 $0xFFFFFF80  }
0x3e: {  	[tilespmem:s3], [sflag:$0x4] =	stream.linear.gather [hbm4b:s20+s4], $0x80, $0x38;
	[tilespmem:$0x1E800] =	vst v63  }
0x3f: {  	_ =	swait.ge [sflag:s7], $0x80  }
0x40: {  	[sflag:s7] =	ssyncset.done $0x0  }
0x41: {  	s22 =	simm.s32 $0x14580;
	s21 =	rddreg [dreg:$0xe];
	[sflag:s7] =	ssyncadd.s32 $0xFFFFFF80  }
0x42: {  	[tilespmem:s22], [sflag:$0x4] =	stream.linear.gather [hbm4b:s21+s4], $0x80, $0x38;
	[tilespmem:$0x1E800] =	vst v63  }
0x43: {  	_ =	swait.ge [sflag:s7], $0x80  }
0x44: {  	[sflag:s7] =	ssyncset.done $0x0  }
0x45: {  	s26 =	simm.s32 $0x14200;
	s23 =	rddreg [dreg:$0xf];
	[sflag:s7] =	ssyncadd.s32 $0xFFFFFF80  }
0x46: {  	[tilespmem:s26], [sflag:$0x3] =	stream.linear.gather [hbm4b:s23+s4], $0x80, $0x38;
	[tilespmem:$0x1E800] =	vst v63  }
0x47: {  	s17 =	simm.s32 $0x14600;
	s16 =	rddreg [dreg:$0x10]  }
0x48: {  	[tilespmem:s17], [sflag:$0x3] =	stream.linear.gather [hbm4b:s16+s4], $0x80, $0x38;
	[tilespmem:$0x1E800] =	vst v63  }
0x49: {  	s19 =	simm.s32 $0x14280;
	s18 =	rddreg [dreg:$0x11]  }
0x4a: {  	[tilespmem:s19], [sflag:$0x3] =	stream.linear.gather [hbm4b:s18+s4], $0x80, $0x38;
	[tilespmem:$0x1E800] =	vst v63  }
0x4b: {  	s21 =	simm.s32 $0x14680;
	s20 =	rddreg [dreg:$0x12]  }
0x4c: {  	[tilespmem:s21], [sflag:$0x3] =	stream.linear.gather [hbm4b:s20+s4], $0x80, $0x38;
	[tilespmem:$0x1E800] =	vst v63  }
0x4d: {  	s16 =	simm.s32 $0x14800;
	[bflag:$0x0] =	sbarrier.arrive $0xFFFF  }
0x4e: {  	[tilespmem:s16], [sflag:$0x1] =	stream.indirect.gather [hbm4b:s1+s0], $0x80, s14, s0, $0xb8;
	[tilespmem:$0x1E800] =	vst v63  }
0x4f: {  	p1 =	sne.s32 s9, $0x1;
	s22 =	simm.s32 $0x16800  }
0x50: {  	[tilespmem:s22], [sflag:$0x1] =	stream.indirect.gather [hbm4b:s1+s0], $0x80, s29, s0, $0xb8;
	[tilespmem:$0x1E800] =	vst v63  }
.Ltmp0:
0x51: {  	_ = 	snop;
	(pc) =	sbr.rel @!p1 .LBB2_2-.Ltmp0, $4  }
0x52: {  	p0 =	por $0x0, $0x0;
	s13 =	simm.s32 $0x1;
	s23 =	simm.s32 $0x18800  }
0x53: {  	[tilespmem:s23], [sflag:$0x1] =	stream.indirect.gather [hbm4b:s1+s0], $0x80, s31, s0, $0xb8;
	[tilespmem:$0x1E800] =	vst v63  }
0x54: {  	s26 =	simm.s32 $0x1A800;
	s20 =	smulhi.u32 $0xCCCCCCCD, s4;
	s14 =	simm.s32 $0x1C800  }
0x55: {  	[tilespmem:s26], [sflag:$0x1] =	stream.indirect.gather [hbm4b:s1+s0], $0x80, s3, s0, $0xb8;
	[tilespmem:$0x1E800] =	vst v63  }
0x56: {  	s14 =	sshrl.u32 s20, $0x2  }
0x57: {  	s14 =	smul.u32 $0xFFFD8000, s14  }
0x58: {  	_ =	swait.ge [sflag:s30], $0x2000;
	s15 =	sand.u32 $0x380, s4;
	p1 =	por $0x1, $0x1  }
0x59: {  	[sflag:s30] =	ssyncset.done $0x0;
	s16 =	simm.s32 @!p1 $0x2;
	s14 =	sshra.s32 s14, $0x2  }
0x5a: {  	s15 =	sor.u32 $0x14400, s15;
	[sflag:s30] =	ssyncadd.s32 $0xFFFFE000;
	s14 =	sadd.s32 $0x14800, s14  }
0x5b: {  	[spmem:s2] =	stream.indirect.scatter.add.f32 [tilespmem:s14], [sflag:$0x2], $0x80, s15, s0, $0xb8;
	[tilespmem:$0x1E800] =	vst v63  }
0x5c: {  	_ =	swait.ge @!p1 [sflag:s16], $0x2000  }
0x5d: {  	p0 =	sle.u32 s9, $0x4;
	s26 =	smulhi.u32 $0xCCCCCCCD, s7;
	[sflag:s16] =	ssyncset.done @!p1 $0x0  }
0x5e: {  	s15 =	simm.s32 @!p0 $0x3;
	[sflag:s16] =	ssyncadd.s32 @!p1 $0xFFFFE000  }
0x5f: {  	s14 =	sshrl.u32 s26, $0x2;
	_ =	swait.ge @!p0 [sflag:s15], $0x80  }
0x60: {  	p2 =	sle.u32 s9, $0x6;
	s14 =	smul.u32 $0xFFFD8000, s14;
	[sflag:s15] =	ssyncset.done @!p0 $0x0  }
0x61: {  	s20 =	smulhi.u32 $0xCCCCCCCD, s13;
	s17 =	simm.s32 @!p0 $0x40;
	[sflag:s15] =	ssyncadd.s32 @!p0 $0xFFFFFF80  }
0x62: {  	s16 =	simm.s32 @!p0 $0x200;
	s14 =	sshra.s32 s14, $0x2;
	_ =	swait.ge @!p0 [sflag:s15], $0x80  }
0x63: {  	s16 =	sand.u32 @!p0 $0x380, s16;
	s14 =	sadd.s32 $0x1C800, s14;
	[sflag:s15] =	ssyncset.done @!p0 $0x0  }
0x64: {  	s16 =	sor.u32 @!p0 $0x14000, s16;
	s18 =	rddreg [dreg:$0x4];
	[sflag:s15] =	ssyncadd.s32 @!p0 $0xFFFFFF80  }
0x65: {  	[tilespmem:s14], [sflag:$0x1] =	stream.indirect.gather @!p0 [hbm4b:s1+s17], $0x80, s16, s17, $0xb8;
	[tilespmem:$0x1E800] =	vst v63  }
0x66: {  	s21 =	simm.s32 @!p2 $0x0;
	p1 =	sne.s32 s9, $0x2;
	s14 =	sadd.s32 @!p2 $0x0, s18  }
0x67: {  	s18 =	simm.s32 $0x2;
	s16 =	simm.s32 @!p2 $0x300;
	s15 =	sand.u32 @!p2 $0xFFFFFC00, s14  }
0x68: {  	s17 =	simm.s32 $0x5;
	s14 =	sand.u32 @!p2 $0x380, s14;
	s15 =	sadd.s32 @!p2 s8, s15  }
.Ltmp1:
0x69: {  	s16 =	sand.u32 @!p2 $0x380, s16;
	s14 =	sor.u32 @!p2 s14, s15;
	(pc) =	sbr.rel @!p1 .LBB2_5-.Ltmp1, $4  }
0x6a: {  	p0 =	por $0x1, $0x1;
	s19 =	sor.u32 @!p2 $0x14400, s16;
	s26 =	sshrl.u32 @!p2 s14, $0x3  }
0x6b: {  	s15 =	sor.u32 @!p2 $0x14000, s16;
	s16 =	simm.s32 $0x16800;
	s14 =	sadd.s32 @!p2 s5, s26  }
0x6c: {  	[tilespmem:s15], [sflag:$0x3] =	stream.linear.gather @!p2 [hbm4b:s14+s21], $0x80, $0x38;
	[tilespmem:$0x1E800] =	vst v63  }
0x6d: {  	s26 =	sadd.s32 @!p2 s6, s26;
	s14 =	simm.s32 $0x1E800;
	s15 =	simm.s32 $0x80  }
.LBB2_4:
0x6e: {  	[tilespmem:s19], [sflag:$0x3] =	stream.linear.gather @!p2 [hbm4b:s26+s21], $0x80, $0x38;
	[tilespmem:$0x1E800] =	vst v63  }
0x6f: {  	s22 =	sshrl.u32 s20, $0x2  }
0x70: {  	s19 =	smul.u32 $0xFFFD8000, s22  }
0x71: {  	s23 =	sand.u32 $0x380, s15;
	p2 =	seq.s32 s15, $0x0;
	_ =	swait.ge [sflag:s30], $0x2000  }
0x72: {  	s26 =	simm.s32 @!p2 $0x2;
	[sflag:s30] =	ssyncset.done $0x0;
	s19 =	sshra.s32 s19, $0x2  }
0x73: {  	s21 =	sor.u32 $0x14400, s23;
	[sflag:s30] =	ssyncadd.s32 $0xFFFFE000;
	s19 =	sadd.s32 s19, s16  }
0x74: {  	[spmem:s2] =	stream.indirect.scatter.add.f32 [tilespmem:s19], [sflag:$0x2], $0x80, s21, s0, $0xb8;
	[tilespmem:$0x1E800] =	vst v63  }
0x75: {  	s22 =	sadd.s32 $0x4, s13;
	_ =	swait.ge @!p2 [sflag:s26], $0x2000  }
0x76: {  	s23 =	smulhi.u32 $0xCCCCCCCD, s17;
	p3 =	sge.u32 s22, s9;
	[sflag:s26] =	ssyncset.done @!p2 $0x0  }
0x77: {  	s20 =	smov.u32 s18;
	s21 =	simm.s32 @!p3 $0x3;
	[sflag:s26] =	ssyncadd.s32 @!p2 $0xFFFFE000  }
0x78: {  	s18 =	sadd.s32 $0x1, s18;
	s19 =	sshrl.u32 s23, $0x2;
	_ =	swait.ge @!p3 [sflag:s21], $0x80  }
0x79: {  	s13 =	sadd.s32 $0x6, s13;
	s19 =	smul.u32 $0xFFFD8000, s19;
	[sflag:s21] =	ssyncset.done @!p3 $0x0  }
0x7a: {  	s22 =	simm.s32 @!p3 $0x40;
	s26 =	sadd.s32 @!p3 $0x200, s15;
	[sflag:s21] =	ssyncadd.s32 @!p3 $0xFFFFFF80  }
0x7b: {  	s19 =	sshra.s32 s19, $0x2;
	p2 =	sge.u32 s13, s9;
	_ =	swait.ge @!p3 [sflag:s21], $0x80  }
0x7c: {  	s26 =	sand.u32 @!p3 $0x380, s26;
	s19 =	sadd.s32 s19, s14;
	[sflag:s21] =	ssyncset.done @!p3 $0x0  }
0x7d: {  	s26 =	sor.u32 @!p3 $0x14000, s26;
	s23 =	rddreg [dreg:$0x4];
	[sflag:s21] =	ssyncadd.s32 @!p3 $0xFFFFFF80  }
0x7e: {  	[tilespmem:s19], [sflag:$0x1] =	stream.indirect.gather @!p3 [hbm4b:s1+s22], $0x80, s26, s22, $0xb8;
	[tilespmem:$0x1E800] =	vst v63  }
0x7f: {  	s17 =	sadd.s32 $0x1, s17;
	p1 =	sne.s32 s18, s9;
	s19 =	sadd.s32 @!p2 s15, s23  }
0x80: {  	s16 =	sadd.s32 $0x2000, s16;
	s13 =	smov.u32 s20;
	s20 =	sand.u32 @!p2 $0xFFFFFC00, s19  }
0x81: {  	s14 =	sadd.s32 $0x2000, s14;
	s22 =	sand.u32 @!p2 $0x380, s19;
	s20 =	sadd.s32 @!p2 s8, s20  }
.Ltmp2:
0x82: {  	s21 =	sadd.s32 @!p2 $0x300, s15;
	s20 =	sor.u32 @!p2 s22, s20;
	(pc) =	sbr.rel @p1 .LBB2_4-.Ltmp2, $4  }
0x83: {  	s15 =	sadd.s32 $0x80, s15;
	s19 =	sand.u32 @!p2 $0x380, s21;
	s22 =	sshrl.u32 @!p2 s20, $0x3  }
0x84: {  	s21 =	simm.s32 @!p2 $0x0;
	s23 =	sor.u32 @!p2 $0x14000, s19;
	s20 =	sadd.s32 @!p2 s5, s22  }
0x85: {  	[tilespmem:s23], [sflag:$0x3] =	stream.linear.gather @!p2 [hbm4b:s20+s21], $0x80, $0x38;
	[tilespmem:$0x1E800] =	vst v63  }
0x86: {  	s19 =	sor.u32 @!p2 $0x14400, s19;
	s26 =	sadd.s32 @!p2 s6, s22;
	s20 =	smulhi.u32 $0xCCCCCCCD, s13  }
.LBB2_5:
0x87: {  	p0 =	por p2, !p0  }
0x88: {  	[tilespmem:s19], [sflag:$0x3] =	stream.linear.gather @!p0 [hbm4b:s26+s21], $0x80, $0x38;
	[tilespmem:$0x1E800] =	vst v63  }
0x89: {  	s18 =	sshrl.u32 s20, $0x2  }
0x8a: {  	s18 =	smul.u32 $0xFFFD8000, s18  }
0x8b: {  	p1 =	seq.s32 s15, $0x0;
	s26 =	sand.u32 $0x380, s15;
	_ =	swait.ge [sflag:s30], $0x2000  }
0x8c: {  	s20 =	simm.s32 @!p1 $0x2;
	[sflag:s30] =	ssyncset.done $0x0;
	s18 =	sshra.s32 s18, $0x2  }
0x8d: {  	s21 =	sor.u32 $0x14400, s26;
	[sflag:s30] =	ssyncadd.s32 $0xFFFFE000;
	s16 =	sadd.s32 s18, s16  }
0x8e: {  	[spmem:s2] =	stream.indirect.scatter.add.f32 [tilespmem:s16], [sflag:$0x2], $0x80, s21, s0, $0xb8;
	[tilespmem:$0x1E800] =	vst v63  }
0x8f: {  	s22 =	sadd.s32 $0x4, s13;
	_ =	swait.ge @!p1 [sflag:s20], $0x2000  }
0x90: {  	s23 =	smulhi.u32 $0xCCCCCCCD, s17;
	p0 =	sge.u32 s22, s9;
	[sflag:s20] =	ssyncset.done @!p1 $0x0  }
0x91: {  	s17 =	simm.s32 @!p0 $0x3;
	[sflag:s20] =	ssyncadd.s32 @!p1 $0xFFFFE000  }
0x92: {  	s19 =	simm.s32 @!p0 $0x40;
	s16 =	sshrl.u32 s23, $0x2;
	_ =	swait.ge @!p0 [sflag:s17], $0x80  }
0x93: {  	s18 =	sadd.s32 @!p0 $0x200, s15;
	s16 =	smul.u32 $0xFFFD8000, s16;
	[sflag:s17] =	ssyncset.done @!p0 $0x0  }
0x94: {  	s26 =	sadd.s32 $0x6, s13;
	s18 =	sand.u32 @!p0 $0x380, s18;
	[sflag:s17] =	ssyncadd.s32 @!p0 $0xFFFFFF80  }
0x95: {  	s18 =	sor.u32 @!p0 $0x14000, s18;
	s16 =	sshra.s32 s16, $0x2;
	_ =	swait.ge @!p0 [sflag:s17], $0x80  }
0x96: {  	p1 =	sge.u32 s26, s9;
	[sflag:s17] =	ssyncset.done @!p0 $0x0;
	s20 =	rddreg [dreg:$0x4]  }
0x97: {  	s14 =	sadd.s32 s16, s14;
	[sflag:s17] =	ssyncadd.s32 @!p0 $0xFFFFFF80;
	s13 =	sadd.s32 @!p1 s15, s20  }
0x98: {  	[tilespmem:s14], [sflag:$0x1] =	stream.indirect.gather @!p0 [hbm4b:s1+s19], $0x80, s18, s19, $0xb8;
	[tilespmem:$0x1E800] =	vst v63  }
0x99: {  	s14 =	sand.u32 @!p1 $0xFFFFFC00, s13  }
0x9a: {  	s13 =	sand.u32 @!p1 $0x380, s13;
	s14 =	sadd.s32 @!p1 s8, s14  }
0x9b: {  	s15 =	sadd.s32 @!p1 $0x300, s15;
	s13 =	sor.u32 @!p1 s13, s14  }
0x9c: {  	s14 =	sand.u32 @!p1 $0x380, s15;
	s13 =	sshrl.u32 @!p1 s13, $0x3  }
0x9d: {  	s17 =	simm.s32 @!p1 $0x0;
	s15 =	sor.u32 @!p1 $0x14000, s14;
	s16 =	sadd.s32 @!p1 s5, s13  }
0x9e: {  	[tilespmem:s15], [sflag:$0x3] =	stream.linear.gather @!p1 [hbm4b:s16+s17], $0x80, $0x38;
	[tilespmem:$0x1E800] =	vst v63  }
0x9f: {  	s14 =	sor.u32 @!p1 $0x14400, s14;
	s13 =	sadd.s32 @!p1 s6, s13  }
0xa0: {  	[tilespmem:s14], [sflag:$0x3] =	stream.linear.gather @!p1 [hbm4b:s13+s17], $0x80, $0x38;
	[tilespmem:$0x1E800] =	vst v63  }
0xa1: {  	_ =	swait.ge [sflag:s28], $0x2000  }
0xa2: {  	[sflag:s28] =	ssyncset.done $0x0  }
0xa3: {  	s10 =	sadd.s32 $0x1, s10;
	[sflag:s28] =	ssyncadd.s32 $0xFFFFE000  }
0xa4: {  	p0 =	sne.s32 s10, s25;
	[bflag:$0x0] =	sbarrier.arrive $0xFFFF  }
0xa5: {  	[hbm:s24], [sflag:s11] =	dma.local [spmem:s12], $0x2800  }
.Ltmp3:
0xa6: {  	_ = 	snop;
	(pc) =	sbr.rel @p0 .LBB2_1-.Ltmp3, $4  }
.Ltmp4:
0xa7: {  	_ = 	snop;
	(pc) =	sbr.rel @!p0 .LBB2_6-.Ltmp4, $4  }
0xa8: {  	_ =	swait.ge [sflag:s7], $0x2800  }
0xa9: {  	[sflag:s7] =	ssyncset.done $0x0  }
0xaa: {  	[sflag:s7] =	ssyncadd.s32 $0xFFFFD800  }
0xab: {  	_ = 	snop  }
.LBB2_2:
.Ltmp5:
0xac: {  	(pc) =	sbr.rel .LBB2_5-.Ltmp5, $2  }
0xad: {  	_ =	sdelay $0x2  }
0xae: {  	s15 =	simm.s32 $0x0;
	s13 =	simm.s32 $0x0;
	s17 =	simm.s32 $0x4  }
.LBB2_6:
0xaf: {  	_ =	sfence.sel $0x180000  }
0xb0: {  	[bflag:$0x0] =	sbarrier.arrive $0xFFFF  }
0xb1: {  	_ =	strace $0x9000004D  }
0xb2: {  	s0 =	stileid.u32;
	[bflag:$0x2] =	sbarrier.arrive $0xFFFF  }
0xb3: {  	p0 =	sne.s32 s0, $0x0;
	s0 =	rddreg [dreg:$0x3]  }
0xb4: {  	s0 =	sadd.s32 @!p0 $0x100000, s0  }
0xb5: {  	[sflag:s0] =	ssyncadd.tile.s32 @!p0 $0x1;
	_ =	shalt  }
.Lfunc_end2:
_tile_overlayer_lowered:
.L_overlay_start_2:
0xb6: {  	(tag) =	ssettag $0x2  }
0xb7: {  	s0 =	rddreg [dreg:$0x0];
	s2 =	stileid.u32  }
0xb8: {  	s1 =	rddreg [dreg:$0x1];
	p0 =	sne.s32 s2, $0x0  }
0xb9: {  	s3 =	rddreg [dreg:$0x2];
	[bflag:$0x3] =	sbarrier.arrive $0xFFFF;
	s2 =	simm.s32 @!p0 $0x1C04  }
0xba: {  	[timem:s3], [sflag:s2] =	dma.local @!p0 [hbm:s0], s1  }
0xbb: {  	s0 =	simm.s32 @!p0 $0x4  }
0xbc: {  	_ =	swait.ge @!p0 [sflag:s0], s1  }
0xbd: {  	s1 =	ssub.s32 @!p0 $0x0, s1;
	[sflag:s0] =	ssyncset.done @!p0 $0x0  }
0xbe: {  	[sflag:s0] =	ssyncadd.s32 @!p0 s1  }
0xbf: {  	[bflag:$0x3] =	sbarrier.arrive $0xFFFF  }
0xc0: {  	_ =	shalt  }

// kernel: kernel.8.cloned.1.call-start
scs
__scs_entry_jumppad:
0x0: {  	(pc) =	sbr.rel $0x88, $3  }
0x1: {  	(tag) =	ssettag $0x0;
	lr =	simm.s32 $0x1  }
0x2: {  	[smem:$0x3F97] =	sst lr;
	_ =	strace $0xD0000000  }
0x3: {  	_ = 	snop  }
0x4: {  	_ = 	snop  }
0x5: {  	_ = 	snop  }
0x6: {  	_ = 	snop  }
0x7: {  	_ = 	snop  }
__scs_overlays_trampoline_lowered:
0x8: {  	[smem:$0x3FA6] =	sst s0  }
0x9: {  	[smem:$0x3FA7] =	sst s1  }
0xa: {  	[smem:$0x3FA8] =	sst s2  }
0xb: {  	[smem:$0x3FA9] =	sst s3  }
0xc: {  	[smem:$0x3FAA] =	sst s4  }
0xd: {  	[smem:$0x3FAB] =	sst s5  }
0xe: {  	[smem:$0x3FAC] =	sst s6  }
0xf: {  	[smem:$0x3FAD] =	sst s7  }
0x10: {  	[smem:$0x3FAE] =	sst s8  }
0x11: {  	[smem:$0x3FAF] =	sst s9;
	s0 =	simm.s32 @!p0 $0x0  }
0x12: {  	s1 =	sld [smem:$0x3F95];
	s0 =	simm.s32 @p0 $0x1  }
0x13: {  	[smem:$0x3FB0] =	sst s0;
	s0 =	simm.s32 @!p1 $0x0  }
0x14: {  	s2 =	sld [smem:$0x3F94];
	s0 =	simm.s32 @p1 $0x1  }
0x15: {  	[smem:$0x3FB1] =	sst s0;
	s0 =	simm.s32 @!p2 $0x0  }
0x16: {  	s3 =	sld [smem:$0x3FDB];
	s0 =	simm.s32 @p2 $0x1  }
0x17: {  	s4 =	simm.s32 $0x1BF5;
	[smem:$0x3FB3] =	sst s0  }
0x18: {  	s0 =	sld [smem:$0x3F96];
	_ =	swait.ge [sflag:s4], $0x0  }
0x19: {  	s7 =	sld [smem:$0x3F97]  }
0x1a: {  	s8 =	sadd.s32 $0xFFFFE003, lr  }
0x1b: {  	s9 =	sadd.s32 $0xFFFFFEF7, lr;
	s5 =	simm.s32 $0xFFFFFFFF;
	p2 =	slt.u32 s8, $0xFFFFF086  }
0x1c: {  	p1 =	slt.u32 s9, $0xF7A;
	s5 =	simm.s32 @!p2 $0x0  }
0x1d: {  	s5 =	simm.s32 @p1 $0x1;
	p0 =	seq.s32 s7, s2  }
0x1e: {  	s7 =	smul.u32 @!p0 $0xF7A, s2;
	p2 =	seq.s32 @!p0 s5, $0x0  }
0x1f: {  	s9 =	smul.u32 $0xF7A, s1;
	s8 =	simm.s32 @!p0 $0x1BF5;
	p2 =	por !p2, p0  }
0x20: {  	[sflag:s8] =	ssyncset.s32 @!p0 $0xFFFFF086;
	s6 =	sadd.s32 @!p0 s3, s7;
	s7 =	simm.s32 @!p0 $0x108  }
0x21: {  	s3 =	sadd.s32 s3, s9;
	s6 =	sadd.s32 @!p0 $0x88, s6;
	s7 =	simm.s32 @p2 $0x1082  }
0x22: {  	[simem:s7], [sflag:s8] =	dma.local @!p0 [hbm:s6], $0xF7A  }
0x23: {  	s9 =	sor.u32 $0xD0000000, s2;
	s6 =	simm.s32 $0x108;
	_ =	swait.ge @!p0 [sflag:s8], $0x0  }
0x24: {  	s3 =	sadd.s32 $0x88, s3;
	s6 =	simm.s32 @!p1 $0x1082;
	[sflag:s4] =	ssyncset.s32 $0xFFFFF086  }
0x25: {  	[simem:s6], [sflag:s4] =	dma.local [hbm:s3], $0xF7A  }
0x26: {  	[smem:$0x3F97] =	sst s1;
	(tag) =	ssettag s2;
	_ =	strace s9  }
0x27: {  	s1 =	sld [smem:$0x3FA7]  }
0x28: {  	s2 =	sld [smem:$0x3FA8]  }
0x29: {  	s4 =	sld [smem:$0x3FAA]  }
0x2a: {  	p0 =	seq.s32 s5, $0x0;
	s5 =	sld [smem:$0x3FAB]  }
0x2b: {  	s6 =	sld [smem:$0x3FAC]  }
0x2c: {  	s7 =	sld [smem:$0x3FAD]  }
0x2d: {  	s3 =	simm.s32 $0x108;
	s8 =	sld [smem:$0x3FAE]  }
0x2e: {  	s3 =	simm.s32 @!p0 $0x1082;
	s9 =	sld [smem:$0x3FAF]  }
0x2f: {  	lr =	sadd.s32 s0, s3;
	s0 =	sld [smem:$0x3FA6]  }
0x30: {  	s3 =	sld [smem:$0x3FA9]  }
0x31: {  	[smem:$0x3FB2] =	sst s10  }
0x32: {  	s10 =	sld [smem:$0x3FB0];
	_ =	sdelay $0x3  }
0x33: {  	p0 =	seq.s32 s10, $0x1;
	s10 =	sld [smem:$0x3FB2];
	_ =	sdelay $0x3  }
0x34: {  	[smem:$0x3FB2] =	sst s10  }
0x35: {  	s10 =	sld [smem:$0x3FB1];
	_ =	sdelay $0x3  }
0x36: {  	p1 =	seq.s32 s10, $0x1;
	s10 =	sld [smem:$0x3FB2];
	_ =	sdelay $0x3  }
0x37: {  	[smem:$0x3FB2] =	sst s10  }
0x38: {  	s10 =	sld [smem:$0x3FB3]  }
0x39: {  	_ = 	snop;
	(pc) =	sbr.ind lr, $3  }
0x3a: {  	_ = 	snop  }
0x3b: {  	_ = 	snop  }
0x3c: {  	p2 =	seq.s32 s10, $0x1;
	s10 =	sld [smem:$0x3FB2]  }
0x3d: {  	_ =	shalt  }
0x3e: {  	_ =	shalt  }
0x3f: {  	_ =	shalt  }
0x40: {  	_ =	shalt  }
0x41: {  	_ =	shalt  }
0x42: {  	_ =	shalt  }
0x43: {  	_ =	shalt  }
0x44: {  	_ =	shalt  }
0x45: {  	_ =	shalt  }
0x46: {  	_ =	shalt  }
0x47: {  	_ =	shalt  }
0x48: {  	_ =	shalt  }
0x49: {  	_ =	shalt  }
0x4a: {  	_ =	shalt  }
0x4b: {  	_ =	shalt  }
0x4c: {  	_ =	shalt  }
0x4d: {  	_ =	shalt  }
0x4e: {  	_ =	shalt  }
0x4f: {  	_ =	shalt  }
0x50: {  	_ =	shalt  }
0x51: {  	_ =	shalt  }
0x52: {  	_ =	shalt  }
0x53: {  	_ =	shalt  }
0x54: {  	_ =	shalt  }
0x55: {  	_ =	shalt  }
0x56: {  	_ =	shalt  }
0x57: {  	_ =	shalt  }
0x58: {  	_ =	shalt  }
0x59: {  	_ =	shalt  }
0x5a: {  	_ =	shalt  }
0x5b: {  	_ =	shalt  }
0x5c: {  	_ =	shalt  }
0x5d: {  	_ =	shalt  }
0x5e: {  	_ =	shalt  }
0x5f: {  	_ =	shalt  }
0x60: {  	_ =	shalt  }
0x61: {  	_ =	shalt  }
0x62: {  	_ =	shalt  }
0x63: {  	_ =	shalt  }
0x64: {  	_ =	shalt  }
0x65: {  	_ =	shalt  }
0x66: {  	_ =	shalt  }
0x67: {  	_ =	shalt  }
0x68: {  	_ =	shalt  }
0x69: {  	_ =	shalt  }
0x6a: {  	_ =	shalt  }
0x6b: {  	_ =	shalt  }
0x6c: {  	_ =	shalt  }
0x6d: {  	_ =	shalt  }
0x6e: {  	_ =	shalt  }
0x6f: {  	_ =	shalt  }
0x70: {  	_ =	shalt  }
0x71: {  	_ =	shalt  }
0x72: {  	_ =	shalt  }
0x73: {  	_ =	shalt  }
0x74: {  	_ =	shalt  }
0x75: {  	_ =	shalt  }
0x76: {  	_ =	shalt  }
0x77: {  	_ =	shalt  }
0x78: {  	_ =	shalt  }
0x79: {  	_ =	shalt  }
0x7a: {  	_ =	shalt  }
0x7b: {  	_ =	shalt  }
0x7c: {  	_ =	shalt  }
0x7d: {  	_ =	shalt  }
0x7e: {  	_ =	shalt  }
0x7f: {  	_ =	shalt  }
0x80: {  	_ =	shalt  }
0x81: {  	_ =	shalt  }
0x82: {  	_ =	shalt  }
0x83: {  	_ =	shalt  }
0x84: {  	_ =	shalt  }
0x85: {  	_ =	shalt  }
0x86: {  	_ =	shalt  }
0x87: {  	_ =	shalt  }
.Lfunc_end0:
.L_simem_size_0:
called_computation_lowered:
.L_overlay_start_0:
0x88: {  	s2 =	sld [smem:$0x3FD9]  }
0x89: {  	s3 =	sld [smem:$0x3FFE];
	_ =	sdelay $0x1  }
0x8a: {  	s1 =	srdreg.scid  }
0x8b: {  	s0 =	sand.u32 $0x1, s1  }
0x8c: {  	s14 =	sshll.u32 s0, $0xA;
	s2 =	sadd.s32 s3, s2  }
0x8d: {  	s2 =	sadd.s32 s2, s14  }
0x8e: {  	[smem:$0x3FBE] =	sst s2  }
0x8f: {  	_ = 	snop  }
0x90: {  	s2 =	sld [smem:$0x3FD0];
	_ =	sdelay $0x2  }
0x91: {  	s15 =	simm.s32 $0xA;
	s4 =	simm.s32 $0x10  }
0x92: {  	[smem:s4], [sflag:s15] =	dma.local [hbm:s2], $0x1  }
0x93: {  	_ =	swait.eq [sflag:s15], $0x1  }
0x94: {  	[sflag:s15] =	ssyncset.done $0x0  }
0x95: {  	[sflag:s15] =	ssyncadd.s32 $0xFFFFFFFF  }
0x96: {  	s16 =	sld [smem:$0x11];
	(tm) =	ssettm $0x1  }
0x97: {  	s17 =	sld [smem:$0x3FFB];
	_ =	sdelay $0x3  }
0x98: {  	_ =	strace s17  }
0x99: {  	s3 =	sld [smem:$0x3FFC];
	_ =	sdelay $0x3  }
0x9a: {  	_ =	strace s3  }
0x9b: {  	s3 =	sld [smem:$0x3FFD];
	_ =	sdelay $0x3  }
0x9c: {  	_ =	strace s3  }
0x9d: {  	_ =	strace $0x8FFFFFFF  }
0x9e: {  	s18 =	sld [smem:$0x3FDB];
	_ =	sdelay $0x1  }
0x9f: {  	s19 =	simm.s32 $_scs_section_size  }
0xa0: {  	s5 =	simm.s32 $_size__tile_overlayer_lowered;
	s6 =	simm.s32 $_tile_overlayer_lowered  }
0xa1: {  	s22 =	simm.s32 $0x1BFF;
	s21 =	sshll.u32 s6, $0x1;
	s3 =	sadd.s32 s19, s18  }
0xa2: {  	s7 =	simm.s32 $0x0;
	s20 =	sshll.u32 s5, $0x1;
	s5 =	sadd.s32 s21, s3  }
0xa3: {  	[timem:s7], [sflag:s22] =	dma.local [hbm:s5], s20  }
0xa4: {  	_ =	swait.ge [sflag:s22], s20  }
0xa5: {  	s4 =	ssub.s32 $0x0, s20;
	[sflag:s22] =	ssyncset.done $0x0  }
0xa6: {  	[sflag:s22] =	ssyncadd.s32 s4;
	_ =	sdelay $0x1  }
0xa7: {  	s23 =	simm.s32 $0x1B8B  }
0xa8: {  	_ =	swait.ge [sflag:s23], $0x1  }
0xa9: {  	[sflag:s23] =	ssyncset.done $0x0  }
0xaa: {  	s25 =	simm.s32 $0x1B8E;
	s24 =	sld [smem:$0x3FFE];
	[sflag:s23] =	ssyncadd.s32 $0xFFFFFFFF  }
0xab: {  	s26 =	simm.s32 $execute0_lowered;
	[smem:$0x3FD2] =	sst s25  }
0xac: {  	s5 =	sshll.u32 s26, $0x1;
	_ =	strace $0x80000046;
	[dreg:$0x1] =	wrdreg $0xFFFFFFFF  }
0xad: {  	s28 =	simm.s32 $_size_execute0_lowered;
	s3 =	sadd.s32 s3, s5;
	[dreg:$0x0] =	wrdreg $0x0  }
0xae: {  	s5 =	sshll.u32 s28, $0x1;
	[dreg:$0x2] =	wrdreg s3  }
0xaf: {  	[dreg:$0x3] =	wrdreg s5  }
0xb0: {  	[dreg:$0x4] =	wrdreg $0xC0  }
0xb1: {  	_ =	task [dreg:s7], $0x5FFFF  }
0xb2: {  	[dreg:$0x1] =	wrdreg $0xFFFFFFFF  }
0xb3: {  	[dreg:$0x0] =	wrdreg $0x60  }
0xb4: {  	[dreg:$0x2] =	wrdreg s24  }
0xb5: {  	[dreg:$0x3] =	wrdreg s16  }
0xb6: {  	[dreg:$0x4] =	wrdreg $0xC8000  }
0xb7: {  	[dreg:$0x5] =	wrdreg $0x9  }
0xb8: {  	_ =	task.clear_ibuf [dreg:s7], $0x6FFFF;
	_ =	strace $0x90000046  }
0xb9: {  	s29 =	simm.s32 $0x9;
	_ =	strace $0x80000048  }
0xba: {  	_ =	swait.ge [sflag:s29], $0x1  }
0xbb: {  	[sflag:s29] =	ssyncadd.s32 $0xFFFFFFFF  }
0xbc: {  	_ =	strace $0x90000048  }
0xbd: {  	_ =	sfence  }
0xbe: {  	s30 =	sld [smem:$0x0];
	_ =	sdelay $0x2  }
0xbf: {  	s31 =	sshll.u32 s1, $0xD;
	s1 =	sshrl.u32 s1, $0x2  }
0xc0: {  	s3 =	sand.u32 $0x4000, s31;
	s1 =	sadd.s32 s1, s30  }
0xc1: {  	s0 =	sor.u32 s3, s0;
	s1 =	sshll.u32 s1, $0x11  }
0xc2: {  	s0 =	sor.u32 s1, s0  }
0xc3: {  	s0 =	sadd.s32 $0x8F2B, s0  }
0xc4: {  	[sflag:s0] =	ssyncadd.remote.s32 $0x1  }
0xc5: {  	_ =	sfence.sel $0xFFFF  }
0xc6: {  	[dreg:$0x0] =	wrdreg $0xFFFFFFFF;
	(pc) =	sbr.abs _section_cstart, $3  }
0xc7: {  	[dreg:$0x1] =	wrdreg $0xFFFFFFFF  }
0xc8: {  	_ =	task.clear_ibuf [dreg:s7], $0x2FFFF;
	_ =	strace $0x9FFFFFFF  }
0xc9: {  	(tm) =	ssettm $0x7FFFFFFF  }
tec
execute0_lowered:
.L_overlay_start_1:
0x0: {  	(tag) =	ssettag $0x1  }
0x1: {  	s0 =	rddreg [dreg:$0x0]  }
0x2: {  	s2 =	rddreg [dreg:$0x1]  }
0x3: {  	s5 =	rddreg [dreg:$0x2];
	s1 =	simm.s32 $0x0  }
0x4: {  	s3 =	srdreg.scid;
	s17 =	stileid.u32;
	s28 =	simm.s32 $0x80  }
0x5: {  	s29 =	simm.s32 $0x400;
	s30 =	simm.s32 $0xF000;
	[smem:$0x7FF] =	sst s1  }
0x6: {  	s20 =	sand.u32 $0x1, s3;
	s6 =	smul.u32 $0x1400, s17;
	s8 =	sshrl.u32 s17, $0x3  }
0x7: {  	s3 =	simm.s32 $0xC4;
	s24 =	sshll.u32 s17, $0x7;
	s26 =	smul.u32 $0x500, s17  }
0x8: {  	_ =	strace $0x80000047;
	s4 =	ssub.s32 $0x2, s20;
	p0 =	seq.s32 s20, $0x0  }
0x9: {  	s8 =	smul.u32 $0x50000, s8;
	s21 =	sshll.u32 s20, $0x7;
	s7 =	sshrl.u32 s4, $0x1  }
0xa: {  	s0 =	sadd.s32 s6, s0;
	s3 =	simm.s32 @!p0 $0x75;
	s23 =	ssub.s32 s4, s7  }
0xb: {  	s4 =	sadd.s32 $0x2800, s0;
	s25 =	sshrl.u32 s8, $0x2;
	s0 =	sand.u32 $0x380, s24  }
0xc: {  	s24 =	smul.u32 $0x18800, s20;
	s7 =	sadd.s32 s25, s5;
	s5 =	sadd.s32 s6, s5  }
0xd: {  	s23 =	smax.u32 s23, $0x1;
	s6 =	sadd.s32 s0, s7;
	s7 =	sadd.s32 $0x80, s5  }
0xe: {  	s8 =	sadd.s32 $0x100, s5;
	s9 =	sadd.s32 $0x180, s5;
	s10 =	sadd.s32 $0x200, s5  }
0xf: {  	s11 =	sadd.s32 $0x280, s5;
	s12 =	sadd.s32 $0x300, s5;
	s13 =	sadd.s32 $0x380, s5  }
0x10: {  	s14 =	sadd.s32 $0x14000, s5;
	s15 =	sadd.s32 $0x14080, s5;
	s16 =	sadd.s32 $0x14100, s5  }
0x11: {  	s17 =	sadd.s32 $0x14180, s5;
	s18 =	sadd.s32 $0x14200, s5;
	s19 =	sadd.s32 $0x14280, s5  }
0x12: {  	s0 =	sor.u32 s21, s26;
	s20 =	sadd.s32 $0x14300, s5;
	s21 =	sadd.s32 $0x14380, s5  }
0x13: {  	s31 =	sshrl.u32 s24, $0x2;
	s26 =	simm.s32 $0x1;
	s0 =	sshrl.u32 s0, $0x3  }
0x14: {  	v0 =	vimm.f32 $0.0e+00;
	v1 =	vimm.f32 $1.000000000e+00;
	s24 =	sadd.s32 $0x2820, s31;
	s22 =	sadd.s32 s2, s0;
	s2 =	simm.s32 $0x0  }
.LBB2_1:
0x15: {  	s25 =	simm.s32 $0x40;
	s31 =	simm.s32 $0x0  }
.LBB2_2:
0x16: {  	p0 =	sne.s32 s25, $0x9FC0;
	[tilespmem:s31+$0x0] =	vst v0;
	s31 =	smov.u32 s25;
	s25 =	sadd.s32 $0x40, s25  }
.Ltmp0:
0x17: {  	(pc) =	sbr.rel @p0 .LBB2_2-.Ltmp0, $2  }
0x18: {  	_ =	sdelay $0x2  }
0x19: {  	s31 =	sshra.s32 s31, $0x2  }
0x1a: {  	[tilespmem:s31+$0x0] =	vst v0;
	s0 =	simm.s32 $0x2800  }
0x1b: {  	[tilespmem:s0], [sflag:$0x1] =	stream.linear.gather [hbm4b:s4+s1], $0x9C80, $0x38;
	[tilespmem:$0xF500] =	vst v63  }
0x1c: {  	_ =	swait.ge [sflag:s26], $0x9C80  }
0x1d: {  	[sflag:s26] =	ssyncset.done $0x0  }
0x1e: {  	s25 =	smov.u32 s24;
	s31 =	smov.u32 s3;
	[sflag:s26] =	ssyncadd.s32 $0xFFFF6380  }
.LBB2_4:
0x1f: {  	v2 =	vld [tilespmem:s25+$0xFFFFFFE0];
	_ =	sdelay $0x7  }
0x20: {  	[tilespmem:v2+s1+$0x0] =	vst.idx.add.f32.msk $0xffff, v1  }
0x21: {  	v2 =	vld [tilespmem:s25+$0xFFFFFFF0];
	_ =	sdelay $0x7  }
0x22: {  	[tilespmem:v2+s1+$0x0] =	vst.idx.add.f32.msk $0xffff, v1  }
0x23: {  	v2 =	vld [tilespmem:s25+$0x0];
	_ =	sdelay $0x7  }
0x24: {  	[tilespmem:v2+s1+$0x0] =	vst.idx.add.f32.msk $0xffff, v1  }
0x25: {  	v2 =	vld [tilespmem:s25+$0x10];
	_ =	sdelay $0x2  }
0x26: {  	p0 =	sne.s32 s31, $0x1  }
.Ltmp1:
0x27: {  	_ = 	snop;
	(pc) =	sbr.rel @p0 .LBB2_4-.Ltmp1, $2  }
0x28: {  	_ =	sdelay $0x2  }
0x29: {  	s31 =	sadd.s32 $0xFFFFFFFF, s31;
	s25 =	sadd.s32 $0x80, s25;
	[tilespmem:v2+s1+$0x0] =	vst.idx.add.f32.msk $0xffff, v1  }
0x2a: {  	s25 =	simm.s32 $0x0  }
0x2b: {  	[spmem:s6] =	stream.strided.scatter [tilespmem:s25], [sflag:$0x1], $0x2800, s29, s28, $0x38;
	[tilespmem:$0xF500] =	vst v63  }
0x2c: {  	_ =	swait.ge [sflag:s26], $0x2800  }
0x2d: {  	[sflag:s26] =	ssyncset.done $0x0  }
0x2e: {  	[sflag:s26] =	ssyncadd.s32 $0xFFFFD800  }
0x2f: {  	[bflag:$0x0] =	sbarrier.arrive $0xFFFF  }
0x30: {  	[tilespmem:$0xF280] =	vst v0  }
0x31: {  	[tilespmem:$0xF290] =	vst v0  }
0x32: {  	[tilespmem:$0xF2A0] =	vst v0  }
0x33: {  	[tilespmem:$0xF2B0] =	vst v0  }
0x34: {  	[tilespmem:$0xF2C0] =	vst v0  }
0x35: {  	[tilespmem:$0xF2D0] =	vst v0  }
0x36: {  	[tilespmem:$0xF2E0] =	vst v0  }
0x37: {  	[tilespmem:$0xF2F0] =	vst v0  }
0x38: {  	[tilespmem:$0xF300] =	vst v0  }
0x39: {  	[tilespmem:$0xF310] =	vst v0  }
0x3a: {  	[tilespmem:$0xF320] =	vst v0  }
0x3b: {  	[tilespmem:$0xF330] =	vst v0  }
0x3c: {  	[tilespmem:$0xF340] =	vst v0  }
0x3d: {  	[tilespmem:$0xF350] =	vst v0  }
0x3e: {  	[tilespmem:$0xF360] =	vst v0  }
0x3f: {  	[tilespmem:$0xF370] =	vst v0  }
0x40: {  	[tilespmem:$0xF380] =	vst v0  }
0x41: {  	[tilespmem:$0xF390] =	vst v0  }
0x42: {  	[tilespmem:$0xF3A0] =	vst v0  }
0x43: {  	[tilespmem:$0xF3B0] =	vst v0  }
0x44: {  	[tilespmem:$0xF3C0] =	vst v0  }
0x45: {  	[tilespmem:$0xF3D0] =	vst v0  }
0x46: {  	[tilespmem:$0xF3E0] =	vst v0  }
0x47: {  	[tilespmem:$0xF3F0] =	vst v0  }
0x48: {  	[tilespmem:$0xF400] =	vst v0  }
0x49: {  	[tilespmem:$0xF410] =	vst v0  }
0x4a: {  	[tilespmem:$0xF420] =	vst v0  }
0x4b: {  	[tilespmem:$0xF430] =	vst v0  }
0x4c: {  	[tilespmem:$0xF440] =	vst v0  }
0x4d: {  	[tilespmem:$0xF450] =	vst v0  }
0x4e: {  	[tilespmem:$0xF460] =	vst v0  }
0x4f: {  	[tilespmem:$0xF470] =	vst v0  }
0x50: {  	[tilespmem:$0xF480] =	vst v0  }
0x51: {  	[tilespmem:$0xF490] =	vst v0  }
0x52: {  	[tilespmem:$0xF4A0] =	vst v0  }
0x53: {  	[tilespmem:$0xF4B0] =	vst v0  }
0x54: {  	[tilespmem:$0xF4C0] =	vst v0  }
0x55: {  	[tilespmem:$0xF4D0] =	vst v0  }
0x56: {  	[tilespmem:$0xF4E0] =	vst v0  }
0x57: {  	[tilespmem:$0xF4F0] =	vst v0  }
0x58: {  	[tilespmem:s30], [sflag:$0x1] =	stream.strided.gather [spmem:s5], $0x280, s29, s28, $0x38;
	[tilespmem:$0xF500] =	vst v63  }
0x59: {  	_ =	swait.ge [sflag:s26], $0x280  }
0x5a: {  	[sflag:s26] =	ssyncset.done $0x0  }
0x5b: {  	s25 =	simm.s32 $0x0;
	[sflag:s26] =	ssyncadd.s32 $0xFFFFFD80  }
0x5c: {  	s31 =	simm.s32 $0x40;
	v2 =	vld [tilespmem:s25+$0xF000]  }
.LBB2_6:
0x5d: {  	p0 =	sne.s32 s31, $0x9C0;
	v3 =	vld [tilespmem:s25+$0xF280];
	_ =	sdelay $0x2  }
.Ltmp2:
0x5e: {  	(pc) =	sbr.rel @p0 .LBB2_6-.Ltmp2, $4  }
0x5f: {  	_ = 	snop  }
0x60: {  	v3 =	vadd.f32 v2, v3  }
0x61: {  	s0 =	sshra.s32 s31, $0x2  }
0x62: {  	s31 =	sadd.s32 $0x40, s31;
	v2 =	vld [tilespmem:s0+$0xF000];
	[tilespmem:s25+$0xF280] =	vst v3;
	s25 =	smov.u32 s0  }
0x63: {  	v3 =	vld [tilespmem:s25+$0xF280];
	_ =	sdelay $0x4  }
0x64: {  	v2 =	vadd.f32 v2, v3;
	_ =	sdelay $0x1  }
0x65: {  	[tilespmem:s25+$0xF280] =	vst v2  }
0x66: {  	[tilespmem:s30], [sflag:$0x1] =	stream.strided.gather [spmem:s7], $0x280, s29, s28, $0x38;
	[tilespmem:$0xF500] =	vst v63  }
0x67: {  	_ =	swait.ge [sflag:s26], $0x280  }
0x68: {  	[sflag:s26] =	ssyncset.done $0x0  }
0x69: {  	s25 =	simm.s32 $0x0;
	[sflag:s26] =	ssyncadd.s32 $0xFFFFFD80  }
0x6a: {  	s31 =	simm.s32 $0x40;
	v2 =	vld [tilespmem:s25+$0xF000]  }
.LBB2_8:
0x6b: {  	p0 =	sne.s32 s31, $0x9C0;
	v3 =	vld [tilespmem:s25+$0xF280];
	_ =	sdelay $0x2  }
.Ltmp3:
0x6c: {  	(pc) =	sbr.rel @p0 .LBB2_8-.Ltmp3, $4  }
0x6d: {  	_ = 	snop  }
0x6e: {  	v3 =	vadd.f32 v2, v3  }
0x6f: {  	s0 =	sshra.s32 s31, $0x2  }
0x70: {  	s31 =	sadd.s32 $0x40, s31;
	v2 =	vld [tilespmem:s0+$0xF000];
	[tilespmem:s25+$0xF280] =	vst v3;
	s25 =	smov.u32 s0  }
0x71: {  	v3 =	vld [tilespmem:s25+$0xF280];
	_ =	sdelay $0x4  }
0x72: {  	v2 =	vadd.f32 v2, v3;
	_ =	sdelay $0x1  }
0x73: {  	[tilespmem:s25+$0xF280] =	vst v2  }
0x74: {  	[tilespmem:s30], [sflag:$0x1] =	stream.strided.gather [spmem:s8], $0x280, s29, s28, $0x38;
	[tilespmem:$0xF500] =	vst v63  }
0x75: {  	_ =	swait.ge [sflag:s26], $0x280  }
0x76: {  	[sflag:s26] =	ssyncset.done $0x0  }
0x77: {  	s25 =	simm.s32 $0x0;
	[sflag:s26] =	ssyncadd.s32 $0xFFFFFD80  }
0x78: {  	s31 =	simm.s32 $0x40;
	v2 =	vld [tilespmem:s25+$0xF000]  }
.LBB2_10:
0x79: {  	p0 =	sne.s32 s31, $0x9C0;
	v3 =	vld [tilespmem:s25+$0xF280];
	_ =	sdelay $0x2  }
.Ltmp4:
0x7a: {  	(pc) =	sbr.rel @p0 .LBB2_10-.Ltmp4, $4  }
0x7b: {  	_ = 	snop  }
0x7c: {  	v3 =	vadd.f32 v2, v3  }
0x7d: {  	s0 =	sshra.s32 s31, $0x2  }
0x7e: {  	s31 =	sadd.s32 $0x40, s31;
	v2 =	vld [tilespmem:s0+$0xF000];
	[tilespmem:s25+$0xF280] =	vst v3;
	s25 =	smov.u32 s0  }
0x7f: {  	v3 =	vld [tilespmem:s25+$0xF280];
	_ =	sdelay $0x4  }
0x80: {  	v2 =	vadd.f32 v2, v3;
	_ =	sdelay $0x1  }
0x81: {  	[tilespmem:s25+$0xF280] =	vst v2  }
0x82: {  	[tilespmem:s30], [sflag:$0x1] =	stream.strided.gather [spmem:s9], $0x280, s29, s28, $0x38;
	[tilespmem:$0xF500] =	vst v63  }
0x83: {  	_ =	swait.ge [sflag:s26], $0x280  }
0x84: {  	[sflag:s26] =	ssyncset.done $0x0  }
0x85: {  	s25 =	simm.s32 $0x0;
	[sflag:s26] =	ssyncadd.s32 $0xFFFFFD80  }
0x86: {  	s31 =	simm.s32 $0x40;
	v2 =	vld [tilespmem:s25+$0xF000]  }
.LBB2_12:
0x87: {  	p0 =	sne.s32 s31, $0x9C0;
	v3 =	vld [tilespmem:s25+$0xF280];
	_ =	sdelay $0x2  }
.Ltmp5:
0x88: {  	(pc) =	sbr.rel @p0 .LBB2_12-.Ltmp5, $4  }
0x89: {  	_ = 	snop  }
0x8a: {  	v3 =	vadd.f32 v2, v3  }
0x8b: {  	s0 =	sshra.s32 s31, $0x2  }
0x8c: {  	s31 =	sadd.s32 $0x40, s31;
	v2 =	vld [tilespmem:s0+$0xF000];
	[tilespmem:s25+$0xF280] =	vst v3;
	s25 =	smov.u32 s0  }
0x8d: {  	v3 =	vld [tilespmem:s25+$0xF280];
	_ =	sdelay $0x4  }
0x8e: {  	v2 =	vadd.f32 v2, v3;
	_ =	sdelay $0x1  }
0x8f: {  	[tilespmem:s25+$0xF280] =	vst v2  }
0x90: {  	[tilespmem:s30], [sflag:$0x1] =	stream.strided.gather [spmem:s10], $0x280, s29, s28, $0x38;
	[tilespmem:$0xF500] =	vst v63  }
0x91: {  	_ =	swait.ge [sflag:s26], $0x280  }
0x92: {  	[sflag:s26] =	ssyncset.done $0x0  }
0x93: {  	s25 =	simm.s32 $0x0;
	[sflag:s26] =	ssyncadd.s32 $0xFFFFFD80  }
0x94: {  	s31 =	simm.s32 $0x40;
	v2 =	vld [tilespmem:s25+$0xF000]  }
.LBB2_14:
0x95: {  	p0 =	sne.s32 s31, $0x9C0;
	v3 =	vld [tilespmem:s25+$0xF280];
	_ =	sdelay $0x2  }
.Ltmp6:
0x96: {  	(pc) =	sbr.rel @p0 .LBB2_14-.Ltmp6, $4  }
0x97: {  	_ = 	snop  }
0x98: {  	v3 =	vadd.f32 v2, v3  }
0x99: {  	s0 =	sshra.s32 s31, $0x2  }
0x9a: {  	s31 =	sadd.s32 $0x40, s31;
	v2 =	vld [tilespmem:s0+$0xF000];
	[tilespmem:s25+$0xF280] =	vst v3;
	s25 =	smov.u32 s0  }
0x9b: {  	v3 =	vld [tilespmem:s25+$0xF280];
	_ =	sdelay $0x4  }
0x9c: {  	v2 =	vadd.f32 v2, v3;
	_ =	sdelay $0x1  }
0x9d: {  	[tilespmem:s25+$0xF280] =	vst v2  }
0x9e: {  	[tilespmem:s30], [sflag:$0x1] =	stream.strided.gather [spmem:s11], $0x280, s29, s28, $0x38;
	[tilespmem:$0xF500] =	vst v63  }
0x9f: {  	_ =	swait.ge [sflag:s26], $0x280  }
0xa0: {  	[sflag:s26] =	ssyncset.done $0x0  }
0xa1: {  	s25 =	simm.s32 $0x0;
	[sflag:s26] =	ssyncadd.s32 $0xFFFFFD80  }
0xa2: {  	s31 =	simm.s32 $0x40;
	v2 =	vld [tilespmem:s25+$0xF000]  }
.LBB2_16:
0xa3: {  	p0 =	sne.s32 s31, $0x9C0;
	v3 =	vld [tilespmem:s25+$0xF280];
	_ =	sdelay $0x2  }
.Ltmp7:
0xa4: {  	(pc) =	sbr.rel @p0 .LBB2_16-.Ltmp7, $4  }
0xa5: {  	_ = 	snop  }
0xa6: {  	v3 =	vadd.f32 v2, v3  }
0xa7: {  	s0 =	sshra.s32 s31, $0x2  }
0xa8: {  	s31 =	sadd.s32 $0x40, s31;
	v2 =	vld [tilespmem:s0+$0xF000];
	[tilespmem:s25+$0xF280] =	vst v3;
	s25 =	smov.u32 s0  }
0xa9: {  	v3 =	vld [tilespmem:s25+$0xF280];
	_ =	sdelay $0x4  }
0xaa: {  	v2 =	vadd.f32 v2, v3;
	_ =	sdelay $0x1  }
0xab: {  	[tilespmem:s25+$0xF280] =	vst v2  }
0xac: {  	[tilespmem:s30], [sflag:$0x1] =	stream.strided.gather [spmem:s12], $0x280, s29, s28, $0x38;
	[tilespmem:$0xF500] =	vst v63  }
0xad: {  	_ =	swait.ge [sflag:s26], $0x280  }
0xae: {  	[sflag:s26] =	ssyncset.done $0x0  }
0xaf: {  	s25 =	simm.s32 $0x0;
	[sflag:s26] =	ssyncadd.s32 $0xFFFFFD80  }
0xb0: {  	s31 =	simm.s32 $0x40;
	v2 =	vld [tilespmem:s25+$0xF000]  }
.LBB2_18:
0xb1: {  	p0 =	sne.s32 s31, $0x9C0;
	v3 =	vld [tilespmem:s25+$0xF280];
	_ =	sdelay $0x2  }
.Ltmp8:
0xb2: {  	(pc) =	sbr.rel @p0 .LBB2_18-.Ltmp8, $4  }
0xb3: {  	_ = 	snop  }
0xb4: {  	v3 =	vadd.f32 v2, v3  }
0xb5: {  	s0 =	sshra.s32 s31, $0x2  }
0xb6: {  	s31 =	sadd.s32 $0x40, s31;
	v2 =	vld [tilespmem:s0+$0xF000];
	[tilespmem:s25+$0xF280] =	vst v3;
	s25 =	smov.u32 s0  }
0xb7: {  	v3 =	vld [tilespmem:s25+$0xF280];
	_ =	sdelay $0x4  }
0xb8: {  	v2 =	vadd.f32 v2, v3;
	_ =	sdelay $0x1  }
0xb9: {  	[tilespmem:s25+$0xF280] =	vst v2  }
0xba: {  	[tilespmem:s30], [sflag:$0x1] =	stream.strided.gather [spmem:s13], $0x280, s29, s28, $0x38;
	[tilespmem:$0xF500] =	vst v63  }
0xbb: {  	_ =	swait.ge [sflag:s26], $0x280  }
0xbc: {  	[sflag:s26] =	ssyncset.done $0x0  }
0xbd: {  	s25 =	simm.s32 $0x0;
	[sflag:s26] =	ssyncadd.s32 $0xFFFFFD80  }
0xbe: {  	s31 =	simm.s32 $0x40;
	v2 =	vld [tilespmem:s25+$0xF000]  }
.LBB2_20:
0xbf: {  	p0 =	sne.s32 s31, $0x9C0;
	v3 =	vld [tilespmem:s25+$0xF280];
	_ =	sdelay $0x2  }
.Ltmp9:
0xc0: {  	(pc) =	sbr.rel @p0 .LBB2_20-.Ltmp9, $4  }
0xc1: {  	_ = 	snop  }
0xc2: {  	v3 =	vadd.f32 v2, v3  }
0xc3: {  	s0 =	sshra.s32 s31, $0x2  }
0xc4: {  	s31 =	sadd.s32 $0x40, s31;
	v2 =	vld [tilespmem:s0+$0xF000];
	[tilespmem:s25+$0xF280] =	vst v3;
	s25 =	smov.u32 s0  }
0xc5: {  	v3 =	vld [tilespmem:s25+$0xF280];
	_ =	sdelay $0x4  }
0xc6: {  	v2 =	vadd.f32 v2, v3;
	_ =	sdelay $0x1  }
0xc7: {  	[tilespmem:s25+$0xF280] =	vst v2  }
0xc8: {  	[tilespmem:s30], [sflag:$0x1] =	stream.strided.gather [spmem:s14], $0x280, s29, s28, $0x38;
	[tilespmem:$0xF500] =	vst v63  }
0xc9: {  	_ =	swait.ge [sflag:s26], $0x280  }
0xca: {  	[sflag:s26] =	ssyncset.done $0x0  }
0xcb: {  	s25 =	simm.s32 $0x0;
	[sflag:s26] =	ssyncadd.s32 $0xFFFFFD80  }
0xcc: {  	s31 =	simm.s32 $0x40;
	v2 =	vld [tilespmem:s25+$0xF000]  }
.LBB2_22:
0xcd: {  	p0 =	sne.s32 s31, $0x9C0;
	v3 =	vld [tilespmem:s25+$0xF280];
	_ =	sdelay $0x2  }
.Ltmp10:
0xce: {  	(pc) =	sbr.rel @p0 .LBB2_22-.Ltmp10, $4  }
0xcf: {  	_ = 	snop  }
0xd0: {  	v3 =	vadd.f32 v2, v3  }
0xd1: {  	s0 =	sshra.s32 s31, $0x2  }
0xd2: {  	s31 =	sadd.s32 $0x40, s31;
	v2 =	vld [tilespmem:s0+$0xF000];
	[tilespmem:s25+$0xF280] =	vst v3;
	s25 =	smov.u32 s0  }
0xd3: {  	v3 =	vld [tilespmem:s25+$0xF280];
	_ =	sdelay $0x4  }
0xd4: {  	v2 =	vadd.f32 v2, v3;
	_ =	sdelay $0x1  }
0xd5: {  	[tilespmem:s25+$0xF280] =	vst v2  }
0xd6: {  	[tilespmem:s30], [sflag:$0x1] =	stream.strided.gather [spmem:s15], $0x280, s29, s28, $0x38;
	[tilespmem:$0xF500] =	vst v63  }
0xd7: {  	_ =	swait.ge [sflag:s26], $0x280  }
0xd8: {  	[sflag:s26] =	ssyncset.done $0x0  }
0xd9: {  	s25 =	simm.s32 $0x0;
	[sflag:s26] =	ssyncadd.s32 $0xFFFFFD80  }
0xda: {  	s31 =	simm.s32 $0x40;
	v2 =	vld [tilespmem:s25+$0xF000]  }
.LBB2_24:
0xdb: {  	p0 =	sne.s32 s31, $0x9C0;
	v3 =	vld [tilespmem:s25+$0xF280];
	_ =	sdelay $0x2  }
.Ltmp11:
0xdc: {  	(pc) =	sbr.rel @p0 .LBB2_24-.Ltmp11, $4  }
0xdd: {  	_ = 	snop  }
0xde: {  	v3 =	vadd.f32 v2, v3  }
0xdf: {  	s0 =	sshra.s32 s31, $0x2  }
0xe0: {  	s31 =	sadd.s32 $0x40, s31;
	v2 =	vld [tilespmem:s0+$0xF000];
	[tilespmem:s25+$0xF280] =	vst v3;
	s25 =	smov.u32 s0  }
0xe1: {  	v3 =	vld [tilespmem:s25+$0xF280];
	_ =	sdelay $0x4  }
0xe2: {  	v2 =	vadd.f32 v2, v3;
	_ =	sdelay $0x1  }
0xe3: {  	[tilespmem:s25+$0xF280] =	vst v2  }
0xe4: {  	[tilespmem:s30], [sflag:$0x1] =	stream.strided.gather [spmem:s16], $0x280, s29, s28, $0x38;
	[tilespmem:$0xF500] =	vst v63  }
0xe5: {  	_ =	swait.ge [sflag:s26], $0x280  }
0xe6: {  	[sflag:s26] =	ssyncset.done $0x0  }
0xe7: {  	s25 =	simm.s32 $0x0;
	[sflag:s26] =	ssyncadd.s32 $0xFFFFFD80  }
0xe8: {  	s31 =	simm.s32 $0x40;
	v2 =	vld [tilespmem:s25+$0xF000]  }
.LBB2_26:
0xe9: {  	p0 =	sne.s32 s31, $0x9C0;
	v3 =	vld [tilespmem:s25+$0xF280];
	_ =	sdelay $0x2  }
.Ltmp12:
0xea: {  	(pc) =	sbr.rel @p0 .LBB2_26-.Ltmp12, $4  }
0xeb: {  	_ = 	snop  }
0xec: {  	v3 =	vadd.f32 v2, v3  }
0xed: {  	s0 =	sshra.s32 s31, $0x2  }
0xee: {  	s31 =	sadd.s32 $0x40, s31;
	v2 =	vld [tilespmem:s0+$0xF000];
	[tilespmem:s25+$0xF280] =	vst v3;
	s25 =	smov.u32 s0  }
0xef: {  	v3 =	vld [tilespmem:s25+$0xF280];
	_ =	sdelay $0x4  }
0xf0: {  	v2 =	vadd.f32 v2, v3;
	_ =	sdelay $0x1  }
0xf1: {  	[tilespmem:s25+$0xF280] =	vst v2  }
0xf2: {  	[tilespmem:s30], [sflag:$0x1] =	stream.strided.gather [spmem:s17], $0x280, s29, s28, $0x38;
	[tilespmem:$0xF500] =	vst v63  }
0xf3: {  	_ =	swait.ge [sflag:s26], $0x280  }
0xf4: {  	[sflag:s26] =	ssyncset.done $0x0  }
0xf5: {  	s25 =	simm.s32 $0x0;
	[sflag:s26] =	ssyncadd.s32 $0xFFFFFD80  }
0xf6: {  	s31 =	simm.s32 $0x40;
	v2 =	vld [tilespmem:s25+$0xF000]  }
.LBB2_28:
0xf7: {  	p0 =	sne.s32 s31, $0x9C0;
	v3 =	vld [tilespmem:s25+$0xF280];
	_ =	sdelay $0x2  }
.Ltmp13:
0xf8: {  	(pc) =	sbr.rel @p0 .LBB2_28-.Ltmp13, $4  }
0xf9: {  	_ = 	snop  }
0xfa: {  	v3 =	vadd.f32 v2, v3  }
0xfb: {  	s0 =	sshra.s32 s31, $0x2  }
0xfc: {  	s31 =	sadd.s32 $0x40, s31;
	v2 =	vld [tilespmem:s0+$0xF000];
	[tilespmem:s25+$0xF280] =	vst v3;
	s25 =	smov.u32 s0  }
0xfd: {  	v3 =	vld [tilespmem:s25+$0xF280];
	_ =	sdelay $0x4  }
0xfe: {  	v2 =	vadd.f32 v2, v3;
	_ =	sdelay $0x1  }
0xff: {  	[tilespmem:s25+$0xF280] =	vst v2  }
0x100: {  	[tilespmem:s30], [sflag:$0x1] =	stream.strided.gather [spmem:s18], $0x280, s29, s28, $0x38;
	[tilespmem:$0xF500] =	vst v63  }
0x101: {  	_ =	swait.ge [sflag:s26], $0x280  }
0x102: {  	[sflag:s26] =	ssyncset.done $0x0  }
0x103: {  	s25 =	simm.s32 $0x0;
	[sflag:s26] =	ssyncadd.s32 $0xFFFFFD80  }
0x104: {  	s31 =	simm.s32 $0x40;
	v2 =	vld [tilespmem:s25+$0xF000]  }
.LBB2_30:
0x105: {  	p0 =	sne.s32 s31, $0x9C0;
	v3 =	vld [tilespmem:s25+$0xF280];
	_ =	sdelay $0x2  }
.Ltmp14:
0x106: {  	(pc) =	sbr.rel @p0 .LBB2_30-.Ltmp14, $4  }
0x107: {  	_ = 	snop  }
0x108: {  	v3 =	vadd.f32 v2, v3  }
0x109: {  	s0 =	sshra.s32 s31, $0x2  }
0x10a: {  	s31 =	sadd.s32 $0x40, s31;
	v2 =	vld [tilespmem:s0+$0xF000];
	[tilespmem:s25+$0xF280] =	vst v3;
	s25 =	smov.u32 s0  }
0x10b: {  	v3 =	vld [tilespmem:s25+$0xF280];
	_ =	sdelay $0x4  }
0x10c: {  	v2 =	vadd.f32 v2, v3;
	_ =	sdelay $0x1  }
0x10d: {  	[tilespmem:s25+$0xF280] =	vst v2  }
0x10e: {  	[tilespmem:s30], [sflag:$0x1] =	stream.strided.gather [spmem:s19], $0x280, s29, s28, $0x38;
	[tilespmem:$0xF500] =	vst v63  }
0x10f: {  	_ =	swait.ge [sflag:s26], $0x280  }
0x110: {  	[sflag:s26] =	ssyncset.done $0x0  }
0x111: {  	s25 =	simm.s32 $0x0;
	[sflag:s26] =	ssyncadd.s32 $0xFFFFFD80  }
0x112: {  	s31 =	simm.s32 $0x40;
	v2 =	vld [tilespmem:s25+$0xF000]  }
.LBB2_32:
0x113: {  	p0 =	sne.s32 s31, $0x9C0;
	v3 =	vld [tilespmem:s25+$0xF280];
	_ =	sdelay $0x2  }
.Ltmp15:
0x114: {  	(pc) =	sbr.rel @p0 .LBB2_32-.Ltmp15, $4  }
0x115: {  	_ = 	snop  }
0x116: {  	v3 =	vadd.f32 v2, v3  }
0x117: {  	s0 =	sshra.s32 s31, $0x2  }
0x118: {  	s31 =	sadd.s32 $0x40, s31;
	v2 =	vld [tilespmem:s0+$0xF000];
	[tilespmem:s25+$0xF280] =	vst v3;
	s25 =	smov.u32 s0  }
0x119: {  	v3 =	vld [tilespmem:s25+$0xF280];
	_ =	sdelay $0x4  }
0x11a: {  	v2 =	vadd.f32 v2, v3;
	_ =	sdelay $0x1  }
0x11b: {  	[tilespmem:s25+$0xF280] =	vst v2  }
0x11c: {  	[tilespmem:s30], [sflag:$0x1] =	stream.strided.gather [spmem:s20], $0x280, s29, s28, $0x38;
	[tilespmem:$0xF500] =	vst v63  }
0x11d: {  	_ =	swait.ge [sflag:s26], $0x280  }
0x11e: {  	[sflag:s26] =	ssyncset.done $0x0  }
0x11f: {  	s25 =	simm.s32 $0x0;
	[sflag:s26] =	ssyncadd.s32 $0xFFFFFD80  }
0x120: {  	s31 =	simm.s32 $0x40;
	v2 =	vld [tilespmem:s25+$0xF000]  }
.LBB2_34:
0x121: {  	p0 =	sne.s32 s31, $0x9C0;
	v3 =	vld [tilespmem:s25+$0xF280];
	_ =	sdelay $0x2  }
.Ltmp16:
0x122: {  	(pc) =	sbr.rel @p0 .LBB2_34-.Ltmp16, $4  }
0x123: {  	_ = 	snop  }
0x124: {  	v3 =	vadd.f32 v2, v3  }
0x125: {  	s0 =	sshra.s32 s31, $0x2  }
0x126: {  	s31 =	sadd.s32 $0x40, s31;
	v2 =	vld [tilespmem:s0+$0xF000];
	[tilespmem:s25+$0xF280] =	vst v3;
	s25 =	smov.u32 s0  }
0x127: {  	v3 =	vld [tilespmem:s25+$0xF280];
	_ =	sdelay $0x4  }
0x128: {  	v2 =	vadd.f32 v2, v3;
	_ =	sdelay $0x1  }
0x129: {  	[tilespmem:s25+$0xF280] =	vst v2  }
0x12a: {  	[tilespmem:s30], [sflag:$0x1] =	stream.strided.gather [spmem:s21], $0x280, s29, s28, $0x38;
	[tilespmem:$0xF500] =	vst v63  }
0x12b: {  	_ =	swait.ge [sflag:s26], $0x280  }
0x12c: {  	[sflag:s26] =	ssyncset.done $0x0  }
0x12d: {  	s25 =	simm.s32 $0x0;
	[sflag:s26] =	ssyncadd.s32 $0xFFFFFD80  }
0x12e: {  	s31 =	simm.s32 $0x40;
	v2 =	vld [tilespmem:s25+$0xF000]  }
.LBB2_36:
0x12f: {  	p0 =	sne.s32 s31, $0x9C0;
	v3 =	vld [tilespmem:s25+$0xF280];
	_ =	sdelay $0x2  }
.Ltmp17:
0x130: {  	(pc) =	sbr.rel @p0 .LBB2_36-.Ltmp17, $4  }
0x131: {  	_ = 	snop  }
0x132: {  	v3 =	vadd.f32 v2, v3  }
0x133: {  	s0 =	sshra.s32 s31, $0x2  }
0x134: {  	s31 =	sadd.s32 $0x40, s31;
	v2 =	vld [tilespmem:s0+$0xF000];
	[tilespmem:s25+$0xF280] =	vst v3;
	s25 =	smov.u32 s0  }
0x135: {  	v3 =	vld [tilespmem:s25+$0xF280];
	_ =	sdelay $0x4  }
0x136: {  	s2 =	sadd.s32 $0x1, s2;
	v2 =	vadd.f32 v2, v3  }
0x137: {  	p0 =	sne.s32 s2, s23  }
.Ltmp18:
0x138: {  	s0 =	simm.s32 $0x100;
	s31 =	simm.s32 $0xF280;
	[tilespmem:s25+$0xF280] =	vst v2;
	(pc) =	sbr.rel @p0 .LBB2_1-.Ltmp18, $4  }
0x139: {  	[hbm4b:s22+s28] =	stream.strided.scatter [tilespmem:s31], [sflag:$0x1], $0x280, s0, s28, $0x38;
	[tilespmem:$0xF500] =	vst v63  }
0x13a: {  	_ =	swait.ge [sflag:s26], $0x280  }
0x13b: {  	[sflag:s26] =	ssyncset.done $0x0  }
0x13c: {  	[sflag:s26] =	ssyncadd.s32 $0xFFFFFD80  }
0x13d: {  	_ =	sfence.sel $0x180000  }
0x13e: {  	[bflag:$0x0] =	sbarrier.arrive $0xFFFF  }
0x13f: {  	_ =	strace $0x90000047  }
0x140: {  	s0 =	stileid.u32;
	[bflag:$0x2] =	sbarrier.arrive $0xFFFF  }
0x141: {  	p0 =	sne.s32 s0, $0x0;
	s0 =	rddreg [dreg:$0x3]  }
0x142: {  	s0 =	sadd.s32 @!p0 $0x100000, s0  }
0x143: {  	[sflag:s0] =	ssyncadd.tile.s32 @!p0 $0x1;
	_ =	shalt  }
.Lfunc_end2:
_tile_overlayer_lowered:
.L_overlay_start_2:
0x144: {  	(tag) =	ssettag $0x2  }
0x145: {  	s0 =	rddreg [dreg:$0x0];
	s2 =	stileid.u32  }
0x146: {  	s1 =	rddreg [dreg:$0x1];
	p0 =	sne.s32 s2, $0x0  }
0x147: {  	s3 =	rddreg [dreg:$0x2];
	[bflag:$0x3] =	sbarrier.arrive $0xFFFF;
	s2 =	simm.s32 @!p0 $0x1C01  }
0x148: {  	[timem:s3], [sflag:s2] =	dma.local @!p0 [hbm:s0], s1  }
0x149: {  	s0 =	simm.s32 @!p0 $0x1  }
0x14a: {  	_ =	swait.ge @!p0 [sflag:s0], s1  }
0x14b: {  	s1 =	ssub.s32 @!p0 $0x0, s1;
	[sflag:s0] =	ssyncset.done @!p0 $0x0  }
0x14c: {  	[sflag:s0] =	ssyncadd.s32 @!p0 s1  }
0x14d: {  	[bflag:$0x3] =	sbarrier.arrive $0xFFFF  }
0x14e: {  	_ =	shalt  }

</sc_bundles>
